<compile_context>
chip_gen: v7x
topology: tpu7x:2x2x1
jax: 0.10.2.dev20260603
libtpu: 0.0.44.dev20260713+nightly
codegen_flags: <defaults>
</compile_context>

<pallas_src>
import functools
import math

import jax
import jax.numpy as jnp
import numpy as np
from jax import lax
from jax.experimental import pallas as pl
from jax.experimental.pallas import tpu as pltpu
from jax.experimental.pallas import tpu_sc as plsc

_SR = 0.1
_B = 128
_N = 32768
_K = int(math.ceil(_SR * _N))
_L = 16
_NC = 2
_NS = 16
_NW = _NC * _NS
_NV = _N // _L
_UNROLL = 16

_SC_ROWS = 64

_MASK31 = np.int32(0x7FFFFFFF)
_INT_MIN = np.int32(-2147483648)



def _sc_sparsify(rows_per_w, x_hbm, o_hbm, xbuf0, xbuf1, kbuf,
                 insem0, insem1, outsem):
    wid = lax.axis_index("s") * _NC + lax.axis_index("c")
    kvec = jnp.full((_L,), np.int32(_K))
    xbufs = (xbuf0, xbuf1)
    insems = (insem0, insem1)
    row0 = wid * rows_per_w
    in_cp = [None] * rows_per_w
    out_cp = []
    in_cp[0] = pltpu.async_copy(
        x_hbm.at[pl.ds(row0, 1), :], xbufs[0], insems[0])
    for r in range(rows_per_w):
        row = row0 + r
        xbuf = xbufs[r % 2]
        in_cp[r].wait()
        if r + 1 < rows_per_w:
            in_cp[r + 1] = pltpu.async_copy(
                x_hbm.at[pl.ds(row + 1, 1), :],
                xbufs[(r + 1) % 2], insems[(r + 1) % 2])

        def stage(jj, carry):
            for u in range(_UNROLL):
                sl = (0, pl.ds((jj * _UNROLL + u) * _L, _L))
                b = lax.bitcast_convert_type(xbuf[sl], jnp.int32)
                kbuf[sl] = jnp.where(b >= 0, b, b ^ _MASK31)
            return carry
        lax.fori_loop(0, _NV // _UNROLL, stage, np.int32(0))

        def outer(i, t):
            bit = lax.shift_left(
                jnp.full((_L,), np.int32(1)),
                jnp.full((_L,), np.int32(31)) - i)
            cand = t + bit

            def cnt_body(jj, cvec):
                for u in range(_UNROLL):
                    sl = (0, pl.ds((jj * _UNROLL + u) * _L, _L))
                    cvec = cvec + jnp.where(kbuf[sl] >= cand, 1, 0)
                return cvec

            cvec = lax.fori_loop(0, _NV // _UNROLL, cnt_body,
                                 jnp.zeros((_L,), jnp.int32))
            total = _lane_sum(cvec)
            return jnp.where(total >= kvec, cand, t)

        t = lax.fori_loop(0, 32, outer, jnp.full((_L,), _INT_MIN))

        def mask_body(jj, svec):
            for u in range(_UNROLL):
                sl = (0, pl.ds((jj * _UNROLL + u) * _L, _L))
                res = jnp.where(kbuf[sl] >= t, xbuf[sl], jnp.float32(0.0))
                xbuf[sl] = res
                svec = svec + res
            return svec

        svec = lax.fori_loop(0, _NV // _UNROLL, mask_body,
                             jnp.zeros((_L,), jnp.float32))
        rowsum = _lane_sum(svec)
        scale_vec = jnp.full((_L,), jnp.float32(_N)) / rowsum

        def scale_body(jj, carry):
            for u in range(_UNROLL):
                sl = (0, pl.ds((jj * _UNROLL + u) * _L, _L))
                xbuf[sl] = xbuf[sl] * scale_vec
            return carry
        lax.fori_loop(0, _NV // _UNROLL, scale_body, np.int32(0))

        out_cp.append(pltpu.async_copy(
            xbuf, o_hbm.at[pl.ds(row, 1), :], outsem))
    for cp in out_cp:
        cp.wait()


def _lane_permute(v, idx):
    return lax.gather(
        v, idx[:, None],
        dimension_numbers=lax.GatherDimensionNumbers(
            offset_dims=(), collapsed_slice_dims=(0,), start_index_map=(0,)),
        slice_sizes=(1,),
        mode=lax.GatherScatterMode.PROMISE_IN_BOUNDS)


def _lane_sum(v):
    lane = lax.iota(jnp.int32, _L)
    for sh in (8, 4, 2, 1):
        v = v + _lane_permute(v, lane ^ sh)
    return v


def _make_sc_call(nrows):
    rows_per_w = nrows // _NW
    assert rows_per_w * _NW == nrows
    return functools.partial(
        pl.kernel,
        mesh=plsc.VectorSubcoreMesh(core_axis_name="c", subcore_axis_name="s"),
        out_type=jax.ShapeDtypeStruct((_B, _N), jnp.float32),
        scratch_types=[
            pltpu.VMEM((1, _N), jnp.float32),
            pltpu.VMEM((1, _N), jnp.float32),
            pltpu.VMEM((1, _N), jnp.int32),
            pltpu.SemaphoreType.DMA,
            pltpu.SemaphoreType.DMA,
            pltpu.SemaphoreType.DMA,
        ],
    )(functools.partial(_sc_sparsify, rows_per_w))



def _tc_block(x_ref, o_ref):
    x = x_ref[...]
    rows = x.shape[0]
    bits = lax.bitcast_convert_type(x, jnp.int32)
    s = jnp.where(bits >= 0, bits, bits ^ _MASK31)

    s16 = lax.shift_right_arithmetic(s, 16).astype(jnp.int16)

    def body_hi(i, t):
        bit = lax.shift_left(jnp.int32(1), jnp.int32(15) - i)
        cand = t + bit
        comp = (s16 >= cand.astype(jnp.int16)).astype(jnp.int16)
        w = _N
        while w > 512:
            w //= 2
            comp = comp[:, :w] + comp[:, w:]
        cnt = jnp.sum(comp.astype(jnp.int32), axis=-1, keepdims=True)
        return jnp.where(cnt >= _K, cand, t)

    t16 = lax.fori_loop(0, 16, body_hi,
                        jnp.full((rows, 1), np.int32(-32768)))

    def body_lo(i, t):
        bit = lax.shift_left(jnp.int32(1), jnp.int32(15) - i)
        cand = t + bit
        cnt = jnp.sum((s >= cand).astype(jnp.int32), axis=-1, keepdims=True)
        return jnp.where(cnt >= _K, cand, t)

    t = lax.fori_loop(0, 16, body_lo, lax.shift_left(t16, 16))
    tb = jnp.where(t >= 0, t, t ^ _MASK31)
    thr = lax.bitcast_convert_type(tb, jnp.float32)
    res = jnp.where(x >= thr, x, jnp.float32(0.0))
    denom = jnp.sum(res, axis=-1, keepdims=True) / jnp.float32(_N)
    o_ref[...] = res / denom


def _tc_call(x, row0):
    b = x.shape[0] - row0
    rows = 8
    blk0 = row0 // rows
    return pl.pallas_call(
        _tc_block,
        grid=(b // rows,),
        in_specs=[pl.BlockSpec((rows, _N), lambda i: (i + blk0, 0))],
        out_specs=pl.BlockSpec((rows, _N), lambda i: (i, 0)),
        out_shape=jax.ShapeDtypeStruct((b, _N), jnp.float32),
    )(x)


def kernel(x):
    sc_call = _make_sc_call(_SC_ROWS)
    ys = sc_call(x)
    yt = _tc_call(x, _SC_ROWS)
    return lax.dynamic_update_slice(ys, yt, (_SC_ROWS, 0))

# --- scband reference (transcript-rebuilt; emitter-appended) ---
"""Pipeline reference for scband-sparsify1-d-17987323036061 (READ-ONLY COPY).

The authoritative reference and input builder live on the scoring server;
editing this copy changes nothing except your own understanding.
"""

import jax, jax.numpy as jnp
import numpy as np
import math

SR = 0.1

def setup_inputs(seed: int = 0) -> dict:
    key = jax.random.key(seed)
    x = jax.random.normal(key, (128, 32768), dtype=jnp.float32)
    return {"x": x}

def reference(x):
    n = x.shape[-1]
    k = int(math.ceil(SR * n))
    # top-k per row; threshold is the k-th largest value
    topvals, _ = jax.lax.top_k(x, k)
    thr = topvals[:, -1:]  # [B, 1], equivalent to expand+permute in torch
    comp = (x >= thr).astype(x.dtype)
    res = comp * x
    res = res / (jnp.sum(res, axis=-1, keepdims=True) / n)
    return res

if __name__ == "__main__":
    import jax
    _d = setup_inputs()
    print(jax.jit(kernel)(*tuple(_d.values())))

</pallas_src>

<mosaic_0001>
#map = affine_map<(d0, d1) -> (0, 0)>
module attributes {stable_mosaic.version = 14 : i64} {
  func.func @_sc_sparsify(%arg0: i32, %arg1: i32, %arg2: memref<128x32768xf32, #tpu.memory_space<hbm>>, %arg3: memref<128x32768xf32, #tpu.memory_space<hbm>>, %arg4: memref<1x32768xf32, #tpu.memory_space<vmem>>, %arg5: memref<1x32768xf32, #tpu.memory_space<vmem>>, %arg6: memref<1x32768xi32, #tpu.memory_space<vmem>>, %arg7: memref<!tpu.dma_semaphore, #tpu.memory_space<semaphore_mem>>, %arg8: memref<!tpu.dma_semaphore, #tpu.memory_space<semaphore_mem>>, %arg9: memref<!tpu.dma_semaphore, #tpu.memory_space<semaphore_mem>>) attributes {dimension_semantics = [#tpu.dimension_semantics<core_parallel>, #tpu.dimension_semantics<subcore_parallel>], iteration_bounds = array<i64: 2, 16>, scalar_prefetch = 0 : i64, scratch_operands = 6 : i64, tpu.core_type = #tpu.core_type<sc_vector_subcore>, window_params = [{transform_indices = #map}, {transform_indices = #map}]} {
    %mul3A = arith.constant 2 : i32
    %mul3A_0 = arith.muli %arg1, %mul3A : i32
    %add3A = arith.addi %mul3A_0, %arg0 : i32
    %broadcast_in_dim3A = arith.constant 3277 : i32
    %broadcast_in_dim3A_1 = vector.broadcast %broadcast_in_dim3A : i32 to vector<16xi32>
    %mul3A_2 = arith.constant 2 : i32
    %mul3A_3 = arith.muli %add3A, %mul3A_2 : i32
    %dma_start3A = arith.constant 0 : i32
    %dma_start3A_4 = tpu.memref_slice %arg2[%mul3A_3, %dma_start3A] : memref<128x32768xf32, #tpu.memory_space<hbm>> -> memref<1x32768xf32, #tpu.memory_space<hbm>>
    %dma_start3A_5 = arith.constant 0 : i32
    %dma_start3A_6 = tpu.memref_slice %arg2[%mul3A_3, %dma_start3A_5] : memref<128x32768xf32, #tpu.memory_space<hbm>> -> memref<1x32768xf32, #tpu.memory_space<hbm>>
    tpu.enqueue_dma source(%dma_start3A_6 : memref<1x32768xf32, #tpu.memory_space<hbm>>) target(%arg4 : memref<1x32768xf32, #tpu.memory_space<vmem>>) target_semaphore(%arg7 : memref<!tpu.dma_semaphore, #tpu.memory_space<semaphore_mem>>)
    %add3A_7 = arith.constant 0 : i32
    %add3A_8 = arith.addi %mul3A_3, %add3A_7 : i32
    %dma_wait3A = arith.constant 0 : i32
    %dma_wait3A_9 = tpu.memref_slice %arg2[%mul3A_3, %dma_wait3A] : memref<128x32768xf32, #tpu.memory_space<hbm>> -> memref<1x32768xf32, #tpu.memory_space<hbm>>
    %dma_wait3A_10 = arith.constant 0 : i32
    %dma_wait3A_11 = tpu.memref_slice %arg2[%mul3A_3, %dma_wait3A_10] : memref<128x32768xf32, #tpu.memory_space<hbm>> -> memref<1x32768xf32, #tpu.memory_space<hbm>>
    tpu.wait_dma2 semaphore(%arg7 : memref<!tpu.dma_semaphore, #tpu.memory_space<semaphore_mem>>) src(%dma_wait3A_11 : memref<1x32768xf32, #tpu.memory_space<hbm>>) dst(%arg4 : memref<1x32768xf32, #tpu.memory_space<vmem>>)
    %add3A_12 = arith.constant 1 : i32
    %add3A_13 = arith.addi %add3A_8, %add3A_12 : i32
    %dma_start3A_14 = arith.constant 0 : i32
    %dma_start3A_15 = tpu.memref_slice %arg2[%add3A_13, %dma_start3A_14] : memref<128x32768xf32, #tpu.memory_space<hbm>> -> memref<1x32768xf32, #tpu.memory_space<hbm>>
    %dma_start3A_16 = arith.constant 0 : i32
    %dma_start3A_17 = tpu.memref_slice %arg2[%add3A_13, %dma_start3A_16] : memref<128x32768xf32, #tpu.memory_space<hbm>> -> memref<1x32768xf32, #tpu.memory_space<hbm>>
    tpu.enqueue_dma source(%dma_start3A_17 : memref<1x32768xf32, #tpu.memory_space<hbm>>) target(%arg5 : memref<1x32768xf32, #tpu.memory_space<vmem>>) target_semaphore(%arg8 : memref<!tpu.dma_semaphore, #tpu.memory_space<semaphore_mem>>)
    %scan3A = arith.constant 0 : i32
    %scan3A_18 = arith.constant 0 : i32
    %scan3A_19 = arith.constant 128 : i32
    %scan3A_20 = arith.addi %scan3A_18, %scan3A_19 : i32
    %scan3A_21 = arith.constant 1 : i32
    scf.for %scan3A_155 = %scan3A_18 to %scan3A_20 step %scan3A_21  : i32 {
      %mul3A_156 = arith.constant 16 : i32
      %mul3A_157 = arith.muli %scan3A_155, %mul3A_156 : i32
      %add3A_158 = arith.constant 0 : i32
      %add3A_159 = arith.addi %mul3A_157, %add3A_158 : i32
      %mul3A_160 = arith.constant 16 : i32
      %mul3A_161 = arith.muli %add3A_159, %mul3A_160 : i32
      %get3A = arith.constant 0 : i32
      %get3A_162 = arith.index_cast %get3A : i32 to index
      %get3A_163 = arith.index_cast %mul3A_161 : i32 to index
      %get3A_164 = tpu.vector_load %arg4[%get3A_162, %get3A_163] {strides = array<i32>} : memref<1x32768xf32, #tpu.memory_space<vmem>>, vector<1x16xf32>,
      %get3A_165 = vector.shape_cast %get3A_164 : vector<1x16xf32> to vector<16xf32>
      %bitcast_convert_type3A = tpu.bitcast %get3A_165 : vector<16xf32> -> vector<16xi32>
      %ge3A = arith.constant 0 : i32
      %ge3A_166 = vector.broadcast %ge3A : i32 to vector<16xi32>
      %ge3A_167 = arith.cmpi sge, %bitcast_convert_type3A, %ge3A_166 : vector<16xi32>
      %xor3A_168 = arith.constant 2147483647 : i32
      %xor3A_169 = vector.broadcast %xor3A_168 : i32 to vector<16xi32>
      %xor3A_170 = arith.xori %bitcast_convert_type3A, %xor3A_169 : vector<16xi32>
      %select_n3A = arith.select %ge3A_167, %bitcast_convert_type3A, %xor3A_170 : vector<16xi1>, vector<16xi32>
      %swap3A = arith.constant 0 : i32
      %swap3A_171 = arith.index_cast %swap3A : i32 to index
      %swap3A_172 = arith.index_cast %mul3A_161 : i32 to index
      %swap3A_173 = tpu.vector_load %arg6[%swap3A_171, %swap3A_172] {strides = array<i32>} : memref<1x32768xi32, #tpu.memory_space<vmem>>, vector<1x16xi32>,
      %swap3A_174 = vector.shape_cast %swap3A_173 : vector<1x16xi32> to vector<16xi32>
      %swap3A_175 = vector.shape_cast %select_n3A : vector<16xi32> to vector<1x16xi32>
      tpu.vector_store %arg6[%swap3A_171, %swap3A_172], %swap3A_175 {strides = array<i32>} : memref<1x32768xi32, #tpu.memory_space<vmem>>, vector<1x16xi32>,
      %mul3A_176 = arith.constant 16 : i32
      %mul3A_177 = arith.muli %scan3A_155, %mul3A_176 : i32
      %add3A_178 = arith.constant 1 : i32
      %add3A_179 = arith.addi %mul3A_177, %add3A_178 : i32
      %mul3A_180 = arith.constant 16 : i32
      %mul3A_181 = arith.muli %add3A_179, %mul3A_180 : i32
      %get3A_182 = arith.constant 0 : i32
      %get3A_183 = arith.index_cast %get3A_182 : i32 to index
      %get3A_184 = arith.index_cast %mul3A_181 : i32 to index
      %get3A_185 = tpu.vector_load %arg4[%get3A_183, %get3A_184] {strides = array<i32>} : memref<1x32768xf32, #tpu.memory_space<vmem>>, vector<1x16xf32>,
      %get3A_186 = vector.shape_cast %get3A_185 : vector<1x16xf32> to vector<16xf32>
      %bitcast_convert_type3A_187 = tpu.bitcast %get3A_186 : vector<16xf32> -> vector<16xi32>
      %ge3A_188 = arith.constant 0 : i32
      %ge3A_189 = vector.broadcast %ge3A_188 : i32 to vector<16xi32>
      %ge3A_190 = arith.cmpi sge, %bitcast_convert_type3A_187, %ge3A_189 : vector<16xi32>
      %xor3A_191 = arith.constant 2147483647 : i32
      %xor3A_192 = vector.broadcast %xor3A_191 : i32 to vector<16xi32>
      %xor3A_193 = arith.xori %bitcast_convert_type3A_187, %xor3A_192 : vector<16xi32>
      %select_n3A_194 = arith.select %ge3A_190, %bitcast_convert_type3A_187, %xor3A_193 : vector<16xi1>, vector<16xi32>
      %swap3A_195 = arith.constant 0 : i32
      %swap3A_196 = arith.index_cast %swap3A_195 : i32 to index
      %swap3A_197 = arith.index_cast %mul3A_181 : i32 to index
      %swap3A_198 = tpu.vector_load %arg6[%swap3A_196, %swap3A_197] {strides = array<i32>} : memref<1x32768xi32, #tpu.memory_space<vmem>>, vector<1x16xi32>,
      %swap3A_199 = vector.shape_cast %swap3A_198 : vector<1x16xi32> to vector<16xi32>
      %swap3A_200 = vector.shape_cast %select_n3A_194 : vector<16xi32> to vector<1x16xi32>
      tpu.vector_store %arg6[%swap3A_196, %swap3A_197], %swap3A_200 {strides = array<i32>} : memref<1x32768xi32, #tpu.memory_space<vmem>>, vector<1x16xi32>,
      %mul3A_201 = arith.constant 16 : i32
      %mul3A_202 = arith.muli %scan3A_155, %mul3A_201 : i32
      %add3A_203 = arith.constant 2 : i32
      %add3A_204 = arith.addi %mul3A_202, %add3A_203 : i32
      %mul3A_205 = arith.constant 16 : i32
      %mul3A_206 = arith.muli %add3A_204, %mul3A_205 : i32
      %get3A_207 = arith.constant 0 : i32
      %get3A_208 = arith.index_cast %get3A_207 : i32 to index
      %get3A_209 = arith.index_cast %mul3A_206 : i32 to index
      %get3A_210 = tpu.vector_load %arg4[%get3A_208, %get3A_209] {strides = array<i32>} : memref<1x32768xf32, #tpu.memory_space<vmem>>, vector<1x16xf32>,
      %get3A_211 = vector.shape_cast %get3A_210 : vector<1x16xf32> to vector<16xf32>
      %bitcast_convert_type3A_212 = tpu.bitcast %get3A_211 : vector<16xf32> -> vector<16xi32>
      %ge3A_213 = arith.constant 0 : i32
      %ge3A_214 = vector.broadcast %ge3A_213 : i32 to vector<16xi32>
      %ge3A_215 = arith.cmpi sge, %bitcast_convert_type3A_212, %ge3A_214 : vector<16xi32>
      %xor3A_216 = arith.constant 2147483647 : i32
      %xor3A_217 = vector.broadcast %xor3A_216 : i32 to vector<16xi32>
      %xor3A_218 = arith.xori %bitcast_convert_type3A_212, %xor3A_217 : vector<16xi32>
      %select_n3A_219 = arith.select %ge3A_215, %bitcast_convert_type3A_212, %xor3A_218 : vector<16xi1>, vector<16xi32>
      %swap3A_220 = arith.constant 0 : i32
      %swap3A_221 = arith.index_cast %swap3A_220 : i32 to index
      %swap3A_222 = arith.index_cast %mul3A_206 : i32 to index
      %swap3A_223 = tpu.vector_load %arg6[%swap3A_221, %swap3A_222] {strides = array<i32>} : memref<1x32768xi32, #tpu.memory_space<vmem>>, vector<1x16xi32>,
      %swap3A_224 = vector.shape_cast %swap3A_223 : vector<1x16xi32> to vector<16xi32>
      %swap3A_225 = vector.shape_cast %select_n3A_219 : vector<16xi32> to vector<1x16xi32>
      tpu.vector_store %arg6[%swap3A_221, %swap3A_222], %swap3A_225 {strides = array<i32>} : memref<1x32768xi32, #tpu.memory_space<vmem>>, vector<1x16xi32>,
      %mul3A_226 = arith.constant 16 : i32
      %mul3A_227 = arith.muli %scan3A_155, %mul3A_226 : i32
      %add3A_228 = arith.constant 3 : i32
      %add3A_229 = arith.addi %mul3A_227, %add3A_228 : i32
      %mul3A_230 = arith.constant 16 : i32
      %mul3A_231 = arith.muli %add3A_229, %mul3A_230 : i32
      %get3A_232 = arith.constant 0 : i32
      %get3A_233 = arith.index_cast %get3A_232 : i32 to index
      %get3A_234 = arith.index_cast %mul3A_231 : i32 to index
      %get3A_235 = tpu.vector_load %arg4[%get3A_233, %get3A_234] {strides = array<i32>} : memref<1x32768xf32, #tpu.memory_space<vmem>>, vector<1x16xf32>,
      %get3A_236 = vector.shape_cast %get3A_235 : vector<1x16xf32> to vector<16xf32>
      %bitcast_convert_type3A_237 = tpu.bitcast %get3A_236 : vector<16xf32> -> vector<16xi32>
      %ge3A_238 = arith.constant 0 : i32
      %ge3A_239 = vector.broadcast %ge3A_238 : i32 to vector<16xi32>
      %ge3A_240 = arith.cmpi sge, %bitcast_convert_type3A_237, %ge3A_239 : vector<16xi32>
      %xor3A_241 = arith.constant 2147483647 : i32
      %xor3A_242 = vector.broadcast %xor3A_241 : i32 to vector<16xi32>
      %xor3A_243 = arith.xori %bitcast_convert_type3A_237, %xor3A_242 : vector<16xi32>
      %select_n3A_244 = arith.select %ge3A_240, %bitcast_convert_type3A_237, %xor3A_243 : vector<16xi1>, vector<16xi32>
      %swap3A_245 = arith.constant 0 : i32
      %swap3A_246 = arith.index_cast %swap3A_245 : i32 to index
      %swap3A_247 = arith.index_cast %mul3A_231 : i32 to index
      %swap3A_248 = tpu.vector_load %arg6[%swap3A_246, %swap3A_247] {strides = array<i32>} : memref<1x32768xi32, #tpu.memory_space<vmem>>, vector<1x16xi32>,
      %swap3A_249 = vector.shape_cast %swap3A_248 : vector<1x16xi32> to vector<16xi32>
      %swap3A_250 = vector.shape_cast %select_n3A_244 : vector<16xi32> to vector<1x16xi32>
      tpu.vector_store %arg6[%swap3A_246, %swap3A_247], %swap3A_250 {strides = array<i32>} : memref<1x32768xi32, #tpu.memory_space<vmem>>, vector<1x16xi32>,
      %mul3A_251 = arith.constant 16 : i32
      %mul3A_252 = arith.muli %scan3A_155, %mul3A_251 : i32
      %add3A_253 = arith.constant 4 : i32
      %add3A_254 = arith.addi %mul3A_252, %add3A_253 : i32
      %mul3A_255 = arith.constant 16 : i32
      %mul3A_256 = arith.muli %add3A_254, %mul3A_255 : i32
      %get3A_257 = arith.constant 0 : i32
      %get3A_258 = arith.index_cast %get3A_257 : i32 to index
      %get3A_259 = arith.index_cast %mul3A_256 : i32 to index
      %get3A_260 = tpu.vector_load %arg4[%get3A_258, %get3A_259] {strides = array<i32>} : memref<1x32768xf32, #tpu.memory_space<vmem>>, vector<1x16xf32>,
      %get3A_261 = vector.shape_cast %get3A_260 : vector<1x16xf32> to vector<16xf32>
      %bitcast_convert_type3A_262 = tpu.bitcast %get3A_261 : vector<16xf32> -> vector<16xi32>
      %ge3A_263 = arith.constant 0 : i32
      %ge3A_264 = vector.broadcast %ge3A_263 : i32 to vector<16xi32>
      %ge3A_265 = arith.cmpi sge, %bitcast_convert_type3A_262, %ge3A_264 : vector<16xi32>
      %xor3A_266 = arith.constant 2147483647 : i32
      %xor3A_267 = vector.broadcast %xor3A_266 : i32 to vector<16xi32>
      %xor3A_268 = arith.xori %bitcast_convert_type3A_262, %xor3A_267 : vector<16xi32>
      %select_n3A_269 = arith.select %ge3A_265, %bitcast_convert_type3A_262, %xor3A_268 : vector<16xi1>, vector<16xi32>
      %swap3A_270 = arith.constant 0 : i32
      %swap3A_271 = arith.index_cast %swap3A_270 : i32 to index
      %swap3A_272 = arith.index_cast %mul3A_256 : i32 to index
      %swap3A_273 = tpu.vector_load %arg6[%swap3A_271, %swap3A_272] {strides = array<i32>} : memref<1x32768xi32, #tpu.memory_space<vmem>>, vector<1x16xi32>,
      %swap3A_274 = vector.shape_cast %swap3A_273 : vector<1x16xi32> to vector<16xi32>
      %swap3A_275 = vector.shape_cast %select_n3A_269 : vector<16xi32> to vector<1x16xi32>
      tpu.vector_store %arg6[%swap3A_271, %swap3A_272], %swap3A_275 {strides = array<i32>} : memref<1x32768xi32, #tpu.memory_space<vmem>>, vector<1x16xi32>,
      %mul3A_276 = arith.constant 16 : i32
      %mul3A_277 = arith.muli %scan3A_155, %mul3A_276 : i32
      %add3A_278 = arith.constant 5 : i32
      %add3A_279 = arith.addi %mul3A_277, %add3A_278 : i32
      %mul3A_280 = arith.constant 16 : i32
      %mul3A_281 = arith.muli %add3A_279, %mul3A_280 : i32
      %get3A_282 = arith.constant 0 : i32
      %get3A_283 = arith.index_cast %get3A_282 : i32 to index
      %get3A_284 = arith.index_cast %mul3A_281 : i32 to index
      %get3A_285 = tpu.vector_load %arg4[%get3A_283, %get3A_284] {strides = array<i32>} : memref<1x32768xf32, #tpu.memory_space<vmem>>, vector<1x16xf32>,
      %get3A_286 = vector.shape_cast %get3A_285 : vector<1x16xf32> to vector<16xf32>
      %bitcast_convert_type3A_287 = tpu.bitcast %get3A_286 : vector<16xf32> -> vector<16xi32>
      %ge3A_288 = arith.constant 0 : i32
      %ge3A_289 = vector.broadcast %ge3A_288 : i32 to vector<16xi32>
      %ge3A_290 = arith.cmpi sge, %bitcast_convert_type3A_287, %ge3A_289 : vector<16xi32>
      %xor3A_291 = arith.constant 2147483647 : i32
      %xor3A_292 = vector.broadcast %xor3A_291 : i32 to vector<16xi32>
      %xor3A_293 = arith.xori %bitcast_convert_type3A_287, %xor3A_292 : vector<16xi32>
      %select_n3A_294 = arith.select %ge3A_290, %bitcast_convert_type3A_287, %xor3A_293 : vector<16xi1>, vector<16xi32>
      %swap3A_295 = arith.constant 0 : i32
      %swap3A_296 = arith.index_cast %swap3A_295 : i32 to index
      %swap3A_297 = arith.index_cast %mul3A_281 : i32 to index
      %swap3A_298 = tpu.vector_load %arg6[%swap3A_296, %swap3A_297] {strides = array<i32>} : memref<1x32768xi32, #tpu.memory_space<vmem>>, vector<1x16xi32>,
      %swap3A_299 = vector.shape_cast %swap3A_298 : vector<1x16xi32> to vector<16xi32>
      %swap3A_300 = vector.shape_cast %select_n3A_294 : vector<16xi32> to vector<1x16xi32>
      tpu.vector_store %arg6[%swap3A_296, %swap3A_297], %swap3A_300 {strides = array<i32>} : memref<1x32768xi32, #tpu.memory_space<vmem>>, vector<1x16xi32>,
      %mul3A_301 = arith.constant 16 : i32
      %mul3A_302 = arith.muli %scan3A_155, %mul3A_301 : i32
      %add3A_303 = arith.constant 6 : i32
      %add3A_304 = arith.addi %mul3A_302, %add3A_303 : i32
      %mul3A_305 = arith.constant 16 : i32
      %mul3A_306 = arith.muli %add3A_304, %mul3A_305 : i32
      %get3A_307 = arith.constant 0 : i32
      %get3A_308 = arith.index_cast %get3A_307 : i32 to index
      %get3A_309 = arith.index_cast %mul3A_306 : i32 to index
      %get3A_310 = tpu.vector_load %arg4[%get3A_308, %get3A_309] {strides = array<i32>} : memref<1x32768xf32, #tpu.memory_space<vmem>>, vector<1x16xf32>,
      %get3A_311 = vector.shape_cast %get3A_310 : vector<1x16xf32> to vector<16xf32>
      %bitcast_convert_type3A_312 = tpu.bitcast %get3A_311 : vector<16xf32> -> vector<16xi32>
      %ge3A_313 = arith.constant 0 : i32
      %ge3A_314 = vector.broadcast %ge3A_313 : i32 to vector<16xi32>
      %ge3A_315 = arith.cmpi sge, %bitcast_convert_type3A_312, %ge3A_314 : vector<16xi32>
      %xor3A_316 = arith.constant 2147483647 : i32
      %xor3A_317 = vector.broadcast %xor3A_316 : i32 to vector<16xi32>
      %xor3A_318 = arith.xori %bitcast_convert_type3A_312, %xor3A_317 : vector<16xi32>
      %select_n3A_319 = arith.select %ge3A_315, %bitcast_convert_type3A_312, %xor3A_318 : vector<16xi1>, vector<16xi32>
      %swap3A_320 = arith.constant 0 : i32
      %swap3A_321 = arith.index_cast %swap3A_320 : i32 to index
      %swap3A_322 = arith.index_cast %mul3A_306 : i32 to index
      %swap3A_323 = tpu.vector_load %arg6[%swap3A_321, %swap3A_322] {strides = array<i32>} : memref<1x32768xi32, #tpu.memory_space<vmem>>, vector<1x16xi32>,
      %swap3A_324 = vector.shape_cast %swap3A_323 : vector<1x16xi32> to vector<16xi32>
      %swap3A_325 = vector.shape_cast %select_n3A_319 : vector<16xi32> to vector<1x16xi32>
      tpu.vector_store %arg6[%swap3A_321, %swap3A_322], %swap3A_325 {strides = array<i32>} : memref<1x32768xi32, #tpu.memory_space<vmem>>, vector<1x16xi32>,
      %mul3A_326 = arith.constant 16 : i32
      %mul3A_327 = arith.muli %scan3A_155, %mul3A_326 : i32
      %add3A_328 = arith.constant 7 : i32
      %add3A_329 = arith.addi %mul3A_327, %add3A_328 : i32
      %mul3A_330 = arith.constant 16 : i32
      %mul3A_331 = arith.muli %add3A_329, %mul3A_330 : i32
      %get3A_332 = arith.constant 0 : i32
      %get3A_333 = arith.index_cast %get3A_332 : i32 to index
      %get3A_334 = arith.index_cast %mul3A_331 : i32 to index
      %get3A_335 = tpu.vector_load %arg4[%get3A_333, %get3A_334] {strides = array<i32>} : memref<1x32768xf32, #tpu.memory_space<vmem>>, vector<1x16xf32>,
      %get3A_336 = vector.shape_cast %get3A_335 : vector<1x16xf32> to vector<16xf32>
      %bitcast_convert_type3A_337 = tpu.bitcast %get3A_336 : vector<16xf32> -> vector<16xi32>
      %ge3A_338 = arith.constant 0 : i32
      %ge3A_339 = vector.broadcast %ge3A_338 : i32 to vector<16xi32>
      %ge3A_340 = arith.cmpi sge, %bitcast_convert_type3A_337, %ge3A_339 : vector<16xi32>
      %xor3A_341 = arith.constant 2147483647 : i32
      %xor3A_342 = vector.broadcast %xor3A_341 : i32 to vector<16xi32>
      %xor3A_343 = arith.xori %bitcast_convert_type3A_337, %xor3A_342 : vector<16xi32>
      %select_n3A_344 = arith.select %ge3A_340, %bitcast_convert_type3A_337, %xor3A_343 : vector<16xi1>, vector<16xi32>
      %swap3A_345 = arith.constant 0 : i32
      %swap3A_346 = arith.index_cast %swap3A_345 : i32 to index
      %swap3A_347 = arith.index_cast %mul3A_331 : i32 to index
      %swap3A_348 = tpu.vector_load %arg6[%swap3A_346, %swap3A_347] {strides = array<i32>} : memref<1x32768xi32, #tpu.memory_space<vmem>>, vector<1x16xi32>,
      %swap3A_349 = vector.shape_cast %swap3A_348 : vector<1x16xi32> to vector<16xi32>
      %swap3A_350 = vector.shape_cast %select_n3A_344 : vector<16xi32> to vector<1x16xi32>
      tpu.vector_store %arg6[%swap3A_346, %swap3A_347], %swap3A_350 {strides = array<i32>} : memref<1x32768xi32, #tpu.memory_space<vmem>>, vector<1x16xi32>,
      %mul3A_351 = arith.constant 16 : i32
      %mul3A_352 = arith.muli %scan3A_155, %mul3A_351 : i32
      %add3A_353 = arith.constant 8 : i32
      %add3A_354 = arith.addi %mul3A_352, %add3A_353 : i32
      %mul3A_355 = arith.constant 16 : i32
      %mul3A_356 = arith.muli %add3A_354, %mul3A_355 : i32
      %get3A_357 = arith.constant 0 : i32
      %get3A_358 = arith.index_cast %get3A_357 : i32 to index
      %get3A_359 = arith.index_cast %mul3A_356 : i32 to index
      %get3A_360 = tpu.vector_load %arg4[%get3A_358, %get3A_359] {strides = array<i32>} : memref<1x32768xf32, #tpu.memory_space<vmem>>, vector<1x16xf32>,
      %get3A_361 = vector.shape_cast %get3A_360 : vector<1x16xf32> to vector<16xf32>
      %bitcast_convert_type3A_362 = tpu.bitcast %get3A_361 : vector<16xf32> -> vector<16xi32>
      %ge3A_363 = arith.constant 0 : i32
      %ge3A_364 = vector.broadcast %ge3A_363 : i32 to vector<16xi32>
      %ge3A_365 = arith.cmpi sge, %bitcast_convert_type3A_362, %ge3A_364 : vector<16xi32>
      %xor3A_366 = arith.constant 2147483647 : i32
      %xor3A_367 = vector.broadcast %xor3A_366 : i32 to vector<16xi32>
      %xor3A_368 = arith.xori %bitcast_convert_type3A_362, %xor3A_367 : vector<16xi32>
      %select_n3A_369 = arith.select %ge3A_365, %bitcast_convert_type3A_362, %xor3A_368 : vector<16xi1>, vector<16xi32>
      %swap3A_370 = arith.constant 0 : i32
      %swap3A_371 = arith.index_cast %swap3A_370 : i32 to index
      %swap3A_372 = arith.index_cast %mul3A_356 : i32 to index
      %swap3A_373 = tpu.vector_load %arg6[%swap3A_371, %swap3A_372] {strides = array<i32>} : memref<1x32768xi32, #tpu.memory_space<vmem>>, vector<1x16xi32>,
      %swap3A_374 = vector.shape_cast %swap3A_373 : vector<1x16xi32> to vector<16xi32>
      %swap3A_375 = vector.shape_cast %select_n3A_369 : vector<16xi32> to vector<1x16xi32>
      tpu.vector_store %arg6[%swap3A_371, %swap3A_372], %swap3A_375 {strides = array<i32>} : memref<1x32768xi32, #tpu.memory_space<vmem>>, vector<1x16xi32>,
      %mul3A_376 = arith.constant 16 : i32
      %mul3A_377 = arith.muli %scan3A_155, %mul3A_376 : i32
      %add3A_378 = arith.constant 9 : i32
      %add3A_379 = arith.addi %mul3A_377, %add3A_378 : i32
      %mul3A_380 = arith.constant 16 : i32
      %mul3A_381 = arith.muli %add3A_379, %mul3A_380 : i32
      %get3A_382 = arith.constant 0 : i32
      %get3A_383 = arith.index_cast %get3A_382 : i32 to index
      %get3A_384 = arith.index_cast %mul3A_381 : i32 to index
      %get3A_385 = tpu.vector_load %arg4[%get3A_383, %get3A_384] {strides = array<i32>} : memref<1x32768xf32, #tpu.memory_space<vmem>>, vector<1x16xf32>,
      %get3A_386 = vector.shape_cast %get3A_385 : vector<1x16xf32> to vector<16xf32>
      %bitcast_convert_type3A_387 = tpu.bitcast %get3A_386 : vector<16xf32> -> vector<16xi32>
      %ge3A_388 = arith.constant 0 : i32
      %ge3A_389 = vector.broadcast %ge3A_388 : i32 to vector<16xi32>
      %ge3A_390 = arith.cmpi sge, %bitcast_convert_type3A_387, %ge3A_389 : vector<16xi32>
      %xor3A_391 = arith.constant 2147483647 : i32
      %xor3A_392 = vector.broadcast %xor3A_391 : i32 to vector<16xi32>
      %xor3A_393 = arith.xori %bitcast_convert_type3A_387, %xor3A_392 : vector<16xi32>
      %select_n3A_394 = arith.select %ge3A_390, %bitcast_convert_type3A_387, %xor3A_393 : vector<16xi1>, vector<16xi32>
      %swap3A_395 = arith.constant 0 : i32
      %swap3A_396 = arith.index_cast %swap3A_395 : i32 to index
      %swap3A_397 = arith.index_cast %mul3A_381 : i32 to index
      %swap3A_398 = tpu.vector_load %arg6[%swap3A_396, %swap3A_397] {strides = array<i32>} : memref<1x32768xi32, #tpu.memory_space<vmem>>, vector<1x16xi32>,
      %swap3A_399 = vector.shape_cast %swap3A_398 : vector<1x16xi32> to vector<16xi32>
      %swap3A_400 = vector.shape_cast %select_n3A_394 : vector<16xi32> to vector<1x16xi32>
      tpu.vector_store %arg6[%swap3A_396, %swap3A_397], %swap3A_400 {strides = array<i32>} : memref<1x32768xi32, #tpu.memory_space<vmem>>, vector<1x16xi32>,
      %mul3A_401 = arith.constant 16 : i32
      %mul3A_402 = arith.muli %scan3A_155, %mul3A_401 : i32
      %add3A_403 = arith.constant 10 : i32
      %add3A_404 = arith.addi %mul3A_402, %add3A_403 : i32
      %mul3A_405 = arith.constant 16 : i32
      %mul3A_406 = arith.muli %add3A_404, %mul3A_405 : i32
      %get3A_407 = arith.constant 0 : i32
      %get3A_408 = arith.index_cast %get3A_407 : i32 to index
      %get3A_409 = arith.index_cast %mul3A_406 : i32 to index
      %get3A_410 = tpu.vector_load %arg4[%get3A_408, %get3A_409] {strides = array<i32>} : memref<1x32768xf32, #tpu.memory_space<vmem>>, vector<1x16xf32>,
      %get3A_411 = vector.shape_cast %get3A_410 : vector<1x16xf32> to vector<16xf32>
      %bitcast_convert_type3A_412 = tpu.bitcast %get3A_411 : vector<16xf32> -> vector<16xi32>
      %ge3A_413 = arith.constant 0 : i32
      %ge3A_414 = vector.broadcast %ge3A_413 : i32 to vector<16xi32>
      %ge3A_415 = arith.cmpi sge, %bitcast_convert_type3A_412, %ge3A_414 : vector<16xi32>
      %xor3A_416 = arith.constant 2147483647 : i32
      %xor3A_417 = vector.broadcast %xor3A_416 : i32 to vector<16xi32>
      %xor3A_418 = arith.xori %bitcast_convert_type3A_412, %xor3A_417 : vector<16xi32>
      %select_n3A_419 = arith.select %ge3A_415, %bitcast_convert_type3A_412, %xor3A_418 : vector<16xi1>, vector<16xi32>
      %swap3A_420 = arith.constant 0 : i32
      %swap3A_421 = arith.index_cast %swap3A_420 : i32 to index
      %swap3A_422 = arith.index_cast %mul3A_406 : i32 to index
      %swap3A_423 = tpu.vector_load %arg6[%swap3A_421, %swap3A_422] {strides = array<i32>} : memref<1x32768xi32, #tpu.memory_space<vmem>>, vector<1x16xi32>,
      %swap3A_424 = vector.shape_cast %swap3A_423 : vector<1x16xi32> to vector<16xi32>
      %swap3A_425 = vector.shape_cast %select_n3A_419 : vector<16xi32> to vector<1x16xi32>
      tpu.vector_store %arg6[%swap3A_421, %swap3A_422], %swap3A_425 {strides = array<i32>} : memref<1x32768xi32, #tpu.memory_space<vmem>>, vector<1x16xi32>,
      %mul3A_426 = arith.constant 16 : i32
      %mul3A_427 = arith.muli %scan3A_155, %mul3A_426 : i32
      %add3A_428 = arith.constant 11 : i32
      %add3A_429 = arith.addi %mul3A_427, %add3A_428 : i32
      %mul3A_430 = arith.constant 16 : i32
      %mul3A_431 = arith.muli %add3A_429, %mul3A_430 : i32
      %get3A_432 = arith.constant 0 : i32
      %get3A_433 = arith.index_cast %get3A_432 : i32 to index
      %get3A_434 = arith.index_cast %mul3A_431 : i32 to index
      %get3A_435 = tpu.vector_load %arg4[%get3A_433, %get3A_434] {strides = array<i32>} : memref<1x32768xf32, #tpu.memory_space<vmem>>, vector<1x16xf32>,
      %get3A_436 = vector.shape_cast %get3A_435 : vector<1x16xf32> to vector<16xf32>
      %bitcast_convert_type3A_437 = tpu.bitcast %get3A_436 : vector<16xf32> -> vector<16xi32>
      %ge3A_438 = arith.constant 0 : i32
      %ge3A_439 = vector.broadcast %ge3A_438 : i32 to vector<16xi32>
      %ge3A_440 = arith.cmpi sge, %bitcast_convert_type3A_437, %ge3A_439 : vector<16xi32>
      %xor3A_441 = arith.constant 2147483647 : i32
      %xor3A_442 = vector.broadcast %xor3A_441 : i32 to vector<16xi32>
      %xor3A_443 = arith.xori %bitcast_convert_type3A_437, %xor3A_442 : vector<16xi32>
      %select_n3A_444 = arith.select %ge3A_440, %bitcast_convert_type3A_437, %xor3A_443 : vector<16xi1>, vector<16xi32>
      %swap3A_445 = arith.constant 0 : i32
      %swap3A_446 = arith.index_cast %swap3A_445 : i32 to index
      %swap3A_447 = arith.index_cast %mul3A_431 : i32 to index
      %swap3A_448 = tpu.vector_load %arg6[%swap3A_446, %swap3A_447] {strides = array<i32>} : memref<1x32768xi32, #tpu.memory_space<vmem>>, vector<1x16xi32>,
      %swap3A_449 = vector.shape_cast %swap3A_448 : vector<1x16xi32> to vector<16xi32>
      %swap3A_450 = vector.shape_cast %select_n3A_444 : vector<16xi32> to vector<1x16xi32>
      tpu.vector_store %arg6[%swap3A_446, %swap3A_447], %swap3A_450 {strides = array<i32>} : memref<1x32768xi32, #tpu.memory_space<vmem>>, vector<1x16xi32>,
      %mul3A_451 = arith.constant 16 : i32
      %mul3A_452 = arith.muli %scan3A_155, %mul3A_451 : i32
      %add3A_453 = arith.constant 12 : i32
      %add3A_454 = arith.addi %mul3A_452, %add3A_453 : i32
      %mul3A_455 = arith.constant 16 : i32
      %mul3A_456 = arith.muli %add3A_454, %mul3A_455 : i32
      %get3A_457 = arith.constant 0 : i32
      %get3A_458 = arith.index_cast %get3A_457 : i32 to index
      %get3A_459 = arith.index_cast %mul3A_456 : i32 to index
      %get3A_460 = tpu.vector_load %arg4[%get3A_458, %get3A_459] {strides = array<i32>} : memref<1x32768xf32, #tpu.memory_space<vmem>>, vector<1x16xf32>,
      %get3A_461 = vector.shape_cast %get3A_460 : vector<1x16xf32> to vector<16xf32>
      %bitcast_convert_type3A_462 = tpu.bitcast %get3A_461 : vector<16xf32> -> vector<16xi32>
      %ge3A_463 = arith.constant 0 : i32
      %ge3A_464 = vector.broadcast %ge3A_463 : i32 to vector<16xi32>
      %ge3A_465 = arith.cmpi sge, %bitcast_convert_type3A_462, %ge3A_464 : vector<16xi32>
      %xor3A_466 = arith.constant 2147483647 : i32
      %xor3A_467 = vector.broadcast %xor3A_466 : i32 to vector<16xi32>
      %xor3A_468 = arith.xori %bitcast_convert_type3A_462, %xor3A_467 : vector<16xi32>
      %select_n3A_469 = arith.select %ge3A_465, %bitcast_convert_type3A_462, %xor3A_468 : vector<16xi1>, vector<16xi32>
      %swap3A_470 = arith.constant 0 : i32
      %swap3A_471 = arith.index_cast %swap3A_470 : i32 to index
      %swap3A_472 = arith.index_cast %mul3A_456 : i32 to index
      %swap3A_473 = tpu.vector_load %arg6[%swap3A_471, %swap3A_472] {strides = array<i32>} : memref<1x32768xi32, #tpu.memory_space<vmem>>, vector<1x16xi32>,
      %swap3A_474 = vector.shape_cast %swap3A_473 : vector<1x16xi32> to vector<16xi32>
      %swap3A_475 = vector.shape_cast %select_n3A_469 : vector<16xi32> to vector<1x16xi32>
      tpu.vector_store %arg6[%swap3A_471, %swap3A_472], %swap3A_475 {strides = array<i32>} : memref<1x32768xi32, #tpu.memory_space<vmem>>, vector<1x16xi32>,
      %mul3A_476 = arith.constant 16 : i32
      %mul3A_477 = arith.muli %scan3A_155, %mul3A_476 : i32
      %add3A_478 = arith.constant 13 : i32
      %add3A_479 = arith.addi %mul3A_477, %add3A_478 : i32
      %mul3A_480 = arith.constant 16 : i32
      %mul3A_481 = arith.muli %add3A_479, %mul3A_480 : i32
      %get3A_482 = arith.constant 0 : i32
      %get3A_483 = arith.index_cast %get3A_482 : i32 to index
      %get3A_484 = arith.index_cast %mul3A_481 : i32 to index
      %get3A_485 = tpu.vector_load %arg4[%get3A_483, %get3A_484] {strides = array<i32>} : memref<1x32768xf32, #tpu.memory_space<vmem>>, vector<1x16xf32>,
      %get3A_486 = vector.shape_cast %get3A_485 : vector<1x16xf32> to vector<16xf32>
      %bitcast_convert_type3A_487 = tpu.bitcast %get3A_486 : vector<16xf32> -> vector<16xi32>
      %ge3A_488 = arith.constant 0 : i32
      %ge3A_489 = vector.broadcast %ge3A_488 : i32 to vector<16xi32>
      %ge3A_490 = arith.cmpi sge, %bitcast_convert_type3A_487, %ge3A_489 : vector<16xi32>
      %xor3A_491 = arith.constant 2147483647 : i32
      %xor3A_492 = vector.broadcast %xor3A_491 : i32 to vector<16xi32>
      %xor3A_493 = arith.xori %bitcast_convert_type3A_487, %xor3A_492 : vector<16xi32>
      %select_n3A_494 = arith.select %ge3A_490, %bitcast_convert_type3A_487, %xor3A_493 : vector<16xi1>, vector<16xi32>
      %swap3A_495 = arith.constant 0 : i32
      %swap3A_496 = arith.index_cast %swap3A_495 : i32 to index
      %swap3A_497 = arith.index_cast %mul3A_481 : i32 to index
      %swap3A_498 = tpu.vector_load %arg6[%swap3A_496, %swap3A_497] {strides = array<i32>} : memref<1x32768xi32, #tpu.memory_space<vmem>>, vector<1x16xi32>,
      %swap3A_499 = vector.shape_cast %swap3A_498 : vector<1x16xi32> to vector<16xi32>
      %swap3A_500 = vector.shape_cast %select_n3A_494 : vector<16xi32> to vector<1x16xi32>
      tpu.vector_store %arg6[%swap3A_496, %swap3A_497], %swap3A_500 {strides = array<i32>} : memref<1x32768xi32, #tpu.memory_space<vmem>>, vector<1x16xi32>,
      %mul3A_501 = arith.constant 16 : i32
      %mul3A_502 = arith.muli %scan3A_155, %mul3A_501 : i32
      %add3A_503 = arith.constant 14 : i32
      %add3A_504 = arith.addi %mul3A_502, %add3A_503 : i32
      %mul3A_505 = arith.constant 16 : i32
      %mul3A_506 = arith.muli %add3A_504, %mul3A_505 : i32
      %get3A_507 = arith.constant 0 : i32
      %get3A_508 = arith.index_cast %get3A_507 : i32 to index
      %get3A_509 = arith.index_cast %mul3A_506 : i32 to index
      %get3A_510 = tpu.vector_load %arg4[%get3A_508, %get3A_509] {strides = array<i32>} : memref<1x32768xf32, #tpu.memory_space<vmem>>, vector<1x16xf32>,
      %get3A_511 = vector.shape_cast %get3A_510 : vector<1x16xf32> to vector<16xf32>
      %bitcast_convert_type3A_512 = tpu.bitcast %get3A_511 : vector<16xf32> -> vector<16xi32>
      %ge3A_513 = arith.constant 0 : i32
      %ge3A_514 = vector.broadcast %ge3A_513 : i32 to vector<16xi32>
      %ge3A_515 = arith.cmpi sge, %bitcast_convert_type3A_512, %ge3A_514 : vector<16xi32>
      %xor3A_516 = arith.constant 2147483647 : i32
      %xor3A_517 = vector.broadcast %xor3A_516 : i32 to vector<16xi32>
      %xor3A_518 = arith.xori %bitcast_convert_type3A_512, %xor3A_517 : vector<16xi32>
      %select_n3A_519 = arith.select %ge3A_515, %bitcast_convert_type3A_512, %xor3A_518 : vector<16xi1>, vector<16xi32>
      %swap3A_520 = arith.constant 0 : i32
      %swap3A_521 = arith.index_cast %swap3A_520 : i32 to index
      %swap3A_522 = arith.index_cast %mul3A_506 : i32 to index
      %swap3A_523 = tpu.vector_load %arg6[%swap3A_521, %swap3A_522] {strides = array<i32>} : memref<1x32768xi32, #tpu.memory_space<vmem>>, vector<1x16xi32>,
      %swap3A_524 = vector.shape_cast %swap3A_523 : vector<1x16xi32> to vector<16xi32>
      %swap3A_525 = vector.shape_cast %select_n3A_519 : vector<16xi32> to vector<1x16xi32>
      tpu.vector_store %arg6[%swap3A_521, %swap3A_522], %swap3A_525 {strides = array<i32>} : memref<1x32768xi32, #tpu.memory_space<vmem>>, vector<1x16xi32>,
      %mul3A_526 = arith.constant 16 : i32
      %mul3A_527 = arith.muli %scan3A_155, %mul3A_526 : i32
      %add3A_528 = arith.constant 15 : i32
      %add3A_529 = arith.addi %mul3A_527, %add3A_528 : i32
      %mul3A_530 = arith.constant 16 : i32
      %mul3A_531 = arith.muli %add3A_529, %mul3A_530 : i32
      %get3A_532 = arith.constant 0 : i32
      %get3A_533 = arith.index_cast %get3A_532 : i32 to index
      %get3A_534 = arith.index_cast %mul3A_531 : i32 to index
      %get3A_535 = tpu.vector_load %arg4[%get3A_533, %get3A_534] {strides = array<i32>} : memref<1x32768xf32, #tpu.memory_space<vmem>>, vector<1x16xf32>,
      %get3A_536 = vector.shape_cast %get3A_535 : vector<1x16xf32> to vector<16xf32>
      %bitcast_convert_type3A_537 = tpu.bitcast %get3A_536 : vector<16xf32> -> vector<16xi32>
      %ge3A_538 = arith.constant 0 : i32
      %ge3A_539 = vector.broadcast %ge3A_538 : i32 to vector<16xi32>
      %ge3A_540 = arith.cmpi sge, %bitcast_convert_type3A_537, %ge3A_539 : vector<16xi32>
      %xor3A_541 = arith.constant 2147483647 : i32
      %xor3A_542 = vector.broadcast %xor3A_541 : i32 to vector<16xi32>
      %xor3A_543 = arith.xori %bitcast_convert_type3A_537, %xor3A_542 : vector<16xi32>
      %select_n3A_544 = arith.select %ge3A_540, %bitcast_convert_type3A_537, %xor3A_543 : vector<16xi1>, vector<16xi32>
      %swap3A_545 = arith.constant 0 : i32
      %swap3A_546 = arith.index_cast %swap3A_545 : i32 to index
      %swap3A_547 = arith.index_cast %mul3A_531 : i32 to index
      %swap3A_548 = tpu.vector_load %arg6[%swap3A_546, %swap3A_547] {strides = array<i32>} : memref<1x32768xi32, #tpu.memory_space<vmem>>, vector<1x16xi32>,
      %swap3A_549 = vector.shape_cast %swap3A_548 : vector<1x16xi32> to vector<16xi32>
      %swap3A_550 = vector.shape_cast %select_n3A_544 : vector<16xi32> to vector<1x16xi32>
      tpu.vector_store %arg6[%swap3A_546, %swap3A_547], %swap3A_550 {strides = array<i32>} : memref<1x32768xi32, #tpu.memory_space<vmem>>, vector<1x16xi32>,
    }
    %scan3A_22 = arith.constant 128 : i32
    %broadcast_in_dim3A_23 = arith.constant -2147483648 : i32
    %broadcast_in_dim3A_24 = vector.broadcast %broadcast_in_dim3A_23 : i32 to vector<16xi32>
    %scan3A_25 = arith.constant 0 : i32
    %scan3A_26 = arith.constant 32 : i32
    %scan3A_27 = arith.addi %scan3A_25, %scan3A_26 : i32
    %scan3A_28 = arith.constant 1 : i32
    %scan3A_29 = scf.for %scan3A_155 = %scan3A_25 to %scan3A_27 step %scan3A_28 iter_args(%scan3A_156 = %broadcast_in_dim3A_24) -> (vector<16xi32>)  : i32 {
      %broadcast_in_dim3A_157 = arith.constant 1 : i32
      %broadcast_in_dim3A_158 = vector.broadcast %broadcast_in_dim3A_157 : i32 to vector<16xi32>
      %broadcast_in_dim3A_159 = arith.constant 31 : i32
      %broadcast_in_dim3A_160 = vector.broadcast %broadcast_in_dim3A_159 : i32 to vector<16xi32>
      %sub3A = vector.broadcast %scan3A_155 : i32 to vector<16xi32>
      %sub3A_161 = arith.subi %broadcast_in_dim3A_160, %sub3A : vector<16xi32>
      %shift_left3A = arith.shli %broadcast_in_dim3A_158, %sub3A_161 : vector<16xi32>
      %add3A_162 = arith.addi %scan3A_156, %shift_left3A : vector<16xi32>
      %broadcast_in_dim3A_163 = arith.constant 0 : i32
      %broadcast_in_dim3A_164 = vector.broadcast %broadcast_in_dim3A_163 : i32 to vector<16xi32>
      %scan3A_165 = arith.constant 0 : i32
      %scan3A_166 = arith.constant 128 : i32
      %scan3A_167 = arith.addi %scan3A_165, %scan3A_166 : i32
      %scan3A_168 = arith.constant 1 : i32
      %scan3A_169 = scf.for %scan3A_200 = %scan3A_165 to %scan3A_167 step %scan3A_168 iter_args(%scan3A_201 = %broadcast_in_dim3A_164) -> (vector<16xi32>)  : i32 {
        %mul3A_202 = arith.constant 16 : i32
        %mul3A_203 = arith.muli %scan3A_200, %mul3A_202 : i32
        %add3A_204 = arith.constant 0 : i32
        %add3A_205 = arith.addi %mul3A_203, %add3A_204 : i32
        %mul3A_206 = arith.constant 16 : i32
        %mul3A_207 = arith.muli %add3A_205, %mul3A_206 : i32
        %get3A = arith.constant 0 : i32
        %get3A_208 = arith.index_cast %get3A : i32 to index
        %get3A_209 = arith.index_cast %mul3A_207 : i32 to index
        %get3A_210 = tpu.vector_load %arg6[%get3A_208, %get3A_209] {strides = array<i32>} : memref<1x32768xi32, #tpu.memory_space<vmem>>, vector<1x16xi32>,
        %get3A_211 = vector.shape_cast %get3A_210 : vector<1x16xi32> to vector<16xi32>
        %ge3A_212 = arith.cmpi sge, %get3A_211, %add3A_162 : vector<16xi32>
        %jit3A = arith.constant 1 : i32
        %jit3A_213 = arith.constant 0 : i32
        %broadcast_in_dim3A_214 = vector.broadcast %jit3A : i32 to vector<16xi32>
        %broadcast_in_dim3A_215 = vector.broadcast %jit3A_213 : i32 to vector<16xi32>
        %select_n3A_216 = arith.select %ge3A_212, %broadcast_in_dim3A_214, %broadcast_in_dim3A_215 : vector<16xi1>, vector<16xi32>
        %add3A_217 = arith.addi %scan3A_201, %select_n3A_216 : vector<16xi32>
        %mul3A_218 = arith.constant 16 : i32
        %mul3A_219 = arith.muli %scan3A_200, %mul3A_218 : i32
        %add3A_220 = arith.constant 1 : i32
        %add3A_221 = arith.addi %mul3A_219, %add3A_220 : i32
        %mul3A_222 = arith.constant 16 : i32
        %mul3A_223 = arith.muli %add3A_221, %mul3A_222 : i32
        %get3A_224 = arith.constant 0 : i32
        %get3A_225 = arith.index_cast %get3A_224 : i32 to index
        %get3A_226 = arith.index_cast %mul3A_223 : i32 to index
        %get3A_227 = tpu.vector_load %arg6[%get3A_225, %get3A_226] {strides = array<i32>} : memref<1x32768xi32, #tpu.memory_space<vmem>>, vector<1x16xi32>,
        %get3A_228 = vector.shape_cast %get3A_227 : vector<1x16xi32> to vector<16xi32>
        %ge3A_229 = arith.cmpi sge, %get3A_228, %add3A_162 : vector<16xi32>
        %jit3A_230 = arith.constant 1 : i32
        %jit3A_231 = arith.constant 0 : i32
        %broadcast_in_dim3A_232 = vector.broadcast %jit3A_230 : i32 to vector<16xi32>
        %broadcast_in_dim3A_233 = vector.broadcast %jit3A_231 : i32 to vector<16xi32>
        %select_n3A_234 = arith.select %ge3A_229, %broadcast_in_dim3A_232, %broadcast_in_dim3A_233 : vector<16xi1>, vector<16xi32>
        %add3A_235 = arith.addi %add3A_217, %select_n3A_234 : vector<16xi32>
        %mul3A_236 = arith.constant 16 : i32
        %mul3A_237 = arith.muli %scan3A_200, %mul3A_236 : i32
        %add3A_238 = arith.constant 2 : i32
        %add3A_239 = arith.addi %mul3A_237, %add3A_238 : i32
        %mul3A_240 = arith.constant 16 : i32
        %mul3A_241 = arith.muli %add3A_239, %mul3A_240 : i32
        %get3A_242 = arith.constant 0 : i32
        %get3A_243 = arith.index_cast %get3A_242 : i32 to index
        %get3A_244 = arith.index_cast %mul3A_241 : i32 to index
        %get3A_245 = tpu.vector_load %arg6[%get3A_243, %get3A_244] {strides = array<i32>} : memref<1x32768xi32, #tpu.memory_space<vmem>>, vector<1x16xi32>,
        %get3A_246 = vector.shape_cast %get3A_245 : vector<1x16xi32> to vector<16xi32>
        %ge3A_247 = arith.cmpi sge, %get3A_246, %add3A_162 : vector<16xi32>
        %jit3A_248 = arith.constant 1 : i32
        %jit3A_249 = arith.constant 0 : i32
        %broadcast_in_dim3A_250 = vector.broadcast %jit3A_248 : i32 to vector<16xi32>
        %broadcast_in_dim3A_251 = vector.broadcast %jit3A_249 : i32 to vector<16xi32>
        %select_n3A_252 = arith.select %ge3A_247, %broadcast_in_dim3A_250, %broadcast_in_dim3A_251 : vector<16xi1>, vector<16xi32>
        %add3A_253 = arith.addi %add3A_235, %select_n3A_252 : vector<16xi32>
        %mul3A_254 = arith.constant 16 : i32
        %mul3A_255 = arith.muli %scan3A_200, %mul3A_254 : i32
        %add3A_256 = arith.constant 3 : i32
        %add3A_257 = arith.addi %mul3A_255, %add3A_256 : i32
        %mul3A_258 = arith.constant 16 : i32
        %mul3A_259 = arith.muli %add3A_257, %mul3A_258 : i32
        %get3A_260 = arith.constant 0 : i32
        %get3A_261 = arith.index_cast %get3A_260 : i32 to index
        %get3A_262 = arith.index_cast %mul3A_259 : i32 to index
        %get3A_263 = tpu.vector_load %arg6[%get3A_261, %get3A_262] {strides = array<i32>} : memref<1x32768xi32, #tpu.memory_space<vmem>>, vector<1x16xi32>,
        %get3A_264 = vector.shape_cast %get3A_263 : vector<1x16xi32> to vector<16xi32>
        %ge3A_265 = arith.cmpi sge, %get3A_264, %add3A_162 : vector<16xi32>
        %jit3A_266 = arith.constant 1 : i32
        %jit3A_267 = arith.constant 0 : i32
        %broadcast_in_dim3A_268 = vector.broadcast %jit3A_266 : i32 to vector<16xi32>
        %broadcast_in_dim3A_269 = vector.broadcast %jit3A_267 : i32 to vector<16xi32>
        %select_n3A_270 = arith.select %ge3A_265, %broadcast_in_dim3A_268, %broadcast_in_dim3A_269 : vector<16xi1>, vector<16xi32>
        %add3A_271 = arith.addi %add3A_253, %select_n3A_270 : vector<16xi32>
        %mul3A_272 = arith.constant 16 : i32
        %mul3A_273 = arith.muli %scan3A_200, %mul3A_272 : i32
        %add3A_274 = arith.constant 4 : i32
        %add3A_275 = arith.addi %mul3A_273, %add3A_274 : i32
        %mul3A_276 = arith.constant 16 : i32
        %mul3A_277 = arith.muli %add3A_275, %mul3A_276 : i32
        %get3A_278 = arith.constant 0 : i32
        %get3A_279 = arith.index_cast %get3A_278 : i32 to index
        %get3A_280 = arith.index_cast %mul3A_277 : i32 to index
        %get3A_281 = tpu.vector_load %arg6[%get3A_279, %get3A_280] {strides = array<i32>} : memref<1x32768xi32, #tpu.memory_space<vmem>>, vector<1x16xi32>,
        %get3A_282 = vector.shape_cast %get3A_281 : vector<1x16xi32> to vector<16xi32>
        %ge3A_283 = arith.cmpi sge, %get3A_282, %add3A_162 : vector<16xi32>
        %jit3A_284 = arith.constant 1 : i32
        %jit3A_285 = arith.constant 0 : i32
        %broadcast_in_dim3A_286 = vector.broadcast %jit3A_284 : i32 to vector<16xi32>
        %broadcast_in_dim3A_287 = vector.broadcast %jit3A_285 : i32 to vector<16xi32>
        %select_n3A_288 = arith.select %ge3A_283, %broadcast_in_dim3A_286, %broadcast_in_dim3A_287 : vector<16xi1>, vector<16xi32>
        %add3A_289 = arith.addi %add3A_271, %select_n3A_288 : vector<16xi32>
        %mul3A_290 = arith.constant 16 : i32
        %mul3A_291 = arith.muli %scan3A_200, %mul3A_290 : i32
        %add3A_292 = arith.constant 5 : i32
        %add3A_293 = arith.addi %mul3A_291, %add3A_292 : i32
        %mul3A_294 = arith.constant 16 : i32
        %mul3A_295 = arith.muli %add3A_293, %mul3A_294 : i32
        %get3A_296 = arith.constant 0 : i32
        %get3A_297 = arith.index_cast %get3A_296 : i32 to index
        %get3A_298 = arith.index_cast %mul3A_295 : i32 to index
        %get3A_299 = tpu.vector_load %arg6[%get3A_297, %get3A_298] {strides = array<i32>} : memref<1x32768xi32, #tpu.memory_space<vmem>>, vector<1x16xi32>,
        %get3A_300 = vector.shape_cast %get3A_299 : vector<1x16xi32> to vector<16xi32>
        %ge3A_301 = arith.cmpi sge, %get3A_300, %add3A_162 : vector<16xi32>
        %jit3A_302 = arith.constant 1 : i32
        %jit3A_303 = arith.constant 0 : i32
        %broadcast_in_dim3A_304 = vector.broadcast %jit3A_302 : i32 to vector<16xi32>
        %broadcast_in_dim3A_305 = vector.broadcast %jit3A_303 : i32 to vector<16xi32>
        %select_n3A_306 = arith.select %ge3A_301, %broadcast_in_dim3A_304, %broadcast_in_dim3A_305 : vector<16xi1>, vector<16xi32>
        %add3A_307 = arith.addi %add3A_289, %select_n3A_306 : vector<16xi32>
        %mul3A_308 = arith.constant 16 : i32
        %mul3A_309 = arith.muli %scan3A_200, %mul3A_308 : i32
        %add3A_310 = arith.constant 6 : i32
        %add3A_311 = arith.addi %mul3A_309, %add3A_310 : i32
        %mul3A_312 = arith.constant 16 : i32
        %mul3A_313 = arith.muli %add3A_311, %mul3A_312 : i32
        %get3A_314 = arith.constant 0 : i32
        %get3A_315 = arith.index_cast %get3A_314 : i32 to index
        %get3A_316 = arith.index_cast %mul3A_313 : i32 to index
        %get3A_317 = tpu.vector_load %arg6[%get3A_315, %get3A_316] {strides = array<i32>} : memref<1x32768xi32, #tpu.memory_space<vmem>>, vector<1x16xi32>,
        %get3A_318 = vector.shape_cast %get3A_317 : vector<1x16xi32> to vector<16xi32>
        %ge3A_319 = arith.cmpi sge, %get3A_318, %add3A_162 : vector<16xi32>
        %jit3A_320 = arith.constant 1 : i32
        %jit3A_321 = arith.constant 0 : i32
        %broadcast_in_dim3A_322 = vector.broadcast %jit3A_320 : i32 to vector<16xi32>
        %broadcast_in_dim3A_323 = vector.broadcast %jit3A_321 : i32 to vector<16xi32>
        %select_n3A_324 = arith.select %ge3A_319, %broadcast_in_dim3A_322, %broadcast_in_dim3A_323 : vector<16xi1>, vector<16xi32>
        %add3A_325 = arith.addi %add3A_307, %select_n3A_324 : vector<16xi32>
        %mul3A_326 = arith.constant 16 : i32
        %mul3A_327 = arith.muli %scan3A_200, %mul3A_326 : i32
        %add3A_328 = arith.constant 7 : i32
        %add3A_329 = arith.addi %mul3A_327, %add3A_328 : i32
        %mul3A_330 = arith.constant 16 : i32
        %mul3A_331 = arith.muli %add3A_329, %mul3A_330 : i32
        %get3A_332 = arith.constant 0 : i32
        %get3A_333 = arith.index_cast %get3A_332 : i32 to index
        %get3A_334 = arith.index_cast %mul3A_331 : i32 to index
        %get3A_335 = tpu.vector_load %arg6[%get3A_333, %get3A_334] {strides = array<i32>} : memref<1x32768xi32, #tpu.memory_space<vmem>>, vector<1x16xi32>,
        %get3A_336 = vector.shape_cast %get3A_335 : vector<1x16xi32> to vector<16xi32>
        %ge3A_337 = arith.cmpi sge, %get3A_336, %add3A_162 : vector<16xi32>
        %jit3A_338 = arith.constant 1 : i32
        %jit3A_339 = arith.constant 0 : i32
        %broadcast_in_dim3A_340 = vector.broadcast %jit3A_338 : i32 to vector<16xi32>
        %broadcast_in_dim3A_341 = vector.broadcast %jit3A_339 : i32 to vector<16xi32>
        %select_n3A_342 = arith.select %ge3A_337, %broadcast_in_dim3A_340, %broadcast_in_dim3A_341 : vector<16xi1>, vector<16xi32>
        %add3A_343 = arith.addi %add3A_325, %select_n3A_342 : vector<16xi32>
        %mul3A_344 = arith.constant 16 : i32
        %mul3A_345 = arith.muli %scan3A_200, %mul3A_344 : i32
        %add3A_346 = arith.constant 8 : i32
        %add3A_347 = arith.addi %mul3A_345, %add3A_346 : i32
        %mul3A_348 = arith.constant 16 : i32
        %mul3A_349 = arith.muli %add3A_347, %mul3A_348 : i32
        %get3A_350 = arith.constant 0 : i32
        %get3A_351 = arith.index_cast %get3A_350 : i32 to index
        %get3A_352 = arith.index_cast %mul3A_349 : i32 to index
        %get3A_353 = tpu.vector_load %arg6[%get3A_351, %get3A_352] {strides = array<i32>} : memref<1x32768xi32, #tpu.memory_space<vmem>>, vector<1x16xi32>,
        %get3A_354 = vector.shape_cast %get3A_353 : vector<1x16xi32> to vector<16xi32>
        %ge3A_355 = arith.cmpi sge, %get3A_354, %add3A_162 : vector<16xi32>
        %jit3A_356 = arith.constant 1 : i32
        %jit3A_357 = arith.constant 0 : i32
        %broadcast_in_dim3A_358 = vector.broadcast %jit3A_356 : i32 to vector<16xi32>
        %broadcast_in_dim3A_359 = vector.broadcast %jit3A_357 : i32 to vector<16xi32>
        %select_n3A_360 = arith.select %ge3A_355, %broadcast_in_dim3A_358, %broadcast_in_dim3A_359 : vector<16xi1>, vector<16xi32>
        %add3A_361 = arith.addi %add3A_343, %select_n3A_360 : vector<16xi32>
        %mul3A_362 = arith.constant 16 : i32
        %mul3A_363 = arith.muli %scan3A_200, %mul3A_362 : i32
        %add3A_364 = arith.constant 9 : i32
        %add3A_365 = arith.addi %mul3A_363, %add3A_364 : i32
        %mul3A_366 = arith.constant 16 : i32
        %mul3A_367 = arith.muli %add3A_365, %mul3A_366 : i32
        %get3A_368 = arith.constant 0 : i32
        %get3A_369 = arith.index_cast %get3A_368 : i32 to index
        %get3A_370 = arith.index_cast %mul3A_367 : i32 to index
        %get3A_371 = tpu.vector_load %arg6[%get3A_369, %get3A_370] {strides = array<i32>} : memref<1x32768xi32, #tpu.memory_space<vmem>>, vector<1x16xi32>,
        %get3A_372 = vector.shape_cast %get3A_371 : vector<1x16xi32> to vector<16xi32>
        %ge3A_373 = arith.cmpi sge, %get3A_372, %add3A_162 : vector<16xi32>
        %jit3A_374 = arith.constant 1 : i32
        %jit3A_375 = arith.constant 0 : i32
        %broadcast_in_dim3A_376 = vector.broadcast %jit3A_374 : i32 to vector<16xi32>
        %broadcast_in_dim3A_377 = vector.broadcast %jit3A_375 : i32 to vector<16xi32>
        %select_n3A_378 = arith.select %ge3A_373, %broadcast_in_dim3A_376, %broadcast_in_dim3A_377 : vector<16xi1>, vector<16xi32>
        %add3A_379 = arith.addi %add3A_361, %select_n3A_378 : vector<16xi32>
        %mul3A_380 = arith.constant 16 : i32
        %mul3A_381 = arith.muli %scan3A_200, %mul3A_380 : i32
        %add3A_382 = arith.constant 10 : i32
        %add3A_383 = arith.addi %mul3A_381, %add3A_382 : i32
        %mul3A_384 = arith.constant 16 : i32
        %mul3A_385 = arith.muli %add3A_383, %mul3A_384 : i32
        %get3A_386 = arith.constant 0 : i32
        %get3A_387 = arith.index_cast %get3A_386 : i32 to index
        %get3A_388 = arith.index_cast %mul3A_385 : i32 to index
        %get3A_389 = tpu.vector_load %arg6[%get3A_387, %get3A_388] {strides = array<i32>} : memref<1x32768xi32, #tpu.memory_space<vmem>>, vector<1x16xi32>,
        %get3A_390 = vector.shape_cast %get3A_389 : vector<1x16xi32> to vector<16xi32>
        %ge3A_391 = arith.cmpi sge, %get3A_390, %add3A_162 : vector<16xi32>
        %jit3A_392 = arith.constant 1 : i32
        %jit3A_393 = arith.constant 0 : i32
        %broadcast_in_dim3A_394 = vector.broadcast %jit3A_392 : i32 to vector<16xi32>
        %broadcast_in_dim3A_395 = vector.broadcast %jit3A_393 : i32 to vector<16xi32>
        %select_n3A_396 = arith.select %ge3A_391, %broadcast_in_dim3A_394, %broadcast_in_dim3A_395 : vector<16xi1>, vector<16xi32>
        %add3A_397 = arith.addi %add3A_379, %select_n3A_396 : vector<16xi32>
        %mul3A_398 = arith.constant 16 : i32
        %mul3A_399 = arith.muli %scan3A_200, %mul3A_398 : i32
        %add3A_400 = arith.constant 11 : i32
        %add3A_401 = arith.addi %mul3A_399, %add3A_400 : i32
        %mul3A_402 = arith.constant 16 : i32
        %mul3A_403 = arith.muli %add3A_401, %mul3A_402 : i32
        %get3A_404 = arith.constant 0 : i32
        %get3A_405 = arith.index_cast %get3A_404 : i32 to index
        %get3A_406 = arith.index_cast %mul3A_403 : i32 to index
        %get3A_407 = tpu.vector_load %arg6[%get3A_405, %get3A_406] {strides = array<i32>} : memref<1x32768xi32, #tpu.memory_space<vmem>>, vector<1x16xi32>,
        %get3A_408 = vector.shape_cast %get3A_407 : vector<1x16xi32> to vector<16xi32>
        %ge3A_409 = arith.cmpi sge, %get3A_408, %add3A_162 : vector<16xi32>
        %jit3A_410 = arith.constant 1 : i32
        %jit3A_411 = arith.constant 0 : i32
        %broadcast_in_dim3A_412 = vector.broadcast %jit3A_410 : i32 to vector<16xi32>
        %broadcast_in_dim3A_413 = vector.broadcast %jit3A_411 : i32 to vector<16xi32>
        %select_n3A_414 = arith.select %ge3A_409, %broadcast_in_dim3A_412, %broadcast_in_dim3A_413 : vector<16xi1>, vector<16xi32>
        %add3A_415 = arith.addi %add3A_397, %select_n3A_414 : vector<16xi32>
        %mul3A_416 = arith.constant 16 : i32
        %mul3A_417 = arith.muli %scan3A_200, %mul3A_416 : i32
        %add3A_418 = arith.constant 12 : i32
        %add3A_419 = arith.addi %mul3A_417, %add3A_418 : i32
        %mul3A_420 = arith.constant 16 : i32
        %mul3A_421 = arith.muli %add3A_419, %mul3A_420 : i32
        %get3A_422 = arith.constant 0 : i32
        %get3A_423 = arith.index_cast %get3A_422 : i32 to index
        %get3A_424 = arith.index_cast %mul3A_421 : i32 to index
        %get3A_425 = tpu.vector_load %arg6[%get3A_423, %get3A_424] {strides = array<i32>} : memref<1x32768xi32, #tpu.memory_space<vmem>>, vector<1x16xi32>,
        %get3A_426 = vector.shape_cast %get3A_425 : vector<1x16xi32> to vector<16xi32>
        %ge3A_427 = arith.cmpi sge, %get3A_426, %add3A_162 : vector<16xi32>
        %jit3A_428 = arith.constant 1 : i32
        %jit3A_429 = arith.constant 0 : i32
        %broadcast_in_dim3A_430 = vector.broadcast %jit3A_428 : i32 to vector<16xi32>
        %broadcast_in_dim3A_431 = vector.broadcast %jit3A_429 : i32 to vector<16xi32>
        %select_n3A_432 = arith.select %ge3A_427, %broadcast_in_dim3A_430, %broadcast_in_dim3A_431 : vector<16xi1>, vector<16xi32>
        %add3A_433 = arith.addi %add3A_415, %select_n3A_432 : vector<16xi32>
        %mul3A_434 = arith.constant 16 : i32
        %mul3A_435 = arith.muli %scan3A_200, %mul3A_434 : i32
        %add3A_436 = arith.constant 13 : i32
        %add3A_437 = arith.addi %mul3A_435, %add3A_436 : i32
        %mul3A_438 = arith.constant 16 : i32
        %mul3A_439 = arith.muli %add3A_437, %mul3A_438 : i32
        %get3A_440 = arith.constant 0 : i32
        %get3A_441 = arith.index_cast %get3A_440 : i32 to index
        %get3A_442 = arith.index_cast %mul3A_439 : i32 to index
        %get3A_443 = tpu.vector_load %arg6[%get3A_441, %get3A_442] {strides = array<i32>} : memref<1x32768xi32, #tpu.memory_space<vmem>>, vector<1x16xi32>,
        %get3A_444 = vector.shape_cast %get3A_443 : vector<1x16xi32> to vector<16xi32>
        %ge3A_445 = arith.cmpi sge, %get3A_444, %add3A_162 : vector<16xi32>
        %jit3A_446 = arith.constant 1 : i32
        %jit3A_447 = arith.constant 0 : i32
        %broadcast_in_dim3A_448 = vector.broadcast %jit3A_446 : i32 to vector<16xi32>
        %broadcast_in_dim3A_449 = vector.broadcast %jit3A_447 : i32 to vector<16xi32>
        %select_n3A_450 = arith.select %ge3A_445, %broadcast_in_dim3A_448, %broadcast_in_dim3A_449 : vector<16xi1>, vector<16xi32>
        %add3A_451 = arith.addi %add3A_433, %select_n3A_450 : vector<16xi32>
        %mul3A_452 = arith.constant 16 : i32
        %mul3A_453 = arith.muli %scan3A_200, %mul3A_452 : i32
        %add3A_454 = arith.constant 14 : i32
        %add3A_455 = arith.addi %mul3A_453, %add3A_454 : i32
        %mul3A_456 = arith.constant 16 : i32
        %mul3A_457 = arith.muli %add3A_455, %mul3A_456 : i32
        %get3A_458 = arith.constant 0 : i32
        %get3A_459 = arith.index_cast %get3A_458 : i32 to index
        %get3A_460 = arith.index_cast %mul3A_457 : i32 to index
        %get3A_461 = tpu.vector_load %arg6[%get3A_459, %get3A_460] {strides = array<i32>} : memref<1x32768xi32, #tpu.memory_space<vmem>>, vector<1x16xi32>,
        %get3A_462 = vector.shape_cast %get3A_461 : vector<1x16xi32> to vector<16xi32>
        %ge3A_463 = arith.cmpi sge, %get3A_462, %add3A_162 : vector<16xi32>
        %jit3A_464 = arith.constant 1 : i32
        %jit3A_465 = arith.constant 0 : i32
        %broadcast_in_dim3A_466 = vector.broadcast %jit3A_464 : i32 to vector<16xi32>
        %broadcast_in_dim3A_467 = vector.broadcast %jit3A_465 : i32 to vector<16xi32>
        %select_n3A_468 = arith.select %ge3A_463, %broadcast_in_dim3A_466, %broadcast_in_dim3A_467 : vector<16xi1>, vector<16xi32>
        %add3A_469 = arith.addi %add3A_451, %select_n3A_468 : vector<16xi32>
        %mul3A_470 = arith.constant 16 : i32
        %mul3A_471 = arith.muli %scan3A_200, %mul3A_470 : i32
        %add3A_472 = arith.constant 15 : i32
        %add3A_473 = arith.addi %mul3A_471, %add3A_472 : i32
        %mul3A_474 = arith.constant 16 : i32
        %mul3A_475 = arith.muli %add3A_473, %mul3A_474 : i32
        %get3A_476 = arith.constant 0 : i32
        %get3A_477 = arith.index_cast %get3A_476 : i32 to index
        %get3A_478 = arith.index_cast %mul3A_475 : i32 to index
        %get3A_479 = tpu.vector_load %arg6[%get3A_477, %get3A_478] {strides = array<i32>} : memref<1x32768xi32, #tpu.memory_space<vmem>>, vector<1x16xi32>,
        %get3A_480 = vector.shape_cast %get3A_479 : vector<1x16xi32> to vector<16xi32>
        %ge3A_481 = arith.cmpi sge, %get3A_480, %add3A_162 : vector<16xi32>
        %jit3A_482 = arith.constant 1 : i32
        %jit3A_483 = arith.constant 0 : i32
        %broadcast_in_dim3A_484 = vector.broadcast %jit3A_482 : i32 to vector<16xi32>
        %broadcast_in_dim3A_485 = vector.broadcast %jit3A_483 : i32 to vector<16xi32>
        %select_n3A_486 = arith.select %ge3A_481, %broadcast_in_dim3A_484, %broadcast_in_dim3A_485 : vector<16xi1>, vector<16xi32>
        %add3A_487 = arith.addi %add3A_469, %select_n3A_486 : vector<16xi32>
        scf.yield %add3A_487 : vector<16xi32>
      }
      %scan3A_170 = arith.constant 128 : i32
      %iota3A_171 = tpu.iota {dimensions = array<i32: 0>} : vector<16xi32>
      %xor3A_172 = arith.constant 8 : i32
      %xor3A_173 = vector.broadcast %xor3A_172 : i32 to vector<16xi32>
      %xor3A_174 = arith.xori %iota3A_171, %xor3A_173 : vector<16xi32>
      %broadcast_in_dim3A_175 = vector.shape_cast %xor3A_174 : vector<16xi32> to vector<16x1xi32>
      %gather3A_176 = vector.shape_cast %broadcast_in_dim3A_175 : vector<16x1xi32> to vector<16xi32>
      %gather3A_177 = tpu.dynamic_gather %scan3A_169[%gather3A_176] in [0] : vector<16xi32>, vector<16xi32> -> vector<16xi32>
      %add3A_178 = arith.addi %scan3A_169, %gather3A_177 : vector<16xi32>
      %xor3A_179 = arith.constant 4 : i32
      %xor3A_180 = vector.broadcast %xor3A_179 : i32 to vector<16xi32>
      %xor3A_181 = arith.xori %iota3A_171, %xor3A_180 : vector<16xi32>
      %broadcast_in_dim3A_182 = vector.shape_cast %xor3A_181 : vector<16xi32> to vector<16x1xi32>
      %gather3A_183 = vector.shape_cast %broadcast_in_dim3A_182 : vector<16x1xi32> to vector<16xi32>
      %gather3A_184 = tpu.dynamic_gather %add3A_178[%gather3A_183] in [0] : vector<16xi32>, vector<16xi32> -> vector<16xi32>
      %add3A_185 = arith.addi %add3A_178, %gather3A_184 : vector<16xi32>
      %xor3A_186 = arith.constant 2 : i32
      %xor3A_187 = vector.broadcast %xor3A_186 : i32 to vector<16xi32>
      %xor3A_188 = arith.xori %iota3A_171, %xor3A_187 : vector<16xi32>
      %broadcast_in_dim3A_189 = vector.shape_cast %xor3A_188 : vector<16xi32> to vector<16x1xi32>
      %gather3A_190 = vector.shape_cast %broadcast_in_dim3A_189 : vector<16x1xi32> to vector<16xi32>
      %gather3A_191 = tpu.dynamic_gather %add3A_185[%gather3A_190] in [0] : vector<16xi32>, vector<16xi32> -> vector<16xi32>
      %add3A_192 = arith.addi %add3A_185, %gather3A_191 : vector<16xi32>
      %xor3A_193 = arith.constant 1 : i32
      %xor3A_194 = vector.broadcast %xor3A_193 : i32 to vector<16xi32>
      %xor3A_195 = arith.xori %iota3A_171, %xor3A_194 : vector<16xi32>
      %broadcast_in_dim3A_196 = vector.shape_cast %xor3A_195 : vector<16xi32> to vector<16x1xi32>
      %gather3A_197 = vector.shape_cast %broadcast_in_dim3A_196 : vector<16x1xi32> to vector<16xi32>
      %gather3A_198 = tpu.dynamic_gather %add3A_192[%gather3A_197] in [0] : vector<16xi32>, vector<16xi32> -> vector<16xi32>
      %add3A_199 = arith.addi %add3A_192, %gather3A_198 : vector<16xi32>
      %ge3A = arith.cmpi sge, %add3A_199, %broadcast_in_dim3A_1 : vector<16xi32>
      %select_n3A = arith.select %ge3A, %add3A_162, %scan3A_156 : vector<16xi1>, vector<16xi32>
      scf.yield %select_n3A : vector<16xi32>
    }
    %scan3A_30 = arith.constant 32 : i32
    %broadcast_in_dim3A_31 = arith.constant 0.000000e+00 : f32
    %broadcast_in_dim3A_32 = vector.broadcast %broadcast_in_dim3A_31 : f32 to vector<16xf32>
    %scan3A_33 = arith.constant 0 : i32
    %scan3A_34 = arith.constant 128 : i32
    %scan3A_35 = arith.addi %scan3A_33, %scan3A_34 : i32
    %scan3A_36 = arith.constant 1 : i32
    %scan3A_37 = scf.for %scan3A_155 = %scan3A_33 to %scan3A_35 step %scan3A_36 iter_args(%scan3A_156 = %broadcast_in_dim3A_32) -> (vector<16xf32>)  : i32 {
      %mul3A_157 = arith.constant 16 : i32
      %mul3A_158 = arith.muli %scan3A_155, %mul3A_157 : i32
      %add3A_159 = arith.constant 0 : i32
      %add3A_160 = arith.addi %mul3A_158, %add3A_159 : i32
      %mul3A_161 = arith.constant 16 : i32
      %mul3A_162 = arith.muli %add3A_160, %mul3A_161 : i32
      %get3A = arith.constant 0 : i32
      %get3A_163 = arith.index_cast %get3A : i32 to index
      %get3A_164 = arith.index_cast %mul3A_162 : i32 to index
      %get3A_165 = tpu.vector_load %arg6[%get3A_163, %get3A_164] {strides = array<i32>} : memref<1x32768xi32, #tpu.memory_space<vmem>>, vector<1x16xi32>,
      %get3A_166 = vector.shape_cast %get3A_165 : vector<1x16xi32> to vector<16xi32>
      %ge3A = arith.cmpi sge, %get3A_166, %scan3A_29 : vector<16xi32>
      %get3A_167 = arith.constant 0 : i32
      %get3A_168 = arith.index_cast %get3A_167 : i32 to index
      %get3A_169 = arith.index_cast %mul3A_162 : i32 to index
      %get3A_170 = tpu.vector_load %arg4[%get3A_168, %get3A_169] {strides = array<i32>} : memref<1x32768xf32, #tpu.memory_space<vmem>>, vector<1x16xf32>,
      %get3A_171 = vector.shape_cast %get3A_170 : vector<1x16xf32> to vector<16xf32>
      %jit3A = arith.constant 0.000000e+00 : f32
      %broadcast_in_dim3A_172 = vector.broadcast %jit3A : f32 to vector<16xf32>
      %select_n3A = arith.select %ge3A, %get3A_171, %broadcast_in_dim3A_172 : vector<16xi1>, vector<16xf32>
      %swap3A = arith.constant 0 : i32
      %swap3A_173 = arith.index_cast %swap3A : i32 to index
      %swap3A_174 = arith.index_cast %mul3A_162 : i32 to index
      %swap3A_175 = tpu.vector_load %arg4[%swap3A_173, %swap3A_174] {strides = array<i32>} : memref<1x32768xf32, #tpu.memory_space<vmem>>, vector<1x16xf32>,
      %swap3A_176 = vector.shape_cast %swap3A_175 : vector<1x16xf32> to vector<16xf32>
      %swap3A_177 = vector.shape_cast %select_n3A : vector<16xf32> to vector<1x16xf32>
      tpu.vector_store %arg4[%swap3A_173, %swap3A_174], %swap3A_177 {strides = array<i32>} : memref<1x32768xf32, #tpu.memory_space<vmem>>, vector<1x16xf32>,
      %add3A_178 = arith.addf %scan3A_156, %select_n3A : vector<16xf32>
      %mul3A_179 = arith.constant 16 : i32
      %mul3A_180 = arith.muli %scan3A_155, %mul3A_179 : i32
      %add3A_181 = arith.constant 1 : i32
      %add3A_182 = arith.addi %mul3A_180, %add3A_181 : i32
      %mul3A_183 = arith.constant 16 : i32
      %mul3A_184 = arith.muli %add3A_182, %mul3A_183 : i32
      %get3A_185 = arith.constant 0 : i32
      %get3A_186 = arith.index_cast %get3A_185 : i32 to index
      %get3A_187 = arith.index_cast %mul3A_184 : i32 to index
      %get3A_188 = tpu.vector_load %arg6[%get3A_186, %get3A_187] {strides = array<i32>} : memref<1x32768xi32, #tpu.memory_space<vmem>>, vector<1x16xi32>,
      %get3A_189 = vector.shape_cast %get3A_188 : vector<1x16xi32> to vector<16xi32>
      %ge3A_190 = arith.cmpi sge, %get3A_189, %scan3A_29 : vector<16xi32>
      %get3A_191 = arith.constant 0 : i32
      %get3A_192 = arith.index_cast %get3A_191 : i32 to index
      %get3A_193 = arith.index_cast %mul3A_184 : i32 to index
      %get3A_194 = tpu.vector_load %arg4[%get3A_192, %get3A_193] {strides = array<i32>} : memref<1x32768xf32, #tpu.memory_space<vmem>>, vector<1x16xf32>,
      %get3A_195 = vector.shape_cast %get3A_194 : vector<1x16xf32> to vector<16xf32>
      %jit3A_196 = arith.constant 0.000000e+00 : f32
      %broadcast_in_dim3A_197 = vector.broadcast %jit3A_196 : f32 to vector<16xf32>
      %select_n3A_198 = arith.select %ge3A_190, %get3A_195, %broadcast_in_dim3A_197 : vector<16xi1>, vector<16xf32>
      %swap3A_199 = arith.constant 0 : i32
      %swap3A_200 = arith.index_cast %swap3A_199 : i32 to index
      %swap3A_201 = arith.index_cast %mul3A_184 : i32 to index
      %swap3A_202 = tpu.vector_load %arg4[%swap3A_200, %swap3A_201] {strides = array<i32>} : memref<1x32768xf32, #tpu.memory_space<vmem>>, vector<1x16xf32>,
      %swap3A_203 = vector.shape_cast %swap3A_202 : vector<1x16xf32> to vector<16xf32>
      %swap3A_204 = vector.shape_cast %select_n3A_198 : vector<16xf32> to vector<1x16xf32>
      tpu.vector_store %arg4[%swap3A_200, %swap3A_201], %swap3A_204 {strides = array<i32>} : memref<1x32768xf32, #tpu.memory_space<vmem>>, vector<1x16xf32>,
      %add3A_205 = arith.addf %add3A_178, %select_n3A_198 : vector<16xf32>
      %mul3A_206 = arith.constant 16 : i32
      %mul3A_207 = arith.muli %scan3A_155, %mul3A_206 : i32
      %add3A_208 = arith.constant 2 : i32
      %add3A_209 = arith.addi %mul3A_207, %add3A_208 : i32
      %mul3A_210 = arith.constant 16 : i32
      %mul3A_211 = arith.muli %add3A_209, %mul3A_210 : i32
      %get3A_212 = arith.constant 0 : i32
      %get3A_213 = arith.index_cast %get3A_212 : i32 to index
      %get3A_214 = arith.index_cast %mul3A_211 : i32 to index
      %get3A_215 = tpu.vector_load %arg6[%get3A_213, %get3A_214] {strides = array<i32>} : memref<1x32768xi32, #tpu.memory_space<vmem>>, vector<1x16xi32>,
      %get3A_216 = vector.shape_cast %get3A_215 : vector<1x16xi32> to vector<16xi32>
      %ge3A_217 = arith.cmpi sge, %get3A_216, %scan3A_29 : vector<16xi32>
      %get3A_218 = arith.constant 0 : i32
      %get3A_219 = arith.index_cast %get3A_218 : i32 to index
      %get3A_220 = arith.index_cast %mul3A_211 : i32 to index
      %get3A_221 = tpu.vector_load %arg4[%get3A_219, %get3A_220] {strides = array<i32>} : memref<1x32768xf32, #tpu.memory_space<vmem>>, vector<1x16xf32>,
      %get3A_222 = vector.shape_cast %get3A_221 : vector<1x16xf32> to vector<16xf32>
      %jit3A_223 = arith.constant 0.000000e+00 : f32
      %broadcast_in_dim3A_224 = vector.broadcast %jit3A_223 : f32 to vector<16xf32>
      %select_n3A_225 = arith.select %ge3A_217, %get3A_222, %broadcast_in_dim3A_224 : vector<16xi1>, vector<16xf32>
      %swap3A_226 = arith.constant 0 : i32
      %swap3A_227 = arith.index_cast %swap3A_226 : i32 to index
      %swap3A_228 = arith.index_cast %mul3A_211 : i32 to index
      %swap3A_229 = tpu.vector_load %arg4[%swap3A_227, %swap3A_228] {strides = array<i32>} : memref<1x32768xf32, #tpu.memory_space<vmem>>, vector<1x16xf32>,
      %swap3A_230 = vector.shape_cast %swap3A_229 : vector<1x16xf32> to vector<16xf32>
      %swap3A_231 = vector.shape_cast %select_n3A_225 : vector<16xf32> to vector<1x16xf32>
      tpu.vector_store %arg4[%swap3A_227, %swap3A_228], %swap3A_231 {strides = array<i32>} : memref<1x32768xf32, #tpu.memory_space<vmem>>, vector<1x16xf32>,
      %add3A_232 = arith.addf %add3A_205, %select_n3A_225 : vector<16xf32>
      %mul3A_233 = arith.constant 16 : i32
      %mul3A_234 = arith.muli %scan3A_155, %mul3A_233 : i32
      %add3A_235 = arith.constant 3 : i32
      %add3A_236 = arith.addi %mul3A_234, %add3A_235 : i32
      %mul3A_237 = arith.constant 16 : i32
      %mul3A_238 = arith.muli %add3A_236, %mul3A_237 : i32
      %get3A_239 = arith.constant 0 : i32
      %get3A_240 = arith.index_cast %get3A_239 : i32 to index
      %get3A_241 = arith.index_cast %mul3A_238 : i32 to index
      %get3A_242 = tpu.vector_load %arg6[%get3A_240, %get3A_241] {strides = array<i32>} : memref<1x32768xi32, #tpu.memory_space<vmem>>, vector<1x16xi32>,
      %get3A_243 = vector.shape_cast %get3A_242 : vector<1x16xi32> to vector<16xi32>
      %ge3A_244 = arith.cmpi sge, %get3A_243, %scan3A_29 : vector<16xi32>
      %get3A_245 = arith.constant 0 : i32
      %get3A_246 = arith.index_cast %get3A_245 : i32 to index
      %get3A_247 = arith.index_cast %mul3A_238 : i32 to index
      %get3A_248 = tpu.vector_load %arg4[%get3A_246, %get3A_247] {strides = array<i32>} : memref<1x32768xf32, #tpu.memory_space<vmem>>, vector<1x16xf32>,
      %get3A_249 = vector.shape_cast %get3A_248 : vector<1x16xf32> to vector<16xf32>
      %jit3A_250 = arith.constant 0.000000e+00 : f32
      %broadcast_in_dim3A_251 = vector.broadcast %jit3A_250 : f32 to vector<16xf32>
      %select_n3A_252 = arith.select %ge3A_244, %get3A_249, %broadcast_in_dim3A_251 : vector<16xi1>, vector<16xf32>
      %swap3A_253 = arith.constant 0 : i32
      %swap3A_254 = arith.index_cast %swap3A_253 : i32 to index
      %swap3A_255 = arith.index_cast %mul3A_238 : i32 to index
      %swap3A_256 = tpu.vector_load %arg4[%swap3A_254, %swap3A_255] {strides = array<i32>} : memref<1x32768xf32, #tpu.memory_space<vmem>>, vector<1x16xf32>,
      %swap3A_257 = vector.shape_cast %swap3A_256 : vector<1x16xf32> to vector<16xf32>
      %swap3A_258 = vector.shape_cast %select_n3A_252 : vector<16xf32> to vector<1x16xf32>
      tpu.vector_store %arg4[%swap3A_254, %swap3A_255], %swap3A_258 {strides = array<i32>} : memref<1x32768xf32, #tpu.memory_space<vmem>>, vector<1x16xf32>,
      %add3A_259 = arith.addf %add3A_232, %select_n3A_252 : vector<16xf32>
      %mul3A_260 = arith.constant 16 : i32
      %mul3A_261 = arith.muli %scan3A_155, %mul3A_260 : i32
      %add3A_262 = arith.constant 4 : i32
      %add3A_263 = arith.addi %mul3A_261, %add3A_262 : i32
      %mul3A_264 = arith.constant 16 : i32
      %mul3A_265 = arith.muli %add3A_263, %mul3A_264 : i32
      %get3A_266 = arith.constant 0 : i32
      %get3A_267 = arith.index_cast %get3A_266 : i32 to index
      %get3A_268 = arith.index_cast %mul3A_265 : i32 to index
      %get3A_269 = tpu.vector_load %arg6[%get3A_267, %get3A_268] {strides = array<i32>} : memref<1x32768xi32, #tpu.memory_space<vmem>>, vector<1x16xi32>,
      %get3A_270 = vector.shape_cast %get3A_269 : vector<1x16xi32> to vector<16xi32>
      %ge3A_271 = arith.cmpi sge, %get3A_270, %scan3A_29 : vector<16xi32>
      %get3A_272 = arith.constant 0 : i32
      %get3A_273 = arith.index_cast %get3A_272 : i32 to index
      %get3A_274 = arith.index_cast %mul3A_265 : i32 to index
      %get3A_275 = tpu.vector_load %arg4[%get3A_273, %get3A_274] {strides = array<i32>} : memref<1x32768xf32, #tpu.memory_space<vmem>>, vector<1x16xf32>,
      %get3A_276 = vector.shape_cast %get3A_275 : vector<1x16xf32> to vector<16xf32>
      %jit3A_277 = arith.constant 0.000000e+00 : f32
      %broadcast_in_dim3A_278 = vector.broadcast %jit3A_277 : f32 to vector<16xf32>
      %select_n3A_279 = arith.select %ge3A_271, %get3A_276, %broadcast_in_dim3A_278 : vector<16xi1>, vector<16xf32>
      %swap3A_280 = arith.constant 0 : i32
      %swap3A_281 = arith.index_cast %swap3A_280 : i32 to index
      %swap3A_282 = arith.index_cast %mul3A_265 : i32 to index
      %swap3A_283 = tpu.vector_load %arg4[%swap3A_281, %swap3A_282] {strides = array<i32>} : memref<1x32768xf32, #tpu.memory_space<vmem>>, vector<1x16xf32>,
      %swap3A_284 = vector.shape_cast %swap3A_283 : vector<1x16xf32> to vector<16xf32>
      %swap3A_285 = vector.shape_cast %select_n3A_279 : vector<16xf32> to vector<1x16xf32>
      tpu.vector_store %arg4[%swap3A_281, %swap3A_282], %swap3A_285 {strides = array<i32>} : memref<1x32768xf32, #tpu.memory_space<vmem>>, vector<1x16xf32>,
      %add3A_286 = arith.addf %add3A_259, %select_n3A_279 : vector<16xf32>
      %mul3A_287 = arith.constant 16 : i32
      %mul3A_288 = arith.muli %scan3A_155, %mul3A_287 : i32
      %add3A_289 = arith.constant 5 : i32
      %add3A_290 = arith.addi %mul3A_288, %add3A_289 : i32
      %mul3A_291 = arith.constant 16 : i32
      %mul3A_292 = arith.muli %add3A_290, %mul3A_291 : i32
      %get3A_293 = arith.constant 0 : i32
      %get3A_294 = arith.index_cast %get3A_293 : i32 to index
      %get3A_295 = arith.index_cast %mul3A_292 : i32 to index
      %get3A_296 = tpu.vector_load %arg6[%get3A_294, %get3A_295] {strides = array<i32>} : memref<1x32768xi32, #tpu.memory_space<vmem>>, vector<1x16xi32>,
      %get3A_297 = vector.shape_cast %get3A_296 : vector<1x16xi32> to vector<16xi32>
      %ge3A_298 = arith.cmpi sge, %get3A_297, %scan3A_29 : vector<16xi32>
      %get3A_299 = arith.constant 0 : i32
      %get3A_300 = arith.index_cast %get3A_299 : i32 to index
      %get3A_301 = arith.index_cast %mul3A_292 : i32 to index
      %get3A_302 = tpu.vector_load %arg4[%get3A_300, %get3A_301] {strides = array<i32>} : memref<1x32768xf32, #tpu.memory_space<vmem>>, vector<1x16xf32>,
      %get3A_303 = vector.shape_cast %get3A_302 : vector<1x16xf32> to vector<16xf32>
      %jit3A_304 = arith.constant 0.000000e+00 : f32
      %broadcast_in_dim3A_305 = vector.broadcast %jit3A_304 : f32 to vector<16xf32>
      %select_n3A_306 = arith.select %ge3A_298, %get3A_303, %broadcast_in_dim3A_305 : vector<16xi1>, vector<16xf32>
      %swap3A_307 = arith.constant 0 : i32
      %swap3A_308 = arith.index_cast %swap3A_307 : i32 to index
      %swap3A_309 = arith.index_cast %mul3A_292 : i32 to index
      %swap3A_310 = tpu.vector_load %arg4[%swap3A_308, %swap3A_309] {strides = array<i32>} : memref<1x32768xf32, #tpu.memory_space<vmem>>, vector<1x16xf32>,
      %swap3A_311 = vector.shape_cast %swap3A_310 : vector<1x16xf32> to vector<16xf32>
      %swap3A_312 = vector.shape_cast %select_n3A_306 : vector<16xf32> to vector<1x16xf32>
      tpu.vector_store %arg4[%swap3A_308, %swap3A_309], %swap3A_312 {strides = array<i32>} : memref<1x32768xf32, #tpu.memory_space<vmem>>, vector<1x16xf32>,
      %add3A_313 = arith.addf %add3A_286, %select_n3A_306 : vector<16xf32>
      %mul3A_314 = arith.constant 16 : i32
      %mul3A_315 = arith.muli %scan3A_155, %mul3A_314 : i32
      %add3A_316 = arith.constant 6 : i32
      %add3A_317 = arith.addi %mul3A_315, %add3A_316 : i32
      %mul3A_318 = arith.constant 16 : i32
      %mul3A_319 = arith.muli %add3A_317, %mul3A_318 : i32
      %get3A_320 = arith.constant 0 : i32
      %get3A_321 = arith.index_cast %get3A_320 : i32 to index
      %get3A_322 = arith.index_cast %mul3A_319 : i32 to index
      %get3A_323 = tpu.vector_load %arg6[%get3A_321, %get3A_322] {strides = array<i32>} : memref<1x32768xi32, #tpu.memory_space<vmem>>, vector<1x16xi32>,
      %get3A_324 = vector.shape_cast %get3A_323 : vector<1x16xi32> to vector<16xi32>
      %ge3A_325 = arith.cmpi sge, %get3A_324, %scan3A_29 : vector<16xi32>
      %get3A_326 = arith.constant 0 : i32
      %get3A_327 = arith.index_cast %get3A_326 : i32 to index
      %get3A_328 = arith.index_cast %mul3A_319 : i32 to index
      %get3A_329 = tpu.vector_load %arg4[%get3A_327, %get3A_328] {strides = array<i32>} : memref<1x32768xf32, #tpu.memory_space<vmem>>, vector<1x16xf32>,
      %get3A_330 = vector.shape_cast %get3A_329 : vector<1x16xf32> to vector<16xf32>
      %jit3A_331 = arith.constant 0.000000e+00 : f32
      %broadcast_in_dim3A_332 = vector.broadcast %jit3A_331 : f32 to vector<16xf32>
      %select_n3A_333 = arith.select %ge3A_325, %get3A_330, %broadcast_in_dim3A_332 : vector<16xi1>, vector<16xf32>
      %swap3A_334 = arith.constant 0 : i32
      %swap3A_335 = arith.index_cast %swap3A_334 : i32 to index
      %swap3A_336 = arith.index_cast %mul3A_319 : i32 to index
      %swap3A_337 = tpu.vector_load %arg4[%swap3A_335, %swap3A_336] {strides = array<i32>} : memref<1x32768xf32, #tpu.memory_space<vmem>>, vector<1x16xf32>,
      %swap3A_338 = vector.shape_cast %swap3A_337 : vector<1x16xf32> to vector<16xf32>
      %swap3A_339 = vector.shape_cast %select_n3A_333 : vector<16xf32> to vector<1x16xf32>
      tpu.vector_store %arg4[%swap3A_335, %swap3A_336], %swap3A_339 {strides = array<i32>} : memref<1x32768xf32, #tpu.memory_space<vmem>>, vector<1x16xf32>,
      %add3A_340 = arith.addf %add3A_313, %select_n3A_333 : vector<16xf32>
      %mul3A_341 = arith.constant 16 : i32
      %mul3A_342 = arith.muli %scan3A_155, %mul3A_341 : i32
      %add3A_343 = arith.constant 7 : i32
      %add3A_344 = arith.addi %mul3A_342, %add3A_343 : i32
      %mul3A_345 = arith.constant 16 : i32
      %mul3A_346 = arith.muli %add3A_344, %mul3A_345 : i32
      %get3A_347 = arith.constant 0 : i32
      %get3A_348 = arith.index_cast %get3A_347 : i32 to index
      %get3A_349 = arith.index_cast %mul3A_346 : i32 to index
      %get3A_350 = tpu.vector_load %arg6[%get3A_348, %get3A_349] {strides = array<i32>} : memref<1x32768xi32, #tpu.memory_space<vmem>>, vector<1x16xi32>,
      %get3A_351 = vector.shape_cast %get3A_350 : vector<1x16xi32> to vector<16xi32>
      %ge3A_352 = arith.cmpi sge, %get3A_351, %scan3A_29 : vector<16xi32>
      %get3A_353 = arith.constant 0 : i32
      %get3A_354 = arith.index_cast %get3A_353 : i32 to index
      %get3A_355 = arith.index_cast %mul3A_346 : i32 to index
      %get3A_356 = tpu.vector_load %arg4[%get3A_354, %get3A_355] {strides = array<i32>} : memref<1x32768xf32, #tpu.memory_space<vmem>>, vector<1x16xf32>,
      %get3A_357 = vector.shape_cast %get3A_356 : vector<1x16xf32> to vector<16xf32>
      %jit3A_358 = arith.constant 0.000000e+00 : f32
      %broadcast_in_dim3A_359 = vector.broadcast %jit3A_358 : f32 to vector<16xf32>
      %select_n3A_360 = arith.select %ge3A_352, %get3A_357, %broadcast_in_dim3A_359 : vector<16xi1>, vector<16xf32>
      %swap3A_361 = arith.constant 0 : i32
      %swap3A_362 = arith.index_cast %swap3A_361 : i32 to index
      %swap3A_363 = arith.index_cast %mul3A_346 : i32 to index
      %swap3A_364 = tpu.vector_load %arg4[%swap3A_362, %swap3A_363] {strides = array<i32>} : memref<1x32768xf32, #tpu.memory_space<vmem>>, vector<1x16xf32>,
      %swap3A_365 = vector.shape_cast %swap3A_364 : vector<1x16xf32> to vector<16xf32>
      %swap3A_366 = vector.shape_cast %select_n3A_360 : vector<16xf32> to vector<1x16xf32>
      tpu.vector_store %arg4[%swap3A_362, %swap3A_363], %swap3A_366 {strides = array<i32>} : memref<1x32768xf32, #tpu.memory_space<vmem>>, vector<1x16xf32>,
      %add3A_367 = arith.addf %add3A_340, %select_n3A_360 : vector<16xf32>
      %mul3A_368 = arith.constant 16 : i32
      %mul3A_369 = arith.muli %scan3A_155, %mul3A_368 : i32
      %add3A_370 = arith.constant 8 : i32
      %add3A_371 = arith.addi %mul3A_369, %add3A_370 : i32
      %mul3A_372 = arith.constant 16 : i32
      %mul3A_373 = arith.muli %add3A_371, %mul3A_372 : i32
      %get3A_374 = arith.constant 0 : i32
      %get3A_375 = arith.index_cast %get3A_374 : i32 to index
      %get3A_376 = arith.index_cast %mul3A_373 : i32 to index
      %get3A_377 = tpu.vector_load %arg6[%get3A_375, %get3A_376] {strides = array<i32>} : memref<1x32768xi32, #tpu.memory_space<vmem>>, vector<1x16xi32>,
      %get3A_378 = vector.shape_cast %get3A_377 : vector<1x16xi32> to vector<16xi32>
      %ge3A_379 = arith.cmpi sge, %get3A_378, %scan3A_29 : vector<16xi32>
      %get3A_380 = arith.constant 0 : i32
      %get3A_381 = arith.index_cast %get3A_380 : i32 to index
      %get3A_382 = arith.index_cast %mul3A_373 : i32 to index
      %get3A_383 = tpu.vector_load %arg4[%get3A_381, %get3A_382] {strides = array<i32>} : memref<1x32768xf32, #tpu.memory_space<vmem>>, vector<1x16xf32>,
      %get3A_384 = vector.shape_cast %get3A_383 : vector<1x16xf32> to vector<16xf32>
      %jit3A_385 = arith.constant 0.000000e+00 : f32
      %broadcast_in_dim3A_386 = vector.broadcast %jit3A_385 : f32 to vector<16xf32>
      %select_n3A_387 = arith.select %ge3A_379, %get3A_384, %broadcast_in_dim3A_386 : vector<16xi1>, vector<16xf32>
      %swap3A_388 = arith.constant 0 : i32
      %swap3A_389 = arith.index_cast %swap3A_388 : i32 to index
      %swap3A_390 = arith.index_cast %mul3A_373 : i32 to index
      %swap3A_391 = tpu.vector_load %arg4[%swap3A_389, %swap3A_390] {strides = array<i32>} : memref<1x32768xf32, #tpu.memory_space<vmem>>, vector<1x16xf32>,
      %swap3A_392 = vector.shape_cast %swap3A_391 : vector<1x16xf32> to vector<16xf32>
      %swap3A_393 = vector.shape_cast %select_n3A_387 : vector<16xf32> to vector<1x16xf32>
      tpu.vector_store %arg4[%swap3A_389, %swap3A_390], %swap3A_393 {strides = array<i32>} : memref<1x32768xf32, #tpu.memory_space<vmem>>, vector<1x16xf32>,
      %add3A_394 = arith.addf %add3A_367, %select_n3A_387 : vector<16xf32>
      %mul3A_395 = arith.constant 16 : i32
      %mul3A_396 = arith.muli %scan3A_155, %mul3A_395 : i32
      %add3A_397 = arith.constant 9 : i32
      %add3A_398 = arith.addi %mul3A_396, %add3A_397 : i32
      %mul3A_399 = arith.constant 16 : i32
      %mul3A_400 = arith.muli %add3A_398, %mul3A_399 : i32
      %get3A_401 = arith.constant 0 : i32
      %get3A_402 = arith.index_cast %get3A_401 : i32 to index
      %get3A_403 = arith.index_cast %mul3A_400 : i32 to index
      %get3A_404 = tpu.vector_load %arg6[%get3A_402, %get3A_403] {strides = array<i32>} : memref<1x32768xi32, #tpu.memory_space<vmem>>, vector<1x16xi32>,
      %get3A_405 = vector.shape_cast %get3A_404 : vector<1x16xi32> to vector<16xi32>
      %ge3A_406 = arith.cmpi sge, %get3A_405, %scan3A_29 : vector<16xi32>
      %get3A_407 = arith.constant 0 : i32
      %get3A_408 = arith.index_cast %get3A_407 : i32 to index
      %get3A_409 = arith.index_cast %mul3A_400 : i32 to index
      %get3A_410 = tpu.vector_load %arg4[%get3A_408, %get3A_409] {strides = array<i32>} : memref<1x32768xf32, #tpu.memory_space<vmem>>, vector<1x16xf32>,
      %get3A_411 = vector.shape_cast %get3A_410 : vector<1x16xf32> to vector<16xf32>
      %jit3A_412 = arith.constant 0.000000e+00 : f32
      %broadcast_in_dim3A_413 = vector.broadcast %jit3A_412 : f32 to vector<16xf32>
      %select_n3A_414 = arith.select %ge3A_406, %get3A_411, %broadcast_in_dim3A_413 : vector<16xi1>, vector<16xf32>
      %swap3A_415 = arith.constant 0 : i32
      %swap3A_416 = arith.index_cast %swap3A_415 : i32 to index
      %swap3A_417 = arith.index_cast %mul3A_400 : i32 to index
      %swap3A_418 = tpu.vector_load %arg4[%swap3A_416, %swap3A_417] {strides = array<i32>} : memref<1x32768xf32, #tpu.memory_space<vmem>>, vector<1x16xf32>,
      %swap3A_419 = vector.shape_cast %swap3A_418 : vector<1x16xf32> to vector<16xf32>
      %swap3A_420 = vector.shape_cast %select_n3A_414 : vector<16xf32> to vector<1x16xf32>
      tpu.vector_store %arg4[%swap3A_416, %swap3A_417], %swap3A_420 {strides = array<i32>} : memref<1x32768xf32, #tpu.memory_space<vmem>>, vector<1x16xf32>,
      %add3A_421 = arith.addf %add3A_394, %select_n3A_414 : vector<16xf32>
      %mul3A_422 = arith.constant 16 : i32
      %mul3A_423 = arith.muli %scan3A_155, %mul3A_422 : i32
      %add3A_424 = arith.constant 10 : i32
      %add3A_425 = arith.addi %mul3A_423, %add3A_424 : i32
      %mul3A_426 = arith.constant 16 : i32
      %mul3A_427 = arith.muli %add3A_425, %mul3A_426 : i32
      %get3A_428 = arith.constant 0 : i32
      %get3A_429 = arith.index_cast %get3A_428 : i32 to index
      %get3A_430 = arith.index_cast %mul3A_427 : i32 to index
      %get3A_431 = tpu.vector_load %arg6[%get3A_429, %get3A_430] {strides = array<i32>} : memref<1x32768xi32, #tpu.memory_space<vmem>>, vector<1x16xi32>,
      %get3A_432 = vector.shape_cast %get3A_431 : vector<1x16xi32> to vector<16xi32>
      %ge3A_433 = arith.cmpi sge, %get3A_432, %scan3A_29 : vector<16xi32>
      %get3A_434 = arith.constant 0 : i32
      %get3A_435 = arith.index_cast %get3A_434 : i32 to index
      %get3A_436 = arith.index_cast %mul3A_427 : i32 to index
      %get3A_437 = tpu.vector_load %arg4[%get3A_435, %get3A_436] {strides = array<i32>} : memref<1x32768xf32, #tpu.memory_space<vmem>>, vector<1x16xf32>,
      %get3A_438 = vector.shape_cast %get3A_437 : vector<1x16xf32> to vector<16xf32>
      %jit3A_439 = arith.constant 0.000000e+00 : f32
      %broadcast_in_dim3A_440 = vector.broadcast %jit3A_439 : f32 to vector<16xf32>
      %select_n3A_441 = arith.select %ge3A_433, %get3A_438, %broadcast_in_dim3A_440 : vector<16xi1>, vector<16xf32>
      %swap3A_442 = arith.constant 0 : i32
      %swap3A_443 = arith.index_cast %swap3A_442 : i32 to index
      %swap3A_444 = arith.index_cast %mul3A_427 : i32 to index
      %swap3A_445 = tpu.vector_load %arg4[%swap3A_443, %swap3A_444] {strides = array<i32>} : memref<1x32768xf32, #tpu.memory_space<vmem>>, vector<1x16xf32>,
      %swap3A_446 = vector.shape_cast %swap3A_445 : vector<1x16xf32> to vector<16xf32>
      %swap3A_447 = vector.shape_cast %select_n3A_441 : vector<16xf32> to vector<1x16xf32>
      tpu.vector_store %arg4[%swap3A_443, %swap3A_444], %swap3A_447 {strides = array<i32>} : memref<1x32768xf32, #tpu.memory_space<vmem>>, vector<1x16xf32>,
      %add3A_448 = arith.addf %add3A_421, %select_n3A_441 : vector<16xf32>
      %mul3A_449 = arith.constant 16 : i32
      %mul3A_450 = arith.muli %scan3A_155, %mul3A_449 : i32
      %add3A_451 = arith.constant 11 : i32
      %add3A_452 = arith.addi %mul3A_450, %add3A_451 : i32
      %mul3A_453 = arith.constant 16 : i32
      %mul3A_454 = arith.muli %add3A_452, %mul3A_453 : i32
      %get3A_455 = arith.constant 0 : i32
      %get3A_456 = arith.index_cast %get3A_455 : i32 to index
      %get3A_457 = arith.index_cast %mul3A_454 : i32 to index
      %get3A_458 = tpu.vector_load %arg6[%get3A_456, %get3A_457] {strides = array<i32>} : memref<1x32768xi32, #tpu.memory_space<vmem>>, vector<1x16xi32>,
      %get3A_459 = vector.shape_cast %get3A_458 : vector<1x16xi32> to vector<16xi32>
      %ge3A_460 = arith.cmpi sge, %get3A_459, %scan3A_29 : vector<16xi32>
      %get3A_461 = arith.constant 0 : i32
      %get3A_462 = arith.index_cast %get3A_461 : i32 to index
      %get3A_463 = arith.index_cast %mul3A_454 : i32 to index
      %get3A_464 = tpu.vector_load %arg4[%get3A_462, %get3A_463] {strides = array<i32>} : memref<1x32768xf32, #tpu.memory_space<vmem>>, vector<1x16xf32>,
      %get3A_465 = vector.shape_cast %get3A_464 : vector<1x16xf32> to vector<16xf32>
      %jit3A_466 = arith.constant 0.000000e+00 : f32
      %broadcast_in_dim3A_467 = vector.broadcast %jit3A_466 : f32 to vector<16xf32>
      %select_n3A_468 = arith.select %ge3A_460, %get3A_465, %broadcast_in_dim3A_467 : vector<16xi1>, vector<16xf32>
      %swap3A_469 = arith.constant 0 : i32
      %swap3A_470 = arith.index_cast %swap3A_469 : i32 to index
      %swap3A_471 = arith.index_cast %mul3A_454 : i32 to index
      %swap3A_472 = tpu.vector_load %arg4[%swap3A_470, %swap3A_471] {strides = array<i32>} : memref<1x32768xf32, #tpu.memory_space<vmem>>, vector<1x16xf32>,
      %swap3A_473 = vector.shape_cast %swap3A_472 : vector<1x16xf32> to vector<16xf32>
      %swap3A_474 = vector.shape_cast %select_n3A_468 : vector<16xf32> to vector<1x16xf32>
      tpu.vector_store %arg4[%swap3A_470, %swap3A_471], %swap3A_474 {strides = array<i32>} : memref<1x32768xf32, #tpu.memory_space<vmem>>, vector<1x16xf32>,
      %add3A_475 = arith.addf %add3A_448, %select_n3A_468 : vector<16xf32>
      %mul3A_476 = arith.constant 16 : i32
      %mul3A_477 = arith.muli %scan3A_155, %mul3A_476 : i32
      %add3A_478 = arith.constant 12 : i32
      %add3A_479 = arith.addi %mul3A_477, %add3A_478 : i32
      %mul3A_480 = arith.constant 16 : i32
      %mul3A_481 = arith.muli %add3A_479, %mul3A_480 : i32
      %get3A_482 = arith.constant 0 : i32
      %get3A_483 = arith.index_cast %get3A_482 : i32 to index
      %get3A_484 = arith.index_cast %mul3A_481 : i32 to index
      %get3A_485 = tpu.vector_load %arg6[%get3A_483, %get3A_484] {strides = array<i32>} : memref<1x32768xi32, #tpu.memory_space<vmem>>, vector<1x16xi32>,
      %get3A_486 = vector.shape_cast %get3A_485 : vector<1x16xi32> to vector<16xi32>
      %ge3A_487 = arith.cmpi sge, %get3A_486, %scan3A_29 : vector<16xi32>
      %get3A_488 = arith.constant 0 : i32
      %get3A_489 = arith.index_cast %get3A_488 : i32 to index
      %get3A_490 = arith.index_cast %mul3A_481 : i32 to index
      %get3A_491 = tpu.vector_load %arg4[%get3A_489, %get3A_490] {strides = array<i32>} : memref<1x32768xf32, #tpu.memory_space<vmem>>, vector<1x16xf32>,
      %get3A_492 = vector.shape_cast %get3A_491 : vector<1x16xf32> to vector<16xf32>
      %jit3A_493 = arith.constant 0.000000e+00 : f32
      %broadcast_in_dim3A_494 = vector.broadcast %jit3A_493 : f32 to vector<16xf32>
      %select_n3A_495 = arith.select %ge3A_487, %get3A_492, %broadcast_in_dim3A_494 : vector<16xi1>, vector<16xf32>
      %swap3A_496 = arith.constant 0 : i32
      %swap3A_497 = arith.index_cast %swap3A_496 : i32 to index
      %swap3A_498 = arith.index_cast %mul3A_481 : i32 to index
      %swap3A_499 = tpu.vector_load %arg4[%swap3A_497, %swap3A_498] {strides = array<i32>} : memref<1x32768xf32, #tpu.memory_space<vmem>>, vector<1x16xf32>,
      %swap3A_500 = vector.shape_cast %swap3A_499 : vector<1x16xf32> to vector<16xf32>
      %swap3A_501 = vector.shape_cast %select_n3A_495 : vector<16xf32> to vector<1x16xf32>
      tpu.vector_store %arg4[%swap3A_497, %swap3A_498], %swap3A_501 {strides = array<i32>} : memref<1x32768xf32, #tpu.memory_space<vmem>>, vector<1x16xf32>,
      %add3A_502 = arith.addf %add3A_475, %select_n3A_495 : vector<16xf32>
      %mul3A_503 = arith.constant 16 : i32
      %mul3A_504 = arith.muli %scan3A_155, %mul3A_503 : i32
      %add3A_505 = arith.constant 13 : i32
      %add3A_506 = arith.addi %mul3A_504, %add3A_505 : i32
      %mul3A_507 = arith.constant 16 : i32
      %mul3A_508 = arith.muli %add3A_506, %mul3A_507 : i32
      %get3A_509 = arith.constant 0 : i32
      %get3A_510 = arith.index_cast %get3A_509 : i32 to index
      %get3A_511 = arith.index_cast %mul3A_508 : i32 to index
      %get3A_512 = tpu.vector_load %arg6[%get3A_510, %get3A_511] {strides = array<i32>} : memref<1x32768xi32, #tpu.memory_space<vmem>>, vector<1x16xi32>,
      %get3A_513 = vector.shape_cast %get3A_512 : vector<1x16xi32> to vector<16xi32>
      %ge3A_514 = arith.cmpi sge, %get3A_513, %scan3A_29 : vector<16xi32>
      %get3A_515 = arith.constant 0 : i32
      %get3A_516 = arith.index_cast %get3A_515 : i32 to index
      %get3A_517 = arith.index_cast %mul3A_508 : i32 to index
      %get3A_518 = tpu.vector_load %arg4[%get3A_516, %get3A_517] {strides = array<i32>} : memref<1x32768xf32, #tpu.memory_space<vmem>>, vector<1x16xf32>,
      %get3A_519 = vector.shape_cast %get3A_518 : vector<1x16xf32> to vector<16xf32>
      %jit3A_520 = arith.constant 0.000000e+00 : f32
      %broadcast_in_dim3A_521 = vector.broadcast %jit3A_520 : f32 to vector<16xf32>
      %select_n3A_522 = arith.select %ge3A_514, %get3A_519, %broadcast_in_dim3A_521 : vector<16xi1>, vector<16xf32>
      %swap3A_523 = arith.constant 0 : i32
      %swap3A_524 = arith.index_cast %swap3A_523 : i32 to index
      %swap3A_525 = arith.index_cast %mul3A_508 : i32 to index
      %swap3A_526 = tpu.vector_load %arg4[%swap3A_524, %swap3A_525] {strides = array<i32>} : memref<1x32768xf32, #tpu.memory_space<vmem>>, vector<1x16xf32>,
      %swap3A_527 = vector.shape_cast %swap3A_526 : vector<1x16xf32> to vector<16xf32>
      %swap3A_528 = vector.shape_cast %select_n3A_522 : vector<16xf32> to vector<1x16xf32>
      tpu.vector_store %arg4[%swap3A_524, %swap3A_525], %swap3A_528 {strides = array<i32>} : memref<1x32768xf32, #tpu.memory_space<vmem>>, vector<1x16xf32>,
      %add3A_529 = arith.addf %add3A_502, %select_n3A_522 : vector<16xf32>
      %mul3A_530 = arith.constant 16 : i32
      %mul3A_531 = arith.muli %scan3A_155, %mul3A_530 : i32
      %add3A_532 = arith.constant 14 : i32
      %add3A_533 = arith.addi %mul3A_531, %add3A_532 : i32
      %mul3A_534 = arith.constant 16 : i32
      %mul3A_535 = arith.muli %add3A_533, %mul3A_534 : i32
      %get3A_536 = arith.constant 0 : i32
      %get3A_537 = arith.index_cast %get3A_536 : i32 to index
      %get3A_538 = arith.index_cast %mul3A_535 : i32 to index
      %get3A_539 = tpu.vector_load %arg6[%get3A_537, %get3A_538] {strides = array<i32>} : memref<1x32768xi32, #tpu.memory_space<vmem>>, vector<1x16xi32>,
      %get3A_540 = vector.shape_cast %get3A_539 : vector<1x16xi32> to vector<16xi32>
      %ge3A_541 = arith.cmpi sge, %get3A_540, %scan3A_29 : vector<16xi32>
      %get3A_542 = arith.constant 0 : i32
      %get3A_543 = arith.index_cast %get3A_542 : i32 to index
      %get3A_544 = arith.index_cast %mul3A_535 : i32 to index
      %get3A_545 = tpu.vector_load %arg4[%get3A_543, %get3A_544] {strides = array<i32>} : memref<1x32768xf32, #tpu.memory_space<vmem>>, vector<1x16xf32>,
      %get3A_546 = vector.shape_cast %get3A_545 : vector<1x16xf32> to vector<16xf32>
      %jit3A_547 = arith.constant 0.000000e+00 : f32
      %broadcast_in_dim3A_548 = vector.broadcast %jit3A_547 : f32 to vector<16xf32>
      %select_n3A_549 = arith.select %ge3A_541, %get3A_546, %broadcast_in_dim3A_548 : vector<16xi1>, vector<16xf32>
      %swap3A_550 = arith.constant 0 : i32
      %swap3A_551 = arith.index_cast %swap3A_550 : i32 to index
      %swap3A_552 = arith.index_cast %mul3A_535 : i32 to index
      %swap3A_553 = tpu.vector_load %arg4[%swap3A_551, %swap3A_552] {strides = array<i32>} : memref<1x32768xf32, #tpu.memory_space<vmem>>, vector<1x16xf32>,
      %swap3A_554 = vector.shape_cast %swap3A_553 : vector<1x16xf32> to vector<16xf32>
      %swap3A_555 = vector.shape_cast %select_n3A_549 : vector<16xf32> to vector<1x16xf32>
      tpu.vector_store %arg4[%swap3A_551, %swap3A_552], %swap3A_555 {strides = array<i32>} : memref<1x32768xf32, #tpu.memory_space<vmem>>, vector<1x16xf32>,
      %add3A_556 = arith.addf %add3A_529, %select_n3A_549 : vector<16xf32>
      %mul3A_557 = arith.constant 16 : i32
      %mul3A_558 = arith.muli %scan3A_155, %mul3A_557 : i32
      %add3A_559 = arith.constant 15 : i32
      %add3A_560 = arith.addi %mul3A_558, %add3A_559 : i32
      %mul3A_561 = arith.constant 16 : i32
      %mul3A_562 = arith.muli %add3A_560, %mul3A_561 : i32
      %get3A_563 = arith.constant 0 : i32
      %get3A_564 = arith.index_cast %get3A_563 : i32 to index
      %get3A_565 = arith.index_cast %mul3A_562 : i32 to index
      %get3A_566 = tpu.vector_load %arg6[%get3A_564, %get3A_565] {strides = array<i32>} : memref<1x32768xi32, #tpu.memory_space<vmem>>, vector<1x16xi32>,
      %get3A_567 = vector.shape_cast %get3A_566 : vector<1x16xi32> to vector<16xi32>
      %ge3A_568 = arith.cmpi sge, %get3A_567, %scan3A_29 : vector<16xi32>
      %get3A_569 = arith.constant 0 : i32
      %get3A_570 = arith.index_cast %get3A_569 : i32 to index
      %get3A_571 = arith.index_cast %mul3A_562 : i32 to index
      %get3A_572 = tpu.vector_load %arg4[%get3A_570, %get3A_571] {strides = array<i32>} : memref<1x32768xf32, #tpu.memory_space<vmem>>, vector<1x16xf32>,
      %get3A_573 = vector.shape_cast %get3A_572 : vector<1x16xf32> to vector<16xf32>
      %jit3A_574 = arith.constant 0.000000e+00 : f32
      %broadcast_in_dim3A_575 = vector.broadcast %jit3A_574 : f32 to vector<16xf32>
      %select_n3A_576 = arith.select %ge3A_568, %get3A_573, %broadcast_in_dim3A_575 : vector<16xi1>, vector<16xf32>
      %swap3A_577 = arith.constant 0 : i32
      %swap3A_578 = arith.index_cast %swap3A_577 : i32 to index
      %swap3A_579 = arith.index_cast %mul3A_562 : i32 to index
      %swap3A_580 = tpu.vector_load %arg4[%swap3A_578, %swap3A_579] {strides = array<i32>} : memref<1x32768xf32, #tpu.memory_space<vmem>>, vector<1x16xf32>,
      %swap3A_581 = vector.shape_cast %swap3A_580 : vector<1x16xf32> to vector<16xf32>
      %swap3A_582 = vector.shape_cast %select_n3A_576 : vector<16xf32> to vector<1x16xf32>
      tpu.vector_store %arg4[%swap3A_578, %swap3A_579], %swap3A_582 {strides = array<i32>} : memref<1x32768xf32, #tpu.memory_space<vmem>>, vector<1x16xf32>,
      %add3A_583 = arith.addf %add3A_556, %select_n3A_576 : vector<16xf32>
      scf.yield %add3A_583 : vector<16xf32>
    }
    %scan3A_38 = arith.constant 128 : i32
    %iota3A = tpu.iota {dimensions = array<i32: 0>} : vector<16xi32>
    %xor3A = arith.constant 8 : i32
    %xor3A_39 = vector.broadcast %xor3A : i32 to vector<16xi32>
    %xor3A_40 = arith.xori %iota3A, %xor3A_39 : vector<16xi32>
    %broadcast_in_dim3A_41 = vector.shape_cast %xor3A_40 : vector<16xi32> to vector<16x1xi32>
    %gather3A = vector.shape_cast %broadcast_in_dim3A_41 : vector<16x1xi32> to vector<16xi32>
    %gather3A_42 = tpu.dynamic_gather %scan3A_37[%gather3A] in [0] : vector<16xf32>, vector<16xi32> -> vector<16xf32>
    %add3A_43 = arith.addf %scan3A_37, %gather3A_42 : vector<16xf32>
    %xor3A_44 = arith.constant 4 : i32
    %xor3A_45 = vector.broadcast %xor3A_44 : i32 to vector<16xi32>
    %xor3A_46 = arith.xori %iota3A, %xor3A_45 : vector<16xi32>
    %broadcast_in_dim3A_47 = vector.shape_cast %xor3A_46 : vector<16xi32> to vector<16x1xi32>
    %gather3A_48 = vector.shape_cast %broadcast_in_dim3A_47 : vector<16x1xi32> to vector<16xi32>
    %gather3A_49 = tpu.dynamic_gather %add3A_43[%gather3A_48] in [0] : vector<16xf32>, vector<16xi32> -> vector<16xf32>
    %add3A_50 = arith.addf %add3A_43, %gather3A_49 : vector<16xf32>
    %xor3A_51 = arith.constant 2 : i32
    %xor3A_52 = vector.broadcast %xor3A_51 : i32 to vector<16xi32>
    %xor3A_53 = arith.xori %iota3A, %xor3A_52 : vector<16xi32>
    %broadcast_in_dim3A_54 = vector.shape_cast %xor3A_53 : vector<16xi32> to vector<16x1xi32>
    %gather3A_55 = vector.shape_cast %broadcast_in_dim3A_54 : vector<16x1xi32> to vector<16xi32>
    %gather3A_56 = tpu.dynamic_gather %add3A_50[%gather3A_55] in [0] : vector<16xf32>, vector<16xi32> -> vector<16xf32>
    %add3A_57 = arith.addf %add3A_50, %gather3A_56 : vector<16xf32>
    %xor3A_58 = arith.constant 1 : i32
    %xor3A_59 = vector.broadcast %xor3A_58 : i32 to vector<16xi32>
    %xor3A_60 = arith.xori %iota3A, %xor3A_59 : vector<16xi32>
    %broadcast_in_dim3A_61 = vector.shape_cast %xor3A_60 : vector<16xi32> to vector<16x1xi32>
    %gather3A_62 = vector.shape_cast %broadcast_in_dim3A_61 : vector<16x1xi32> to vector<16xi32>
    %gather3A_63 = tpu.dynamic_gather %add3A_57[%gather3A_62] in [0] : vector<16xf32>, vector<16xi32> -> vector<16xf32>
    %add3A_64 = arith.addf %add3A_57, %gather3A_63 : vector<16xf32>
    %broadcast_in_dim3A_65 = arith.constant 3.276800e+04 : f32
    %broadcast_in_dim3A_66 = vector.broadcast %broadcast_in_dim3A_65 : f32 to vector<16xf32>
    %div3A = arith.divf %broadcast_in_dim3A_66, %add3A_64 : vector<16xf32>
    %scan3A_67 = arith.constant 0 : i32
    %scan3A_68 = arith.constant 0 : i32
    %scan3A_69 = arith.constant 128 : i32
    %scan3A_70 = arith.addi %scan3A_68, %scan3A_69 : i32
    %scan3A_71 = arith.constant 1 : i32
    scf.for %scan3A_155 = %scan3A_68 to %scan3A_70 step %scan3A_71  : i32 {
      %mul3A_156 = arith.constant 16 : i32
      %mul3A_157 = arith.muli %scan3A_155, %mul3A_156 : i32
      %add3A_158 = arith.constant 0 : i32
      %add3A_159 = arith.addi %mul3A_157, %add3A_158 : i32
      %mul3A_160 = arith.constant 16 : i32
      %mul3A_161 = arith.muli %add3A_159, %mul3A_160 : i32
      %get3A = arith.constant 0 : i32
      %get3A_162 = arith.index_cast %get3A : i32 to index
      %get3A_163 = arith.index_cast %mul3A_161 : i32 to index
      %get3A_164 = tpu.vector_load %arg4[%get3A_162, %get3A_163] {strides = array<i32>} : memref<1x32768xf32, #tpu.memory_space<vmem>>, vector<1x16xf32>,
      %get3A_165 = vector.shape_cast %get3A_164 : vector<1x16xf32> to vector<16xf32>
      %mul3A_166 = arith.mulf %get3A_165, %div3A : vector<16xf32>
      %swap3A = arith.constant 0 : i32
      %swap3A_167 = arith.index_cast %swap3A : i32 to index
      %swap3A_168 = arith.index_cast %mul3A_161 : i32 to index
      %swap3A_169 = tpu.vector_load %arg4[%swap3A_167, %swap3A_168] {strides = array<i32>} : memref<1x32768xf32, #tpu.memory_space<vmem>>, vector<1x16xf32>,
      %swap3A_170 = vector.shape_cast %swap3A_169 : vector<1x16xf32> to vector<16xf32>
      %swap3A_171 = vector.shape_cast %mul3A_166 : vector<16xf32> to vector<1x16xf32>
      tpu.vector_store %arg4[%swap3A_167, %swap3A_168], %swap3A_171 {strides = array<i32>} : memref<1x32768xf32, #tpu.memory_space<vmem>>, vector<1x16xf32>,
      %mul3A_172 = arith.constant 16 : i32
      %mul3A_173 = arith.muli %scan3A_155, %mul3A_172 : i32
      %add3A_174 = arith.constant 1 : i32
      %add3A_175 = arith.addi %mul3A_173, %add3A_174 : i32
      %mul3A_176 = arith.constant 16 : i32
      %mul3A_177 = arith.muli %add3A_175, %mul3A_176 : i32
      %get3A_178 = arith.constant 0 : i32
      %get3A_179 = arith.index_cast %get3A_178 : i32 to index
      %get3A_180 = arith.index_cast %mul3A_177 : i32 to index
      %get3A_181 = tpu.vector_load %arg4[%get3A_179, %get3A_180] {strides = array<i32>} : memref<1x32768xf32, #tpu.memory_space<vmem>>, vector<1x16xf32>,
      %get3A_182 = vector.shape_cast %get3A_181 : vector<1x16xf32> to vector<16xf32>
      %mul3A_183 = arith.mulf %get3A_182, %div3A : vector<16xf32>
      %swap3A_184 = arith.constant 0 : i32
      %swap3A_185 = arith.index_cast %swap3A_184 : i32 to index
      %swap3A_186 = arith.index_cast %mul3A_177 : i32 to index
      %swap3A_187 = tpu.vector_load %arg4[%swap3A_185, %swap3A_186] {strides = array<i32>} : memref<1x32768xf32, #tpu.memory_space<vmem>>, vector<1x16xf32>,
      %swap3A_188 = vector.shape_cast %swap3A_187 : vector<1x16xf32> to vector<16xf32>
      %swap3A_189 = vector.shape_cast %mul3A_183 : vector<16xf32> to vector<1x16xf32>
      tpu.vector_store %arg4[%swap3A_185, %swap3A_186], %swap3A_189 {strides = array<i32>} : memref<1x32768xf32, #tpu.memory_space<vmem>>, vector<1x16xf32>,
      %mul3A_190 = arith.constant 16 : i32
      %mul3A_191 = arith.muli %scan3A_155, %mul3A_190 : i32
      %add3A_192 = arith.constant 2 : i32
      %add3A_193 = arith.addi %mul3A_191, %add3A_192 : i32
      %mul3A_194 = arith.constant 16 : i32
      %mul3A_195 = arith.muli %add3A_193, %mul3A_194 : i32
      %get3A_196 = arith.constant 0 : i32
      %get3A_197 = arith.index_cast %get3A_196 : i32 to index
      %get3A_198 = arith.index_cast %mul3A_195 : i32 to index
      %get3A_199 = tpu.vector_load %arg4[%get3A_197, %get3A_198] {strides = array<i32>} : memref<1x32768xf32, #tpu.memory_space<vmem>>, vector<1x16xf32>,
      %get3A_200 = vector.shape_cast %get3A_199 : vector<1x16xf32> to vector<16xf32>
      %mul3A_201 = arith.mulf %get3A_200, %div3A : vector<16xf32>
      %swap3A_202 = arith.constant 0 : i32
      %swap3A_203 = arith.index_cast %swap3A_202 : i32 to index
      %swap3A_204 = arith.index_cast %mul3A_195 : i32 to index
      %swap3A_205 = tpu.vector_load %arg4[%swap3A_203, %swap3A_204] {strides = array<i32>} : memref<1x32768xf32, #tpu.memory_space<vmem>>, vector<1x16xf32>,
      %swap3A_206 = vector.shape_cast %swap3A_205 : vector<1x16xf32> to vector<16xf32>
      %swap3A_207 = vector.shape_cast %mul3A_201 : vector<16xf32> to vector<1x16xf32>
      tpu.vector_store %arg4[%swap3A_203, %swap3A_204], %swap3A_207 {strides = array<i32>} : memref<1x32768xf32, #tpu.memory_space<vmem>>, vector<1x16xf32>,
      %mul3A_208 = arith.constant 16 : i32
      %mul3A_209 = arith.muli %scan3A_155, %mul3A_208 : i32
      %add3A_210 = arith.constant 3 : i32
      %add3A_211 = arith.addi %mul3A_209, %add3A_210 : i32
      %mul3A_212 = arith.constant 16 : i32
      %mul3A_213 = arith.muli %add3A_211, %mul3A_212 : i32
      %get3A_214 = arith.constant 0 : i32
      %get3A_215 = arith.index_cast %get3A_214 : i32 to index
      %get3A_216 = arith.index_cast %mul3A_213 : i32 to index
      %get3A_217 = tpu.vector_load %arg4[%get3A_215, %get3A_216] {strides = array<i32>} : memref<1x32768xf32, #tpu.memory_space<vmem>>, vector<1x16xf32>,
      %get3A_218 = vector.shape_cast %get3A_217 : vector<1x16xf32> to vector<16xf32>
      %mul3A_219 = arith.mulf %get3A_218, %div3A : vector<16xf32>
      %swap3A_220 = arith.constant 0 : i32
      %swap3A_221 = arith.index_cast %swap3A_220 : i32 to index
      %swap3A_222 = arith.index_cast %mul3A_213 : i32 to index
      %swap3A_223 = tpu.vector_load %arg4[%swap3A_221, %swap3A_222] {strides = array<i32>} : memref<1x32768xf32, #tpu.memory_space<vmem>>, vector<1x16xf32>,
      %swap3A_224 = vector.shape_cast %swap3A_223 : vector<1x16xf32> to vector<16xf32>
      %swap3A_225 = vector.shape_cast %mul3A_219 : vector<16xf32> to vector<1x16xf32>
      tpu.vector_store %arg4[%swap3A_221, %swap3A_222], %swap3A_225 {strides = array<i32>} : memref<1x32768xf32, #tpu.memory_space<vmem>>, vector<1x16xf32>,
      %mul3A_226 = arith.constant 16 : i32
      %mul3A_227 = arith.muli %scan3A_155, %mul3A_226 : i32
      %add3A_228 = arith.constant 4 : i32
      %add3A_229 = arith.addi %mul3A_227, %add3A_228 : i32
      %mul3A_230 = arith.constant 16 : i32
      %mul3A_231 = arith.muli %add3A_229, %mul3A_230 : i32
      %get3A_232 = arith.constant 0 : i32
      %get3A_233 = arith.index_cast %get3A_232 : i32 to index
      %get3A_234 = arith.index_cast %mul3A_231 : i32 to index
      %get3A_235 = tpu.vector_load %arg4[%get3A_233, %get3A_234] {strides = array<i32>} : memref<1x32768xf32, #tpu.memory_space<vmem>>, vector<1x16xf32>,
      %get3A_236 = vector.shape_cast %get3A_235 : vector<1x16xf32> to vector<16xf32>
      %mul3A_237 = arith.mulf %get3A_236, %div3A : vector<16xf32>
      %swap3A_238 = arith.constant 0 : i32
      %swap3A_239 = arith.index_cast %swap3A_238 : i32 to index
      %swap3A_240 = arith.index_cast %mul3A_231 : i32 to index
      %swap3A_241 = tpu.vector_load %arg4[%swap3A_239, %swap3A_240] {strides = array<i32>} : memref<1x32768xf32, #tpu.memory_space<vmem>>, vector<1x16xf32>,
      %swap3A_242 = vector.shape_cast %swap3A_241 : vector<1x16xf32> to vector<16xf32>
      %swap3A_243 = vector.shape_cast %mul3A_237 : vector<16xf32> to vector<1x16xf32>
      tpu.vector_store %arg4[%swap3A_239, %swap3A_240], %swap3A_243 {strides = array<i32>} : memref<1x32768xf32, #tpu.memory_space<vmem>>, vector<1x16xf32>,
      %mul3A_244 = arith.constant 16 : i32
      %mul3A_245 = arith.muli %scan3A_155, %mul3A_244 : i32
      %add3A_246 = arith.constant 5 : i32
      %add3A_247 = arith.addi %mul3A_245, %add3A_246 : i32
      %mul3A_248 = arith.constant 16 : i32
      %mul3A_249 = arith.muli %add3A_247, %mul3A_248 : i32
      %get3A_250 = arith.constant 0 : i32
      %get3A_251 = arith.index_cast %get3A_250 : i32 to index
      %get3A_252 = arith.index_cast %mul3A_249 : i32 to index
      %get3A_253 = tpu.vector_load %arg4[%get3A_251, %get3A_252] {strides = array<i32>} : memref<1x32768xf32, #tpu.memory_space<vmem>>, vector<1x16xf32>,
      %get3A_254 = vector.shape_cast %get3A_253 : vector<1x16xf32> to vector<16xf32>
      %mul3A_255 = arith.mulf %get3A_254, %div3A : vector<16xf32>
      %swap3A_256 = arith.constant 0 : i32
      %swap3A_257 = arith.index_cast %swap3A_256 : i32 to index
      %swap3A_258 = arith.index_cast %mul3A_249 : i32 to index
      %swap3A_259 = tpu.vector_load %arg4[%swap3A_257, %swap3A_258] {strides = array<i32>} : memref<1x32768xf32, #tpu.memory_space<vmem>>, vector<1x16xf32>,
      %swap3A_260 = vector.shape_cast %swap3A_259 : vector<1x16xf32> to vector<16xf32>
      %swap3A_261 = vector.shape_cast %mul3A_255 : vector<16xf32> to vector<1x16xf32>
      tpu.vector_store %arg4[%swap3A_257, %swap3A_258], %swap3A_261 {strides = array<i32>} : memref<1x32768xf32, #tpu.memory_space<vmem>>, vector<1x16xf32>,
      %mul3A_262 = arith.constant 16 : i32
      %mul3A_263 = arith.muli %scan3A_155, %mul3A_262 : i32
      %add3A_264 = arith.constant 6 : i32
      %add3A_265 = arith.addi %mul3A_263, %add3A_264 : i32
      %mul3A_266 = arith.constant 16 : i32
      %mul3A_267 = arith.muli %add3A_265, %mul3A_266 : i32
      %get3A_268 = arith.constant 0 : i32
      %get3A_269 = arith.index_cast %get3A_268 : i32 to index
      %get3A_270 = arith.index_cast %mul3A_267 : i32 to index
      %get3A_271 = tpu.vector_load %arg4[%get3A_269, %get3A_270] {strides = array<i32>} : memref<1x32768xf32, #tpu.memory_space<vmem>>, vector<1x16xf32>,
      %get3A_272 = vector.shape_cast %get3A_271 : vector<1x16xf32> to vector<16xf32>
      %mul3A_273 = arith.mulf %get3A_272, %div3A : vector<16xf32>
      %swap3A_274 = arith.constant 0 : i32
      %swap3A_275 = arith.index_cast %swap3A_274 : i32 to index
      %swap3A_276 = arith.index_cast %mul3A_267 : i32 to index
      %swap3A_277 = tpu.vector_load %arg4[%swap3A_275, %swap3A_276] {strides = array<i32>} : memref<1x32768xf32, #tpu.memory_space<vmem>>, vector<1x16xf32>,
      %swap3A_278 = vector.shape_cast %swap3A_277 : vector<1x16xf32> to vector<16xf32>
      %swap3A_279 = vector.shape_cast %mul3A_273 : vector<16xf32> to vector<1x16xf32>
      tpu.vector_store %arg4[%swap3A_275, %swap3A_276], %swap3A_279 {strides = array<i32>} : memref<1x32768xf32, #tpu.memory_space<vmem>>, vector<1x16xf32>,
      %mul3A_280 = arith.constant 16 : i32
      %mul3A_281 = arith.muli %scan3A_155, %mul3A_280 : i32
      %add3A_282 = arith.constant 7 : i32
      %add3A_283 = arith.addi %mul3A_281, %add3A_282 : i32
      %mul3A_284 = arith.constant 16 : i32
      %mul3A_285 = arith.muli %add3A_283, %mul3A_284 : i32
      %get3A_286 = arith.constant 0 : i32
      %get3A_287 = arith.index_cast %get3A_286 : i32 to index
      %get3A_288 = arith.index_cast %mul3A_285 : i32 to index
      %get3A_289 = tpu.vector_load %arg4[%get3A_287, %get3A_288] {strides = array<i32>} : memref<1x32768xf32, #tpu.memory_space<vmem>>, vector<1x16xf32>,
      %get3A_290 = vector.shape_cast %get3A_289 : vector<1x16xf32> to vector<16xf32>
      %mul3A_291 = arith.mulf %get3A_290, %div3A : vector<16xf32>
      %swap3A_292 = arith.constant 0 : i32
      %swap3A_293 = arith.index_cast %swap3A_292 : i32 to index
      %swap3A_294 = arith.index_cast %mul3A_285 : i32 to index
      %swap3A_295 = tpu.vector_load %arg4[%swap3A_293, %swap3A_294] {strides = array<i32>} : memref<1x32768xf32, #tpu.memory_space<vmem>>, vector<1x16xf32>,
      %swap3A_296 = vector.shape_cast %swap3A_295 : vector<1x16xf32> to vector<16xf32>
      %swap3A_297 = vector.shape_cast %mul3A_291 : vector<16xf32> to vector<1x16xf32>
      tpu.vector_store %arg4[%swap3A_293, %swap3A_294], %swap3A_297 {strides = array<i32>} : memref<1x32768xf32, #tpu.memory_space<vmem>>, vector<1x16xf32>,
      %mul3A_298 = arith.constant 16 : i32
      %mul3A_299 = arith.muli %scan3A_155, %mul3A_298 : i32
      %add3A_300 = arith.constant 8 : i32
      %add3A_301 = arith.addi %mul3A_299, %add3A_300 : i32
      %mul3A_302 = arith.constant 16 : i32
      %mul3A_303 = arith.muli %add3A_301, %mul3A_302 : i32
      %get3A_304 = arith.constant 0 : i32
      %get3A_305 = arith.index_cast %get3A_304 : i32 to index
      %get3A_306 = arith.index_cast %mul3A_303 : i32 to index
      %get3A_307 = tpu.vector_load %arg4[%get3A_305, %get3A_306] {strides = array<i32>} : memref<1x32768xf32, #tpu.memory_space<vmem>>, vector<1x16xf32>,
      %get3A_308 = vector.shape_cast %get3A_307 : vector<1x16xf32> to vector<16xf32>
      %mul3A_309 = arith.mulf %get3A_308, %div3A : vector<16xf32>
      %swap3A_310 = arith.constant 0 : i32
      %swap3A_311 = arith.index_cast %swap3A_310 : i32 to index
      %swap3A_312 = arith.index_cast %mul3A_303 : i32 to index
      %swap3A_313 = tpu.vector_load %arg4[%swap3A_311, %swap3A_312] {strides = array<i32>} : memref<1x32768xf32, #tpu.memory_space<vmem>>, vector<1x16xf32>,
      %swap3A_314 = vector.shape_cast %swap3A_313 : vector<1x16xf32> to vector<16xf32>
      %swap3A_315 = vector.shape_cast %mul3A_309 : vector<16xf32> to vector<1x16xf32>
      tpu.vector_store %arg4[%swap3A_311, %swap3A_312], %swap3A_315 {strides = array<i32>} : memref<1x32768xf32, #tpu.memory_space<vmem>>, vector<1x16xf32>,
      %mul3A_316 = arith.constant 16 : i32
      %mul3A_317 = arith.muli %scan3A_155, %mul3A_316 : i32
      %add3A_318 = arith.constant 9 : i32
      %add3A_319 = arith.addi %mul3A_317, %add3A_318 : i32
      %mul3A_320 = arith.constant 16 : i32
      %mul3A_321 = arith.muli %add3A_319, %mul3A_320 : i32
      %get3A_322 = arith.constant 0 : i32
      %get3A_323 = arith.index_cast %get3A_322 : i32 to index
      %get3A_324 = arith.index_cast %mul3A_321 : i32 to index
      %get3A_325 = tpu.vector_load %arg4[%get3A_323, %get3A_324] {strides = array<i32>} : memref<1x32768xf32, #tpu.memory_space<vmem>>, vector<1x16xf32>,
      %get3A_326 = vector.shape_cast %get3A_325 : vector<1x16xf32> to vector<16xf32>
      %mul3A_327 = arith.mulf %get3A_326, %div3A : vector<16xf32>
      %swap3A_328 = arith.constant 0 : i32
      %swap3A_329 = arith.index_cast %swap3A_328 : i32 to index
      %swap3A_330 = arith.index_cast %mul3A_321 : i32 to index
      %swap3A_331 = tpu.vector_load %arg4[%swap3A_329, %swap3A_330] {strides = array<i32>} : memref<1x32768xf32, #tpu.memory_space<vmem>>, vector<1x16xf32>,
      %swap3A_332 = vector.shape_cast %swap3A_331 : vector<1x16xf32> to vector<16xf32>
      %swap3A_333 = vector.shape_cast %mul3A_327 : vector<16xf32> to vector<1x16xf32>
      tpu.vector_store %arg4[%swap3A_329, %swap3A_330], %swap3A_333 {strides = array<i32>} : memref<1x32768xf32, #tpu.memory_space<vmem>>, vector<1x16xf32>,
      %mul3A_334 = arith.constant 16 : i32
      %mul3A_335 = arith.muli %scan3A_155, %mul3A_334 : i32
      %add3A_336 = arith.constant 10 : i32
      %add3A_337 = arith.addi %mul3A_335, %add3A_336 : i32
      %mul3A_338 = arith.constant 16 : i32
      %mul3A_339 = arith.muli %add3A_337, %mul3A_338 : i32
      %get3A_340 = arith.constant 0 : i32
      %get3A_341 = arith.index_cast %get3A_340 : i32 to index
      %get3A_342 = arith.index_cast %mul3A_339 : i32 to index
      %get3A_343 = tpu.vector_load %arg4[%get3A_341, %get3A_342] {strides = array<i32>} : memref<1x32768xf32, #tpu.memory_space<vmem>>, vector<1x16xf32>,
      %get3A_344 = vector.shape_cast %get3A_343 : vector<1x16xf32> to vector<16xf32>
      %mul3A_345 = arith.mulf %get3A_344, %div3A : vector<16xf32>
      %swap3A_346 = arith.constant 0 : i32
      %swap3A_347 = arith.index_cast %swap3A_346 : i32 to index
      %swap3A_348 = arith.index_cast %mul3A_339 : i32 to index
      %swap3A_349 = tpu.vector_load %arg4[%swap3A_347, %swap3A_348] {strides = array<i32>} : memref<1x32768xf32, #tpu.memory_space<vmem>>, vector<1x16xf32>,
      %swap3A_350 = vector.shape_cast %swap3A_349 : vector<1x16xf32> to vector<16xf32>
      %swap3A_351 = vector.shape_cast %mul3A_345 : vector<16xf32> to vector<1x16xf32>
      tpu.vector_store %arg4[%swap3A_347, %swap3A_348], %swap3A_351 {strides = array<i32>} : memref<1x32768xf32, #tpu.memory_space<vmem>>, vector<1x16xf32>,
      %mul3A_352 = arith.constant 16 : i32
      %mul3A_353 = arith.muli %scan3A_155, %mul3A_352 : i32
      %add3A_354 = arith.constant 11 : i32
      %add3A_355 = arith.addi %mul3A_353, %add3A_354 : i32
      %mul3A_356 = arith.constant 16 : i32
      %mul3A_357 = arith.muli %add3A_355, %mul3A_356 : i32
      %get3A_358 = arith.constant 0 : i32
      %get3A_359 = arith.index_cast %get3A_358 : i32 to index
      %get3A_360 = arith.index_cast %mul3A_357 : i32 to index
      %get3A_361 = tpu.vector_load %arg4[%get3A_359, %get3A_360] {strides = array<i32>} : memref<1x32768xf32, #tpu.memory_space<vmem>>, vector<1x16xf32>,
      %get3A_362 = vector.shape_cast %get3A_361 : vector<1x16xf32> to vector<16xf32>
      %mul3A_363 = arith.mulf %get3A_362, %div3A : vector<16xf32>
      %swap3A_364 = arith.constant 0 : i32
      %swap3A_365 = arith.index_cast %swap3A_364 : i32 to index
      %swap3A_366 = arith.index_cast %mul3A_357 : i32 to index
      %swap3A_367 = tpu.vector_load %arg4[%swap3A_365, %swap3A_366] {strides = array<i32>} : memref<1x32768xf32, #tpu.memory_space<vmem>>, vector<1x16xf32>,
      %swap3A_368 = vector.shape_cast %swap3A_367 : vector<1x16xf32> to vector<16xf32>
      %swap3A_369 = vector.shape_cast %mul3A_363 : vector<16xf32> to vector<1x16xf32>
      tpu.vector_store %arg4[%swap3A_365, %swap3A_366], %swap3A_369 {strides = array<i32>} : memref<1x32768xf32, #tpu.memory_space<vmem>>, vector<1x16xf32>,
      %mul3A_370 = arith.constant 16 : i32
      %mul3A_371 = arith.muli %scan3A_155, %mul3A_370 : i32
      %add3A_372 = arith.constant 12 : i32
      %add3A_373 = arith.addi %mul3A_371, %add3A_372 : i32
      %mul3A_374 = arith.constant 16 : i32
      %mul3A_375 = arith.muli %add3A_373, %mul3A_374 : i32
      %get3A_376 = arith.constant 0 : i32
      %get3A_377 = arith.index_cast %get3A_376 : i32 to index
      %get3A_378 = arith.index_cast %mul3A_375 : i32 to index
      %get3A_379 = tpu.vector_load %arg4[%get3A_377, %get3A_378] {strides = array<i32>} : memref<1x32768xf32, #tpu.memory_space<vmem>>, vector<1x16xf32>,
      %get3A_380 = vector.shape_cast %get3A_379 : vector<1x16xf32> to vector<16xf32>
      %mul3A_381 = arith.mulf %get3A_380, %div3A : vector<16xf32>
      %swap3A_382 = arith.constant 0 : i32
      %swap3A_383 = arith.index_cast %swap3A_382 : i32 to index
      %swap3A_384 = arith.index_cast %mul3A_375 : i32 to index
      %swap3A_385 = tpu.vector_load %arg4[%swap3A_383, %swap3A_384] {strides = array<i32>} : memref<1x32768xf32, #tpu.memory_space<vmem>>, vector<1x16xf32>,
      %swap3A_386 = vector.shape_cast %swap3A_385 : vector<1x16xf32> to vector<16xf32>
      %swap3A_387 = vector.shape_cast %mul3A_381 : vector<16xf32> to vector<1x16xf32>
      tpu.vector_store %arg4[%swap3A_383, %swap3A_384], %swap3A_387 {strides = array<i32>} : memref<1x32768xf32, #tpu.memory_space<vmem>>, vector<1x16xf32>,
      %mul3A_388 = arith.constant 16 : i32
      %mul3A_389 = arith.muli %scan3A_155, %mul3A_388 : i32
      %add3A_390 = arith.constant 13 : i32
      %add3A_391 = arith.addi %mul3A_389, %add3A_390 : i32
      %mul3A_392 = arith.constant 16 : i32
      %mul3A_393 = arith.muli %add3A_391, %mul3A_392 : i32
      %get3A_394 = arith.constant 0 : i32
      %get3A_395 = arith.index_cast %get3A_394 : i32 to index
      %get3A_396 = arith.index_cast %mul3A_393 : i32 to index
      %get3A_397 = tpu.vector_load %arg4[%get3A_395, %get3A_396] {strides = array<i32>} : memref<1x32768xf32, #tpu.memory_space<vmem>>, vector<1x16xf32>,
      %get3A_398 = vector.shape_cast %get3A_397 : vector<1x16xf32> to vector<16xf32>
      %mul3A_399 = arith.mulf %get3A_398, %div3A : vector<16xf32>
      %swap3A_400 = arith.constant 0 : i32
      %swap3A_401 = arith.index_cast %swap3A_400 : i32 to index
      %swap3A_402 = arith.index_cast %mul3A_393 : i32 to index
      %swap3A_403 = tpu.vector_load %arg4[%swap3A_401, %swap3A_402] {strides = array<i32>} : memref<1x32768xf32, #tpu.memory_space<vmem>>, vector<1x16xf32>,
      %swap3A_404 = vector.shape_cast %swap3A_403 : vector<1x16xf32> to vector<16xf32>
      %swap3A_405 = vector.shape_cast %mul3A_399 : vector<16xf32> to vector<1x16xf32>
      tpu.vector_store %arg4[%swap3A_401, %swap3A_402], %swap3A_405 {strides = array<i32>} : memref<1x32768xf32, #tpu.memory_space<vmem>>, vector<1x16xf32>,
      %mul3A_406 = arith.constant 16 : i32
      %mul3A_407 = arith.muli %scan3A_155, %mul3A_406 : i32
      %add3A_408 = arith.constant 14 : i32
      %add3A_409 = arith.addi %mul3A_407, %add3A_408 : i32
      %mul3A_410 = arith.constant 16 : i32
      %mul3A_411 = arith.muli %add3A_409, %mul3A_410 : i32
      %get3A_412 = arith.constant 0 : i32
      %get3A_413 = arith.index_cast %get3A_412 : i32 to index
      %get3A_414 = arith.index_cast %mul3A_411 : i32 to index
      %get3A_415 = tpu.vector_load %arg4[%get3A_413, %get3A_414] {strides = array<i32>} : memref<1x32768xf32, #tpu.memory_space<vmem>>, vector<1x16xf32>,
      %get3A_416 = vector.shape_cast %get3A_415 : vector<1x16xf32> to vector<16xf32>
      %mul3A_417 = arith.mulf %get3A_416, %div3A : vector<16xf32>
      %swap3A_418 = arith.constant 0 : i32
      %swap3A_419 = arith.index_cast %swap3A_418 : i32 to index
      %swap3A_420 = arith.index_cast %mul3A_411 : i32 to index
      %swap3A_421 = tpu.vector_load %arg4[%swap3A_419, %swap3A_420] {strides = array<i32>} : memref<1x32768xf32, #tpu.memory_space<vmem>>, vector<1x16xf32>,
      %swap3A_422 = vector.shape_cast %swap3A_421 : vector<1x16xf32> to vector<16xf32>
      %swap3A_423 = vector.shape_cast %mul3A_417 : vector<16xf32> to vector<1x16xf32>
      tpu.vector_store %arg4[%swap3A_419, %swap3A_420], %swap3A_423 {strides = array<i32>} : memref<1x32768xf32, #tpu.memory_space<vmem>>, vector<1x16xf32>,
      %mul3A_424 = arith.constant 16 : i32
      %mul3A_425 = arith.muli %scan3A_155, %mul3A_424 : i32
      %add3A_426 = arith.constant 15 : i32
      %add3A_427 = arith.addi %mul3A_425, %add3A_426 : i32
      %mul3A_428 = arith.constant 16 : i32
      %mul3A_429 = arith.muli %add3A_427, %mul3A_428 : i32
      %get3A_430 = arith.constant 0 : i32
      %get3A_431 = arith.index_cast %get3A_430 : i32 to index
      %get3A_432 = arith.index_cast %mul3A_429 : i32 to index
      %get3A_433 = tpu.vector_load %arg4[%get3A_431, %get3A_432] {strides = array<i32>} : memref<1x32768xf32, #tpu.memory_space<vmem>>, vector<1x16xf32>,
      %get3A_434 = vector.shape_cast %get3A_433 : vector<1x16xf32> to vector<16xf32>
      %mul3A_435 = arith.mulf %get3A_434, %div3A : vector<16xf32>
      %swap3A_436 = arith.constant 0 : i32
      %swap3A_437 = arith.index_cast %swap3A_436 : i32 to index
      %swap3A_438 = arith.index_cast %mul3A_429 : i32 to index
      %swap3A_439 = tpu.vector_load %arg4[%swap3A_437, %swap3A_438] {strides = array<i32>} : memref<1x32768xf32, #tpu.memory_space<vmem>>, vector<1x16xf32>,
      %swap3A_440 = vector.shape_cast %swap3A_439 : vector<1x16xf32> to vector<16xf32>
      %swap3A_441 = vector.shape_cast %mul3A_435 : vector<16xf32> to vector<1x16xf32>
      tpu.vector_store %arg4[%swap3A_437, %swap3A_438], %swap3A_441 {strides = array<i32>} : memref<1x32768xf32, #tpu.memory_space<vmem>>, vector<1x16xf32>,
    }
    %scan3A_72 = arith.constant 128 : i32
    %dma_start3A_73 = arith.constant 0 : i32
    %dma_start3A_74 = tpu.memref_slice %arg3[%add3A_8, %dma_start3A_73] : memref<128x32768xf32, #tpu.memory_space<hbm>> -> memref<1x32768xf32, #tpu.memory_space<hbm>>
    %dma_start3A_75 = arith.constant 0 : i32
    %dma_start3A_76 = tpu.memref_slice %arg3[%add3A_8, %dma_start3A_75] : memref<128x32768xf32, #tpu.memory_space<hbm>> -> memref<1x32768xf32, #tpu.memory_space<hbm>>
    tpu.enqueue_dma source(%arg4 : memref<1x32768xf32, #tpu.memory_space<vmem>>) target(%dma_start3A_76 : memref<1x32768xf32, #tpu.memory_space<hbm>>) target_semaphore(%arg9 : memref<!tpu.dma_semaphore, #tpu.memory_space<semaphore_mem>>)
    %add3A_77 = arith.constant 1 : i32
    %add3A_78 = arith.addi %mul3A_3, %add3A_77 : i32
    %dma_wait3A_79 = arith.constant 0 : i32
    %dma_wait3A_80 = tpu.memref_slice %arg2[%add3A_13, %dma_wait3A_79] : memref<128x32768xf32, #tpu.memory_space<hbm>> -> memref<1x32768xf32, #tpu.memory_space<hbm>>
    %dma_wait3A_81 = arith.constant 0 : i32
    %dma_wait3A_82 = tpu.memref_slice %arg2[%add3A_13, %dma_wait3A_81] : memref<128x32768xf32, #tpu.memory_space<hbm>> -> memref<1x32768xf32, #tpu.memory_space<hbm>>
    tpu.wait_dma2 semaphore(%arg8 : memref<!tpu.dma_semaphore, #tpu.memory_space<semaphore_mem>>) src(%dma_wait3A_82 : memref<1x32768xf32, #tpu.memory_space<hbm>>) dst(%arg5 : memref<1x32768xf32, #tpu.memory_space<vmem>>)
    %scan3A_83 = arith.constant 0 : i32
    %scan3A_84 = arith.constant 0 : i32
    %scan3A_85 = arith.constant 128 : i32
    %scan3A_86 = arith.addi %scan3A_84, %scan3A_85 : i32
    %scan3A_87 = arith.constant 1 : i32
    scf.for %scan3A_155 = %scan3A_84 to %scan3A_86 step %scan3A_87  : i32 {
      %mul3A_156 = arith.constant 16 : i32
      %mul3A_157 = arith.muli %scan3A_155, %mul3A_156 : i32
      %add3A_158 = arith.constant 0 : i32
      %add3A_159 = arith.addi %mul3A_157, %add3A_158 : i32
      %mul3A_160 = arith.constant 16 : i32
      %mul3A_161 = arith.muli %add3A_159, %mul3A_160 : i32
      %get3A = arith.constant 0 : i32
      %get3A_162 = arith.index_cast %get3A : i32 to index
      %get3A_163 = arith.index_cast %mul3A_161 : i32 to index
      %get3A_164 = tpu.vector_load %arg5[%get3A_162, %get3A_163] {strides = array<i32>} : memref<1x32768xf32, #tpu.memory_space<vmem>>, vector<1x16xf32>,
      %get3A_165 = vector.shape_cast %get3A_164 : vector<1x16xf32> to vector<16xf32>
      %bitcast_convert_type3A = tpu.bitcast %get3A_165 : vector<16xf32> -> vector<16xi32>
      %ge3A = arith.constant 0 : i32
      %ge3A_166 = vector.broadcast %ge3A : i32 to vector<16xi32>
      %ge3A_167 = arith.cmpi sge, %bitcast_convert_type3A, %ge3A_166 : vector<16xi32>
      %xor3A_168 = arith.constant 2147483647 : i32
      %xor3A_169 = vector.broadcast %xor3A_168 : i32 to vector<16xi32>
      %xor3A_170 = arith.xori %bitcast_convert_type3A, %xor3A_169 : vector<16xi32>
      %select_n3A = arith.select %ge3A_167, %bitcast_convert_type3A, %xor3A_170 : vector<16xi1>, vector<16xi32>
      %swap3A = arith.constant 0 : i32
      %swap3A_171 = arith.index_cast %swap3A : i32 to index
      %swap3A_172 = arith.index_cast %mul3A_161 : i32 to index
      %swap3A_173 = tpu.vector_load %arg6[%swap3A_171, %swap3A_172] {strides = array<i32>} : memref<1x32768xi32, #tpu.memory_space<vmem>>, vector<1x16xi32>,
      %swap3A_174 = vector.shape_cast %swap3A_173 : vector<1x16xi32> to vector<16xi32>
      %swap3A_175 = vector.shape_cast %select_n3A : vector<16xi32> to vector<1x16xi32>
      tpu.vector_store %arg6[%swap3A_171, %swap3A_172], %swap3A_175 {strides = array<i32>} : memref<1x32768xi32, #tpu.memory_space<vmem>>, vector<1x16xi32>,
      %mul3A_176 = arith.constant 16 : i32
      %mul3A_177 = arith.muli %scan3A_155, %mul3A_176 : i32
      %add3A_178 = arith.constant 1 : i32
      %add3A_179 = arith.addi %mul3A_177, %add3A_178 : i32
      %mul3A_180 = arith.constant 16 : i32
      %mul3A_181 = arith.muli %add3A_179, %mul3A_180 : i32
      %get3A_182 = arith.constant 0 : i32
      %get3A_183 = arith.index_cast %get3A_182 : i32 to index
      %get3A_184 = arith.index_cast %mul3A_181 : i32 to index
      %get3A_185 = tpu.vector_load %arg5[%get3A_183, %get3A_184] {strides = array<i32>} : memref<1x32768xf32, #tpu.memory_space<vmem>>, vector<1x16xf32>,
      %get3A_186 = vector.shape_cast %get3A_185 : vector<1x16xf32> to vector<16xf32>
      %bitcast_convert_type3A_187 = tpu.bitcast %get3A_186 : vector<16xf32> -> vector<16xi32>
      %ge3A_188 = arith.constant 0 : i32
      %ge3A_189 = vector.broadcast %ge3A_188 : i32 to vector<16xi32>
      %ge3A_190 = arith.cmpi sge, %bitcast_convert_type3A_187, %ge3A_189 : vector<16xi32>
      %xor3A_191 = arith.constant 2147483647 : i32
      %xor3A_192 = vector.broadcast %xor3A_191 : i32 to vector<16xi32>
      %xor3A_193 = arith.xori %bitcast_convert_type3A_187, %xor3A_192 : vector<16xi32>
      %select_n3A_194 = arith.select %ge3A_190, %bitcast_convert_type3A_187, %xor3A_193 : vector<16xi1>, vector<16xi32>
      %swap3A_195 = arith.constant 0 : i32
      %swap3A_196 = arith.index_cast %swap3A_195 : i32 to index
      %swap3A_197 = arith.index_cast %mul3A_181 : i32 to index
      %swap3A_198 = tpu.vector_load %arg6[%swap3A_196, %swap3A_197] {strides = array<i32>} : memref<1x32768xi32, #tpu.memory_space<vmem>>, vector<1x16xi32>,
      %swap3A_199 = vector.shape_cast %swap3A_198 : vector<1x16xi32> to vector<16xi32>
      %swap3A_200 = vector.shape_cast %select_n3A_194 : vector<16xi32> to vector<1x16xi32>
      tpu.vector_store %arg6[%swap3A_196, %swap3A_197], %swap3A_200 {strides = array<i32>} : memref<1x32768xi32, #tpu.memory_space<vmem>>, vector<1x16xi32>,
      %mul3A_201 = arith.constant 16 : i32
      %mul3A_202 = arith.muli %scan3A_155, %mul3A_201 : i32
      %add3A_203 = arith.constant 2 : i32
      %add3A_204 = arith.addi %mul3A_202, %add3A_203 : i32
      %mul3A_205 = arith.constant 16 : i32
      %mul3A_206 = arith.muli %add3A_204, %mul3A_205 : i32
      %get3A_207 = arith.constant 0 : i32
      %get3A_208 = arith.index_cast %get3A_207 : i32 to index
      %get3A_209 = arith.index_cast %mul3A_206 : i32 to index
      %get3A_210 = tpu.vector_load %arg5[%get3A_208, %get3A_209] {strides = array<i32>} : memref<1x32768xf32, #tpu.memory_space<vmem>>, vector<1x16xf32>,
      %get3A_211 = vector.shape_cast %get3A_210 : vector<1x16xf32> to vector<16xf32>
      %bitcast_convert_type3A_212 = tpu.bitcast %get3A_211 : vector<16xf32> -> vector<16xi32>
      %ge3A_213 = arith.constant 0 : i32
      %ge3A_214 = vector.broadcast %ge3A_213 : i32 to vector<16xi32>
      %ge3A_215 = arith.cmpi sge, %bitcast_convert_type3A_212, %ge3A_214 : vector<16xi32>
      %xor3A_216 = arith.constant 2147483647 : i32
      %xor3A_217 = vector.broadcast %xor3A_216 : i32 to vector<16xi32>
      %xor3A_218 = arith.xori %bitcast_convert_type3A_212, %xor3A_217 : vector<16xi32>
      %select_n3A_219 = arith.select %ge3A_215, %bitcast_convert_type3A_212, %xor3A_218 : vector<16xi1>, vector<16xi32>
      %swap3A_220 = arith.constant 0 : i32
      %swap3A_221 = arith.index_cast %swap3A_220 : i32 to index
      %swap3A_222 = arith.index_cast %mul3A_206 : i32 to index
      %swap3A_223 = tpu.vector_load %arg6[%swap3A_221, %swap3A_222] {strides = array<i32>} : memref<1x32768xi32, #tpu.memory_space<vmem>>, vector<1x16xi32>,
      %swap3A_224 = vector.shape_cast %swap3A_223 : vector<1x16xi32> to vector<16xi32>
      %swap3A_225 = vector.shape_cast %select_n3A_219 : vector<16xi32> to vector<1x16xi32>
      tpu.vector_store %arg6[%swap3A_221, %swap3A_222], %swap3A_225 {strides = array<i32>} : memref<1x32768xi32, #tpu.memory_space<vmem>>, vector<1x16xi32>,
      %mul3A_226 = arith.constant 16 : i32
      %mul3A_227 = arith.muli %scan3A_155, %mul3A_226 : i32
      %add3A_228 = arith.constant 3 : i32
      %add3A_229 = arith.addi %mul3A_227, %add3A_228 : i32
      %mul3A_230 = arith.constant 16 : i32
      %mul3A_231 = arith.muli %add3A_229, %mul3A_230 : i32
      %get3A_232 = arith.constant 0 : i32
      %get3A_233 = arith.index_cast %get3A_232 : i32 to index
      %get3A_234 = arith.index_cast %mul3A_231 : i32 to index
      %get3A_235 = tpu.vector_load %arg5[%get3A_233, %get3A_234] {strides = array<i32>} : memref<1x32768xf32, #tpu.memory_space<vmem>>, vector<1x16xf32>,
      %get3A_236 = vector.shape_cast %get3A_235 : vector<1x16xf32> to vector<16xf32>
      %bitcast_convert_type3A_237 = tpu.bitcast %get3A_236 : vector<16xf32> -> vector<16xi32>
      %ge3A_238 = arith.constant 0 : i32
      %ge3A_239 = vector.broadcast %ge3A_238 : i32 to vector<16xi32>
      %ge3A_240 = arith.cmpi sge, %bitcast_convert_type3A_237, %ge3A_239 : vector<16xi32>
      %xor3A_241 = arith.constant 2147483647 : i32
      %xor3A_242 = vector.broadcast %xor3A_241 : i32 to vector<16xi32>
      %xor3A_243 = arith.xori %bitcast_convert_type3A_237, %xor3A_242 : vector<16xi32>
      %select_n3A_244 = arith.select %ge3A_240, %bitcast_convert_type3A_237, %xor3A_243 : vector<16xi1>, vector<16xi32>
      %swap3A_245 = arith.constant 0 : i32
      %swap3A_246 = arith.index_cast %swap3A_245 : i32 to index
      %swap3A_247 = arith.index_cast %mul3A_231 : i32 to index
      %swap3A_248 = tpu.vector_load %arg6[%swap3A_246, %swap3A_247] {strides = array<i32>} : memref<1x32768xi32, #tpu.memory_space<vmem>>, vector<1x16xi32>,
      %swap3A_249 = vector.shape_cast %swap3A_248 : vector<1x16xi32> to vector<16xi32>
      %swap3A_250 = vector.shape_cast %select_n3A_244 : vector<16xi32> to vector<1x16xi32>
      tpu.vector_store %arg6[%swap3A_246, %swap3A_247], %swap3A_250 {strides = array<i32>} : memref<1x32768xi32, #tpu.memory_space<vmem>>, vector<1x16xi32>,
      %mul3A_251 = arith.constant 16 : i32
      %mul3A_252 = arith.muli %scan3A_155, %mul3A_251 : i32
      %add3A_253 = arith.constant 4 : i32
      %add3A_254 = arith.addi %mul3A_252, %add3A_253 : i32
      %mul3A_255 = arith.constant 16 : i32
      %mul3A_256 = arith.muli %add3A_254, %mul3A_255 : i32
      %get3A_257 = arith.constant 0 : i32
      %get3A_258 = arith.index_cast %get3A_257 : i32 to index
      %get3A_259 = arith.index_cast %mul3A_256 : i32 to index
      %get3A_260 = tpu.vector_load %arg5[%get3A_258, %get3A_259] {strides = array<i32>} : memref<1x32768xf32, #tpu.memory_space<vmem>>, vector<1x16xf32>,
      %get3A_261 = vector.shape_cast %get3A_260 : vector<1x16xf32> to vector<16xf32>
      %bitcast_convert_type3A_262 = tpu.bitcast %get3A_261 : vector<16xf32> -> vector<16xi32>
      %ge3A_263 = arith.constant 0 : i32
      %ge3A_264 = vector.broadcast %ge3A_263 : i32 to vector<16xi32>
      %ge3A_265 = arith.cmpi sge, %bitcast_convert_type3A_262, %ge3A_264 : vector<16xi32>
      %xor3A_266 = arith.constant 2147483647 : i32
      %xor3A_267 = vector.broadcast %xor3A_266 : i32 to vector<16xi32>
      %xor3A_268 = arith.xori %bitcast_convert_type3A_262, %xor3A_267 : vector<16xi32>
      %select_n3A_269 = arith.select %ge3A_265, %bitcast_convert_type3A_262, %xor3A_268 : vector<16xi1>, vector<16xi32>
      %swap3A_270 = arith.constant 0 : i32
      %swap3A_271 = arith.index_cast %swap3A_270 : i32 to index
      %swap3A_272 = arith.index_cast %mul3A_256 : i32 to index
      %swap3A_273 = tpu.vector_load %arg6[%swap3A_271, %swap3A_272] {strides = array<i32>} : memref<1x32768xi32, #tpu.memory_space<vmem>>, vector<1x16xi32>,
      %swap3A_274 = vector.shape_cast %swap3A_273 : vector<1x16xi32> to vector<16xi32>
      %swap3A_275 = vector.shape_cast %select_n3A_269 : vector<16xi32> to vector<1x16xi32>
      tpu.vector_store %arg6[%swap3A_271, %swap3A_272], %swap3A_275 {strides = array<i32>} : memref<1x32768xi32, #tpu.memory_space<vmem>>, vector<1x16xi32>,
      %mul3A_276 = arith.constant 16 : i32
      %mul3A_277 = arith.muli %scan3A_155, %mul3A_276 : i32
      %add3A_278 = arith.constant 5 : i32
      %add3A_279 = arith.addi %mul3A_277, %add3A_278 : i32
      %mul3A_280 = arith.constant 16 : i32
      %mul3A_281 = arith.muli %add3A_279, %mul3A_280 : i32
      %get3A_282 = arith.constant 0 : i32
      %get3A_283 = arith.index_cast %get3A_282 : i32 to index
      %get3A_284 = arith.index_cast %mul3A_281 : i32 to index
      %get3A_285 = tpu.vector_load %arg5[%get3A_283, %get3A_284] {strides = array<i32>} : memref<1x32768xf32, #tpu.memory_space<vmem>>, vector<1x16xf32>,
      %get3A_286 = vector.shape_cast %get3A_285 : vector<1x16xf32> to vector<16xf32>
      %bitcast_convert_type3A_287 = tpu.bitcast %get3A_286 : vector<16xf32> -> vector<16xi32>
      %ge3A_288 = arith.constant 0 : i32
      %ge3A_289 = vector.broadcast %ge3A_288 : i32 to vector<16xi32>
      %ge3A_290 = arith.cmpi sge, %bitcast_convert_type3A_287, %ge3A_289 : vector<16xi32>
      %xor3A_291 = arith.constant 2147483647 : i32
      %xor3A_292 = vector.broadcast %xor3A_291 : i32 to vector<16xi32>
      %xor3A_293 = arith.xori %bitcast_convert_type3A_287, %xor3A_292 : vector<16xi32>
      %select_n3A_294 = arith.select %ge3A_290, %bitcast_convert_type3A_287, %xor3A_293 : vector<16xi1>, vector<16xi32>
      %swap3A_295 = arith.constant 0 : i32
      %swap3A_296 = arith.index_cast %swap3A_295 : i32 to index
      %swap3A_297 = arith.index_cast %mul3A_281 : i32 to index
      %swap3A_298 = tpu.vector_load %arg6[%swap3A_296, %swap3A_297] {strides = array<i32>} : memref<1x32768xi32, #tpu.memory_space<vmem>>, vector<1x16xi32>,
      %swap3A_299 = vector.shape_cast %swap3A_298 : vector<1x16xi32> to vector<16xi32>
      %swap3A_300 = vector.shape_cast %select_n3A_294 : vector<16xi32> to vector<1x16xi32>
      tpu.vector_store %arg6[%swap3A_296, %swap3A_297], %swap3A_300 {strides = array<i32>} : memref<1x32768xi32, #tpu.memory_space<vmem>>, vector<1x16xi32>,
      %mul3A_301 = arith.constant 16 : i32
      %mul3A_302 = arith.muli %scan3A_155, %mul3A_301 : i32
      %add3A_303 = arith.constant 6 : i32
      %add3A_304 = arith.addi %mul3A_302, %add3A_303 : i32
      %mul3A_305 = arith.constant 16 : i32
      %mul3A_306 = arith.muli %add3A_304, %mul3A_305 : i32
      %get3A_307 = arith.constant 0 : i32
      %get3A_308 = arith.index_cast %get3A_307 : i32 to index
      %get3A_309 = arith.index_cast %mul3A_306 : i32 to index
      %get3A_310 = tpu.vector_load %arg5[%get3A_308, %get3A_309] {strides = array<i32>} : memref<1x32768xf32, #tpu.memory_space<vmem>>, vector<1x16xf32>,
      %get3A_311 = vector.shape_cast %get3A_310 : vector<1x16xf32> to vector<16xf32>
      %bitcast_convert_type3A_312 = tpu.bitcast %get3A_311 : vector<16xf32> -> vector<16xi32>
      %ge3A_313 = arith.constant 0 : i32
      %ge3A_314 = vector.broadcast %ge3A_313 : i32 to vector<16xi32>
      %ge3A_315 = arith.cmpi sge, %bitcast_convert_type3A_312, %ge3A_314 : vector<16xi32>
      %xor3A_316 = arith.constant 2147483647 : i32
      %xor3A_317 = vector.broadcast %xor3A_316 : i32 to vector<16xi32>
      %xor3A_318 = arith.xori %bitcast_convert_type3A_312, %xor3A_317 : vector<16xi32>
      %select_n3A_319 = arith.select %ge3A_315, %bitcast_convert_type3A_312, %xor3A_318 : vector<16xi1>, vector<16xi32>
      %swap3A_320 = arith.constant 0 : i32
      %swap3A_321 = arith.index_cast %swap3A_320 : i32 to index
      %swap3A_322 = arith.index_cast %mul3A_306 : i32 to index
      %swap3A_323 = tpu.vector_load %arg6[%swap3A_321, %swap3A_322] {strides = array<i32>} : memref<1x32768xi32, #tpu.memory_space<vmem>>, vector<1x16xi32>,
      %swap3A_324 = vector.shape_cast %swap3A_323 : vector<1x16xi32> to vector<16xi32>
      %swap3A_325 = vector.shape_cast %select_n3A_319 : vector<16xi32> to vector<1x16xi32>
      tpu.vector_store %arg6[%swap3A_321, %swap3A_322], %swap3A_325 {strides = array<i32>} : memref<1x32768xi32, #tpu.memory_space<vmem>>, vector<1x16xi32>,
      %mul3A_326 = arith.constant 16 : i32
      %mul3A_327 = arith.muli %scan3A_155, %mul3A_326 : i32
      %add3A_328 = arith.constant 7 : i32
      %add3A_329 = arith.addi %mul3A_327, %add3A_328 : i32
      %mul3A_330 = arith.constant 16 : i32
      %mul3A_331 = arith.muli %add3A_329, %mul3A_330 : i32
      %get3A_332 = arith.constant 0 : i32
      %get3A_333 = arith.index_cast %get3A_332 : i32 to index
      %get3A_334 = arith.index_cast %mul3A_331 : i32 to index
      %get3A_335 = tpu.vector_load %arg5[%get3A_333, %get3A_334] {strides = array<i32>} : memref<1x32768xf32, #tpu.memory_space<vmem>>, vector<1x16xf32>,
      %get3A_336 = vector.shape_cast %get3A_335 : vector<1x16xf32> to vector<16xf32>
      %bitcast_convert_type3A_337 = tpu.bitcast %get3A_336 : vector<16xf32> -> vector<16xi32>
      %ge3A_338 = arith.constant 0 : i32
      %ge3A_339 = vector.broadcast %ge3A_338 : i32 to vector<16xi32>
      %ge3A_340 = arith.cmpi sge, %bitcast_convert_type3A_337, %ge3A_339 : vector<16xi32>
      %xor3A_341 = arith.constant 2147483647 : i32
      %xor3A_342 = vector.broadcast %xor3A_341 : i32 to vector<16xi32>
      %xor3A_343 = arith.xori %bitcast_convert_type3A_337, %xor3A_342 : vector<16xi32>
      %select_n3A_344 = arith.select %ge3A_340, %bitcast_convert_type3A_337, %xor3A_343 : vector<16xi1>, vector<16xi32>
      %swap3A_345 = arith.constant 0 : i32
      %swap3A_346 = arith.index_cast %swap3A_345 : i32 to index
      %swap3A_347 = arith.index_cast %mul3A_331 : i32 to index
      %swap3A_348 = tpu.vector_load %arg6[%swap3A_346, %swap3A_347] {strides = array<i32>} : memref<1x32768xi32, #tpu.memory_space<vmem>>, vector<1x16xi32>,
      %swap3A_349 = vector.shape_cast %swap3A_348 : vector<1x16xi32> to vector<16xi32>
      %swap3A_350 = vector.shape_cast %select_n3A_344 : vector<16xi32> to vector<1x16xi32>
      tpu.vector_store %arg6[%swap3A_346, %swap3A_347], %swap3A_350 {strides = array<i32>} : memref<1x32768xi32, #tpu.memory_space<vmem>>, vector<1x16xi32>,
      %mul3A_351 = arith.constant 16 : i32
      %mul3A_352 = arith.muli %scan3A_155, %mul3A_351 : i32
      %add3A_353 = arith.constant 8 : i32
      %add3A_354 = arith.addi %mul3A_352, %add3A_353 : i32
      %mul3A_355 = arith.constant 16 : i32
      %mul3A_356 = arith.muli %add3A_354, %mul3A_355 : i32
      %get3A_357 = arith.constant 0 : i32
      %get3A_358 = arith.index_cast %get3A_357 : i32 to index
      %get3A_359 = arith.index_cast %mul3A_356 : i32 to index
      %get3A_360 = tpu.vector_load %arg5[%get3A_358, %get3A_359] {strides = array<i32>} : memref<1x32768xf32, #tpu.memory_space<vmem>>, vector<1x16xf32>,
      %get3A_361 = vector.shape_cast %get3A_360 : vector<1x16xf32> to vector<16xf32>
      %bitcast_convert_type3A_362 = tpu.bitcast %get3A_361 : vector<16xf32> -> vector<16xi32>
      %ge3A_363 = arith.constant 0 : i32
      %ge3A_364 = vector.broadcast %ge3A_363 : i32 to vector<16xi32>
      %ge3A_365 = arith.cmpi sge, %bitcast_convert_type3A_362, %ge3A_364 : vector<16xi32>
      %xor3A_366 = arith.constant 2147483647 : i32
      %xor3A_367 = vector.broadcast %xor3A_366 : i32 to vector<16xi32>
      %xor3A_368 = arith.xori %bitcast_convert_type3A_362, %xor3A_367 : vector<16xi32>
      %select_n3A_369 = arith.select %ge3A_365, %bitcast_convert_type3A_362, %xor3A_368 : vector<16xi1>, vector<16xi32>
      %swap3A_370 = arith.constant 0 : i32
      %swap3A_371 = arith.index_cast %swap3A_370 : i32 to index
      %swap3A_372 = arith.index_cast %mul3A_356 : i32 to index
      %swap3A_373 = tpu.vector_load %arg6[%swap3A_371, %swap3A_372] {strides = array<i32>} : memref<1x32768xi32, #tpu.memory_space<vmem>>, vector<1x16xi32>,
      %swap3A_374 = vector.shape_cast %swap3A_373 : vector<1x16xi32> to vector<16xi32>
      %swap3A_375 = vector.shape_cast %select_n3A_369 : vector<16xi32> to vector<1x16xi32>
      tpu.vector_store %arg6[%swap3A_371, %swap3A_372], %swap3A_375 {strides = array<i32>} : memref<1x32768xi32, #tpu.memory_space<vmem>>, vector<1x16xi32>,
      %mul3A_376 = arith.constant 16 : i32
      %mul3A_377 = arith.muli %scan3A_155, %mul3A_376 : i32
      %add3A_378 = arith.constant 9 : i32
      %add3A_379 = arith.addi %mul3A_377, %add3A_378 : i32
      %mul3A_380 = arith.constant 16 : i32
      %mul3A_381 = arith.muli %add3A_379, %mul3A_380 : i32
      %get3A_382 = arith.constant 0 : i32
      %get3A_383 = arith.index_cast %get3A_382 : i32 to index
      %get3A_384 = arith.index_cast %mul3A_381 : i32 to index
      %get3A_385 = tpu.vector_load %arg5[%get3A_383, %get3A_384] {strides = array<i32>} : memref<1x32768xf32, #tpu.memory_space<vmem>>, vector<1x16xf32>,
      %get3A_386 = vector.shape_cast %get3A_385 : vector<1x16xf32> to vector<16xf32>
      %bitcast_convert_type3A_387 = tpu.bitcast %get3A_386 : vector<16xf32> -> vector<16xi32>
      %ge3A_388 = arith.constant 0 : i32
      %ge3A_389 = vector.broadcast %ge3A_388 : i32 to vector<16xi32>
      %ge3A_390 = arith.cmpi sge, %bitcast_convert_type3A_387, %ge3A_389 : vector<16xi32>
      %xor3A_391 = arith.constant 2147483647 : i32
      %xor3A_392 = vector.broadcast %xor3A_391 : i32 to vector<16xi32>
      %xor3A_393 = arith.xori %bitcast_convert_type3A_387, %xor3A_392 : vector<16xi32>
      %select_n3A_394 = arith.select %ge3A_390, %bitcast_convert_type3A_387, %xor3A_393 : vector<16xi1>, vector<16xi32>
      %swap3A_395 = arith.constant 0 : i32
      %swap3A_396 = arith.index_cast %swap3A_395 : i32 to index
      %swap3A_397 = arith.index_cast %mul3A_381 : i32 to index
      %swap3A_398 = tpu.vector_load %arg6[%swap3A_396, %swap3A_397] {strides = array<i32>} : memref<1x32768xi32, #tpu.memory_space<vmem>>, vector<1x16xi32>,
      %swap3A_399 = vector.shape_cast %swap3A_398 : vector<1x16xi32> to vector<16xi32>
      %swap3A_400 = vector.shape_cast %select_n3A_394 : vector<16xi32> to vector<1x16xi32>
      tpu.vector_store %arg6[%swap3A_396, %swap3A_397], %swap3A_400 {strides = array<i32>} : memref<1x32768xi32, #tpu.memory_space<vmem>>, vector<1x16xi32>,
      %mul3A_401 = arith.constant 16 : i32
      %mul3A_402 = arith.muli %scan3A_155, %mul3A_401 : i32
      %add3A_403 = arith.constant 10 : i32
      %add3A_404 = arith.addi %mul3A_402, %add3A_403 : i32
      %mul3A_405 = arith.constant 16 : i32
      %mul3A_406 = arith.muli %add3A_404, %mul3A_405 : i32
      %get3A_407 = arith.constant 0 : i32
      %get3A_408 = arith.index_cast %get3A_407 : i32 to index
      %get3A_409 = arith.index_cast %mul3A_406 : i32 to index
      %get3A_410 = tpu.vector_load %arg5[%get3A_408, %get3A_409] {strides = array<i32>} : memref<1x32768xf32, #tpu.memory_space<vmem>>, vector<1x16xf32>,
      %get3A_411 = vector.shape_cast %get3A_410 : vector<1x16xf32> to vector<16xf32>
      %bitcast_convert_type3A_412 = tpu.bitcast %get3A_411 : vector<16xf32> -> vector<16xi32>
      %ge3A_413 = arith.constant 0 : i32
      %ge3A_414 = vector.broadcast %ge3A_413 : i32 to vector<16xi32>
      %ge3A_415 = arith.cmpi sge, %bitcast_convert_type3A_412, %ge3A_414 : vector<16xi32>
      %xor3A_416 = arith.constant 2147483647 : i32
      %xor3A_417 = vector.broadcast %xor3A_416 : i32 to vector<16xi32>
      %xor3A_418 = arith.xori %bitcast_convert_type3A_412, %xor3A_417 : vector<16xi32>
      %select_n3A_419 = arith.select %ge3A_415, %bitcast_convert_type3A_412, %xor3A_418 : vector<16xi1>, vector<16xi32>
      %swap3A_420 = arith.constant 0 : i32
      %swap3A_421 = arith.index_cast %swap3A_420 : i32 to index
      %swap3A_422 = arith.index_cast %mul3A_406 : i32 to index
      %swap3A_423 = tpu.vector_load %arg6[%swap3A_421, %swap3A_422] {strides = array<i32>} : memref<1x32768xi32, #tpu.memory_space<vmem>>, vector<1x16xi32>,
      %swap3A_424 = vector.shape_cast %swap3A_423 : vector<1x16xi32> to vector<16xi32>
      %swap3A_425 = vector.shape_cast %select_n3A_419 : vector<16xi32> to vector<1x16xi32>
      tpu.vector_store %arg6[%swap3A_421, %swap3A_422], %swap3A_425 {strides = array<i32>} : memref<1x32768xi32, #tpu.memory_space<vmem>>, vector<1x16xi32>,
      %mul3A_426 = arith.constant 16 : i32
      %mul3A_427 = arith.muli %scan3A_155, %mul3A_426 : i32
      %add3A_428 = arith.constant 11 : i32
      %add3A_429 = arith.addi %mul3A_427, %add3A_428 : i32
      %mul3A_430 = arith.constant 16 : i32
      %mul3A_431 = arith.muli %add3A_429, %mul3A_430 : i32
      %get3A_432 = arith.constant 0 : i32
      %get3A_433 = arith.index_cast %get3A_432 : i32 to index
      %get3A_434 = arith.index_cast %mul3A_431 : i32 to index
      %get3A_435 = tpu.vector_load %arg5[%get3A_433, %get3A_434] {strides = array<i32>} : memref<1x32768xf32, #tpu.memory_space<vmem>>, vector<1x16xf32>,
      %get3A_436 = vector.shape_cast %get3A_435 : vector<1x16xf32> to vector<16xf32>
      %bitcast_convert_type3A_437 = tpu.bitcast %get3A_436 : vector<16xf32> -> vector<16xi32>
      %ge3A_438 = arith.constant 0 : i32
      %ge3A_439 = vector.broadcast %ge3A_438 : i32 to vector<16xi32>
      %ge3A_440 = arith.cmpi sge, %bitcast_convert_type3A_437, %ge3A_439 : vector<16xi32>
      %xor3A_441 = arith.constant 2147483647 : i32
      %xor3A_442 = vector.broadcast %xor3A_441 : i32 to vector<16xi32>
      %xor3A_443 = arith.xori %bitcast_convert_type3A_437, %xor3A_442 : vector<16xi32>
      %select_n3A_444 = arith.select %ge3A_440, %bitcast_convert_type3A_437, %xor3A_443 : vector<16xi1>, vector<16xi32>
      %swap3A_445 = arith.constant 0 : i32
      %swap3A_446 = arith.index_cast %swap3A_445 : i32 to index
      %swap3A_447 = arith.index_cast %mul3A_431 : i32 to index
      %swap3A_448 = tpu.vector_load %arg6[%swap3A_446, %swap3A_447] {strides = array<i32>} : memref<1x32768xi32, #tpu.memory_space<vmem>>, vector<1x16xi32>,
      %swap3A_449 = vector.shape_cast %swap3A_448 : vector<1x16xi32> to vector<16xi32>
      %swap3A_450 = vector.shape_cast %select_n3A_444 : vector<16xi32> to vector<1x16xi32>
      tpu.vector_store %arg6[%swap3A_446, %swap3A_447], %swap3A_450 {strides = array<i32>} : memref<1x32768xi32, #tpu.memory_space<vmem>>, vector<1x16xi32>,
      %mul3A_451 = arith.constant 16 : i32
      %mul3A_452 = arith.muli %scan3A_155, %mul3A_451 : i32
      %add3A_453 = arith.constant 12 : i32
      %add3A_454 = arith.addi %mul3A_452, %add3A_453 : i32
      %mul3A_455 = arith.constant 16 : i32
      %mul3A_456 = arith.muli %add3A_454, %mul3A_455 : i32
      %get3A_457 = arith.constant 0 : i32
      %get3A_458 = arith.index_cast %get3A_457 : i32 to index
      %get3A_459 = arith.index_cast %mul3A_456 : i32 to index
      %get3A_460 = tpu.vector_load %arg5[%get3A_458, %get3A_459] {strides = array<i32>} : memref<1x32768xf32, #tpu.memory_space<vmem>>, vector<1x16xf32>,
      %get3A_461 = vector.shape_cast %get3A_460 : vector<1x16xf32> to vector<16xf32>
      %bitcast_convert_type3A_462 = tpu.bitcast %get3A_461 : vector<16xf32> -> vector<16xi32>
      %ge3A_463 = arith.constant 0 : i32
      %ge3A_464 = vector.broadcast %ge3A_463 : i32 to vector<16xi32>
      %ge3A_465 = arith.cmpi sge, %bitcast_convert_type3A_462, %ge3A_464 : vector<16xi32>
      %xor3A_466 = arith.constant 2147483647 : i32
      %xor3A_467 = vector.broadcast %xor3A_466 : i32 to vector<16xi32>
      %xor3A_468 = arith.xori %bitcast_convert_type3A_462, %xor3A_467 : vector<16xi32>
      %select_n3A_469 = arith.select %ge3A_465, %bitcast_convert_type3A_462, %xor3A_468 : vector<16xi1>, vector<16xi32>
      %swap3A_470 = arith.constant 0 : i32
      %swap3A_471 = arith.index_cast %swap3A_470 : i32 to index
      %swap3A_472 = arith.index_cast %mul3A_456 : i32 to index
      %swap3A_473 = tpu.vector_load %arg6[%swap3A_471, %swap3A_472] {strides = array<i32>} : memref<1x32768xi32, #tpu.memory_space<vmem>>, vector<1x16xi32>,
      %swap3A_474 = vector.shape_cast %swap3A_473 : vector<1x16xi32> to vector<16xi32>
      %swap3A_475 = vector.shape_cast %select_n3A_469 : vector<16xi32> to vector<1x16xi32>
      tpu.vector_store %arg6[%swap3A_471, %swap3A_472], %swap3A_475 {strides = array<i32>} : memref<1x32768xi32, #tpu.memory_space<vmem>>, vector<1x16xi32>,
      %mul3A_476 = arith.constant 16 : i32
      %mul3A_477 = arith.muli %scan3A_155, %mul3A_476 : i32
      %add3A_478 = arith.constant 13 : i32
      %add3A_479 = arith.addi %mul3A_477, %add3A_478 : i32
      %mul3A_480 = arith.constant 16 : i32
      %mul3A_481 = arith.muli %add3A_479, %mul3A_480 : i32
      %get3A_482 = arith.constant 0 : i32
      %get3A_483 = arith.index_cast %get3A_482 : i32 to index
      %get3A_484 = arith.index_cast %mul3A_481 : i32 to index
      %get3A_485 = tpu.vector_load %arg5[%get3A_483, %get3A_484] {strides = array<i32>} : memref<1x32768xf32, #tpu.memory_space<vmem>>, vector<1x16xf32>,
      %get3A_486 = vector.shape_cast %get3A_485 : vector<1x16xf32> to vector<16xf32>
      %bitcast_convert_type3A_487 = tpu.bitcast %get3A_486 : vector<16xf32> -> vector<16xi32>
      %ge3A_488 = arith.constant 0 : i32
      %ge3A_489 = vector.broadcast %ge3A_488 : i32 to vector<16xi32>
      %ge3A_490 = arith.cmpi sge, %bitcast_convert_type3A_487, %ge3A_489 : vector<16xi32>
      %xor3A_491 = arith.constant 2147483647 : i32
      %xor3A_492 = vector.broadcast %xor3A_491 : i32 to vector<16xi32>
      %xor3A_493 = arith.xori %bitcast_convert_type3A_487, %xor3A_492 : vector<16xi32>
      %select_n3A_494 = arith.select %ge3A_490, %bitcast_convert_type3A_487, %xor3A_493 : vector<16xi1>, vector<16xi32>
      %swap3A_495 = arith.constant 0 : i32
      %swap3A_496 = arith.index_cast %swap3A_495 : i32 to index
      %swap3A_497 = arith.index_cast %mul3A_481 : i32 to index
      %swap3A_498 = tpu.vector_load %arg6[%swap3A_496, %swap3A_497] {strides = array<i32>} : memref<1x32768xi32, #tpu.memory_space<vmem>>, vector<1x16xi32>,
      %swap3A_499 = vector.shape_cast %swap3A_498 : vector<1x16xi32> to vector<16xi32>
      %swap3A_500 = vector.shape_cast %select_n3A_494 : vector<16xi32> to vector<1x16xi32>
      tpu.vector_store %arg6[%swap3A_496, %swap3A_497], %swap3A_500 {strides = array<i32>} : memref<1x32768xi32, #tpu.memory_space<vmem>>, vector<1x16xi32>,
      %mul3A_501 = arith.constant 16 : i32
      %mul3A_502 = arith.muli %scan3A_155, %mul3A_501 : i32
      %add3A_503 = arith.constant 14 : i32
      %add3A_504 = arith.addi %mul3A_502, %add3A_503 : i32
      %mul3A_505 = arith.constant 16 : i32
      %mul3A_506 = arith.muli %add3A_504, %mul3A_505 : i32
      %get3A_507 = arith.constant 0 : i32
      %get3A_508 = arith.index_cast %get3A_507 : i32 to index
      %get3A_509 = arith.index_cast %mul3A_506 : i32 to index
      %get3A_510 = tpu.vector_load %arg5[%get3A_508, %get3A_509] {strides = array<i32>} : memref<1x32768xf32, #tpu.memory_space<vmem>>, vector<1x16xf32>,
      %get3A_511 = vector.shape_cast %get3A_510 : vector<1x16xf32> to vector<16xf32>
      %bitcast_convert_type3A_512 = tpu.bitcast %get3A_511 : vector<16xf32> -> vector<16xi32>
      %ge3A_513 = arith.constant 0 : i32
      %ge3A_514 = vector.broadcast %ge3A_513 : i32 to vector<16xi32>
      %ge3A_515 = arith.cmpi sge, %bitcast_convert_type3A_512, %ge3A_514 : vector<16xi32>
      %xor3A_516 = arith.constant 2147483647 : i32
      %xor3A_517 = vector.broadcast %xor3A_516 : i32 to vector<16xi32>
      %xor3A_518 = arith.xori %bitcast_convert_type3A_512, %xor3A_517 : vector<16xi32>
      %select_n3A_519 = arith.select %ge3A_515, %bitcast_convert_type3A_512, %xor3A_518 : vector<16xi1>, vector<16xi32>
      %swap3A_520 = arith.constant 0 : i32
      %swap3A_521 = arith.index_cast %swap3A_520 : i32 to index
      %swap3A_522 = arith.index_cast %mul3A_506 : i32 to index
      %swap3A_523 = tpu.vector_load %arg6[%swap3A_521, %swap3A_522] {strides = array<i32>} : memref<1x32768xi32, #tpu.memory_space<vmem>>, vector<1x16xi32>,
      %swap3A_524 = vector.shape_cast %swap3A_523 : vector<1x16xi32> to vector<16xi32>
      %swap3A_525 = vector.shape_cast %select_n3A_519 : vector<16xi32> to vector<1x16xi32>
      tpu.vector_store %arg6[%swap3A_521, %swap3A_522], %swap3A_525 {strides = array<i32>} : memref<1x32768xi32, #tpu.memory_space<vmem>>, vector<1x16xi32>,
      %mul3A_526 = arith.constant 16 : i32
      %mul3A_527 = arith.muli %scan3A_155, %mul3A_526 : i32
      %add3A_528 = arith.constant 15 : i32
      %add3A_529 = arith.addi %mul3A_527, %add3A_528 : i32
      %mul3A_530 = arith.constant 16 : i32
      %mul3A_531 = arith.muli %add3A_529, %mul3A_530 : i32
      %get3A_532 = arith.constant 0 : i32
      %get3A_533 = arith.index_cast %get3A_532 : i32 to index
      %get3A_534 = arith.index_cast %mul3A_531 : i32 to index
      %get3A_535 = tpu.vector_load %arg5[%get3A_533, %get3A_534] {strides = array<i32>} : memref<1x32768xf32, #tpu.memory_space<vmem>>, vector<1x16xf32>,
      %get3A_536 = vector.shape_cast %get3A_535 : vector<1x16xf32> to vector<16xf32>
      %bitcast_convert_type3A_537 = tpu.bitcast %get3A_536 : vector<16xf32> -> vector<16xi32>
      %ge3A_538 = arith.constant 0 : i32
      %ge3A_539 = vector.broadcast %ge3A_538 : i32 to vector<16xi32>
      %ge3A_540 = arith.cmpi sge, %bitcast_convert_type3A_537, %ge3A_539 : vector<16xi32>
      %xor3A_541 = arith.constant 2147483647 : i32
      %xor3A_542 = vector.broadcast %xor3A_541 : i32 to vector<16xi32>
      %xor3A_543 = arith.xori %bitcast_convert_type3A_537, %xor3A_542 : vector<16xi32>
      %select_n3A_544 = arith.select %ge3A_540, %bitcast_convert_type3A_537, %xor3A_543 : vector<16xi1>, vector<16xi32>
      %swap3A_545 = arith.constant 0 : i32
      %swap3A_546 = arith.index_cast %swap3A_545 : i32 to index
      %swap3A_547 = arith.index_cast %mul3A_531 : i32 to index
      %swap3A_548 = tpu.vector_load %arg6[%swap3A_546, %swap3A_547] {strides = array<i32>} : memref<1x32768xi32, #tpu.memory_space<vmem>>, vector<1x16xi32>,
      %swap3A_549 = vector.shape_cast %swap3A_548 : vector<1x16xi32> to vector<16xi32>
      %swap3A_550 = vector.shape_cast %select_n3A_544 : vector<16xi32> to vector<1x16xi32>
      tpu.vector_store %arg6[%swap3A_546, %swap3A_547], %swap3A_550 {strides = array<i32>} : memref<1x32768xi32, #tpu.memory_space<vmem>>, vector<1x16xi32>,
    }
    %scan3A_88 = arith.constant 128 : i32
    %broadcast_in_dim3A_89 = arith.constant -2147483648 : i32
    %broadcast_in_dim3A_90 = vector.broadcast %broadcast_in_dim3A_89 : i32 to vector<16xi32>
    %scan3A_91 = arith.constant 0 : i32
    %scan3A_92 = arith.constant 32 : i32
    %scan3A_93 = arith.addi %scan3A_91, %scan3A_92 : i32
    %scan3A_94 = arith.constant 1 : i32
    %scan3A_95 = scf.for %scan3A_155 = %scan3A_91 to %scan3A_93 step %scan3A_94 iter_args(%scan3A_156 = %broadcast_in_dim3A_90) -> (vector<16xi32>)  : i32 {
      %broadcast_in_dim3A_157 = arith.constant 1 : i32
      %broadcast_in_dim3A_158 = vector.broadcast %broadcast_in_dim3A_157 : i32 to vector<16xi32>
      %broadcast_in_dim3A_159 = arith.constant 31 : i32
      %broadcast_in_dim3A_160 = vector.broadcast %broadcast_in_dim3A_159 : i32 to vector<16xi32>
      %sub3A = vector.broadcast %scan3A_155 : i32 to vector<16xi32>
      %sub3A_161 = arith.subi %broadcast_in_dim3A_160, %sub3A : vector<16xi32>
      %shift_left3A = arith.shli %broadcast_in_dim3A_158, %sub3A_161 : vector<16xi32>
      %add3A_162 = arith.addi %scan3A_156, %shift_left3A : vector<16xi32>
      %broadcast_in_dim3A_163 = arith.constant 0 : i32
      %broadcast_in_dim3A_164 = vector.broadcast %broadcast_in_dim3A_163 : i32 to vector<16xi32>
      %scan3A_165 = arith.constant 0 : i32
      %scan3A_166 = arith.constant 128 : i32
      %scan3A_167 = arith.addi %scan3A_165, %scan3A_166 : i32
      %scan3A_168 = arith.constant 1 : i32
      %scan3A_169 = scf.for %scan3A_200 = %scan3A_165 to %scan3A_167 step %scan3A_168 iter_args(%scan3A_201 = %broadcast_in_dim3A_164) -> (vector<16xi32>)  : i32 {
        %mul3A_202 = arith.constant 16 : i32
        %mul3A_203 = arith.muli %scan3A_200, %mul3A_202 : i32
        %add3A_204 = arith.constant 0 : i32
        %add3A_205 = arith.addi %mul3A_203, %add3A_204 : i32
        %mul3A_206 = arith.constant 16 : i32
        %mul3A_207 = arith.muli %add3A_205, %mul3A_206 : i32
        %get3A = arith.constant 0 : i32
        %get3A_208 = arith.index_cast %get3A : i32 to index
        %get3A_209 = arith.index_cast %mul3A_207 : i32 to index
        %get3A_210 = tpu.vector_load %arg6[%get3A_208, %get3A_209] {strides = array<i32>} : memref<1x32768xi32, #tpu.memory_space<vmem>>, vector<1x16xi32>,
        %get3A_211 = vector.shape_cast %get3A_210 : vector<1x16xi32> to vector<16xi32>
        %ge3A_212 = arith.cmpi sge, %get3A_211, %add3A_162 : vector<16xi32>
        %jit3A = arith.constant 1 : i32
        %jit3A_213 = arith.constant 0 : i32
        %broadcast_in_dim3A_214 = vector.broadcast %jit3A : i32 to vector<16xi32>
        %broadcast_in_dim3A_215 = vector.broadcast %jit3A_213 : i32 to vector<16xi32>
        %select_n3A_216 = arith.select %ge3A_212, %broadcast_in_dim3A_214, %broadcast_in_dim3A_215 : vector<16xi1>, vector<16xi32>
        %add3A_217 = arith.addi %scan3A_201, %select_n3A_216 : vector<16xi32>
        %mul3A_218 = arith.constant 16 : i32
        %mul3A_219 = arith.muli %scan3A_200, %mul3A_218 : i32
        %add3A_220 = arith.constant 1 : i32
        %add3A_221 = arith.addi %mul3A_219, %add3A_220 : i32
        %mul3A_222 = arith.constant 16 : i32
        %mul3A_223 = arith.muli %add3A_221, %mul3A_222 : i32
        %get3A_224 = arith.constant 0 : i32
        %get3A_225 = arith.index_cast %get3A_224 : i32 to index
        %get3A_226 = arith.index_cast %mul3A_223 : i32 to index
        %get3A_227 = tpu.vector_load %arg6[%get3A_225, %get3A_226] {strides = array<i32>} : memref<1x32768xi32, #tpu.memory_space<vmem>>, vector<1x16xi32>,
        %get3A_228 = vector.shape_cast %get3A_227 : vector<1x16xi32> to vector<16xi32>
        %ge3A_229 = arith.cmpi sge, %get3A_228, %add3A_162 : vector<16xi32>
        %jit3A_230 = arith.constant 1 : i32
        %jit3A_231 = arith.constant 0 : i32
        %broadcast_in_dim3A_232 = vector.broadcast %jit3A_230 : i32 to vector<16xi32>
        %broadcast_in_dim3A_233 = vector.broadcast %jit3A_231 : i32 to vector<16xi32>
        %select_n3A_234 = arith.select %ge3A_229, %broadcast_in_dim3A_232, %broadcast_in_dim3A_233 : vector<16xi1>, vector<16xi32>
        %add3A_235 = arith.addi %add3A_217, %select_n3A_234 : vector<16xi32>
        %mul3A_236 = arith.constant 16 : i32
        %mul3A_237 = arith.muli %scan3A_200, %mul3A_236 : i32
        %add3A_238 = arith.constant 2 : i32
        %add3A_239 = arith.addi %mul3A_237, %add3A_238 : i32
        %mul3A_240 = arith.constant 16 : i32
        %mul3A_241 = arith.muli %add3A_239, %mul3A_240 : i32
        %get3A_242 = arith.constant 0 : i32
        %get3A_243 = arith.index_cast %get3A_242 : i32 to index
        %get3A_244 = arith.index_cast %mul3A_241 : i32 to index
        %get3A_245 = tpu.vector_load %arg6[%get3A_243, %get3A_244] {strides = array<i32>} : memref<1x32768xi32, #tpu.memory_space<vmem>>, vector<1x16xi32>,
        %get3A_246 = vector.shape_cast %get3A_245 : vector<1x16xi32> to vector<16xi32>
        %ge3A_247 = arith.cmpi sge, %get3A_246, %add3A_162 : vector<16xi32>
        %jit3A_248 = arith.constant 1 : i32
        %jit3A_249 = arith.constant 0 : i32
        %broadcast_in_dim3A_250 = vector.broadcast %jit3A_248 : i32 to vector<16xi32>
        %broadcast_in_dim3A_251 = vector.broadcast %jit3A_249 : i32 to vector<16xi32>
        %select_n3A_252 = arith.select %ge3A_247, %broadcast_in_dim3A_250, %broadcast_in_dim3A_251 : vector<16xi1>, vector<16xi32>
        %add3A_253 = arith.addi %add3A_235, %select_n3A_252 : vector<16xi32>
        %mul3A_254 = arith.constant 16 : i32
        %mul3A_255 = arith.muli %scan3A_200, %mul3A_254 : i32
        %add3A_256 = arith.constant 3 : i32
        %add3A_257 = arith.addi %mul3A_255, %add3A_256 : i32
        %mul3A_258 = arith.constant 16 : i32
        %mul3A_259 = arith.muli %add3A_257, %mul3A_258 : i32
        %get3A_260 = arith.constant 0 : i32
        %get3A_261 = arith.index_cast %get3A_260 : i32 to index
        %get3A_262 = arith.index_cast %mul3A_259 : i32 to index
        %get3A_263 = tpu.vector_load %arg6[%get3A_261, %get3A_262] {strides = array<i32>} : memref<1x32768xi32, #tpu.memory_space<vmem>>, vector<1x16xi32>,
        %get3A_264 = vector.shape_cast %get3A_263 : vector<1x16xi32> to vector<16xi32>
        %ge3A_265 = arith.cmpi sge, %get3A_264, %add3A_162 : vector<16xi32>
        %jit3A_266 = arith.constant 1 : i32
        %jit3A_267 = arith.constant 0 : i32
        %broadcast_in_dim3A_268 = vector.broadcast %jit3A_266 : i32 to vector<16xi32>
        %broadcast_in_dim3A_269 = vector.broadcast %jit3A_267 : i32 to vector<16xi32>
        %select_n3A_270 = arith.select %ge3A_265, %broadcast_in_dim3A_268, %broadcast_in_dim3A_269 : vector<16xi1>, vector<16xi32>
        %add3A_271 = arith.addi %add3A_253, %select_n3A_270 : vector<16xi32>
        %mul3A_272 = arith.constant 16 : i32
        %mul3A_273 = arith.muli %scan3A_200, %mul3A_272 : i32
        %add3A_274 = arith.constant 4 : i32
        %add3A_275 = arith.addi %mul3A_273, %add3A_274 : i32
        %mul3A_276 = arith.constant 16 : i32
        %mul3A_277 = arith.muli %add3A_275, %mul3A_276 : i32
        %get3A_278 = arith.constant 0 : i32
        %get3A_279 = arith.index_cast %get3A_278 : i32 to index
        %get3A_280 = arith.index_cast %mul3A_277 : i32 to index
        %get3A_281 = tpu.vector_load %arg6[%get3A_279, %get3A_280] {strides = array<i32>} : memref<1x32768xi32, #tpu.memory_space<vmem>>, vector<1x16xi32>,
        %get3A_282 = vector.shape_cast %get3A_281 : vector<1x16xi32> to vector<16xi32>
        %ge3A_283 = arith.cmpi sge, %get3A_282, %add3A_162 : vector<16xi32>
        %jit3A_284 = arith.constant 1 : i32
        %jit3A_285 = arith.constant 0 : i32
        %broadcast_in_dim3A_286 = vector.broadcast %jit3A_284 : i32 to vector<16xi32>
        %broadcast_in_dim3A_287 = vector.broadcast %jit3A_285 : i32 to vector<16xi32>
        %select_n3A_288 = arith.select %ge3A_283, %broadcast_in_dim3A_286, %broadcast_in_dim3A_287 : vector<16xi1>, vector<16xi32>
        %add3A_289 = arith.addi %add3A_271, %select_n3A_288 : vector<16xi32>
        %mul3A_290 = arith.constant 16 : i32
        %mul3A_291 = arith.muli %scan3A_200, %mul3A_290 : i32
        %add3A_292 = arith.constant 5 : i32
        %add3A_293 = arith.addi %mul3A_291, %add3A_292 : i32
        %mul3A_294 = arith.constant 16 : i32
        %mul3A_295 = arith.muli %add3A_293, %mul3A_294 : i32
        %get3A_296 = arith.constant 0 : i32
        %get3A_297 = arith.index_cast %get3A_296 : i32 to index
        %get3A_298 = arith.index_cast %mul3A_295 : i32 to index
        %get3A_299 = tpu.vector_load %arg6[%get3A_297, %get3A_298] {strides = array<i32>} : memref<1x32768xi32, #tpu.memory_space<vmem>>, vector<1x16xi32>,
        %get3A_300 = vector.shape_cast %get3A_299 : vector<1x16xi32> to vector<16xi32>
        %ge3A_301 = arith.cmpi sge, %get3A_300, %add3A_162 : vector<16xi32>
        %jit3A_302 = arith.constant 1 : i32
        %jit3A_303 = arith.constant 0 : i32
        %broadcast_in_dim3A_304 = vector.broadcast %jit3A_302 : i32 to vector<16xi32>
        %broadcast_in_dim3A_305 = vector.broadcast %jit3A_303 : i32 to vector<16xi32>
        %select_n3A_306 = arith.select %ge3A_301, %broadcast_in_dim3A_304, %broadcast_in_dim3A_305 : vector<16xi1>, vector<16xi32>
        %add3A_307 = arith.addi %add3A_289, %select_n3A_306 : vector<16xi32>
        %mul3A_308 = arith.constant 16 : i32
        %mul3A_309 = arith.muli %scan3A_200, %mul3A_308 : i32
        %add3A_310 = arith.constant 6 : i32
        %add3A_311 = arith.addi %mul3A_309, %add3A_310 : i32
        %mul3A_312 = arith.constant 16 : i32
        %mul3A_313 = arith.muli %add3A_311, %mul3A_312 : i32
        %get3A_314 = arith.constant 0 : i32
        %get3A_315 = arith.index_cast %get3A_314 : i32 to index
        %get3A_316 = arith.index_cast %mul3A_313 : i32 to index
        %get3A_317 = tpu.vector_load %arg6[%get3A_315, %get3A_316] {strides = array<i32>} : memref<1x32768xi32, #tpu.memory_space<vmem>>, vector<1x16xi32>,
        %get3A_318 = vector.shape_cast %get3A_317 : vector<1x16xi32> to vector<16xi32>
        %ge3A_319 = arith.cmpi sge, %get3A_318, %add3A_162 : vector<16xi32>
        %jit3A_320 = arith.constant 1 : i32
        %jit3A_321 = arith.constant 0 : i32
        %broadcast_in_dim3A_322 = vector.broadcast %jit3A_320 : i32 to vector<16xi32>
        %broadcast_in_dim3A_323 = vector.broadcast %jit3A_321 : i32 to vector<16xi32>
        %select_n3A_324 = arith.select %ge3A_319, %broadcast_in_dim3A_322, %broadcast_in_dim3A_323 : vector<16xi1>, vector<16xi32>
        %add3A_325 = arith.addi %add3A_307, %select_n3A_324 : vector<16xi32>
        %mul3A_326 = arith.constant 16 : i32
        %mul3A_327 = arith.muli %scan3A_200, %mul3A_326 : i32
        %add3A_328 = arith.constant 7 : i32
        %add3A_329 = arith.addi %mul3A_327, %add3A_328 : i32
        %mul3A_330 = arith.constant 16 : i32
        %mul3A_331 = arith.muli %add3A_329, %mul3A_330 : i32
        %get3A_332 = arith.constant 0 : i32
        %get3A_333 = arith.index_cast %get3A_332 : i32 to index
        %get3A_334 = arith.index_cast %mul3A_331 : i32 to index
        %get3A_335 = tpu.vector_load %arg6[%get3A_333, %get3A_334] {strides = array<i32>} : memref<1x32768xi32, #tpu.memory_space<vmem>>, vector<1x16xi32>,
        %get3A_336 = vector.shape_cast %get3A_335 : vector<1x16xi32> to vector<16xi32>
        %ge3A_337 = arith.cmpi sge, %get3A_336, %add3A_162 : vector<16xi32>
        %jit3A_338 = arith.constant 1 : i32
        %jit3A_339 = arith.constant 0 : i32
        %broadcast_in_dim3A_340 = vector.broadcast %jit3A_338 : i32 to vector<16xi32>
        %broadcast_in_dim3A_341 = vector.broadcast %jit3A_339 : i32 to vector<16xi32>
        %select_n3A_342 = arith.select %ge3A_337, %broadcast_in_dim3A_340, %broadcast_in_dim3A_341 : vector<16xi1>, vector<16xi32>
        %add3A_343 = arith.addi %add3A_325, %select_n3A_342 : vector<16xi32>
        %mul3A_344 = arith.constant 16 : i32
        %mul3A_345 = arith.muli %scan3A_200, %mul3A_344 : i32
        %add3A_346 = arith.constant 8 : i32
        %add3A_347 = arith.addi %mul3A_345, %add3A_346 : i32
        %mul3A_348 = arith.constant 16 : i32
        %mul3A_349 = arith.muli %add3A_347, %mul3A_348 : i32
        %get3A_350 = arith.constant 0 : i32
        %get3A_351 = arith.index_cast %get3A_350 : i32 to index
        %get3A_352 = arith.index_cast %mul3A_349 : i32 to index
        %get3A_353 = tpu.vector_load %arg6[%get3A_351, %get3A_352] {strides = array<i32>} : memref<1x32768xi32, #tpu.memory_space<vmem>>, vector<1x16xi32>,
        %get3A_354 = vector.shape_cast %get3A_353 : vector<1x16xi32> to vector<16xi32>
        %ge3A_355 = arith.cmpi sge, %get3A_354, %add3A_162 : vector<16xi32>
        %jit3A_356 = arith.constant 1 : i32
        %jit3A_357 = arith.constant 0 : i32
        %broadcast_in_dim3A_358 = vector.broadcast %jit3A_356 : i32 to vector<16xi32>
        %broadcast_in_dim3A_359 = vector.broadcast %jit3A_357 : i32 to vector<16xi32>
        %select_n3A_360 = arith.select %ge3A_355, %broadcast_in_dim3A_358, %broadcast_in_dim3A_359 : vector<16xi1>, vector<16xi32>
        %add3A_361 = arith.addi %add3A_343, %select_n3A_360 : vector<16xi32>
        %mul3A_362 = arith.constant 16 : i32
        %mul3A_363 = arith.muli %scan3A_200, %mul3A_362 : i32
        %add3A_364 = arith.constant 9 : i32
        %add3A_365 = arith.addi %mul3A_363, %add3A_364 : i32
        %mul3A_366 = arith.constant 16 : i32
        %mul3A_367 = arith.muli %add3A_365, %mul3A_366 : i32
        %get3A_368 = arith.constant 0 : i32
        %get3A_369 = arith.index_cast %get3A_368 : i32 to index
        %get3A_370 = arith.index_cast %mul3A_367 : i32 to index
        %get3A_371 = tpu.vector_load %arg6[%get3A_369, %get3A_370] {strides = array<i32>} : memref<1x32768xi32, #tpu.memory_space<vmem>>, vector<1x16xi32>,
        %get3A_372 = vector.shape_cast %get3A_371 : vector<1x16xi32> to vector<16xi32>
        %ge3A_373 = arith.cmpi sge, %get3A_372, %add3A_162 : vector<16xi32>
        %jit3A_374 = arith.constant 1 : i32
        %jit3A_375 = arith.constant 0 : i32
        %broadcast_in_dim3A_376 = vector.broadcast %jit3A_374 : i32 to vector<16xi32>
        %broadcast_in_dim3A_377 = vector.broadcast %jit3A_375 : i32 to vector<16xi32>
        %select_n3A_378 = arith.select %ge3A_373, %broadcast_in_dim3A_376, %broadcast_in_dim3A_377 : vector<16xi1>, vector<16xi32>
        %add3A_379 = arith.addi %add3A_361, %select_n3A_378 : vector<16xi32>
        %mul3A_380 = arith.constant 16 : i32
        %mul3A_381 = arith.muli %scan3A_200, %mul3A_380 : i32
        %add3A_382 = arith.constant 10 : i32
        %add3A_383 = arith.addi %mul3A_381, %add3A_382 : i32
        %mul3A_384 = arith.constant 16 : i32
        %mul3A_385 = arith.muli %add3A_383, %mul3A_384 : i32
        %get3A_386 = arith.constant 0 : i32
        %get3A_387 = arith.index_cast %get3A_386 : i32 to index
        %get3A_388 = arith.index_cast %mul3A_385 : i32 to index
        %get3A_389 = tpu.vector_load %arg6[%get3A_387, %get3A_388] {strides = array<i32>} : memref<1x32768xi32, #tpu.memory_space<vmem>>, vector<1x16xi32>,
        %get3A_390 = vector.shape_cast %get3A_389 : vector<1x16xi32> to vector<16xi32>
        %ge3A_391 = arith.cmpi sge, %get3A_390, %add3A_162 : vector<16xi32>
        %jit3A_392 = arith.constant 1 : i32
        %jit3A_393 = arith.constant 0 : i32
        %broadcast_in_dim3A_394 = vector.broadcast %jit3A_392 : i32 to vector<16xi32>
        %broadcast_in_dim3A_395 = vector.broadcast %jit3A_393 : i32 to vector<16xi32>
        %select_n3A_396 = arith.select %ge3A_391, %broadcast_in_dim3A_394, %broadcast_in_dim3A_395 : vector<16xi1>, vector<16xi32>
        %add3A_397 = arith.addi %add3A_379, %select_n3A_396 : vector<16xi32>
        %mul3A_398 = arith.constant 16 : i32
        %mul3A_399 = arith.muli %scan3A_200, %mul3A_398 : i32
        %add3A_400 = arith.constant 11 : i32
        %add3A_401 = arith.addi %mul3A_399, %add3A_400 : i32
        %mul3A_402 = arith.constant 16 : i32
        %mul3A_403 = arith.muli %add3A_401, %mul3A_402 : i32
        %get3A_404 = arith.constant 0 : i32
        %get3A_405 = arith.index_cast %get3A_404 : i32 to index
        %get3A_406 = arith.index_cast %mul3A_403 : i32 to index
        %get3A_407 = tpu.vector_load %arg6[%get3A_405, %get3A_406] {strides = array<i32>} : memref<1x32768xi32, #tpu.memory_space<vmem>>, vector<1x16xi32>,
        %get3A_408 = vector.shape_cast %get3A_407 : vector<1x16xi32> to vector<16xi32>
        %ge3A_409 = arith.cmpi sge, %get3A_408, %add3A_162 : vector<16xi32>
        %jit3A_410 = arith.constant 1 : i32
        %jit3A_411 = arith.constant 0 : i32
        %broadcast_in_dim3A_412 = vector.broadcast %jit3A_410 : i32 to vector<16xi32>
        %broadcast_in_dim3A_413 = vector.broadcast %jit3A_411 : i32 to vector<16xi32>
        %select_n3A_414 = arith.select %ge3A_409, %broadcast_in_dim3A_412, %broadcast_in_dim3A_413 : vector<16xi1>, vector<16xi32>
        %add3A_415 = arith.addi %add3A_397, %select_n3A_414 : vector<16xi32>
        %mul3A_416 = arith.constant 16 : i32
        %mul3A_417 = arith.muli %scan3A_200, %mul3A_416 : i32
        %add3A_418 = arith.constant 12 : i32
        %add3A_419 = arith.addi %mul3A_417, %add3A_418 : i32
        %mul3A_420 = arith.constant 16 : i32
        %mul3A_421 = arith.muli %add3A_419, %mul3A_420 : i32
        %get3A_422 = arith.constant 0 : i32
        %get3A_423 = arith.index_cast %get3A_422 : i32 to index
        %get3A_424 = arith.index_cast %mul3A_421 : i32 to index
        %get3A_425 = tpu.vector_load %arg6[%get3A_423, %get3A_424] {strides = array<i32>} : memref<1x32768xi32, #tpu.memory_space<vmem>>, vector<1x16xi32>,
        %get3A_426 = vector.shape_cast %get3A_425 : vector<1x16xi32> to vector<16xi32>
        %ge3A_427 = arith.cmpi sge, %get3A_426, %add3A_162 : vector<16xi32>
        %jit3A_428 = arith.constant 1 : i32
        %jit3A_429 = arith.constant 0 : i32
        %broadcast_in_dim3A_430 = vector.broadcast %jit3A_428 : i32 to vector<16xi32>
        %broadcast_in_dim3A_431 = vector.broadcast %jit3A_429 : i32 to vector<16xi32>
        %select_n3A_432 = arith.select %ge3A_427, %broadcast_in_dim3A_430, %broadcast_in_dim3A_431 : vector<16xi1>, vector<16xi32>
        %add3A_433 = arith.addi %add3A_415, %select_n3A_432 : vector<16xi32>
        %mul3A_434 = arith.constant 16 : i32
        %mul3A_435 = arith.muli %scan3A_200, %mul3A_434 : i32
        %add3A_436 = arith.constant 13 : i32
        %add3A_437 = arith.addi %mul3A_435, %add3A_436 : i32
        %mul3A_438 = arith.constant 16 : i32
        %mul3A_439 = arith.muli %add3A_437, %mul3A_438 : i32
        %get3A_440 = arith.constant 0 : i32
        %get3A_441 = arith.index_cast %get3A_440 : i32 to index
        %get3A_442 = arith.index_cast %mul3A_439 : i32 to index
        %get3A_443 = tpu.vector_load %arg6[%get3A_441, %get3A_442] {strides = array<i32>} : memref<1x32768xi32, #tpu.memory_space<vmem>>, vector<1x16xi32>,
        %get3A_444 = vector.shape_cast %get3A_443 : vector<1x16xi32> to vector<16xi32>
        %ge3A_445 = arith.cmpi sge, %get3A_444, %add3A_162 : vector<16xi32>
        %jit3A_446 = arith.constant 1 : i32
        %jit3A_447 = arith.constant 0 : i32
        %broadcast_in_dim3A_448 = vector.broadcast %jit3A_446 : i32 to vector<16xi32>
        %broadcast_in_dim3A_449 = vector.broadcast %jit3A_447 : i32 to vector<16xi32>
        %select_n3A_450 = arith.select %ge3A_445, %broadcast_in_dim3A_448, %broadcast_in_dim3A_449 : vector<16xi1>, vector<16xi32>
        %add3A_451 = arith.addi %add3A_433, %select_n3A_450 : vector<16xi32>
        %mul3A_452 = arith.constant 16 : i32
        %mul3A_453 = arith.muli %scan3A_200, %mul3A_452 : i32
        %add3A_454 = arith.constant 14 : i32
        %add3A_455 = arith.addi %mul3A_453, %add3A_454 : i32
        %mul3A_456 = arith.constant 16 : i32
        %mul3A_457 = arith.muli %add3A_455, %mul3A_456 : i32
        %get3A_458 = arith.constant 0 : i32
        %get3A_459 = arith.index_cast %get3A_458 : i32 to index
        %get3A_460 = arith.index_cast %mul3A_457 : i32 to index
        %get3A_461 = tpu.vector_load %arg6[%get3A_459, %get3A_460] {strides = array<i32>} : memref<1x32768xi32, #tpu.memory_space<vmem>>, vector<1x16xi32>,
        %get3A_462 = vector.shape_cast %get3A_461 : vector<1x16xi32> to vector<16xi32>
        %ge3A_463 = arith.cmpi sge, %get3A_462, %add3A_162 : vector<16xi32>
        %jit3A_464 = arith.constant 1 : i32
        %jit3A_465 = arith.constant 0 : i32
        %broadcast_in_dim3A_466 = vector.broadcast %jit3A_464 : i32 to vector<16xi32>
        %broadcast_in_dim3A_467 = vector.broadcast %jit3A_465 : i32 to vector<16xi32>
        %select_n3A_468 = arith.select %ge3A_463, %broadcast_in_dim3A_466, %broadcast_in_dim3A_467 : vector<16xi1>, vector<16xi32>
        %add3A_469 = arith.addi %add3A_451, %select_n3A_468 : vector<16xi32>
        %mul3A_470 = arith.constant 16 : i32
        %mul3A_471 = arith.muli %scan3A_200, %mul3A_470 : i32
        %add3A_472 = arith.constant 15 : i32
        %add3A_473 = arith.addi %mul3A_471, %add3A_472 : i32
        %mul3A_474 = arith.constant 16 : i32
        %mul3A_475 = arith.muli %add3A_473, %mul3A_474 : i32
        %get3A_476 = arith.constant 0 : i32
        %get3A_477 = arith.index_cast %get3A_476 : i32 to index
        %get3A_478 = arith.index_cast %mul3A_475 : i32 to index
        %get3A_479 = tpu.vector_load %arg6[%get3A_477, %get3A_478] {strides = array<i32>} : memref<1x32768xi32, #tpu.memory_space<vmem>>, vector<1x16xi32>,
        %get3A_480 = vector.shape_cast %get3A_479 : vector<1x16xi32> to vector<16xi32>
        %ge3A_481 = arith.cmpi sge, %get3A_480, %add3A_162 : vector<16xi32>
        %jit3A_482 = arith.constant 1 : i32
        %jit3A_483 = arith.constant 0 : i32
        %broadcast_in_dim3A_484 = vector.broadcast %jit3A_482 : i32 to vector<16xi32>
        %broadcast_in_dim3A_485 = vector.broadcast %jit3A_483 : i32 to vector<16xi32>
        %select_n3A_486 = arith.select %ge3A_481, %broadcast_in_dim3A_484, %broadcast_in_dim3A_485 : vector<16xi1>, vector<16xi32>
        %add3A_487 = arith.addi %add3A_469, %select_n3A_486 : vector<16xi32>
        scf.yield %add3A_487 : vector<16xi32>
      }
      %scan3A_170 = arith.constant 128 : i32
      %iota3A_171 = tpu.iota {dimensions = array<i32: 0>} : vector<16xi32>
      %xor3A_172 = arith.constant 8 : i32
      %xor3A_173 = vector.broadcast %xor3A_172 : i32 to vector<16xi32>
      %xor3A_174 = arith.xori %iota3A_171, %xor3A_173 : vector<16xi32>
      %broadcast_in_dim3A_175 = vector.shape_cast %xor3A_174 : vector<16xi32> to vector<16x1xi32>
      %gather3A_176 = vector.shape_cast %broadcast_in_dim3A_175 : vector<16x1xi32> to vector<16xi32>
      %gather3A_177 = tpu.dynamic_gather %scan3A_169[%gather3A_176] in [0] : vector<16xi32>, vector<16xi32> -> vector<16xi32>
      %add3A_178 = arith.addi %scan3A_169, %gather3A_177 : vector<16xi32>
      %xor3A_179 = arith.constant 4 : i32
      %xor3A_180 = vector.broadcast %xor3A_179 : i32 to vector<16xi32>
      %xor3A_181 = arith.xori %iota3A_171, %xor3A_180 : vector<16xi32>
      %broadcast_in_dim3A_182 = vector.shape_cast %xor3A_181 : vector<16xi32> to vector<16x1xi32>
      %gather3A_183 = vector.shape_cast %broadcast_in_dim3A_182 : vector<16x1xi32> to vector<16xi32>
      %gather3A_184 = tpu.dynamic_gather %add3A_178[%gather3A_183] in [0] : vector<16xi32>, vector<16xi32> -> vector<16xi32>
      %add3A_185 = arith.addi %add3A_178, %gather3A_184 : vector<16xi32>
      %xor3A_186 = arith.constant 2 : i32
      %xor3A_187 = vector.broadcast %xor3A_186 : i32 to vector<16xi32>
      %xor3A_188 = arith.xori %iota3A_171, %xor3A_187 : vector<16xi32>
      %broadcast_in_dim3A_189 = vector.shape_cast %xor3A_188 : vector<16xi32> to vector<16x1xi32>
      %gather3A_190 = vector.shape_cast %broadcast_in_dim3A_189 : vector<16x1xi32> to vector<16xi32>
      %gather3A_191 = tpu.dynamic_gather %add3A_185[%gather3A_190] in [0] : vector<16xi32>, vector<16xi32> -> vector<16xi32>
      %add3A_192 = arith.addi %add3A_185, %gather3A_191 : vector<16xi32>
      %xor3A_193 = arith.constant 1 : i32
      %xor3A_194 = vector.broadcast %xor3A_193 : i32 to vector<16xi32>
      %xor3A_195 = arith.xori %iota3A_171, %xor3A_194 : vector<16xi32>
      %broadcast_in_dim3A_196 = vector.shape_cast %xor3A_195 : vector<16xi32> to vector<16x1xi32>
      %gather3A_197 = vector.shape_cast %broadcast_in_dim3A_196 : vector<16x1xi32> to vector<16xi32>
      %gather3A_198 = tpu.dynamic_gather %add3A_192[%gather3A_197] in [0] : vector<16xi32>, vector<16xi32> -> vector<16xi32>
      %add3A_199 = arith.addi %add3A_192, %gather3A_198 : vector<16xi32>
      %ge3A = arith.cmpi sge, %add3A_199, %broadcast_in_dim3A_1 : vector<16xi32>
      %select_n3A = arith.select %ge3A, %add3A_162, %scan3A_156 : vector<16xi1>, vector<16xi32>
      scf.yield %select_n3A : vector<16xi32>
    }
    %scan3A_96 = arith.constant 32 : i32
    %broadcast_in_dim3A_97 = arith.constant 0.000000e+00 : f32
    %broadcast_in_dim3A_98 = vector.broadcast %broadcast_in_dim3A_97 : f32 to vector<16xf32>
    %scan3A_99 = arith.constant 0 : i32
    %scan3A_100 = arith.constant 128 : i32
    %scan3A_101 = arith.addi %scan3A_99, %scan3A_100 : i32
    %scan3A_102 = arith.constant 1 : i32
    %scan3A_103 = scf.for %scan3A_155 = %scan3A_99 to %scan3A_101 step %scan3A_102 iter_args(%scan3A_156 = %broadcast_in_dim3A_98) -> (vector<16xf32>)  : i32 {
      %mul3A_157 = arith.constant 16 : i32
      %mul3A_158 = arith.muli %scan3A_155, %mul3A_157 : i32
      %add3A_159 = arith.constant 0 : i32
      %add3A_160 = arith.addi %mul3A_158, %add3A_159 : i32
      %mul3A_161 = arith.constant 16 : i32
      %mul3A_162 = arith.muli %add3A_160, %mul3A_161 : i32
      %get3A = arith.constant 0 : i32
      %get3A_163 = arith.index_cast %get3A : i32 to index
      %get3A_164 = arith.index_cast %mul3A_162 : i32 to index
      %get3A_165 = tpu.vector_load %arg6[%get3A_163, %get3A_164] {strides = array<i32>} : memref<1x32768xi32, #tpu.memory_space<vmem>>, vector<1x16xi32>,
      %get3A_166 = vector.shape_cast %get3A_165 : vector<1x16xi32> to vector<16xi32>
      %ge3A = arith.cmpi sge, %get3A_166, %scan3A_95 : vector<16xi32>
      %get3A_167 = arith.constant 0 : i32
      %get3A_168 = arith.index_cast %get3A_167 : i32 to index
      %get3A_169 = arith.index_cast %mul3A_162 : i32 to index
      %get3A_170 = tpu.vector_load %arg5[%get3A_168, %get3A_169] {strides = array<i32>} : memref<1x32768xf32, #tpu.memory_space<vmem>>, vector<1x16xf32>,
      %get3A_171 = vector.shape_cast %get3A_170 : vector<1x16xf32> to vector<16xf32>
      %jit3A = arith.constant 0.000000e+00 : f32
      %broadcast_in_dim3A_172 = vector.broadcast %jit3A : f32 to vector<16xf32>
      %select_n3A = arith.select %ge3A, %get3A_171, %broadcast_in_dim3A_172 : vector<16xi1>, vector<16xf32>
      %swap3A = arith.constant 0 : i32
      %swap3A_173 = arith.index_cast %swap3A : i32 to index
      %swap3A_174 = arith.index_cast %mul3A_162 : i32 to index
      %swap3A_175 = tpu.vector_load %arg5[%swap3A_173, %swap3A_174] {strides = array<i32>} : memref<1x32768xf32, #tpu.memory_space<vmem>>, vector<1x16xf32>,
      %swap3A_176 = vector.shape_cast %swap3A_175 : vector<1x16xf32> to vector<16xf32>
      %swap3A_177 = vector.shape_cast %select_n3A : vector<16xf32> to vector<1x16xf32>
      tpu.vector_store %arg5[%swap3A_173, %swap3A_174], %swap3A_177 {strides = array<i32>} : memref<1x32768xf32, #tpu.memory_space<vmem>>, vector<1x16xf32>,
      %add3A_178 = arith.addf %scan3A_156, %select_n3A : vector<16xf32>
      %mul3A_179 = arith.constant 16 : i32
      %mul3A_180 = arith.muli %scan3A_155, %mul3A_179 : i32
      %add3A_181 = arith.constant 1 : i32
      %add3A_182 = arith.addi %mul3A_180, %add3A_181 : i32
      %mul3A_183 = arith.constant 16 : i32
      %mul3A_184 = arith.muli %add3A_182, %mul3A_183 : i32
      %get3A_185 = arith.constant 0 : i32
      %get3A_186 = arith.index_cast %get3A_185 : i32 to index
      %get3A_187 = arith.index_cast %mul3A_184 : i32 to index
      %get3A_188 = tpu.vector_load %arg6[%get3A_186, %get3A_187] {strides = array<i32>} : memref<1x32768xi32, #tpu.memory_space<vmem>>, vector<1x16xi32>,
      %get3A_189 = vector.shape_cast %get3A_188 : vector<1x16xi32> to vector<16xi32>
      %ge3A_190 = arith.cmpi sge, %get3A_189, %scan3A_95 : vector<16xi32>
      %get3A_191 = arith.constant 0 : i32
      %get3A_192 = arith.index_cast %get3A_191 : i32 to index
      %get3A_193 = arith.index_cast %mul3A_184 : i32 to index
      %get3A_194 = tpu.vector_load %arg5[%get3A_192, %get3A_193] {strides = array<i32>} : memref<1x32768xf32, #tpu.memory_space<vmem>>, vector<1x16xf32>,
      %get3A_195 = vector.shape_cast %get3A_194 : vector<1x16xf32> to vector<16xf32>
      %jit3A_196 = arith.constant 0.000000e+00 : f32
      %broadcast_in_dim3A_197 = vector.broadcast %jit3A_196 : f32 to vector<16xf32>
      %select_n3A_198 = arith.select %ge3A_190, %get3A_195, %broadcast_in_dim3A_197 : vector<16xi1>, vector<16xf32>
      %swap3A_199 = arith.constant 0 : i32
      %swap3A_200 = arith.index_cast %swap3A_199 : i32 to index
      %swap3A_201 = arith.index_cast %mul3A_184 : i32 to index
      %swap3A_202 = tpu.vector_load %arg5[%swap3A_200, %swap3A_201] {strides = array<i32>} : memref<1x32768xf32, #tpu.memory_space<vmem>>, vector<1x16xf32>,
      %swap3A_203 = vector.shape_cast %swap3A_202 : vector<1x16xf32> to vector<16xf32>
      %swap3A_204 = vector.shape_cast %select_n3A_198 : vector<16xf32> to vector<1x16xf32>
      tpu.vector_store %arg5[%swap3A_200, %swap3A_201], %swap3A_204 {strides = array<i32>} : memref<1x32768xf32, #tpu.memory_space<vmem>>, vector<1x16xf32>,
      %add3A_205 = arith.addf %add3A_178, %select_n3A_198 : vector<16xf32>
      %mul3A_206 = arith.constant 16 : i32
      %mul3A_207 = arith.muli %scan3A_155, %mul3A_206 : i32
      %add3A_208 = arith.constant 2 : i32
      %add3A_209 = arith.addi %mul3A_207, %add3A_208 : i32
      %mul3A_210 = arith.constant 16 : i32
      %mul3A_211 = arith.muli %add3A_209, %mul3A_210 : i32
      %get3A_212 = arith.constant 0 : i32
      %get3A_213 = arith.index_cast %get3A_212 : i32 to index
      %get3A_214 = arith.index_cast %mul3A_211 : i32 to index
      %get3A_215 = tpu.vector_load %arg6[%get3A_213, %get3A_214] {strides = array<i32>} : memref<1x32768xi32, #tpu.memory_space<vmem>>, vector<1x16xi32>,
      %get3A_216 = vector.shape_cast %get3A_215 : vector<1x16xi32> to vector<16xi32>
      %ge3A_217 = arith.cmpi sge, %get3A_216, %scan3A_95 : vector<16xi32>
      %get3A_218 = arith.constant 0 : i32
      %get3A_219 = arith.index_cast %get3A_218 : i32 to index
      %get3A_220 = arith.index_cast %mul3A_211 : i32 to index
      %get3A_221 = tpu.vector_load %arg5[%get3A_219, %get3A_220] {strides = array<i32>} : memref<1x32768xf32, #tpu.memory_space<vmem>>, vector<1x16xf32>,
      %get3A_222 = vector.shape_cast %get3A_221 : vector<1x16xf32> to vector<16xf32>
      %jit3A_223 = arith.constant 0.000000e+00 : f32
      %broadcast_in_dim3A_224 = vector.broadcast %jit3A_223 : f32 to vector<16xf32>
      %select_n3A_225 = arith.select %ge3A_217, %get3A_222, %broadcast_in_dim3A_224 : vector<16xi1>, vector<16xf32>
      %swap3A_226 = arith.constant 0 : i32
      %swap3A_227 = arith.index_cast %swap3A_226 : i32 to index
      %swap3A_228 = arith.index_cast %mul3A_211 : i32 to index
      %swap3A_229 = tpu.vector_load %arg5[%swap3A_227, %swap3A_228] {strides = array<i32>} : memref<1x32768xf32, #tpu.memory_space<vmem>>, vector<1x16xf32>,
      %swap3A_230 = vector.shape_cast %swap3A_229 : vector<1x16xf32> to vector<16xf32>
      %swap3A_231 = vector.shape_cast %select_n3A_225 : vector<16xf32> to vector<1x16xf32>
      tpu.vector_store %arg5[%swap3A_227, %swap3A_228], %swap3A_231 {strides = array<i32>} : memref<1x32768xf32, #tpu.memory_space<vmem>>, vector<1x16xf32>,
      %add3A_232 = arith.addf %add3A_205, %select_n3A_225 : vector<16xf32>
      %mul3A_233 = arith.constant 16 : i32
      %mul3A_234 = arith.muli %scan3A_155, %mul3A_233 : i32
      %add3A_235 = arith.constant 3 : i32
      %add3A_236 = arith.addi %mul3A_234, %add3A_235 : i32
      %mul3A_237 = arith.constant 16 : i32
      %mul3A_238 = arith.muli %add3A_236, %mul3A_237 : i32
      %get3A_239 = arith.constant 0 : i32
      %get3A_240 = arith.index_cast %get3A_239 : i32 to index
      %get3A_241 = arith.index_cast %mul3A_238 : i32 to index
      %get3A_242 = tpu.vector_load %arg6[%get3A_240, %get3A_241] {strides = array<i32>} : memref<1x32768xi32, #tpu.memory_space<vmem>>, vector<1x16xi32>,
      %get3A_243 = vector.shape_cast %get3A_242 : vector<1x16xi32> to vector<16xi32>
      %ge3A_244 = arith.cmpi sge, %get3A_243, %scan3A_95 : vector<16xi32>
      %get3A_245 = arith.constant 0 : i32
      %get3A_246 = arith.index_cast %get3A_245 : i32 to index
      %get3A_247 = arith.index_cast %mul3A_238 : i32 to index
      %get3A_248 = tpu.vector_load %arg5[%get3A_246, %get3A_247] {strides = array<i32>} : memref<1x32768xf32, #tpu.memory_space<vmem>>, vector<1x16xf32>,
      %get3A_249 = vector.shape_cast %get3A_248 : vector<1x16xf32> to vector<16xf32>
      %jit3A_250 = arith.constant 0.000000e+00 : f32
      %broadcast_in_dim3A_251 = vector.broadcast %jit3A_250 : f32 to vector<16xf32>
      %select_n3A_252 = arith.select %ge3A_244, %get3A_249, %broadcast_in_dim3A_251 : vector<16xi1>, vector<16xf32>
      %swap3A_253 = arith.constant 0 : i32
      %swap3A_254 = arith.index_cast %swap3A_253 : i32 to index
      %swap3A_255 = arith.index_cast %mul3A_238 : i32 to index
      %swap3A_256 = tpu.vector_load %arg5[%swap3A_254, %swap3A_255] {strides = array<i32>} : memref<1x32768xf32, #tpu.memory_space<vmem>>, vector<1x16xf32>,
      %swap3A_257 = vector.shape_cast %swap3A_256 : vector<1x16xf32> to vector<16xf32>
      %swap3A_258 = vector.shape_cast %select_n3A_252 : vector<16xf32> to vector<1x16xf32>
      tpu.vector_store %arg5[%swap3A_254, %swap3A_255], %swap3A_258 {strides = array<i32>} : memref<1x32768xf32, #tpu.memory_space<vmem>>, vector<1x16xf32>,
      %add3A_259 = arith.addf %add3A_232, %select_n3A_252 : vector<16xf32>
      %mul3A_260 = arith.constant 16 : i32
      %mul3A_261 = arith.muli %scan3A_155, %mul3A_260 : i32
      %add3A_262 = arith.constant 4 : i32
      %add3A_263 = arith.addi %mul3A_261, %add3A_262 : i32
      %mul3A_264 = arith.constant 16 : i32
      %mul3A_265 = arith.muli %add3A_263, %mul3A_264 : i32
      %get3A_266 = arith.constant 0 : i32
      %get3A_267 = arith.index_cast %get3A_266 : i32 to index
      %get3A_268 = arith.index_cast %mul3A_265 : i32 to index
      %get3A_269 = tpu.vector_load %arg6[%get3A_267, %get3A_268] {strides = array<i32>} : memref<1x32768xi32, #tpu.memory_space<vmem>>, vector<1x16xi32>,
      %get3A_270 = vector.shape_cast %get3A_269 : vector<1x16xi32> to vector<16xi32>
      %ge3A_271 = arith.cmpi sge, %get3A_270, %scan3A_95 : vector<16xi32>
      %get3A_272 = arith.constant 0 : i32
      %get3A_273 = arith.index_cast %get3A_272 : i32 to index
      %get3A_274 = arith.index_cast %mul3A_265 : i32 to index
      %get3A_275 = tpu.vector_load %arg5[%get3A_273, %get3A_274] {strides = array<i32>} : memref<1x32768xf32, #tpu.memory_space<vmem>>, vector<1x16xf32>,
      %get3A_276 = vector.shape_cast %get3A_275 : vector<1x16xf32> to vector<16xf32>
      %jit3A_277 = arith.constant 0.000000e+00 : f32
      %broadcast_in_dim3A_278 = vector.broadcast %jit3A_277 : f32 to vector<16xf32>
      %select_n3A_279 = arith.select %ge3A_271, %get3A_276, %broadcast_in_dim3A_278 : vector<16xi1>, vector<16xf32>
      %swap3A_280 = arith.constant 0 : i32
      %swap3A_281 = arith.index_cast %swap3A_280 : i32 to index
      %swap3A_282 = arith.index_cast %mul3A_265 : i32 to index
      %swap3A_283 = tpu.vector_load %arg5[%swap3A_281, %swap3A_282] {strides = array<i32>} : memref<1x32768xf32, #tpu.memory_space<vmem>>, vector<1x16xf32>,
      %swap3A_284 = vector.shape_cast %swap3A_283 : vector<1x16xf32> to vector<16xf32>
      %swap3A_285 = vector.shape_cast %select_n3A_279 : vector<16xf32> to vector<1x16xf32>
      tpu.vector_store %arg5[%swap3A_281, %swap3A_282], %swap3A_285 {strides = array<i32>} : memref<1x32768xf32, #tpu.memory_space<vmem>>, vector<1x16xf32>,
      %add3A_286 = arith.addf %add3A_259, %select_n3A_279 : vector<16xf32>
      %mul3A_287 = arith.constant 16 : i32
      %mul3A_288 = arith.muli %scan3A_155, %mul3A_287 : i32
      %add3A_289 = arith.constant 5 : i32
      %add3A_290 = arith.addi %mul3A_288, %add3A_289 : i32
      %mul3A_291 = arith.constant 16 : i32
      %mul3A_292 = arith.muli %add3A_290, %mul3A_291 : i32
      %get3A_293 = arith.constant 0 : i32
      %get3A_294 = arith.index_cast %get3A_293 : i32 to index
      %get3A_295 = arith.index_cast %mul3A_292 : i32 to index
      %get3A_296 = tpu.vector_load %arg6[%get3A_294, %get3A_295] {strides = array<i32>} : memref<1x32768xi32, #tpu.memory_space<vmem>>, vector<1x16xi32>,
      %get3A_297 = vector.shape_cast %get3A_296 : vector<1x16xi32> to vector<16xi32>
      %ge3A_298 = arith.cmpi sge, %get3A_297, %scan3A_95 : vector<16xi32>
      %get3A_299 = arith.constant 0 : i32
      %get3A_300 = arith.index_cast %get3A_299 : i32 to index
      %get3A_301 = arith.index_cast %mul3A_292 : i32 to index
      %get3A_302 = tpu.vector_load %arg5[%get3A_300, %get3A_301] {strides = array<i32>} : memref<1x32768xf32, #tpu.memory_space<vmem>>, vector<1x16xf32>,
      %get3A_303 = vector.shape_cast %get3A_302 : vector<1x16xf32> to vector<16xf32>
      %jit3A_304 = arith.constant 0.000000e+00 : f32
      %broadcast_in_dim3A_305 = vector.broadcast %jit3A_304 : f32 to vector<16xf32>
      %select_n3A_306 = arith.select %ge3A_298, %get3A_303, %broadcast_in_dim3A_305 : vector<16xi1>, vector<16xf32>
      %swap3A_307 = arith.constant 0 : i32
      %swap3A_308 = arith.index_cast %swap3A_307 : i32 to index
      %swap3A_309 = arith.index_cast %mul3A_292 : i32 to index
      %swap3A_310 = tpu.vector_load %arg5[%swap3A_308, %swap3A_309] {strides = array<i32>} : memref<1x32768xf32, #tpu.memory_space<vmem>>, vector<1x16xf32>,
      %swap3A_311 = vector.shape_cast %swap3A_310 : vector<1x16xf32> to vector<16xf32>
      %swap3A_312 = vector.shape_cast %select_n3A_306 : vector<16xf32> to vector<1x16xf32>
      tpu.vector_store %arg5[%swap3A_308, %swap3A_309], %swap3A_312 {strides = array<i32>} : memref<1x32768xf32, #tpu.memory_space<vmem>>, vector<1x16xf32>,
      %add3A_313 = arith.addf %add3A_286, %select_n3A_306 : vector<16xf32>
      %mul3A_314 = arith.constant 16 : i32
      %mul3A_315 = arith.muli %scan3A_155, %mul3A_314 : i32
      %add3A_316 = arith.constant 6 : i32
      %add3A_317 = arith.addi %mul3A_315, %add3A_316 : i32
      %mul3A_318 = arith.constant 16 : i32
      %mul3A_319 = arith.muli %add3A_317, %mul3A_318 : i32
      %get3A_320 = arith.constant 0 : i32
      %get3A_321 = arith.index_cast %get3A_320 : i32 to index
      %get3A_322 = arith.index_cast %mul3A_319 : i32 to index
      %get3A_323 = tpu.vector_load %arg6[%get3A_321, %get3A_322] {strides = array<i32>} : memref<1x32768xi32, #tpu.memory_space<vmem>>, vector<1x16xi32>,
      %get3A_324 = vector.shape_cast %get3A_323 : vector<1x16xi32> to vector<16xi32>
      %ge3A_325 = arith.cmpi sge, %get3A_324, %scan3A_95 : vector<16xi32>
      %get3A_326 = arith.constant 0 : i32
      %get3A_327 = arith.index_cast %get3A_326 : i32 to index
      %get3A_328 = arith.index_cast %mul3A_319 : i32 to index
      %get3A_329 = tpu.vector_load %arg5[%get3A_327, %get3A_328] {strides = array<i32>} : memref<1x32768xf32, #tpu.memory_space<vmem>>, vector<1x16xf32>,
      %get3A_330 = vector.shape_cast %get3A_329 : vector<1x16xf32> to vector<16xf32>
      %jit3A_331 = arith.constant 0.000000e+00 : f32
      %broadcast_in_dim3A_332 = vector.broadcast %jit3A_331 : f32 to vector<16xf32>
      %select_n3A_333 = arith.select %ge3A_325, %get3A_330, %broadcast_in_dim3A_332 : vector<16xi1>, vector<16xf32>
      %swap3A_334 = arith.constant 0 : i32
      %swap3A_335 = arith.index_cast %swap3A_334 : i32 to index
      %swap3A_336 = arith.index_cast %mul3A_319 : i32 to index
      %swap3A_337 = tpu.vector_load %arg5[%swap3A_335, %swap3A_336] {strides = array<i32>} : memref<1x32768xf32, #tpu.memory_space<vmem>>, vector<1x16xf32>,
      %swap3A_338 = vector.shape_cast %swap3A_337 : vector<1x16xf32> to vector<16xf32>
      %swap3A_339 = vector.shape_cast %select_n3A_333 : vector<16xf32> to vector<1x16xf32>
      tpu.vector_store %arg5[%swap3A_335, %swap3A_336], %swap3A_339 {strides = array<i32>} : memref<1x32768xf32, #tpu.memory_space<vmem>>, vector<1x16xf32>,
      %add3A_340 = arith.addf %add3A_313, %select_n3A_333 : vector<16xf32>
      %mul3A_341 = arith.constant 16 : i32
      %mul3A_342 = arith.muli %scan3A_155, %mul3A_341 : i32
      %add3A_343 = arith.constant 7 : i32
      %add3A_344 = arith.addi %mul3A_342, %add3A_343 : i32
      %mul3A_345 = arith.constant 16 : i32
      %mul3A_346 = arith.muli %add3A_344, %mul3A_345 : i32
      %get3A_347 = arith.constant 0 : i32
      %get3A_348 = arith.index_cast %get3A_347 : i32 to index
      %get3A_349 = arith.index_cast %mul3A_346 : i32 to index
      %get3A_350 = tpu.vector_load %arg6[%get3A_348, %get3A_349] {strides = array<i32>} : memref<1x32768xi32, #tpu.memory_space<vmem>>, vector<1x16xi32>,
      %get3A_351 = vector.shape_cast %get3A_350 : vector<1x16xi32> to vector<16xi32>
      %ge3A_352 = arith.cmpi sge, %get3A_351, %scan3A_95 : vector<16xi32>
      %get3A_353 = arith.constant 0 : i32
      %get3A_354 = arith.index_cast %get3A_353 : i32 to index
      %get3A_355 = arith.index_cast %mul3A_346 : i32 to index
      %get3A_356 = tpu.vector_load %arg5[%get3A_354, %get3A_355] {strides = array<i32>} : memref<1x32768xf32, #tpu.memory_space<vmem>>, vector<1x16xf32>,
      %get3A_357 = vector.shape_cast %get3A_356 : vector<1x16xf32> to vector<16xf32>
      %jit3A_358 = arith.constant 0.000000e+00 : f32
      %broadcast_in_dim3A_359 = vector.broadcast %jit3A_358 : f32 to vector<16xf32>
      %select_n3A_360 = arith.select %ge3A_352, %get3A_357, %broadcast_in_dim3A_359 : vector<16xi1>, vector<16xf32>
      %swap3A_361 = arith.constant 0 : i32
      %swap3A_362 = arith.index_cast %swap3A_361 : i32 to index
      %swap3A_363 = arith.index_cast %mul3A_346 : i32 to index
      %swap3A_364 = tpu.vector_load %arg5[%swap3A_362, %swap3A_363] {strides = array<i32>} : memref<1x32768xf32, #tpu.memory_space<vmem>>, vector<1x16xf32>,
      %swap3A_365 = vector.shape_cast %swap3A_364 : vector<1x16xf32> to vector<16xf32>
      %swap3A_366 = vector.shape_cast %select_n3A_360 : vector<16xf32> to vector<1x16xf32>
      tpu.vector_store %arg5[%swap3A_362, %swap3A_363], %swap3A_366 {strides = array<i32>} : memref<1x32768xf32, #tpu.memory_space<vmem>>, vector<1x16xf32>,
      %add3A_367 = arith.addf %add3A_340, %select_n3A_360 : vector<16xf32>
      %mul3A_368 = arith.constant 16 : i32
      %mul3A_369 = arith.muli %scan3A_155, %mul3A_368 : i32
      %add3A_370 = arith.constant 8 : i32
      %add3A_371 = arith.addi %mul3A_369, %add3A_370 : i32
      %mul3A_372 = arith.constant 16 : i32
      %mul3A_373 = arith.muli %add3A_371, %mul3A_372 : i32
      %get3A_374 = arith.constant 0 : i32
      %get3A_375 = arith.index_cast %get3A_374 : i32 to index
      %get3A_376 = arith.index_cast %mul3A_373 : i32 to index
      %get3A_377 = tpu.vector_load %arg6[%get3A_375, %get3A_376] {strides = array<i32>} : memref<1x32768xi32, #tpu.memory_space<vmem>>, vector<1x16xi32>,
      %get3A_378 = vector.shape_cast %get3A_377 : vector<1x16xi32> to vector<16xi32>
      %ge3A_379 = arith.cmpi sge, %get3A_378, %scan3A_95 : vector<16xi32>
      %get3A_380 = arith.constant 0 : i32
      %get3A_381 = arith.index_cast %get3A_380 : i32 to index
      %get3A_382 = arith.index_cast %mul3A_373 : i32 to index
      %get3A_383 = tpu.vector_load %arg5[%get3A_381, %get3A_382] {strides = array<i32>} : memref<1x32768xf32, #tpu.memory_space<vmem>>, vector<1x16xf32>,
      %get3A_384 = vector.shape_cast %get3A_383 : vector<1x16xf32> to vector<16xf32>
      %jit3A_385 = arith.constant 0.000000e+00 : f32
      %broadcast_in_dim3A_386 = vector.broadcast %jit3A_385 : f32 to vector<16xf32>
      %select_n3A_387 = arith.select %ge3A_379, %get3A_384, %broadcast_in_dim3A_386 : vector<16xi1>, vector<16xf32>
      %swap3A_388 = arith.constant 0 : i32
      %swap3A_389 = arith.index_cast %swap3A_388 : i32 to index
      %swap3A_390 = arith.index_cast %mul3A_373 : i32 to index
      %swap3A_391 = tpu.vector_load %arg5[%swap3A_389, %swap3A_390] {strides = array<i32>} : memref<1x32768xf32, #tpu.memory_space<vmem>>, vector<1x16xf32>,
      %swap3A_392 = vector.shape_cast %swap3A_391 : vector<1x16xf32> to vector<16xf32>
      %swap3A_393 = vector.shape_cast %select_n3A_387 : vector<16xf32> to vector<1x16xf32>
      tpu.vector_store %arg5[%swap3A_389, %swap3A_390], %swap3A_393 {strides = array<i32>} : memref<1x32768xf32, #tpu.memory_space<vmem>>, vector<1x16xf32>,
      %add3A_394 = arith.addf %add3A_367, %select_n3A_387 : vector<16xf32>
      %mul3A_395 = arith.constant 16 : i32
      %mul3A_396 = arith.muli %scan3A_155, %mul3A_395 : i32
      %add3A_397 = arith.constant 9 : i32
      %add3A_398 = arith.addi %mul3A_396, %add3A_397 : i32
      %mul3A_399 = arith.constant 16 : i32
      %mul3A_400 = arith.muli %add3A_398, %mul3A_399 : i32
      %get3A_401 = arith.constant 0 : i32
      %get3A_402 = arith.index_cast %get3A_401 : i32 to index
      %get3A_403 = arith.index_cast %mul3A_400 : i32 to index
      %get3A_404 = tpu.vector_load %arg6[%get3A_402, %get3A_403] {strides = array<i32>} : memref<1x32768xi32, #tpu.memory_space<vmem>>, vector<1x16xi32>,
      %get3A_405 = vector.shape_cast %get3A_404 : vector<1x16xi32> to vector<16xi32>
      %ge3A_406 = arith.cmpi sge, %get3A_405, %scan3A_95 : vector<16xi32>
      %get3A_407 = arith.constant 0 : i32
      %get3A_408 = arith.index_cast %get3A_407 : i32 to index
      %get3A_409 = arith.index_cast %mul3A_400 : i32 to index
      %get3A_410 = tpu.vector_load %arg5[%get3A_408, %get3A_409] {strides = array<i32>} : memref<1x32768xf32, #tpu.memory_space<vmem>>, vector<1x16xf32>,
      %get3A_411 = vector.shape_cast %get3A_410 : vector<1x16xf32> to vector<16xf32>
      %jit3A_412 = arith.constant 0.000000e+00 : f32
      %broadcast_in_dim3A_413 = vector.broadcast %jit3A_412 : f32 to vector<16xf32>
      %select_n3A_414 = arith.select %ge3A_406, %get3A_411, %broadcast_in_dim3A_413 : vector<16xi1>, vector<16xf32>
      %swap3A_415 = arith.constant 0 : i32
      %swap3A_416 = arith.index_cast %swap3A_415 : i32 to index
      %swap3A_417 = arith.index_cast %mul3A_400 : i32 to index
      %swap3A_418 = tpu.vector_load %arg5[%swap3A_416, %swap3A_417] {strides = array<i32>} : memref<1x32768xf32, #tpu.memory_space<vmem>>, vector<1x16xf32>,
      %swap3A_419 = vector.shape_cast %swap3A_418 : vector<1x16xf32> to vector<16xf32>
      %swap3A_420 = vector.shape_cast %select_n3A_414 : vector<16xf32> to vector<1x16xf32>
      tpu.vector_store %arg5[%swap3A_416, %swap3A_417], %swap3A_420 {strides = array<i32>} : memref<1x32768xf32, #tpu.memory_space<vmem>>, vector<1x16xf32>,
      %add3A_421 = arith.addf %add3A_394, %select_n3A_414 : vector<16xf32>
      %mul3A_422 = arith.constant 16 : i32
      %mul3A_423 = arith.muli %scan3A_155, %mul3A_422 : i32
      %add3A_424 = arith.constant 10 : i32
      %add3A_425 = arith.addi %mul3A_423, %add3A_424 : i32
      %mul3A_426 = arith.constant 16 : i32
      %mul3A_427 = arith.muli %add3A_425, %mul3A_426 : i32
      %get3A_428 = arith.constant 0 : i32
      %get3A_429 = arith.index_cast %get3A_428 : i32 to index
      %get3A_430 = arith.index_cast %mul3A_427 : i32 to index
      %get3A_431 = tpu.vector_load %arg6[%get3A_429, %get3A_430] {strides = array<i32>} : memref<1x32768xi32, #tpu.memory_space<vmem>>, vector<1x16xi32>,
      %get3A_432 = vector.shape_cast %get3A_431 : vector<1x16xi32> to vector<16xi32>
      %ge3A_433 = arith.cmpi sge, %get3A_432, %scan3A_95 : vector<16xi32>
      %get3A_434 = arith.constant 0 : i32
      %get3A_435 = arith.index_cast %get3A_434 : i32 to index
      %get3A_436 = arith.index_cast %mul3A_427 : i32 to index
      %get3A_437 = tpu.vector_load %arg5[%get3A_435, %get3A_436] {strides = array<i32>} : memref<1x32768xf32, #tpu.memory_space<vmem>>, vector<1x16xf32>,
      %get3A_438 = vector.shape_cast %get3A_437 : vector<1x16xf32> to vector<16xf32>
      %jit3A_439 = arith.constant 0.000000e+00 : f32
      %broadcast_in_dim3A_440 = vector.broadcast %jit3A_439 : f32 to vector<16xf32>
      %select_n3A_441 = arith.select %ge3A_433, %get3A_438, %broadcast_in_dim3A_440 : vector<16xi1>, vector<16xf32>
      %swap3A_442 = arith.constant 0 : i32
      %swap3A_443 = arith.index_cast %swap3A_442 : i32 to index
      %swap3A_444 = arith.index_cast %mul3A_427 : i32 to index
      %swap3A_445 = tpu.vector_load %arg5[%swap3A_443, %swap3A_444] {strides = array<i32>} : memref<1x32768xf32, #tpu.memory_space<vmem>>, vector<1x16xf32>,
      %swap3A_446 = vector.shape_cast %swap3A_445 : vector<1x16xf32> to vector<16xf32>
      %swap3A_447 = vector.shape_cast %select_n3A_441 : vector<16xf32> to vector<1x16xf32>
      tpu.vector_store %arg5[%swap3A_443, %swap3A_444], %swap3A_447 {strides = array<i32>} : memref<1x32768xf32, #tpu.memory_space<vmem>>, vector<1x16xf32>,
      %add3A_448 = arith.addf %add3A_421, %select_n3A_441 : vector<16xf32>
      %mul3A_449 = arith.constant 16 : i32
      %mul3A_450 = arith.muli %scan3A_155, %mul3A_449 : i32
      %add3A_451 = arith.constant 11 : i32
      %add3A_452 = arith.addi %mul3A_450, %add3A_451 : i32
      %mul3A_453 = arith.constant 16 : i32
      %mul3A_454 = arith.muli %add3A_452, %mul3A_453 : i32
      %get3A_455 = arith.constant 0 : i32
      %get3A_456 = arith.index_cast %get3A_455 : i32 to index
      %get3A_457 = arith.index_cast %mul3A_454 : i32 to index
      %get3A_458 = tpu.vector_load %arg6[%get3A_456, %get3A_457] {strides = array<i32>} : memref<1x32768xi32, #tpu.memory_space<vmem>>, vector<1x16xi32>,
      %get3A_459 = vector.shape_cast %get3A_458 : vector<1x16xi32> to vector<16xi32>
      %ge3A_460 = arith.cmpi sge, %get3A_459, %scan3A_95 : vector<16xi32>
      %get3A_461 = arith.constant 0 : i32
      %get3A_462 = arith.index_cast %get3A_461 : i32 to index
      %get3A_463 = arith.index_cast %mul3A_454 : i32 to index
      %get3A_464 = tpu.vector_load %arg5[%get3A_462, %get3A_463] {strides = array<i32>} : memref<1x32768xf32, #tpu.memory_space<vmem>>, vector<1x16xf32>,
      %get3A_465 = vector.shape_cast %get3A_464 : vector<1x16xf32> to vector<16xf32>
      %jit3A_466 = arith.constant 0.000000e+00 : f32
      %broadcast_in_dim3A_467 = vector.broadcast %jit3A_466 : f32 to vector<16xf32>
      %select_n3A_468 = arith.select %ge3A_460, %get3A_465, %broadcast_in_dim3A_467 : vector<16xi1>, vector<16xf32>
      %swap3A_469 = arith.constant 0 : i32
      %swap3A_470 = arith.index_cast %swap3A_469 : i32 to index
      %swap3A_471 = arith.index_cast %mul3A_454 : i32 to index
      %swap3A_472 = tpu.vector_load %arg5[%swap3A_470, %swap3A_471] {strides = array<i32>} : memref<1x32768xf32, #tpu.memory_space<vmem>>, vector<1x16xf32>,
      %swap3A_473 = vector.shape_cast %swap3A_472 : vector<1x16xf32> to vector<16xf32>
      %swap3A_474 = vector.shape_cast %select_n3A_468 : vector<16xf32> to vector<1x16xf32>
      tpu.vector_store %arg5[%swap3A_470, %swap3A_471], %swap3A_474 {strides = array<i32>} : memref<1x32768xf32, #tpu.memory_space<vmem>>, vector<1x16xf32>,
      %add3A_475 = arith.addf %add3A_448, %select_n3A_468 : vector<16xf32>
      %mul3A_476 = arith.constant 16 : i32
      %mul3A_477 = arith.muli %scan3A_155, %mul3A_476 : i32
      %add3A_478 = arith.constant 12 : i32
      %add3A_479 = arith.addi %mul3A_477, %add3A_478 : i32
      %mul3A_480 = arith.constant 16 : i32
      %mul3A_481 = arith.muli %add3A_479, %mul3A_480 : i32
      %get3A_482 = arith.constant 0 : i32
      %get3A_483 = arith.index_cast %get3A_482 : i32 to index
      %get3A_484 = arith.index_cast %mul3A_481 : i32 to index
      %get3A_485 = tpu.vector_load %arg6[%get3A_483, %get3A_484] {strides = array<i32>} : memref<1x32768xi32, #tpu.memory_space<vmem>>, vector<1x16xi32>,
      %get3A_486 = vector.shape_cast %get3A_485 : vector<1x16xi32> to vector<16xi32>
      %ge3A_487 = arith.cmpi sge, %get3A_486, %scan3A_95 : vector<16xi32>
      %get3A_488 = arith.constant 0 : i32
      %get3A_489 = arith.index_cast %get3A_488 : i32 to index
      %get3A_490 = arith.index_cast %mul3A_481 : i32 to index
      %get3A_491 = tpu.vector_load %arg5[%get3A_489, %get3A_490] {strides = array<i32>} : memref<1x32768xf32, #tpu.memory_space<vmem>>, vector<1x16xf32>,
      %get3A_492 = vector.shape_cast %get3A_491 : vector<1x16xf32> to vector<16xf32>
      %jit3A_493 = arith.constant 0.000000e+00 : f32
      %broadcast_in_dim3A_494 = vector.broadcast %jit3A_493 : f32 to vector<16xf32>
      %select_n3A_495 = arith.select %ge3A_487, %get3A_492, %broadcast_in_dim3A_494 : vector<16xi1>, vector<16xf32>
      %swap3A_496 = arith.constant 0 : i32
      %swap3A_497 = arith.index_cast %swap3A_496 : i32 to index
      %swap3A_498 = arith.index_cast %mul3A_481 : i32 to index
      %swap3A_499 = tpu.vector_load %arg5[%swap3A_497, %swap3A_498] {strides = array<i32>} : memref<1x32768xf32, #tpu.memory_space<vmem>>, vector<1x16xf32>,
      %swap3A_500 = vector.shape_cast %swap3A_499 : vector<1x16xf32> to vector<16xf32>
      %swap3A_501 = vector.shape_cast %select_n3A_495 : vector<16xf32> to vector<1x16xf32>
      tpu.vector_store %arg5[%swap3A_497, %swap3A_498], %swap3A_501 {strides = array<i32>} : memref<1x32768xf32, #tpu.memory_space<vmem>>, vector<1x16xf32>,
      %add3A_502 = arith.addf %add3A_475, %select_n3A_495 : vector<16xf32>
      %mul3A_503 = arith.constant 16 : i32
      %mul3A_504 = arith.muli %scan3A_155, %mul3A_503 : i32
      %add3A_505 = arith.constant 13 : i32
      %add3A_506 = arith.addi %mul3A_504, %add3A_505 : i32
      %mul3A_507 = arith.constant 16 : i32
      %mul3A_508 = arith.muli %add3A_506, %mul3A_507 : i32
      %get3A_509 = arith.constant 0 : i32
      %get3A_510 = arith.index_cast %get3A_509 : i32 to index
      %get3A_511 = arith.index_cast %mul3A_508 : i32 to index
      %get3A_512 = tpu.vector_load %arg6[%get3A_510, %get3A_511] {strides = array<i32>} : memref<1x32768xi32, #tpu.memory_space<vmem>>, vector<1x16xi32>,
      %get3A_513 = vector.shape_cast %get3A_512 : vector<1x16xi32> to vector<16xi32>
      %ge3A_514 = arith.cmpi sge, %get3A_513, %scan3A_95 : vector<16xi32>
      %get3A_515 = arith.constant 0 : i32
      %get3A_516 = arith.index_cast %get3A_515 : i32 to index
      %get3A_517 = arith.index_cast %mul3A_508 : i32 to index
      %get3A_518 = tpu.vector_load %arg5[%get3A_516, %get3A_517] {strides = array<i32>} : memref<1x32768xf32, #tpu.memory_space<vmem>>, vector<1x16xf32>,
      %get3A_519 = vector.shape_cast %get3A_518 : vector<1x16xf32> to vector<16xf32>
      %jit3A_520 = arith.constant 0.000000e+00 : f32
      %broadcast_in_dim3A_521 = vector.broadcast %jit3A_520 : f32 to vector<16xf32>
      %select_n3A_522 = arith.select %ge3A_514, %get3A_519, %broadcast_in_dim3A_521 : vector<16xi1>, vector<16xf32>
      %swap3A_523 = arith.constant 0 : i32
      %swap3A_524 = arith.index_cast %swap3A_523 : i32 to index
      %swap3A_525 = arith.index_cast %mul3A_508 : i32 to index
      %swap3A_526 = tpu.vector_load %arg5[%swap3A_524, %swap3A_525] {strides = array<i32>} : memref<1x32768xf32, #tpu.memory_space<vmem>>, vector<1x16xf32>,
      %swap3A_527 = vector.shape_cast %swap3A_526 : vector<1x16xf32> to vector<16xf32>
      %swap3A_528 = vector.shape_cast %select_n3A_522 : vector<16xf32> to vector<1x16xf32>
      tpu.vector_store %arg5[%swap3A_524, %swap3A_525], %swap3A_528 {strides = array<i32>} : memref<1x32768xf32, #tpu.memory_space<vmem>>, vector<1x16xf32>,
      %add3A_529 = arith.addf %add3A_502, %select_n3A_522 : vector<16xf32>
      %mul3A_530 = arith.constant 16 : i32
      %mul3A_531 = arith.muli %scan3A_155, %mul3A_530 : i32
      %add3A_532 = arith.constant 14 : i32
      %add3A_533 = arith.addi %mul3A_531, %add3A_532 : i32
      %mul3A_534 = arith.constant 16 : i32
      %mul3A_535 = arith.muli %add3A_533, %mul3A_534 : i32
      %get3A_536 = arith.constant 0 : i32
      %get3A_537 = arith.index_cast %get3A_536 : i32 to index
      %get3A_538 = arith.index_cast %mul3A_535 : i32 to index
      %get3A_539 = tpu.vector_load %arg6[%get3A_537, %get3A_538] {strides = array<i32>} : memref<1x32768xi32, #tpu.memory_space<vmem>>, vector<1x16xi32>,
      %get3A_540 = vector.shape_cast %get3A_539 : vector<1x16xi32> to vector<16xi32>
      %ge3A_541 = arith.cmpi sge, %get3A_540, %scan3A_95 : vector<16xi32>
      %get3A_542 = arith.constant 0 : i32
      %get3A_543 = arith.index_cast %get3A_542 : i32 to index
      %get3A_544 = arith.index_cast %mul3A_535 : i32 to index
      %get3A_545 = tpu.vector_load %arg5[%get3A_543, %get3A_544] {strides = array<i32>} : memref<1x32768xf32, #tpu.memory_space<vmem>>, vector<1x16xf32>,
      %get3A_546 = vector.shape_cast %get3A_545 : vector<1x16xf32> to vector<16xf32>
      %jit3A_547 = arith.constant 0.000000e+00 : f32
      %broadcast_in_dim3A_548 = vector.broadcast %jit3A_547 : f32 to vector<16xf32>
      %select_n3A_549 = arith.select %ge3A_541, %get3A_546, %broadcast_in_dim3A_548 : vector<16xi1>, vector<16xf32>
      %swap3A_550 = arith.constant 0 : i32
      %swap3A_551 = arith.index_cast %swap3A_550 : i32 to index
      %swap3A_552 = arith.index_cast %mul3A_535 : i32 to index
      %swap3A_553 = tpu.vector_load %arg5[%swap3A_551, %swap3A_552] {strides = array<i32>} : memref<1x32768xf32, #tpu.memory_space<vmem>>, vector<1x16xf32>,
      %swap3A_554 = vector.shape_cast %swap3A_553 : vector<1x16xf32> to vector<16xf32>
      %swap3A_555 = vector.shape_cast %select_n3A_549 : vector<16xf32> to vector<1x16xf32>
      tpu.vector_store %arg5[%swap3A_551, %swap3A_552], %swap3A_555 {strides = array<i32>} : memref<1x32768xf32, #tpu.memory_space<vmem>>, vector<1x16xf32>,
      %add3A_556 = arith.addf %add3A_529, %select_n3A_549 : vector<16xf32>
      %mul3A_557 = arith.constant 16 : i32
      %mul3A_558 = arith.muli %scan3A_155, %mul3A_557 : i32
      %add3A_559 = arith.constant 15 : i32
      %add3A_560 = arith.addi %mul3A_558, %add3A_559 : i32
      %mul3A_561 = arith.constant 16 : i32
      %mul3A_562 = arith.muli %add3A_560, %mul3A_561 : i32
      %get3A_563 = arith.constant 0 : i32
      %get3A_564 = arith.index_cast %get3A_563 : i32 to index
      %get3A_565 = arith.index_cast %mul3A_562 : i32 to index
      %get3A_566 = tpu.vector_load %arg6[%get3A_564, %get3A_565] {strides = array<i32>} : memref<1x32768xi32, #tpu.memory_space<vmem>>, vector<1x16xi32>,
      %get3A_567 = vector.shape_cast %get3A_566 : vector<1x16xi32> to vector<16xi32>
      %ge3A_568 = arith.cmpi sge, %get3A_567, %scan3A_95 : vector<16xi32>
      %get3A_569 = arith.constant 0 : i32
      %get3A_570 = arith.index_cast %get3A_569 : i32 to index
      %get3A_571 = arith.index_cast %mul3A_562 : i32 to index
      %get3A_572 = tpu.vector_load %arg5[%get3A_570, %get3A_571] {strides = array<i32>} : memref<1x32768xf32, #tpu.memory_space<vmem>>, vector<1x16xf32>,
      %get3A_573 = vector.shape_cast %get3A_572 : vector<1x16xf32> to vector<16xf32>
      %jit3A_574 = arith.constant 0.000000e+00 : f32
      %broadcast_in_dim3A_575 = vector.broadcast %jit3A_574 : f32 to vector<16xf32>
      %select_n3A_576 = arith.select %ge3A_568, %get3A_573, %broadcast_in_dim3A_575 : vector<16xi1>, vector<16xf32>
      %swap3A_577 = arith.constant 0 : i32
      %swap3A_578 = arith.index_cast %swap3A_577 : i32 to index
      %swap3A_579 = arith.index_cast %mul3A_562 : i32 to index
      %swap3A_580 = tpu.vector_load %arg5[%swap3A_578, %swap3A_579] {strides = array<i32>} : memref<1x32768xf32, #tpu.memory_space<vmem>>, vector<1x16xf32>,
      %swap3A_581 = vector.shape_cast %swap3A_580 : vector<1x16xf32> to vector<16xf32>
      %swap3A_582 = vector.shape_cast %select_n3A_576 : vector<16xf32> to vector<1x16xf32>
      tpu.vector_store %arg5[%swap3A_578, %swap3A_579], %swap3A_582 {strides = array<i32>} : memref<1x32768xf32, #tpu.memory_space<vmem>>, vector<1x16xf32>,
      %add3A_583 = arith.addf %add3A_556, %select_n3A_576 : vector<16xf32>
      scf.yield %add3A_583 : vector<16xf32>
    }
    %scan3A_104 = arith.constant 128 : i32
    %iota3A_105 = tpu.iota {dimensions = array<i32: 0>} : vector<16xi32>
    %xor3A_106 = arith.constant 8 : i32
    %xor3A_107 = vector.broadcast %xor3A_106 : i32 to vector<16xi32>
    %xor3A_108 = arith.xori %iota3A_105, %xor3A_107 : vector<16xi32>
    %broadcast_in_dim3A_109 = vector.shape_cast %xor3A_108 : vector<16xi32> to vector<16x1xi32>
    %gather3A_110 = vector.shape_cast %broadcast_in_dim3A_109 : vector<16x1xi32> to vector<16xi32>
    %gather3A_111 = tpu.dynamic_gather %scan3A_103[%gather3A_110] in [0] : vector<16xf32>, vector<16xi32> -> vector<16xf32>
    %add3A_112 = arith.addf %scan3A_103, %gather3A_111 : vector<16xf32>
    %xor3A_113 = arith.constant 4 : i32
    %xor3A_114 = vector.broadcast %xor3A_113 : i32 to vector<16xi32>
    %xor3A_115 = arith.xori %iota3A_105, %xor3A_114 : vector<16xi32>
    %broadcast_in_dim3A_116 = vector.shape_cast %xor3A_115 : vector<16xi32> to vector<16x1xi32>
    %gather3A_117 = vector.shape_cast %broadcast_in_dim3A_116 : vector<16x1xi32> to vector<16xi32>
    %gather3A_118 = tpu.dynamic_gather %add3A_112[%gather3A_117] in [0] : vector<16xf32>, vector<16xi32> -> vector<16xf32>
    %add3A_119 = arith.addf %add3A_112, %gather3A_118 : vector<16xf32>
    %xor3A_120 = arith.constant 2 : i32
    %xor3A_121 = vector.broadcast %xor3A_120 : i32 to vector<16xi32>
    %xor3A_122 = arith.xori %iota3A_105, %xor3A_121 : vector<16xi32>
    %broadcast_in_dim3A_123 = vector.shape_cast %xor3A_122 : vector<16xi32> to vector<16x1xi32>
    %gather3A_124 = vector.shape_cast %broadcast_in_dim3A_123 : vector<16x1xi32> to vector<16xi32>
    %gather3A_125 = tpu.dynamic_gather %add3A_119[%gather3A_124] in [0] : vector<16xf32>, vector<16xi32> -> vector<16xf32>
    %add3A_126 = arith.addf %add3A_119, %gather3A_125 : vector<16xf32>
    %xor3A_127 = arith.constant 1 : i32
    %xor3A_128 = vector.broadcast %xor3A_127 : i32 to vector<16xi32>
    %xor3A_129 = arith.xori %iota3A_105, %xor3A_128 : vector<16xi32>
    %broadcast_in_dim3A_130 = vector.shape_cast %xor3A_129 : vector<16xi32> to vector<16x1xi32>
    %gather3A_131 = vector.shape_cast %broadcast_in_dim3A_130 : vector<16x1xi32> to vector<16xi32>
    %gather3A_132 = tpu.dynamic_gather %add3A_126[%gather3A_131] in [0] : vector<16xf32>, vector<16xi32> -> vector<16xf32>
    %add3A_133 = arith.addf %add3A_126, %gather3A_132 : vector<16xf32>
    %broadcast_in_dim3A_134 = arith.constant 3.276800e+04 : f32
    %broadcast_in_dim3A_135 = vector.broadcast %broadcast_in_dim3A_134 : f32 to vector<16xf32>
    %div3A_136 = arith.divf %broadcast_in_dim3A_135, %add3A_133 : vector<16xf32>
    %scan3A_137 = arith.constant 0 : i32
    %scan3A_138 = arith.constant 0 : i32
    %scan3A_139 = arith.constant 128 : i32
    %scan3A_140 = arith.addi %scan3A_138, %scan3A_139 : i32
    %scan3A_141 = arith.constant 1 : i32
    scf.for %scan3A_155 = %scan3A_138 to %scan3A_140 step %scan3A_141  : i32 {
      %mul3A_156 = arith.constant 16 : i32
      %mul3A_157 = arith.muli %scan3A_155, %mul3A_156 : i32
      %add3A_158 = arith.constant 0 : i32
      %add3A_159 = arith.addi %mul3A_157, %add3A_158 : i32
      %mul3A_160 = arith.constant 16 : i32
      %mul3A_161 = arith.muli %add3A_159, %mul3A_160 : i32
      %get3A = arith.constant 0 : i32
      %get3A_162 = arith.index_cast %get3A : i32 to index
      %get3A_163 = arith.index_cast %mul3A_161 : i32 to index
      %get3A_164 = tpu.vector_load %arg5[%get3A_162, %get3A_163] {strides = array<i32>} : memref<1x32768xf32, #tpu.memory_space<vmem>>, vector<1x16xf32>,
      %get3A_165 = vector.shape_cast %get3A_164 : vector<1x16xf32> to vector<16xf32>
      %mul3A_166 = arith.mulf %get3A_165, %div3A_136 : vector<16xf32>
      %swap3A = arith.constant 0 : i32
      %swap3A_167 = arith.index_cast %swap3A : i32 to index
      %swap3A_168 = arith.index_cast %mul3A_161 : i32 to index
      %swap3A_169 = tpu.vector_load %arg5[%swap3A_167, %swap3A_168] {strides = array<i32>} : memref<1x32768xf32, #tpu.memory_space<vmem>>, vector<1x16xf32>,
      %swap3A_170 = vector.shape_cast %swap3A_169 : vector<1x16xf32> to vector<16xf32>
      %swap3A_171 = vector.shape_cast %mul3A_166 : vector<16xf32> to vector<1x16xf32>
      tpu.vector_store %arg5[%swap3A_167, %swap3A_168], %swap3A_171 {strides = array<i32>} : memref<1x32768xf32, #tpu.memory_space<vmem>>, vector<1x16xf32>,
      %mul3A_172 = arith.constant 16 : i32
      %mul3A_173 = arith.muli %scan3A_155, %mul3A_172 : i32
      %add3A_174 = arith.constant 1 : i32
      %add3A_175 = arith.addi %mul3A_173, %add3A_174 : i32
      %mul3A_176 = arith.constant 16 : i32
      %mul3A_177 = arith.muli %add3A_175, %mul3A_176 : i32
      %get3A_178 = arith.constant 0 : i32
      %get3A_179 = arith.index_cast %get3A_178 : i32 to index
      %get3A_180 = arith.index_cast %mul3A_177 : i32 to index
      %get3A_181 = tpu.vector_load %arg5[%get3A_179, %get3A_180] {strides = array<i32>} : memref<1x32768xf32, #tpu.memory_space<vmem>>, vector<1x16xf32>,
      %get3A_182 = vector.shape_cast %get3A_181 : vector<1x16xf32> to vector<16xf32>
      %mul3A_183 = arith.mulf %get3A_182, %div3A_136 : vector<16xf32>
      %swap3A_184 = arith.constant 0 : i32
      %swap3A_185 = arith.index_cast %swap3A_184 : i32 to index
      %swap3A_186 = arith.index_cast %mul3A_177 : i32 to index
      %swap3A_187 = tpu.vector_load %arg5[%swap3A_185, %swap3A_186] {strides = array<i32>} : memref<1x32768xf32, #tpu.memory_space<vmem>>, vector<1x16xf32>,
      %swap3A_188 = vector.shape_cast %swap3A_187 : vector<1x16xf32> to vector<16xf32>
      %swap3A_189 = vector.shape_cast %mul3A_183 : vector<16xf32> to vector<1x16xf32>
      tpu.vector_store %arg5[%swap3A_185, %swap3A_186], %swap3A_189 {strides = array<i32>} : memref<1x32768xf32, #tpu.memory_space<vmem>>, vector<1x16xf32>,
      %mul3A_190 = arith.constant 16 : i32
      %mul3A_191 = arith.muli %scan3A_155, %mul3A_190 : i32
      %add3A_192 = arith.constant 2 : i32
      %add3A_193 = arith.addi %mul3A_191, %add3A_192 : i32
      %mul3A_194 = arith.constant 16 : i32
      %mul3A_195 = arith.muli %add3A_193, %mul3A_194 : i32
      %get3A_196 = arith.constant 0 : i32
      %get3A_197 = arith.index_cast %get3A_196 : i32 to index
      %get3A_198 = arith.index_cast %mul3A_195 : i32 to index
      %get3A_199 = tpu.vector_load %arg5[%get3A_197, %get3A_198] {strides = array<i32>} : memref<1x32768xf32, #tpu.memory_space<vmem>>, vector<1x16xf32>,
      %get3A_200 = vector.shape_cast %get3A_199 : vector<1x16xf32> to vector<16xf32>
      %mul3A_201 = arith.mulf %get3A_200, %div3A_136 : vector<16xf32>
      %swap3A_202 = arith.constant 0 : i32
      %swap3A_203 = arith.index_cast %swap3A_202 : i32 to index
      %swap3A_204 = arith.index_cast %mul3A_195 : i32 to index
      %swap3A_205 = tpu.vector_load %arg5[%swap3A_203, %swap3A_204] {strides = array<i32>} : memref<1x32768xf32, #tpu.memory_space<vmem>>, vector<1x16xf32>,
      %swap3A_206 = vector.shape_cast %swap3A_205 : vector<1x16xf32> to vector<16xf32>
      %swap3A_207 = vector.shape_cast %mul3A_201 : vector<16xf32> to vector<1x16xf32>
      tpu.vector_store %arg5[%swap3A_203, %swap3A_204], %swap3A_207 {strides = array<i32>} : memref<1x32768xf32, #tpu.memory_space<vmem>>, vector<1x16xf32>,
      %mul3A_208 = arith.constant 16 : i32
      %mul3A_209 = arith.muli %scan3A_155, %mul3A_208 : i32
      %add3A_210 = arith.constant 3 : i32
      %add3A_211 = arith.addi %mul3A_209, %add3A_210 : i32
      %mul3A_212 = arith.constant 16 : i32
      %mul3A_213 = arith.muli %add3A_211, %mul3A_212 : i32
      %get3A_214 = arith.constant 0 : i32
      %get3A_215 = arith.index_cast %get3A_214 : i32 to index
      %get3A_216 = arith.index_cast %mul3A_213 : i32 to index
      %get3A_217 = tpu.vector_load %arg5[%get3A_215, %get3A_216] {strides = array<i32>} : memref<1x32768xf32, #tpu.memory_space<vmem>>, vector<1x16xf32>,
      %get3A_218 = vector.shape_cast %get3A_217 : vector<1x16xf32> to vector<16xf32>
      %mul3A_219 = arith.mulf %get3A_218, %div3A_136 : vector<16xf32>
      %swap3A_220 = arith.constant 0 : i32
      %swap3A_221 = arith.index_cast %swap3A_220 : i32 to index
      %swap3A_222 = arith.index_cast %mul3A_213 : i32 to index
      %swap3A_223 = tpu.vector_load %arg5[%swap3A_221, %swap3A_222] {strides = array<i32>} : memref<1x32768xf32, #tpu.memory_space<vmem>>, vector<1x16xf32>,
      %swap3A_224 = vector.shape_cast %swap3A_223 : vector<1x16xf32> to vector<16xf32>
      %swap3A_225 = vector.shape_cast %mul3A_219 : vector<16xf32> to vector<1x16xf32>
      tpu.vector_store %arg5[%swap3A_221, %swap3A_222], %swap3A_225 {strides = array<i32>} : memref<1x32768xf32, #tpu.memory_space<vmem>>, vector<1x16xf32>,
      %mul3A_226 = arith.constant 16 : i32
      %mul3A_227 = arith.muli %scan3A_155, %mul3A_226 : i32
      %add3A_228 = arith.constant 4 : i32
      %add3A_229 = arith.addi %mul3A_227, %add3A_228 : i32
      %mul3A_230 = arith.constant 16 : i32
      %mul3A_231 = arith.muli %add3A_229, %mul3A_230 : i32
      %get3A_232 = arith.constant 0 : i32
      %get3A_233 = arith.index_cast %get3A_232 : i32 to index
      %get3A_234 = arith.index_cast %mul3A_231 : i32 to index
      %get3A_235 = tpu.vector_load %arg5[%get3A_233, %get3A_234] {strides = array<i32>} : memref<1x32768xf32, #tpu.memory_space<vmem>>, vector<1x16xf32>,
      %get3A_236 = vector.shape_cast %get3A_235 : vector<1x16xf32> to vector<16xf32>
      %mul3A_237 = arith.mulf %get3A_236, %div3A_136 : vector<16xf32>
      %swap3A_238 = arith.constant 0 : i32
      %swap3A_239 = arith.index_cast %swap3A_238 : i32 to index
      %swap3A_240 = arith.index_cast %mul3A_231 : i32 to index
      %swap3A_241 = tpu.vector_load %arg5[%swap3A_239, %swap3A_240] {strides = array<i32>} : memref<1x32768xf32, #tpu.memory_space<vmem>>, vector<1x16xf32>,
      %swap3A_242 = vector.shape_cast %swap3A_241 : vector<1x16xf32> to vector<16xf32>
      %swap3A_243 = vector.shape_cast %mul3A_237 : vector<16xf32> to vector<1x16xf32>
      tpu.vector_store %arg5[%swap3A_239, %swap3A_240], %swap3A_243 {strides = array<i32>} : memref<1x32768xf32, #tpu.memory_space<vmem>>, vector<1x16xf32>,
      %mul3A_244 = arith.constant 16 : i32
      %mul3A_245 = arith.muli %scan3A_155, %mul3A_244 : i32
      %add3A_246 = arith.constant 5 : i32
      %add3A_247 = arith.addi %mul3A_245, %add3A_246 : i32
      %mul3A_248 = arith.constant 16 : i32
      %mul3A_249 = arith.muli %add3A_247, %mul3A_248 : i32
      %get3A_250 = arith.constant 0 : i32
      %get3A_251 = arith.index_cast %get3A_250 : i32 to index
      %get3A_252 = arith.index_cast %mul3A_249 : i32 to index
      %get3A_253 = tpu.vector_load %arg5[%get3A_251, %get3A_252] {strides = array<i32>} : memref<1x32768xf32, #tpu.memory_space<vmem>>, vector<1x16xf32>,
      %get3A_254 = vector.shape_cast %get3A_253 : vector<1x16xf32> to vector<16xf32>
      %mul3A_255 = arith.mulf %get3A_254, %div3A_136 : vector<16xf32>
      %swap3A_256 = arith.constant 0 : i32
      %swap3A_257 = arith.index_cast %swap3A_256 : i32 to index
      %swap3A_258 = arith.index_cast %mul3A_249 : i32 to index
      %swap3A_259 = tpu.vector_load %arg5[%swap3A_257, %swap3A_258] {strides = array<i32>} : memref<1x32768xf32, #tpu.memory_space<vmem>>, vector<1x16xf32>,
      %swap3A_260 = vector.shape_cast %swap3A_259 : vector<1x16xf32> to vector<16xf32>
      %swap3A_261 = vector.shape_cast %mul3A_255 : vector<16xf32> to vector<1x16xf32>
      tpu.vector_store %arg5[%swap3A_257, %swap3A_258], %swap3A_261 {strides = array<i32>} : memref<1x32768xf32, #tpu.memory_space<vmem>>, vector<1x16xf32>,
      %mul3A_262 = arith.constant 16 : i32
      %mul3A_263 = arith.muli %scan3A_155, %mul3A_262 : i32
      %add3A_264 = arith.constant 6 : i32
      %add3A_265 = arith.addi %mul3A_263, %add3A_264 : i32
      %mul3A_266 = arith.constant 16 : i32
      %mul3A_267 = arith.muli %add3A_265, %mul3A_266 : i32
      %get3A_268 = arith.constant 0 : i32
      %get3A_269 = arith.index_cast %get3A_268 : i32 to index
      %get3A_270 = arith.index_cast %mul3A_267 : i32 to index
      %get3A_271 = tpu.vector_load %arg5[%get3A_269, %get3A_270] {strides = array<i32>} : memref<1x32768xf32, #tpu.memory_space<vmem>>, vector<1x16xf32>,
      %get3A_272 = vector.shape_cast %get3A_271 : vector<1x16xf32> to vector<16xf32>
      %mul3A_273 = arith.mulf %get3A_272, %div3A_136 : vector<16xf32>
      %swap3A_274 = arith.constant 0 : i32
      %swap3A_275 = arith.index_cast %swap3A_274 : i32 to index
      %swap3A_276 = arith.index_cast %mul3A_267 : i32 to index
      %swap3A_277 = tpu.vector_load %arg5[%swap3A_275, %swap3A_276] {strides = array<i32>} : memref<1x32768xf32, #tpu.memory_space<vmem>>, vector<1x16xf32>,
      %swap3A_278 = vector.shape_cast %swap3A_277 : vector<1x16xf32> to vector<16xf32>
      %swap3A_279 = vector.shape_cast %mul3A_273 : vector<16xf32> to vector<1x16xf32>
      tpu.vector_store %arg5[%swap3A_275, %swap3A_276], %swap3A_279 {strides = array<i32>} : memref<1x32768xf32, #tpu.memory_space<vmem>>, vector<1x16xf32>,
      %mul3A_280 = arith.constant 16 : i32
      %mul3A_281 = arith.muli %scan3A_155, %mul3A_280 : i32
      %add3A_282 = arith.constant 7 : i32
      %add3A_283 = arith.addi %mul3A_281, %add3A_282 : i32
      %mul3A_284 = arith.constant 16 : i32
      %mul3A_285 = arith.muli %add3A_283, %mul3A_284 : i32
      %get3A_286 = arith.constant 0 : i32
      %get3A_287 = arith.index_cast %get3A_286 : i32 to index
      %get3A_288 = arith.index_cast %mul3A_285 : i32 to index
      %get3A_289 = tpu.vector_load %arg5[%get3A_287, %get3A_288] {strides = array<i32>} : memref<1x32768xf32, #tpu.memory_space<vmem>>, vector<1x16xf32>,
      %get3A_290 = vector.shape_cast %get3A_289 : vector<1x16xf32> to vector<16xf32>
      %mul3A_291 = arith.mulf %get3A_290, %div3A_136 : vector<16xf32>
      %swap3A_292 = arith.constant 0 : i32
      %swap3A_293 = arith.index_cast %swap3A_292 : i32 to index
      %swap3A_294 = arith.index_cast %mul3A_285 : i32 to index
      %swap3A_295 = tpu.vector_load %arg5[%swap3A_293, %swap3A_294] {strides = array<i32>} : memref<1x32768xf32, #tpu.memory_space<vmem>>, vector<1x16xf32>,
      %swap3A_296 = vector.shape_cast %swap3A_295 : vector<1x16xf32> to vector<16xf32>
      %swap3A_297 = vector.shape_cast %mul3A_291 : vector<16xf32> to vector<1x16xf32>
      tpu.vector_store %arg5[%swap3A_293, %swap3A_294], %swap3A_297 {strides = array<i32>} : memref<1x32768xf32, #tpu.memory_space<vmem>>, vector<1x16xf32>,
      %mul3A_298 = arith.constant 16 : i32
      %mul3A_299 = arith.muli %scan3A_155, %mul3A_298 : i32
      %add3A_300 = arith.constant 8 : i32
      %add3A_301 = arith.addi %mul3A_299, %add3A_300 : i32
      %mul3A_302 = arith.constant 16 : i32
      %mul3A_303 = arith.muli %add3A_301, %mul3A_302 : i32
      %get3A_304 = arith.constant 0 : i32
      %get3A_305 = arith.index_cast %get3A_304 : i32 to index
      %get3A_306 = arith.index_cast %mul3A_303 : i32 to index
      %get3A_307 = tpu.vector_load %arg5[%get3A_305, %get3A_306] {strides = array<i32>} : memref<1x32768xf32, #tpu.memory_space<vmem>>, vector<1x16xf32>,
      %get3A_308 = vector.shape_cast %get3A_307 : vector<1x16xf32> to vector<16xf32>
      %mul3A_309 = arith.mulf %get3A_308, %div3A_136 : vector<16xf32>
      %swap3A_310 = arith.constant 0 : i32
      %swap3A_311 = arith.index_cast %swap3A_310 : i32 to index
      %swap3A_312 = arith.index_cast %mul3A_303 : i32 to index
      %swap3A_313 = tpu.vector_load %arg5[%swap3A_311, %swap3A_312] {strides = array<i32>} : memref<1x32768xf32, #tpu.memory_space<vmem>>, vector<1x16xf32>,
      %swap3A_314 = vector.shape_cast %swap3A_313 : vector<1x16xf32> to vector<16xf32>
      %swap3A_315 = vector.shape_cast %mul3A_309 : vector<16xf32> to vector<1x16xf32>
      tpu.vector_store %arg5[%swap3A_311, %swap3A_312], %swap3A_315 {strides = array<i32>} : memref<1x32768xf32, #tpu.memory_space<vmem>>, vector<1x16xf32>,
      %mul3A_316 = arith.constant 16 : i32
      %mul3A_317 = arith.muli %scan3A_155, %mul3A_316 : i32
      %add3A_318 = arith.constant 9 : i32
      %add3A_319 = arith.addi %mul3A_317, %add3A_318 : i32
      %mul3A_320 = arith.constant 16 : i32
      %mul3A_321 = arith.muli %add3A_319, %mul3A_320 : i32
      %get3A_322 = arith.constant 0 : i32
      %get3A_323 = arith.index_cast %get3A_322 : i32 to index
      %get3A_324 = arith.index_cast %mul3A_321 : i32 to index
      %get3A_325 = tpu.vector_load %arg5[%get3A_323, %get3A_324] {strides = array<i32>} : memref<1x32768xf32, #tpu.memory_space<vmem>>, vector<1x16xf32>,
      %get3A_326 = vector.shape_cast %get3A_325 : vector<1x16xf32> to vector<16xf32>
      %mul3A_327 = arith.mulf %get3A_326, %div3A_136 : vector<16xf32>
      %swap3A_328 = arith.constant 0 : i32
      %swap3A_329 = arith.index_cast %swap3A_328 : i32 to index
      %swap3A_330 = arith.index_cast %mul3A_321 : i32 to index
      %swap3A_331 = tpu.vector_load %arg5[%swap3A_329, %swap3A_330] {strides = array<i32>} : memref<1x32768xf32, #tpu.memory_space<vmem>>, vector<1x16xf32>,
      %swap3A_332 = vector.shape_cast %swap3A_331 : vector<1x16xf32> to vector<16xf32>
      %swap3A_333 = vector.shape_cast %mul3A_327 : vector<16xf32> to vector<1x16xf32>
      tpu.vector_store %arg5[%swap3A_329, %swap3A_330], %swap3A_333 {strides = array<i32>} : memref<1x32768xf32, #tpu.memory_space<vmem>>, vector<1x16xf32>,
      %mul3A_334 = arith.constant 16 : i32
      %mul3A_335 = arith.muli %scan3A_155, %mul3A_334 : i32
      %add3A_336 = arith.constant 10 : i32
      %add3A_337 = arith.addi %mul3A_335, %add3A_336 : i32
      %mul3A_338 = arith.constant 16 : i32
      %mul3A_339 = arith.muli %add3A_337, %mul3A_338 : i32
      %get3A_340 = arith.constant 0 : i32
      %get3A_341 = arith.index_cast %get3A_340 : i32 to index
      %get3A_342 = arith.index_cast %mul3A_339 : i32 to index
      %get3A_343 = tpu.vector_load %arg5[%get3A_341, %get3A_342] {strides = array<i32>} : memref<1x32768xf32, #tpu.memory_space<vmem>>, vector<1x16xf32>,
      %get3A_344 = vector.shape_cast %get3A_343 : vector<1x16xf32> to vector<16xf32>
      %mul3A_345 = arith.mulf %get3A_344, %div3A_136 : vector<16xf32>
      %swap3A_346 = arith.constant 0 : i32
      %swap3A_347 = arith.index_cast %swap3A_346 : i32 to index
      %swap3A_348 = arith.index_cast %mul3A_339 : i32 to index
      %swap3A_349 = tpu.vector_load %arg5[%swap3A_347, %swap3A_348] {strides = array<i32>} : memref<1x32768xf32, #tpu.memory_space<vmem>>, vector<1x16xf32>,
      %swap3A_350 = vector.shape_cast %swap3A_349 : vector<1x16xf32> to vector<16xf32>
      %swap3A_351 = vector.shape_cast %mul3A_345 : vector<16xf32> to vector<1x16xf32>
      tpu.vector_store %arg5[%swap3A_347, %swap3A_348], %swap3A_351 {strides = array<i32>} : memref<1x32768xf32, #tpu.memory_space<vmem>>, vector<1x16xf32>,
      %mul3A_352 = arith.constant 16 : i32
      %mul3A_353 = arith.muli %scan3A_155, %mul3A_352 : i32
      %add3A_354 = arith.constant 11 : i32
      %add3A_355 = arith.addi %mul3A_353, %add3A_354 : i32
      %mul3A_356 = arith.constant 16 : i32
      %mul3A_357 = arith.muli %add3A_355, %mul3A_356 : i32
      %get3A_358 = arith.constant 0 : i32
      %get3A_359 = arith.index_cast %get3A_358 : i32 to index
      %get3A_360 = arith.index_cast %mul3A_357 : i32 to index
      %get3A_361 = tpu.vector_load %arg5[%get3A_359, %get3A_360] {strides = array<i32>} : memref<1x32768xf32, #tpu.memory_space<vmem>>, vector<1x16xf32>,
      %get3A_362 = vector.shape_cast %get3A_361 : vector<1x16xf32> to vector<16xf32>
      %mul3A_363 = arith.mulf %get3A_362, %div3A_136 : vector<16xf32>
      %swap3A_364 = arith.constant 0 : i32
      %swap3A_365 = arith.index_cast %swap3A_364 : i32 to index
      %swap3A_366 = arith.index_cast %mul3A_357 : i32 to index
      %swap3A_367 = tpu.vector_load %arg5[%swap3A_365, %swap3A_366] {strides = array<i32>} : memref<1x32768xf32, #tpu.memory_space<vmem>>, vector<1x16xf32>,
      %swap3A_368 = vector.shape_cast %swap3A_367 : vector<1x16xf32> to vector<16xf32>
      %swap3A_369 = vector.shape_cast %mul3A_363 : vector<16xf32> to vector<1x16xf32>
      tpu.vector_store %arg5[%swap3A_365, %swap3A_366], %swap3A_369 {strides = array<i32>} : memref<1x32768xf32, #tpu.memory_space<vmem>>, vector<1x16xf32>,
      %mul3A_370 = arith.constant 16 : i32
      %mul3A_371 = arith.muli %scan3A_155, %mul3A_370 : i32
      %add3A_372 = arith.constant 12 : i32
      %add3A_373 = arith.addi %mul3A_371, %add3A_372 : i32
      %mul3A_374 = arith.constant 16 : i32
      %mul3A_375 = arith.muli %add3A_373, %mul3A_374 : i32
      %get3A_376 = arith.constant 0 : i32
      %get3A_377 = arith.index_cast %get3A_376 : i32 to index
      %get3A_378 = arith.index_cast %mul3A_375 : i32 to index
      %get3A_379 = tpu.vector_load %arg5[%get3A_377, %get3A_378] {strides = array<i32>} : memref<1x32768xf32, #tpu.memory_space<vmem>>, vector<1x16xf32>,
      %get3A_380 = vector.shape_cast %get3A_379 : vector<1x16xf32> to vector<16xf32>
      %mul3A_381 = arith.mulf %get3A_380, %div3A_136 : vector<16xf32>
      %swap3A_382 = arith.constant 0 : i32
      %swap3A_383 = arith.index_cast %swap3A_382 : i32 to index
      %swap3A_384 = arith.index_cast %mul3A_375 : i32 to index
      %swap3A_385 = tpu.vector_load %arg5[%swap3A_383, %swap3A_384] {strides = array<i32>} : memref<1x32768xf32, #tpu.memory_space<vmem>>, vector<1x16xf32>,
      %swap3A_386 = vector.shape_cast %swap3A_385 : vector<1x16xf32> to vector<16xf32>
      %swap3A_387 = vector.shape_cast %mul3A_381 : vector<16xf32> to vector<1x16xf32>
      tpu.vector_store %arg5[%swap3A_383, %swap3A_384], %swap3A_387 {strides = array<i32>} : memref<1x32768xf32, #tpu.memory_space<vmem>>, vector<1x16xf32>,
      %mul3A_388 = arith.constant 16 : i32
      %mul3A_389 = arith.muli %scan3A_155, %mul3A_388 : i32
      %add3A_390 = arith.constant 13 : i32
      %add3A_391 = arith.addi %mul3A_389, %add3A_390 : i32
      %mul3A_392 = arith.constant 16 : i32
      %mul3A_393 = arith.muli %add3A_391, %mul3A_392 : i32
      %get3A_394 = arith.constant 0 : i32
      %get3A_395 = arith.index_cast %get3A_394 : i32 to index
      %get3A_396 = arith.index_cast %mul3A_393 : i32 to index
      %get3A_397 = tpu.vector_load %arg5[%get3A_395, %get3A_396] {strides = array<i32>} : memref<1x32768xf32, #tpu.memory_space<vmem>>, vector<1x16xf32>,
      %get3A_398 = vector.shape_cast %get3A_397 : vector<1x16xf32> to vector<16xf32>
      %mul3A_399 = arith.mulf %get3A_398, %div3A_136 : vector<16xf32>
      %swap3A_400 = arith.constant 0 : i32
      %swap3A_401 = arith.index_cast %swap3A_400 : i32 to index
      %swap3A_402 = arith.index_cast %mul3A_393 : i32 to index
      %swap3A_403 = tpu.vector_load %arg5[%swap3A_401, %swap3A_402] {strides = array<i32>} : memref<1x32768xf32, #tpu.memory_space<vmem>>, vector<1x16xf32>,
      %swap3A_404 = vector.shape_cast %swap3A_403 : vector<1x16xf32> to vector<16xf32>
      %swap3A_405 = vector.shape_cast %mul3A_399 : vector<16xf32> to vector<1x16xf32>
      tpu.vector_store %arg5[%swap3A_401, %swap3A_402], %swap3A_405 {strides = array<i32>} : memref<1x32768xf32, #tpu.memory_space<vmem>>, vector<1x16xf32>,
      %mul3A_406 = arith.constant 16 : i32
      %mul3A_407 = arith.muli %scan3A_155, %mul3A_406 : i32
      %add3A_408 = arith.constant 14 : i32
      %add3A_409 = arith.addi %mul3A_407, %add3A_408 : i32
      %mul3A_410 = arith.constant 16 : i32
      %mul3A_411 = arith.muli %add3A_409, %mul3A_410 : i32
      %get3A_412 = arith.constant 0 : i32
      %get3A_413 = arith.index_cast %get3A_412 : i32 to index
      %get3A_414 = arith.index_cast %mul3A_411 : i32 to index
      %get3A_415 = tpu.vector_load %arg5[%get3A_413, %get3A_414] {strides = array<i32>} : memref<1x32768xf32, #tpu.memory_space<vmem>>, vector<1x16xf32>,
      %get3A_416 = vector.shape_cast %get3A_415 : vector<1x16xf32> to vector<16xf32>
      %mul3A_417 = arith.mulf %get3A_416, %div3A_136 : vector<16xf32>
      %swap3A_418 = arith.constant 0 : i32
      %swap3A_419 = arith.index_cast %swap3A_418 : i32 to index
      %swap3A_420 = arith.index_cast %mul3A_411 : i32 to index
      %swap3A_421 = tpu.vector_load %arg5[%swap3A_419, %swap3A_420] {strides = array<i32>} : memref<1x32768xf32, #tpu.memory_space<vmem>>, vector<1x16xf32>,
      %swap3A_422 = vector.shape_cast %swap3A_421 : vector<1x16xf32> to vector<16xf32>
      %swap3A_423 = vector.shape_cast %mul3A_417 : vector<16xf32> to vector<1x16xf32>
      tpu.vector_store %arg5[%swap3A_419, %swap3A_420], %swap3A_423 {strides = array<i32>} : memref<1x32768xf32, #tpu.memory_space<vmem>>, vector<1x16xf32>,
      %mul3A_424 = arith.constant 16 : i32
      %mul3A_425 = arith.muli %scan3A_155, %mul3A_424 : i32
      %add3A_426 = arith.constant 15 : i32
      %add3A_427 = arith.addi %mul3A_425, %add3A_426 : i32
      %mul3A_428 = arith.constant 16 : i32
      %mul3A_429 = arith.muli %add3A_427, %mul3A_428 : i32
      %get3A_430 = arith.constant 0 : i32
      %get3A_431 = arith.index_cast %get3A_430 : i32 to index
      %get3A_432 = arith.index_cast %mul3A_429 : i32 to index
      %get3A_433 = tpu.vector_load %arg5[%get3A_431, %get3A_432] {strides = array<i32>} : memref<1x32768xf32, #tpu.memory_space<vmem>>, vector<1x16xf32>,
      %get3A_434 = vector.shape_cast %get3A_433 : vector<1x16xf32> to vector<16xf32>
      %mul3A_435 = arith.mulf %get3A_434, %div3A_136 : vector<16xf32>
      %swap3A_436 = arith.constant 0 : i32
      %swap3A_437 = arith.index_cast %swap3A_436 : i32 to index
      %swap3A_438 = arith.index_cast %mul3A_429 : i32 to index
      %swap3A_439 = tpu.vector_load %arg5[%swap3A_437, %swap3A_438] {strides = array<i32>} : memref<1x32768xf32, #tpu.memory_space<vmem>>, vector<1x16xf32>,
      %swap3A_440 = vector.shape_cast %swap3A_439 : vector<1x16xf32> to vector<16xf32>
      %swap3A_441 = vector.shape_cast %mul3A_435 : vector<16xf32> to vector<1x16xf32>
      tpu.vector_store %arg5[%swap3A_437, %swap3A_438], %swap3A_441 {strides = array<i32>} : memref<1x32768xf32, #tpu.memory_space<vmem>>, vector<1x16xf32>,
    }
    %scan3A_142 = arith.constant 128 : i32
    %dma_start3A_143 = arith.constant 0 : i32
    %dma_start3A_144 = tpu.memref_slice %arg3[%add3A_78, %dma_start3A_143] : memref<128x32768xf32, #tpu.memory_space<hbm>> -> memref<1x32768xf32, #tpu.memory_space<hbm>>
    %dma_start3A_145 = arith.constant 0 : i32
    %dma_start3A_146 = tpu.memref_slice %arg3[%add3A_78, %dma_start3A_145] : memref<128x32768xf32, #tpu.memory_space<hbm>> -> memref<1x32768xf32, #tpu.memory_space<hbm>>
    tpu.enqueue_dma source(%arg5 : memref<1x32768xf32, #tpu.memory_space<vmem>>) target(%dma_start3A_146 : memref<1x32768xf32, #tpu.memory_space<hbm>>) target_semaphore(%arg9 : memref<!tpu.dma_semaphore, #tpu.memory_space<semaphore_mem>>)
    %dma_wait3A_147 = arith.constant 0 : i32
    %dma_wait3A_148 = tpu.memref_slice %arg3[%add3A_8, %dma_wait3A_147] : memref<128x32768xf32, #tpu.memory_space<hbm>> -> memref<1x32768xf32, #tpu.memory_space<hbm>>
    %dma_wait3A_149 = arith.constant 0 : i32
    %dma_wait3A_150 = tpu.memref_slice %arg3[%add3A_8, %dma_wait3A_149] : memref<128x32768xf32, #tpu.memory_space<hbm>> -> memref<1x32768xf32, #tpu.memory_space<hbm>>
    tpu.wait_dma2 semaphore(%arg9 : memref<!tpu.dma_semaphore, #tpu.memory_space<semaphore_mem>>) src(%arg4 : memref<1x32768xf32, #tpu.memory_space<vmem>>) dst(%dma_wait3A_150 : memref<1x32768xf32, #tpu.memory_space<hbm>>)
    %dma_wait3A_151 = arith.constant 0 : i32
    %dma_wait3A_152 = tpu.memref_slice %arg3[%add3A_78, %dma_wait3A_151] : memref<128x32768xf32, #tpu.memory_space<hbm>> -> memref<1x32768xf32, #tpu.memory_space<hbm>>
    %dma_wait3A_153 = arith.constant 0 : i32
    %dma_wait3A_154 = tpu.memref_slice %arg3[%add3A_78, %dma_wait3A_153] : memref<128x32768xf32, #tpu.memory_space<hbm>> -> memref<1x32768xf32, #tpu.memory_space<hbm>>
    tpu.wait_dma2 semaphore(%arg9 : memref<!tpu.dma_semaphore, #tpu.memory_space<semaphore_mem>>) src(%arg5 : memref<1x32768xf32, #tpu.memory_space<vmem>>) dst(%dma_wait3A_154 : memref<1x32768xf32, #tpu.memory_space<hbm>>)
    return
  }
}

module attributes {stable_mosaic.version = 14 : i64} {
  func.func @_tc_block(%arg0: i32, %arg1: memref<8x32768xf32, #tpu.memory_space<vmem>>, %arg2: memref<8x32768xf32, #tpu.memory_space<vmem>>) attributes {dimension_semantics = [#tpu.dimension_semantics<arbitrary>], iteration_bounds = array<i64: 8>, scalar_prefetch = 0 : i64, scratch_operands = 0 : i64, tpu.core_type = #tpu.core_type<tc>, window_params = [{transform_indices = @transform_0, window_bounds = array<i64: 8, 32768>}, {transform_indices = @transform_1, window_bounds = array<i64: 8, 32768>}]} {
    %get3A = arith.constant 0 : index
    %get3A_0 = arith.constant 0 : index
    %get3A_1 = vector.load %arg1[%get3A, %get3A_0] : memref<8x32768xf32, #tpu.memory_space<vmem>>, vector<8x32768xf32>
    %bitcast_convert_type3A = tpu.bitcast %get3A_1 : vector<8x32768xf32> -> vector<8x32768xi32>
    %ge3A = arith.constant 0 : i32
    %ge3A_2 = vector.broadcast %ge3A : i32 to vector<8x32768xi32>
    %ge3A_3 = arith.cmpi sge, %bitcast_convert_type3A, %ge3A_2 : vector<8x32768xi32>
    %xor3A = arith.constant 2147483647 : i32
    %xor3A_4 = vector.broadcast %xor3A : i32 to vector<8x32768xi32>
    %xor3A_5 = arith.xori %bitcast_convert_type3A, %xor3A_4 : vector<8x32768xi32>
    %select_n3A = arith.select %ge3A_3, %bitcast_convert_type3A, %xor3A_5 : vector<8x32768xi1>, vector<8x32768xi32>
    %shift_right_arithmetic3A = arith.constant 16 : i32
    %shift_right_arithmetic3A_6 = vector.broadcast %shift_right_arithmetic3A : i32 to vector<8x32768xi32>
    %shift_right_arithmetic3A_7 = arith.shrsi %select_n3A, %shift_right_arithmetic3A_6 : vector<8x32768xi32>
    %convert_element_type3A = arith.trunci %shift_right_arithmetic3A_7 : vector<8x32768xi32> to vector<8x32768xi16>
    %broadcast_in_dim3A = arith.constant -32768 : i32
    %broadcast_in_dim3A_8 = vector.broadcast %broadcast_in_dim3A : i32 to vector<8x1xi32>
    %scan3A = arith.constant 0 : i32
    %scan3A_9 = arith.constant 16 : i32
    %scan3A_10 = arith.addi %scan3A, %scan3A_9 : i32
    %scan3A_11 = arith.constant 1 : i32
    %scan3A_12 = scf.for %scan3A_42 = %scan3A to %scan3A_10 step %scan3A_11 iter_args(%scan3A_43 = %broadcast_in_dim3A_8) -> (vector<8x1xi32>)  : i32 {
      %sub3A = arith.constant 15 : i32
      %sub3A_44 = arith.subi %sub3A, %scan3A_42 : i32
      %shift_left3A_45 = arith.constant 1 : i32
      %shift_left3A_46 = arith.shli %shift_left3A_45, %sub3A_44 : i32
      %add3A = vector.broadcast %shift_left3A_46 : i32 to vector<8x1xi32>
      %add3A_47 = arith.addi %scan3A_43, %add3A : vector<8x1xi32>
      %convert_element_type3A_48 = arith.trunci %add3A_47 : vector<8x1xi32> to vector<8x1xi16>
      %ge3A_49 = vector.broadcast %convert_element_type3A_48 : vector<8x1xi16> to vector<8x32768xi16>
      %ge3A_50 = arith.cmpi sge, %convert_element_type3A, %ge3A_49 : vector<8x32768xi16>
      %convert_element_type3A_51 = arith.extui %ge3A_50 : vector<8x32768xi1> to vector<8x32768xi16>
      %slice3A = vector.extract_strided_slice %convert_element_type3A_51 {offsets = [0, 0], sizes = [8, 16384], strides = [1, 1]} : vector<8x32768xi16> to vector<8x16384xi16>
      %slice3A_52 = vector.extract_strided_slice %convert_element_type3A_51 {offsets = [0, 16384], sizes = [8, 16384], strides = [1, 1]} : vector<8x32768xi16> to vector<8x16384xi16>
      %add3A_53 = arith.addi %slice3A, %slice3A_52 : vector<8x16384xi16>
      %slice3A_54 = vector.extract_strided_slice %add3A_53 {offsets = [0, 0], sizes = [8, 8192], strides = [1, 1]} : vector<8x16384xi16> to vector<8x8192xi16>
      %slice3A_55 = vector.extract_strided_slice %add3A_53 {offsets = [0, 8192], sizes = [8, 8192], strides = [1, 1]} : vector<8x16384xi16> to vector<8x8192xi16>
      %add3A_56 = arith.addi %slice3A_54, %slice3A_55 : vector<8x8192xi16>
      %slice3A_57 = vector.extract_strided_slice %add3A_56 {offsets = [0, 0], sizes = [8, 4096], strides = [1, 1]} : vector<8x8192xi16> to vector<8x4096xi16>
      %slice3A_58 = vector.extract_strided_slice %add3A_56 {offsets = [0, 4096], sizes = [8, 4096], strides = [1, 1]} : vector<8x8192xi16> to vector<8x4096xi16>
      %add3A_59 = arith.addi %slice3A_57, %slice3A_58 : vector<8x4096xi16>
      %slice3A_60 = vector.extract_strided_slice %add3A_59 {offsets = [0, 0], sizes = [8, 2048], strides = [1, 1]} : vector<8x4096xi16> to vector<8x2048xi16>
      %slice3A_61 = vector.extract_strided_slice %add3A_59 {offsets = [0, 2048], sizes = [8, 2048], strides = [1, 1]} : vector<8x4096xi16> to vector<8x2048xi16>
      %add3A_62 = arith.addi %slice3A_60, %slice3A_61 : vector<8x2048xi16>
      %slice3A_63 = vector.extract_strided_slice %add3A_62 {offsets = [0, 0], sizes = [8, 1024], strides = [1, 1]} : vector<8x2048xi16> to vector<8x1024xi16>
      %slice3A_64 = vector.extract_strided_slice %add3A_62 {offsets = [0, 1024], sizes = [8, 1024], strides = [1, 1]} : vector<8x2048xi16> to vector<8x1024xi16>
      %add3A_65 = arith.addi %slice3A_63, %slice3A_64 : vector<8x1024xi16>
      %slice3A_66 = vector.extract_strided_slice %add3A_65 {offsets = [0, 0], sizes = [8, 512], strides = [1, 1]} : vector<8x1024xi16> to vector<8x512xi16>
      %slice3A_67 = vector.extract_strided_slice %add3A_65 {offsets = [0, 512], sizes = [8, 512], strides = [1, 1]} : vector<8x1024xi16> to vector<8x512xi16>
      %add3A_68 = arith.addi %slice3A_66, %slice3A_67 : vector<8x512xi16>
      %convert_element_type3A_69 = arith.extsi %add3A_68 : vector<8x512xi16> to vector<8x512xi32>
      %reduce_sum3A_70 = arith.constant dense<0> : vector<8xi32>
      %reduce_sum3A_71 = vector.multi_reduction <add>, %convert_element_type3A_69, %reduce_sum3A_70 [1] : vector<8x512xi32> to vector<8xi32>
      %broadcast_in_dim3A_72 = vector.shape_cast %reduce_sum3A_71 : vector<8xi32> to vector<8x1xi32>
      %ge3A_73 = arith.constant 3277 : i32
      %ge3A_74 = vector.broadcast %ge3A_73 : i32 to vector<8x1xi32>
      %ge3A_75 = arith.cmpi sge, %broadcast_in_dim3A_72, %ge3A_74 : vector<8x1xi32>
      %select_n3A_76 = arith.select %ge3A_75, %add3A_47, %scan3A_43 : vector<8x1xi1>, vector<8x1xi32>
      scf.yield %select_n3A_76 : vector<8x1xi32>
    }
    %scan3A_13 = arith.constant 16 : i32
    %shift_left3A = arith.constant 16 : i32
    %shift_left3A_14 = vector.broadcast %shift_left3A : i32 to vector<8x1xi32>
    %shift_left3A_15 = arith.shli %scan3A_12, %shift_left3A_14 : vector<8x1xi32>
    %scan3A_16 = arith.constant 0 : i32
    %scan3A_17 = arith.constant 16 : i32
    %scan3A_18 = arith.addi %scan3A_16, %scan3A_17 : i32
    %scan3A_19 = arith.constant 1 : i32
    %scan3A_20 = scf.for %scan3A_42 = %scan3A_16 to %scan3A_18 step %scan3A_19 iter_args(%scan3A_43 = %shift_left3A_15) -> (vector<8x1xi32>)  : i32 {
      %sub3A = arith.constant 15 : i32
      %sub3A_44 = arith.subi %sub3A, %scan3A_42 : i32
      %shift_left3A_45 = arith.constant 1 : i32
      %shift_left3A_46 = arith.shli %shift_left3A_45, %sub3A_44 : i32
      %add3A = vector.broadcast %shift_left3A_46 : i32 to vector<8x1xi32>
      %add3A_47 = arith.addi %scan3A_43, %add3A : vector<8x1xi32>
      %ge3A_48 = vector.broadcast %add3A_47 : vector<8x1xi32> to vector<8x32768xi32>
      %ge3A_49 = arith.cmpi sge, %select_n3A, %ge3A_48 : vector<8x32768xi32>
      %convert_element_type3A_50 = arith.extui %ge3A_49 : vector<8x32768xi1> to vector<8x32768xi32>
      %reduce_sum3A_51 = arith.constant dense<0> : vector<8xi32>
      %reduce_sum3A_52 = vector.multi_reduction <add>, %convert_element_type3A_50, %reduce_sum3A_51 [1] : vector<8x32768xi32> to vector<8xi32>
      %broadcast_in_dim3A_53 = vector.shape_cast %reduce_sum3A_52 : vector<8xi32> to vector<8x1xi32>
      %ge3A_54 = arith.constant 3277 : i32
      %ge3A_55 = vector.broadcast %ge3A_54 : i32 to vector<8x1xi32>
      %ge3A_56 = arith.cmpi sge, %broadcast_in_dim3A_53, %ge3A_55 : vector<8x1xi32>
      %select_n3A_57 = arith.select %ge3A_56, %add3A_47, %scan3A_43 : vector<8x1xi1>, vector<8x1xi32>
      scf.yield %select_n3A_57 : vector<8x1xi32>
    }
    %scan3A_21 = arith.constant 16 : i32
    %ge3A_22 = arith.constant 0 : i32
    %ge3A_23 = vector.broadcast %ge3A_22 : i32 to vector<8x1xi32>
    %ge3A_24 = arith.cmpi sge, %scan3A_20, %ge3A_23 : vector<8x1xi32>
    %xor3A_25 = arith.constant 2147483647 : i32
    %xor3A_26 = vector.broadcast %xor3A_25 : i32 to vector<8x1xi32>
    %xor3A_27 = arith.xori %scan3A_20, %xor3A_26 : vector<8x1xi32>
    %select_n3A_28 = arith.select %ge3A_24, %scan3A_20, %xor3A_27 : vector<8x1xi1>, vector<8x1xi32>
    %bitcast_convert_type3A_29 = tpu.bitcast %select_n3A_28 : vector<8x1xi32> -> vector<8x1xf32>
    %ge3A_30 = vector.broadcast %bitcast_convert_type3A_29 : vector<8x1xf32> to vector<8x32768xf32>
    %ge3A_31 = arith.cmpf oge, %get3A_1, %ge3A_30 : vector<8x32768xf32>
    %jit3A = arith.constant 0.000000e+00 : f32
    %broadcast_in_dim3A_32 = vector.broadcast %jit3A : f32 to vector<8x32768xf32>
    %select_n3A_33 = arith.select %ge3A_31, %get3A_1, %broadcast_in_dim3A_32 : vector<8x32768xi1>, vector<8x32768xf32>
    %reduce_sum3A = arith.constant dense<0.000000e+00> : vector<8xf32>
    %reduce_sum3A_34 = vector.multi_reduction <add>, %select_n3A_33, %reduce_sum3A [1] : vector<8x32768xf32> to vector<8xf32>
    %broadcast_in_dim3A_35 = vector.shape_cast %reduce_sum3A_34 : vector<8xf32> to vector<8x1xf32>
    %div3A = arith.constant 3.276800e+04 : f32
    %div3A_36 = vector.broadcast %div3A : f32 to vector<8x1xf32>
    %div3A_37 = arith.divf %broadcast_in_dim3A_35, %div3A_36 : vector<8x1xf32>
    %div3A_38 = vector.broadcast %div3A_37 : vector<8x1xf32> to vector<8x32768xf32>
    %div3A_39 = arith.divf %select_n3A_33, %div3A_38 : vector<8x32768xf32>
    %swap3A = arith.constant 0 : index
    %swap3A_40 = arith.constant 0 : index
    %swap3A_41 = vector.load %arg2[%swap3A, %swap3A_40] : memref<8x32768xf32, #tpu.memory_space<vmem>>, vector<8x32768xf32>
    tpu.vector_store %arg2[%swap3A, %swap3A_40], %div3A_39 {strides = array<i32>} : memref<8x32768xf32, #tpu.memory_space<vmem>>, vector<8x32768xf32>,
    return
  }
  func.func @transform_0(%arg0: i32) -> (i32, i32) {
    %add3A = arith.constant 8 : i32
    %add3A_0 = arith.addi %arg0, %add3A : i32
    %c0_i32 = arith.constant 0 : i32
    %c0_i32_1 = arith.constant 0 : i32
    return %add3A_0, %c0_i32 : i32, i32
  }
  func.func @transform_1(%arg0: i32) -> (i32, i32) {
    %c0_i32 = arith.constant 0 : i32
    %c0_i32_0 = arith.constant 0 : i32
    return %arg0, %c0_i32 : i32, i32
  }
}

</mosaic_0001>

<sc_bundles>
// kernel: kernel.4.cloned.1.call-start
scs
__scs_entry_jumppad:
0x0: {  	(pc) =	sbr.rel $0x88, $3  }
0x1: {  	(tag) =	ssettag $0x0;
	lr =	simm.s32 $0x1  }
0x2: {  	[smem:$0x3FA0] =	sst lr;
	_ =	strace $0xD0000000  }
0x3: {  	_ = 	snop  }
0x4: {  	_ = 	snop  }
0x5: {  	_ = 	snop  }
0x6: {  	_ = 	snop  }
0x7: {  	_ = 	snop  }
__scs_overlays_trampoline_lowered:
0x8: {  	[smem:$0x3FAF] =	sst s0  }
0x9: {  	[smem:$0x3FB0] =	sst s1  }
0xa: {  	[smem:$0x3FB1] =	sst s2  }
0xb: {  	[smem:$0x3FB2] =	sst s3  }
0xc: {  	[smem:$0x3FB3] =	sst s4  }
0xd: {  	[smem:$0x3FB4] =	sst s5  }
0xe: {  	[smem:$0x3FB5] =	sst s6  }
0xf: {  	[smem:$0x3FB6] =	sst s7  }
0x10: {  	[smem:$0x3FB7] =	sst s8  }
0x11: {  	[smem:$0x3FB8] =	sst s9;
	s0 =	simm.s32 @!p0 $0x0  }
0x12: {  	s1 =	sld [smem:$0x3F9E];
	s0 =	simm.s32 @p0 $0x1  }
0x13: {  	[smem:$0x3FB9] =	sst s0;
	s0 =	simm.s32 @!p1 $0x0  }
0x14: {  	s2 =	sld [smem:$0x3F9D];
	s0 =	simm.s32 @p1 $0x1  }
0x15: {  	[smem:$0x3FBA] =	sst s0;
	s0 =	simm.s32 @!p2 $0x0  }
0x16: {  	s3 =	sld [smem:$0x3FDB];
	s0 =	simm.s32 @p2 $0x1  }
0x17: {  	s4 =	simm.s32 $0x1BF5;
	[smem:$0x3FBC] =	sst s0  }
0x18: {  	s0 =	sld [smem:$0x3F9F];
	_ =	swait.ge [sflag:s4], $0x0  }
0x19: {  	s7 =	sld [smem:$0x3FA0]  }
0x1a: {  	s8 =	sadd.s32 $0xFFFFE003, lr  }
0x1b: {  	s9 =	sadd.s32 $0xFFFFFEF7, lr;
	s5 =	simm.s32 $0xFFFFFFFF;
	p2 =	slt.u32 s8, $0xFFFFF086  }
0x1c: {  	p1 =	slt.u32 s9, $0xF7A;
	s5 =	simm.s32 @!p2 $0x0  }
0x1d: {  	s5 =	simm.s32 @p1 $0x1;
	p0 =	seq.s32 s7, s2  }
0x1e: {  	s7 =	smul.u32 @!p0 $0xF7A, s2;
	p2 =	seq.s32 @!p0 s5, $0x0  }
0x1f: {  	s9 =	smul.u32 $0xF7A, s1;
	s8 =	simm.s32 @!p0 $0x1BF5;
	p2 =	por !p2, p0  }
0x20: {  	[sflag:s8] =	ssyncset.s32 @!p0 $0xFFFFF086;
	s6 =	sadd.s32 @!p0 s3, s7;
	s7 =	simm.s32 @!p0 $0x108  }
0x21: {  	s3 =	sadd.s32 s3, s9;
	s6 =	sadd.s32 @!p0 $0x88, s6;
	s7 =	simm.s32 @p2 $0x1082  }
0x22: {  	[simem:s7], [sflag:s8] =	dma.local @!p0 [hbm:s6], $0xF7A  }
0x23: {  	s9 =	sor.u32 $0xD0000000, s2;
	s6 =	simm.s32 $0x108;
	_ =	swait.ge @!p0 [sflag:s8], $0x0  }
0x24: {  	s3 =	sadd.s32 $0x88, s3;
	s6 =	simm.s32 @!p1 $0x1082;
	[sflag:s4] =	ssyncset.s32 $0xFFFFF086  }
0x25: {  	[simem:s6], [sflag:s4] =	dma.local [hbm:s3], $0xF7A  }
0x26: {  	[smem:$0x3FA0] =	sst s1;
	(tag) =	ssettag s2;
	_ =	strace s9  }
0x27: {  	s1 =	sld [smem:$0x3FB0]  }
0x28: {  	s2 =	sld [smem:$0x3FB1]  }
0x29: {  	s4 =	sld [smem:$0x3FB3]  }
0x2a: {  	p0 =	seq.s32 s5, $0x0;
	s5 =	sld [smem:$0x3FB4]  }
0x2b: {  	s6 =	sld [smem:$0x3FB5]  }
0x2c: {  	s7 =	sld [smem:$0x3FB6]  }
0x2d: {  	s3 =	simm.s32 $0x108;
	s8 =	sld [smem:$0x3FB7]  }
0x2e: {  	s3 =	simm.s32 @!p0 $0x1082;
	s9 =	sld [smem:$0x3FB8]  }
0x2f: {  	lr =	sadd.s32 s0, s3;
	s0 =	sld [smem:$0x3FAF]  }
0x30: {  	s3 =	sld [smem:$0x3FB2]  }
0x31: {  	[smem:$0x3FBB] =	sst s10  }
0x32: {  	s10 =	sld [smem:$0x3FB9];
	_ =	sdelay $0x3  }
0x33: {  	p0 =	seq.s32 s10, $0x1;
	s10 =	sld [smem:$0x3FBB];
	_ =	sdelay $0x3  }
0x34: {  	[smem:$0x3FBB] =	sst s10  }
0x35: {  	s10 =	sld [smem:$0x3FBA];
	_ =	sdelay $0x3  }
0x36: {  	p1 =	seq.s32 s10, $0x1;
	s10 =	sld [smem:$0x3FBB];
	_ =	sdelay $0x3  }
0x37: {  	[smem:$0x3FBB] =	sst s10  }
0x38: {  	s10 =	sld [smem:$0x3FBC]  }
0x39: {  	_ = 	snop;
	(pc) =	sbr.ind lr, $3  }
0x3a: {  	_ = 	snop  }
0x3b: {  	_ = 	snop  }
0x3c: {  	p2 =	seq.s32 s10, $0x1;
	s10 =	sld [smem:$0x3FBB]  }
0x3d: {  	_ =	shalt  }
0x3e: {  	_ =	shalt  }
0x3f: {  	_ =	shalt  }
0x40: {  	_ =	shalt  }
0x41: {  	_ =	shalt  }
0x42: {  	_ =	shalt  }
0x43: {  	_ =	shalt  }
0x44: {  	_ =	shalt  }
0x45: {  	_ =	shalt  }
0x46: {  	_ =	shalt  }
0x47: {  	_ =	shalt  }
0x48: {  	_ =	shalt  }
0x49: {  	_ =	shalt  }
0x4a: {  	_ =	shalt  }
0x4b: {  	_ =	shalt  }
0x4c: {  	_ =	shalt  }
0x4d: {  	_ =	shalt  }
0x4e: {  	_ =	shalt  }
0x4f: {  	_ =	shalt  }
0x50: {  	_ =	shalt  }
0x51: {  	_ =	shalt  }
0x52: {  	_ =	shalt  }
0x53: {  	_ =	shalt  }
0x54: {  	_ =	shalt  }
0x55: {  	_ =	shalt  }
0x56: {  	_ =	shalt  }
0x57: {  	_ =	shalt  }
0x58: {  	_ =	shalt  }
0x59: {  	_ =	shalt  }
0x5a: {  	_ =	shalt  }
0x5b: {  	_ =	shalt  }
0x5c: {  	_ =	shalt  }
0x5d: {  	_ =	shalt  }
0x5e: {  	_ =	shalt  }
0x5f: {  	_ =	shalt  }
0x60: {  	_ =	shalt  }
0x61: {  	_ =	shalt  }
0x62: {  	_ =	shalt  }
0x63: {  	_ =	shalt  }
0x64: {  	_ =	shalt  }
0x65: {  	_ =	shalt  }
0x66: {  	_ =	shalt  }
0x67: {  	_ =	shalt  }
0x68: {  	_ =	shalt  }
0x69: {  	_ =	shalt  }
0x6a: {  	_ =	shalt  }
0x6b: {  	_ =	shalt  }
0x6c: {  	_ =	shalt  }
0x6d: {  	_ =	shalt  }
0x6e: {  	_ =	shalt  }
0x6f: {  	_ =	shalt  }
0x70: {  	_ =	shalt  }
0x71: {  	_ =	shalt  }
0x72: {  	_ =	shalt  }
0x73: {  	_ =	shalt  }
0x74: {  	_ =	shalt  }
0x75: {  	_ =	shalt  }
0x76: {  	_ =	shalt  }
0x77: {  	_ =	shalt  }
0x78: {  	_ =	shalt  }
0x79: {  	_ =	shalt  }
0x7a: {  	_ =	shalt  }
0x7b: {  	_ =	shalt  }
0x7c: {  	_ =	shalt  }
0x7d: {  	_ =	shalt  }
0x7e: {  	_ =	shalt  }
0x7f: {  	_ =	shalt  }
0x80: {  	_ =	shalt  }
0x81: {  	_ =	shalt  }
0x82: {  	_ =	shalt  }
0x83: {  	_ =	shalt  }
0x84: {  	_ =	shalt  }
0x85: {  	_ =	shalt  }
0x86: {  	_ =	shalt  }
0x87: {  	_ =	shalt  }
.Lfunc_end0:
.L_simem_size_0:
called_computation_lowered:
.L_overlay_start_0:
0x88: {  	s2 =	sld [smem:$0x3FD9]  }
0x89: {  	s3 =	sld [smem:$0x3FFE];
	_ =	sdelay $0x1  }
0x8a: {  	s1 =	srdreg.scid  }
0x8b: {  	s0 =	sand.u32 $0x1, s1  }
0x8c: {  	s18 =	sshll.u32 s0, $0xA;
	s2 =	sadd.s32 s3, s2  }
0x8d: {  	s2 =	sadd.s32 s2, s18  }
0x8e: {  	[smem:$0x3FC7] =	sst s2  }
0x8f: {  	_ = 	snop  }
0x90: {  	s2 =	sld [smem:$0x3FC9]  }
0x91: {  	s19 =	sld [smem:$0x3FD0];
	(tm) =	ssettm $0x1  }
0x92: {  	s4 =	sld [smem:$0x3FFB];
	_ =	sdelay $0x3  }
0x93: {  	_ =	strace s4  }
0x94: {  	s4 =	sld [smem:$0x3FFC];
	_ =	sdelay $0x3  }
0x95: {  	_ =	strace s4  }
0x96: {  	s4 =	sld [smem:$0x3FFD];
	_ =	sdelay $0x3  }
0x97: {  	_ =	strace s4  }
0x98: {  	_ =	strace $0x8FFFFFFF  }
0x99: {  	s20 =	sld [smem:$0x3FDB];
	_ =	sdelay $0x1  }
0x9a: {  	s5 =	simm.s32 $_scs_section_size  }
0x9b: {  	s6 =	simm.s32 $_size__tile_overlayer_lowered;
	s7 =	simm.s32 $_tile_overlayer_lowered  }
0x9c: {  	s23 =	simm.s32 $0x1BFF;
	s22 =	sshll.u32 s7, $0x1;
	s4 =	sadd.s32 s5, s20  }
0x9d: {  	s8 =	simm.s32 $0x0;
	s21 =	sshll.u32 s6, $0x1;
	s6 =	sadd.s32 s22, s4  }
0x9e: {  	[timem:s8], [sflag:s23] =	dma.local [hbm:s6], s21  }
0x9f: {  	_ =	swait.ge [sflag:s23], s21  }
0xa0: {  	s5 =	ssub.s32 $0x0, s21;
	[sflag:s23] =	ssyncset.done $0x0  }
0xa1: {  	[sflag:s23] =	ssyncadd.s32 s5;
	_ =	sdelay $0x1  }
0xa2: {  	s24 =	simm.s32 $0x1B8B  }
0xa3: {  	_ =	swait.ge [sflag:s24], $0x1  }
0xa4: {  	[sflag:s24] =	ssyncset.done $0x0  }
0xa5: {  	s25 =	simm.s32 $0x1B8E;
	[sflag:s24] =	ssyncadd.s32 $0xFFFFFFFF  }
0xa6: {  	s26 =	simm.s32 $execute0_lowered;
	[smem:$0x3FD2] =	sst s25  }
0xa7: {  	s5 =	sshll.u32 s26, $0x1;
	_ =	strace $0x80000046;
	[dreg:$0x1] =	wrdreg $0xFFFFFFFF  }
0xa8: {  	s28 =	simm.s32 $_size_execute0_lowered;
	s4 =	sadd.s32 s4, s5;
	[dreg:$0x0] =	wrdreg $0x0  }
0xa9: {  	s5 =	sshll.u32 s28, $0x1;
	[dreg:$0x2] =	wrdreg s4  }
0xaa: {  	[dreg:$0x3] =	wrdreg s5  }
0xab: {  	[dreg:$0x4] =	wrdreg $0xC0  }
0xac: {  	_ =	task [dreg:s8], $0x5FFFF  }
0xad: {  	[dreg:$0x1] =	wrdreg $0xFFFFFFFF  }
0xae: {  	[dreg:$0x0] =	wrdreg $0x60  }
0xaf: {  	[dreg:$0x2] =	wrdreg s2  }
0xb0: {  	[dreg:$0x3] =	wrdreg s19  }
0xb1: {  	[dreg:$0x4] =	wrdreg $0x9  }
0xb2: {  	_ =	task.clear_ibuf [dreg:s8], $0x5FFFF;
	_ =	strace $0x90000046  }
0xb3: {  	s29 =	simm.s32 $0x9;
	_ =	strace $0x80000048  }
0xb4: {  	_ =	swait.ge [sflag:s29], $0x1  }
0xb5: {  	[sflag:s29] =	ssyncadd.s32 $0xFFFFFFFF  }
0xb6: {  	_ =	strace $0x90000048  }
0xb7: {  	_ =	sfence  }
0xb8: {  	s30 =	sld [smem:$0x0];
	_ =	sdelay $0x2  }
0xb9: {  	s31 =	sshll.u32 s1, $0xD;
	s1 =	sshrl.u32 s1, $0x2  }
0xba: {  	s3 =	sand.u32 $0x4000, s31;
	s1 =	sadd.s32 s1, s30  }
0xbb: {  	s0 =	sor.u32 s3, s0;
	s1 =	sshll.u32 s1, $0x11  }
0xbc: {  	s0 =	sor.u32 s1, s0  }
0xbd: {  	s0 =	sadd.s32 $0x8F2B, s0  }
0xbe: {  	[sflag:s0] =	ssyncadd.remote.s32 $0x1  }
0xbf: {  	_ =	sfence.sel $0xFFFF  }
0xc0: {  	[dreg:$0x0] =	wrdreg $0xFFFFFFFF;
	(pc) =	sbr.abs _section_cstart, $3  }
0xc1: {  	[dreg:$0x1] =	wrdreg $0xFFFFFFFF  }
0xc2: {  	_ =	task.clear_ibuf [dreg:s8], $0x2FFFF;
	_ =	strace $0x9FFFFFFF  }
0xc3: {  	(tm) =	ssettm $0x7FFFFFFF  }
tec
execute0_lowered:
.L_overlay_start_1:
0x0: {  	(tag) =	ssettag $0x1  }
0x1: {  	v0 =	vimm.s32 $0xFEDCBA98;
	s4 =	rddreg [dreg:$0x0];
	v1 =	vimm.s32 $0x76543210;
	s2 =	srdreg.scid  }
0x2: {  	s0 =	simm.s32 $0x0;
	s1 =	stileid.u32;
	s6 =	rddreg [dreg:$0x1];
	v2 =	vimm.s32 $0xBA98FEDC;
	v3 =	vimm.s32 $0x32107654;
	v4 =	vimm.s32 $0xDCFE98BA  }
0x3: {  	v5 =	vimm.s32 $0x54761032;
	v6 =	vimm.s32 $0xEFCDAB89;
	s9 =	simm.s32 $0x400;
	s10 =	simm.s32 $0x1;
	s11 =	simm.s32 $0x8000  }
0x4: {  	v7 =	vimm.s32 $0x67452301;
	s12 =	simm.s32 $0x2;
	s13 =	simm.s32 $0x3;
	s14 =	simm.s32 $0x0;
	v0 =	vunpack.c.l.s4.s8 v0;
	v1 =	vunpack.c.l.s4.s8 v1  }
0x5: {  	[smem:$0x7FF] =	sst s0;
	s2 =	sand.u32 $0x1, s2;
	s3 =	sshll.u32 s1, $0x6;
	v2 =	vunpack.c.l.s4.s8 v2;
	v3 =	vunpack.c.l.s4.s8 v3;
	v4 =	vunpack.c.l.s4.s8 v4  }
0x6: {  	s5 =	sshll.u32 s1, $0xE;
	v5 =	vunpack.c.l.s4.s8 v5;
	v6 =	vunpack.c.l.s4.s8 v6;
	v7 =	vunpack.c.l.s4.s8 v7;
	s7 =	sshll.u32 s2, $0x5;
	s3 =	sand.u32 $0x40, s3  }
0x7: {  	s8 =	ssub.s32 $0x2, s2;
	s5 =	sand.u32 $0x38000, s5;
	s2 =	rddreg [dreg:$0x2];
	v0 =	vunpack.c.0.s8.s32 v0;
	v1 =	vunpack.c.0.s8.s32 v1;
	v2 =	vunpack.c.0.s8.s32 v2  }
0x8: {  	_ =	strace $0x80000047;
	s3 =	sor.u32 s7, s3;
	s30 =	sshrl.u32 s8, $0x1;
	v3 =	vunpack.c.0.s8.s32 v3;
	v4 =	vunpack.c.0.s8.s32 v4;
	v5 =	vunpack.c.0.s8.s32 v5  }
0x9: {  	v6 =	vunpack.c.0.s8.s32 v6;
	v7 =	vunpack.c.0.s8.s32 v7;
	s5 =	sor.u32 s5, s3;
	s7 =	ssub.s32 s8, s30;
	s8 =	simm.s32 $0x80;
	v0 =	vand.u32 $0xF, v0  }
0xa: {  	s31 =	sor.u32 $0x10, s5;
	s3 =	sadd.s32 s4, s5;
	s5 =	sadd.s32 s6, s5;
	v0 =	vcombine.low v0, v1;
	v1 =	vcombine.low v3, v2;
	v2 =	vimm.s32 $0x1  }
0xb: {  	s7 =	smax.u32 s7, $0x1;
	s4 =	sadd.s32 s4, s31;
	s6 =	sadd.s32 s6, s31;
	v3 =	vcombine.low v5, v4;
	v4 =	vimm.s32 $0x0;
	v5 =	vcombine.low v7, v6  }
.LBB2_1:
0xc: {  	[tilespmem:s0], [sflag:$0x1] =	stream.strided.gather [hbm4b:s3+s8], $0x8000, s9, s8, $0x38;
	[tilespmem:$0x18000] =	vst v63  }
0xd: {  	_ =	swait.ge [sflag:s10], $0x8000  }
0xe: {  	[sflag:s10] =	ssyncset.done $0x0  }
0xf: {  	s15 =	simm.s32 $0x0;
	[sflag:s10] =	ssyncadd.s32 $0xFFFF8000  }
0x10: {  	[tilespmem:s11], [sflag:$0x2] =	stream.strided.gather [hbm4b:s4+s8], $0x8000, s9, s8, $0x38;
	[tilespmem:$0x18000] =	vst v63  }
0x11: {  	v6 =	vld [tilespmem:s15+$0xF0]  }
0x12: {  	v7 =	vld [tilespmem:s15+$0x0]  }
0x13: {  	v8 =	vld [tilespmem:s15+$0x10]  }
0x14: {  	v9 =	vld [tilespmem:s15+$0x20]  }
0x15: {  	v10 =	vld [tilespmem:s15+$0x30]  }
0x16: {  	v11 =	vld [tilespmem:s15+$0x40];
	v12 =	vxor.u32 $0x7FFFFFFF, v6;
	vm0 =	vlt.s32 v6, $0x0  }
0x17: {  	v13 =	vld [tilespmem:s15+$0x50];
	v14 =	vxor.u32 $0x7FFFFFFF, v7;
	vm1 =	vlt.s32 v7, $0x0;
	v6 =	vsel vm0, v12, v6  }
0x18: {  	v12 =	vld [tilespmem:s15+$0x60];
	v7 =	vsel vm1, v14, v7;
	vm0 =	vlt.s32 v8, $0x0;
	[tilespmem:s15+$0x100F0] =	vst v6;
	v6 =	vxor.u32 $0x7FFFFFFF, v8  }
0x19: {  	v14 =	vld [tilespmem:s15+$0x70];
	[tilespmem:s15+$0x10000] =	vst v7;
	v7 =	vxor.u32 $0x7FFFFFFF, v9;
	v6 =	vsel vm0, v6, v8;
	vm0 =	vlt.s32 v9, $0x0  }
0x1a: {  	v15 =	vld [tilespmem:s15+$0x80];
	[tilespmem:s15+$0x10010] =	vst v6;
	v6 =	vsel vm0, v7, v9;
	v7 =	vxor.u32 $0x7FFFFFFF, v10;
	vm0 =	vlt.s32 v10, $0x0  }
0x1b: {  	v8 =	vxor.u32 $0x7FFFFFFF, v11;
	[tilespmem:s15+$0x10020] =	vst v6;
	v7 =	vsel vm0, v7, v10;
	v6 =	vld [tilespmem:s15+$0x90];
	vm0 =	vlt.s32 v11, $0x0  }
0x1c: {  	v9 =	vxor.u32 $0x7FFFFFFF, v13;
	[tilespmem:s15+$0x10030] =	vst v7;
	v8 =	vsel vm0, v8, v11;
	v7 =	vld [tilespmem:s15+$0xA0];
	vm0 =	vlt.s32 v13, $0x0  }
0x1d: {  	v10 =	vxor.u32 $0x7FFFFFFF, v12;
	[tilespmem:s15+$0x10040] =	vst v8;
	v9 =	vsel vm0, v9, v13;
	v8 =	vld [tilespmem:s15+$0xB0];
	vm0 =	vlt.s32 v12, $0x0  }
0x1e: {  	v11 =	vxor.u32 $0x7FFFFFFF, v14;
	[tilespmem:s15+$0x10050] =	vst v9;
	v10 =	vsel vm0, v10, v12;
	v9 =	vld [tilespmem:s15+$0xC0];
	vm0 =	vlt.s32 v14, $0x0  }
0x1f: {  	v12 =	vxor.u32 $0x7FFFFFFF, v15;
	[tilespmem:s15+$0x10060] =	vst v10;
	v11 =	vsel vm0, v11, v14;
	v10 =	vld [tilespmem:s15+$0xD0];
	vm0 =	vlt.s32 v15, $0x0  }
0x20: {  	s16 =	simm.s32 $0x100;
	s17 =	simm.s32 $0x800;
	[tilespmem:s15+$0x10070] =	vst v11;
	v12 =	vsel vm0, v12, v15;
	v13 =	vxor.u32 $0x7FFFFFFF, v6;
	vm0 =	vlt.s32 v6, $0x0;
	v11 =	vld [tilespmem:s15+$0xE0]  }
.LBB2_2:
0x21: {  	p0 =	sne.s32 s17, $0x1FC00;
	v14 =	vld [tilespmem:s16+$0xF0];
	[tilespmem:s15+$0x10080] =	vst v12;
	v6 =	vsel vm0, v13, v6;
	v12 =	vxor.u32 $0x7FFFFFFF, v7;
	vm0 =	vlt.s32 v7, $0x0  }
0x22: {  	v13 =	vld [tilespmem:s16+$0x0];
	[tilespmem:s15+$0x10090] =	vst v6;
	v6 =	vsel vm0, v12, v7;
	v7 =	vxor.u32 $0x7FFFFFFF, v8;
	vm0 =	vlt.s32 v8, $0x0  }
0x23: {  	v12 =	vld [tilespmem:s16+$0x10];
	[tilespmem:s15+$0x100A0] =	vst v6;
	v6 =	vsel vm0, v7, v8;
	v7 =	vxor.u32 $0x7FFFFFFF, v9;
	vm0 =	vlt.s32 v9, $0x0  }
0x24: {  	v8 =	vld [tilespmem:s16+$0x20];
	[tilespmem:s15+$0x100B0] =	vst v6;
	v6 =	vsel vm0, v7, v9;
	v7 =	vxor.u32 $0x7FFFFFFF, v10;
	vm0 =	vlt.s32 v10, $0x0  }
0x25: {  	v9 =	vld [tilespmem:s16+$0x30];
	[tilespmem:s15+$0x100C0] =	vst v6;
	v6 =	vsel vm0, v7, v10;
	v7 =	vxor.u32 $0x7FFFFFFF, v11;
	vm0 =	vlt.s32 v11, $0x0  }
0x26: {  	v10 =	vld [tilespmem:s16+$0x40];
	v15 =	vxor.u32 $0x7FFFFFFF, v14;
	vm1 =	vlt.s32 v14, $0x0;
	[tilespmem:s15+$0x100D0] =	vst v6;
	v6 =	vsel vm0, v7, v11  }
0x27: {  	v7 =	vxor.u32 $0x7FFFFFFF, v13;
	vm0 =	vlt.s32 v13, $0x0;
	v11 =	vld [tilespmem:s16+$0x50];
	v14 =	vsel vm1, v15, v14;
	[tilespmem:s15+$0x100E0] =	vst v6;
	s15 =	smov.u32 s16  }
0x28: {  	v6 =	vsel vm0, v7, v13;
	v7 =	vxor.u32 $0x7FFFFFFF, v12;
	vm0 =	vlt.s32 v12, $0x0;
	v13 =	vld [tilespmem:s15+$0x60];
	[tilespmem:s15+$0x100F0] =	vst v14  }
0x29: {  	[tilespmem:s15+$0x10000] =	vst v6;
	v6 =	vsel vm0, v7, v12;
	v7 =	vxor.u32 $0x7FFFFFFF, v8;
	vm0 =	vlt.s32 v8, $0x0;
	v12 =	vld [tilespmem:s15+$0x70]  }
0x2a: {  	[tilespmem:s15+$0x10010] =	vst v6;
	v6 =	vsel vm0, v7, v8;
	v7 =	vxor.u32 $0x7FFFFFFF, v9;
	vm0 =	vlt.s32 v9, $0x0;
	v14 =	vld [tilespmem:s15+$0x80]  }
0x2b: {  	[tilespmem:s15+$0x10020] =	vst v6;
	v7 =	vsel vm0, v7, v9;
	v8 =	vxor.u32 $0x7FFFFFFF, v10;
	vm0 =	vlt.s32 v10, $0x0;
	v6 =	vld [tilespmem:s15+$0x90]  }
.Ltmp0:
0x2c: {  	[tilespmem:s15+$0x10030] =	vst v7;
	v8 =	vsel vm0, v8, v10;
	v9 =	vxor.u32 $0x7FFFFFFF, v11;
	vm0 =	vlt.s32 v11, $0x0;
	v7 =	vld [tilespmem:s15+$0xA0];
	(pc) =	sbr.rel @p0 .LBB2_2-.Ltmp0, $4  }
0x2d: {  	[tilespmem:s15+$0x10040] =	vst v8;
	v9 =	vsel vm0, v9, v11;
	v10 =	vxor.u32 $0x7FFFFFFF, v13;
	vm0 =	vlt.s32 v13, $0x0;
	v8 =	vld [tilespmem:s15+$0xB0]  }
0x2e: {  	[tilespmem:s15+$0x10050] =	vst v9;
	v10 =	vsel vm0, v10, v13;
	v11 =	vxor.u32 $0x7FFFFFFF, v12;
	vm0 =	vlt.s32 v12, $0x0;
	v9 =	vld [tilespmem:s15+$0xC0]  }
0x2f: {  	[tilespmem:s15+$0x10060] =	vst v10;
	v11 =	vsel vm0, v11, v12;
	v12 =	vxor.u32 $0x7FFFFFFF, v14;
	vm0 =	vlt.s32 v14, $0x0;
	v10 =	vld [tilespmem:s15+$0xD0]  }
0x30: {  	s16 =	sshra.s32 s17, $0x2;
	s17 =	sadd.s32 $0x400, s17;
	[tilespmem:s15+$0x10070] =	vst v11;
	v12 =	vsel vm0, v12, v14;
	v13 =	vxor.u32 $0x7FFFFFFF, v6;
	vm0 =	vlt.s32 v6, $0x0;
	v11 =	vld [tilespmem:s15+$0xE0]  }
0x31: {  	v14 =	vld [tilespmem:s16+$0xF0];
	[tilespmem:s15+$0x10080] =	vst v12;
	v6 =	vsel vm0, v13, v6;
	v41 =	vxor.u32 $0x7FFFFFFF, v7;
	vm8 =	vlt.s32 v7, $0x0  }
0x32: {  	v12 =	vld [tilespmem:s16+$0x0];
	[tilespmem:s15+$0x10090] =	vst v6;
	v6 =	vsel vm8, v41, v7;
	v42 =	vxor.u32 $0x7FFFFFFF, v8;
	vm9 =	vlt.s32 v8, $0x0  }
0x33: {  	v7 =	vld [tilespmem:s16+$0x10];
	[tilespmem:s15+$0x100A0] =	vst v6;
	v6 =	vsel vm9, v42, v8;
	v43 =	vxor.u32 $0x7FFFFFFF, v9;
	vm10 =	vlt.s32 v9, $0x0  }
0x34: {  	v8 =	vld [tilespmem:s16+$0x20];
	[tilespmem:s15+$0x100B0] =	vst v6;
	v6 =	vsel vm10, v43, v9;
	v45 =	vxor.u32 $0x7FFFFFFF, v10;
	vm11 =	vlt.s32 v10, $0x0  }
0x35: {  	v44 =	vld [tilespmem:s16+$0x30];
	[tilespmem:s15+$0x100C0] =	vst v6;
	v6 =	vsel vm11, v45, v10;
	v47 =	vxor.u32 $0x7FFFFFFF, v11;
	vm12 =	vlt.s32 v11, $0x0  }
0x36: {  	v46 =	vld [tilespmem:s16+$0x40];
	[tilespmem:s15+$0x100D0] =	vst v6;
	v6 =	vsel vm12, v47, v11;
	v49 =	vxor.u32 $0x7FFFFFFF, v14;
	vm13 =	vlt.s32 v14, $0x0  }
0x37: {  	v48 =	vld [tilespmem:s16+$0x50];
	[tilespmem:s15+$0x100E0] =	vst v6;
	v6 =	vxor.u32 $0x7FFFFFFF, v12;
	vm1 =	vlt.s32 v12, $0x0;
	v13 =	vsel vm13, v49, v14  }
0x38: {  	v50 =	vld [tilespmem:s16+$0x60];
	v6 =	vsel vm1, v6, v12;
	[tilespmem:s16+$0x100F0] =	vst v13;
	v51 =	vxor.u32 $0x7FFFFFFF, v7;
	vm14 =	vlt.s32 v7, $0x0  }
0x39: {  	[tilespmem:s16+$0x10000] =	vst v6;
	v6 =	vsel vm14, v51, v7;
	v7 =	vld [tilespmem:s16+$0x70];
	v52 =	vxor.u32 $0x7FFFFFFF, v8;
	vm15 =	vlt.s32 v8, $0x0  }
0x3a: {  	[tilespmem:s16+$0x10010] =	vst v6;
	v6 =	vsel vm15, v52, v8;
	v8 =	vld [tilespmem:s16+$0x80];
	v53 =	vxor.u32 $0x7FFFFFFF, v44;
	vm4 =	vlt.s32 v44, $0x0  }
0x3b: {  	v54 =	vld [tilespmem:s16+$0x90];
	[tilespmem:s16+$0x10020] =	vst v6;
	v6 =	vsel vm4, v53, v44;
	v55 =	vxor.u32 $0x7FFFFFFF, v46;
	vm5 =	vlt.s32 v46, $0x0  }
0x3c: {  	v56 =	vld [tilespmem:s16+$0xA0];
	[tilespmem:s16+$0x10030] =	vst v6;
	v6 =	vsel vm5, v55, v46;
	v57 =	vxor.u32 $0x7FFFFFFF, v48;
	vm6 =	vlt.s32 v48, $0x0  }
0x3d: {  	v58 =	vld [tilespmem:s16+$0xB0];
	[tilespmem:s16+$0x10040] =	vst v6;
	v6 =	vsel vm6, v57, v48;
	v59 =	vxor.u32 $0x7FFFFFFF, v50;
	vm7 =	vlt.s32 v50, $0x0  }
0x3e: {  	v60 =	vld [tilespmem:s16+$0xC0];
	[tilespmem:s16+$0x10050] =	vst v6;
	v6 =	vsel vm7, v59, v50;
	v61 =	vxor.u32 $0x7FFFFFFF, v7;
	vm8 =	vlt.s32 v7, $0x0  }
0x3f: {  	[tilespmem:s16+$0x10060] =	vst v6;
	v6 =	vsel vm8, v61, v7;
	v7 =	vld [tilespmem:s16+$0xD0];
	v62 =	vxor.u32 $0x7FFFFFFF, v8;
	vm9 =	vlt.s32 v8, $0x0  }
0x40: {  	v63 =	vld [tilespmem:s16+$0xE0];
	vm10 =	vlt.s32 v54, $0x0;
	[tilespmem:s16+$0x10070] =	vst v6;
	v6 =	vsel vm9, v62, v8;
	v8 =	vxor.u32 $0x7FFFFFFF, v54  }
0x41: {  	vm11 =	vlt.s32 v56, $0x0;
	[tilespmem:s16+$0x10080] =	vst v6;
	v6 =	vsel vm10, v8, v54;
	v8 =	vxor.u32 $0x7FFFFFFF, v56  }
0x42: {  	vm12 =	vlt.s32 v58, $0x0;
	[tilespmem:s16+$0x10090] =	vst v6;
	v6 =	vsel vm11, v8, v56;
	v8 =	vxor.u32 $0x7FFFFFFF, v58  }
0x43: {  	vm13 =	vlt.s32 v60, $0x0;
	[tilespmem:s16+$0x100A0] =	vst v6;
	v6 =	vsel vm12, v8, v58;
	v8 =	vxor.u32 $0x7FFFFFFF, v60  }
0x44: {  	[tilespmem:s16+$0x100B0] =	vst v6;
	v6 =	vsel vm13, v8, v60;
	v8 =	vxor.u32 $0x7FFFFFFF, v7;
	vm14 =	vlt.s32 v7, $0x0  }
0x45: {  	vm15 =	vlt.s32 v63, $0x0;
	[tilespmem:s16+$0x100C0] =	vst v6;
	v6 =	vsel vm14, v8, v7;
	v7 =	vxor.u32 $0x7FFFFFFF, v63  }
0x46: {  	[tilespmem:s16+$0x100D0] =	vst v6;
	v6 =	vsel vm15, v7, v63  }
0x47: {  	s15 =	simm.s32 $0x0;
	[tilespmem:s16+$0x100E0] =	vst v6;
	v6 =	vimm.s32 $0x80000000  }
.LBB2_4:
0x48: {  	v7 =	vmov s15;
	s18 =	simm.s32 $0x0  }
0x49: {  	v7 =	vsub.s32 $0x1F, v7;
	v8 =	vld [tilespmem:s18+$0x10000]  }
0x4a: {  	v9 =	vld [tilespmem:s18+$0x10010];
	v7 =	vshll.u32 v2, v7  }
0x4b: {  	v10 =	vld [tilespmem:s18+$0x10020];
	v7 =	vbroadcast v7, $0x0  }
0x4c: {  	v11 =	vld [tilespmem:s18+$0x10030]  }
0x4d: {  	v12 =	vld [tilespmem:s18+$0x10040];
	v7 =	vadd.s32 v6, v7  }
0x4e: {  	vm0 =	vge.s32 v8, v7;
	v8 =	vld [tilespmem:s18+$0x10050]  }
0x4f: {  	v13 =	vimm.s32 $0x0;
	v14 =	vsel vm0, $0x1, v4;
	vm0 =	vge.s32 v9, v7;
	v9 =	vld [tilespmem:s18+$0x10060]  }
0x50: {  	v13 =	vadd.s32 v14, v13;
	v14 =	vsel vm0, $0x1, v4;
	vm0 =	vge.s32 v10, v7;
	v10 =	vld [tilespmem:s18+$0x10070]  }
0x51: {  	v13 =	vadd.s32 v14, v13;
	v14 =	vsel vm0, $0x1, v4;
	vm0 =	vge.s32 v11, v7;
	v11 =	vld [tilespmem:s18+$0x10080]  }
0x52: {  	v13 =	vadd.s32 v14, v13;
	v14 =	vsel vm0, $0x1, v4;
	vm0 =	vge.s32 v12, v7;
	v12 =	vld [tilespmem:s18+$0x10090]  }
0x53: {  	v15 =	vld [tilespmem:s18+$0x100A0];
	v13 =	vadd.s32 v14, v13;
	v14 =	vsel vm0, $0x1, v4;
	vm0 =	vge.s32 v8, v7  }
0x54: {  	v8 =	vld [tilespmem:s18+$0x100B0];
	v13 =	vadd.s32 v14, v13;
	v14 =	vsel vm0, $0x1, v4;
	vm0 =	vge.s32 v9, v7  }
0x55: {  	v9 =	vld [tilespmem:s18+$0x100C0];
	v13 =	vadd.s32 v14, v13;
	v14 =	vsel vm0, $0x1, v4;
	vm0 =	vge.s32 v10, v7  }
0x56: {  	v10 =	vld [tilespmem:s18+$0x100D0];
	v13 =	vadd.s32 v14, v13;
	v14 =	vsel vm0, $0x1, v4;
	vm0 =	vge.s32 v11, v7  }
0x57: {  	v11 =	vld [tilespmem:s18+$0x100E0];
	v13 =	vadd.s32 v14, v13;
	v14 =	vsel vm0, $0x1, v4;
	vm0 =	vge.s32 v12, v7  }
0x58: {  	s16 =	simm.s32 $0x100;
	s17 =	simm.s32 $0x800;
	v12 =	vld [tilespmem:s18+$0x100F0];
	v13 =	vadd.s32 v14, v13;
	v14 =	vsel vm0, $0x1, v4;
	vm0 =	vge.s32 v15, v7  }
.LBB2_5:
0x59: {  	p0 =	sne.s32 s17, $0x1FC00;
	v15 =	vld [tilespmem:s16+$0x10000];
	v13 =	vadd.s32 v14, v13;
	v14 =	vsel vm0, $0x1, v4;
	vm0 =	vge.s32 v8, v7  }
0x5a: {  	v8 =	vld [tilespmem:s16+$0x10010];
	v13 =	vadd.s32 v14, v13;
	v14 =	vsel vm0, $0x1, v4;
	vm0 =	vge.s32 v9, v7  }
0x5b: {  	v9 =	vld [tilespmem:s16+$0x10020];
	v13 =	vadd.s32 v14, v13;
	v14 =	vsel vm0, $0x1, v4;
	vm0 =	vge.s32 v10, v7  }
0x5c: {  	v10 =	vld [tilespmem:s16+$0x10030];
	v13 =	vadd.s32 v14, v13;
	v14 =	vsel vm0, $0x1, v4;
	vm0 =	vge.s32 v11, v7  }
0x5d: {  	v11 =	vld [tilespmem:s16+$0x10040];
	v13 =	vadd.s32 v14, v13;
	v14 =	vsel vm0, $0x1, v4;
	vm0 =	vge.s32 v12, v7  }
0x5e: {  	vm1 =	vge.s32 v15, v7;
	v12 =	vld [tilespmem:s16+$0x10050];
	v13 =	vadd.s32 v14, v13;
	v14 =	vsel vm0, $0x1, v4  }
0x5f: {  	v15 =	vsel vm1, $0x1, v4;
	vm0 =	vge.s32 v8, v7;
	v8 =	vld [tilespmem:s16+$0x10060];
	v13 =	vadd.s32 v14, v13  }
0x60: {  	v13 =	vadd.s32 v15, v13;
	v14 =	vsel vm0, $0x1, v4;
	vm0 =	vge.s32 v9, v7;
	v9 =	vld [tilespmem:s16+$0x10070]  }
0x61: {  	v13 =	vadd.s32 v14, v13;
	v14 =	vsel vm0, $0x1, v4;
	vm0 =	vge.s32 v10, v7;
	v10 =	vld [tilespmem:s16+$0x10080]  }
0x62: {  	v13 =	vadd.s32 v14, v13;
	v14 =	vsel vm0, $0x1, v4;
	vm0 =	vge.s32 v11, v7;
	v11 =	vld [tilespmem:s16+$0x10090]  }
0x63: {  	v13 =	vadd.s32 v14, v13;
	v14 =	vsel vm0, $0x1, v4;
	vm0 =	vge.s32 v12, v7;
	v12 =	vld [tilespmem:s16+$0x100A0]  }
.Ltmp1:
0x64: {  	v13 =	vadd.s32 v14, v13;
	v14 =	vsel vm0, $0x1, v4;
	vm0 =	vge.s32 v8, v7;
	v8 =	vld [tilespmem:s16+$0x100B0];
	(pc) =	sbr.rel @p0 .LBB2_5-.Ltmp1, $4  }
0x65: {  	v13 =	vadd.s32 v14, v13;
	v14 =	vsel vm0, $0x1, v4;
	vm0 =	vge.s32 v9, v7;
	v9 =	vld [tilespmem:s16+$0x100C0]  }
0x66: {  	v13 =	vadd.s32 v14, v13;
	v14 =	vsel vm0, $0x1, v4;
	vm0 =	vge.s32 v10, v7;
	v10 =	vld [tilespmem:s16+$0x100D0]  }
0x67: {  	v13 =	vadd.s32 v14, v13;
	v14 =	vsel vm0, $0x1, v4;
	vm0 =	vge.s32 v11, v7;
	v11 =	vld [tilespmem:s16+$0x100E0]  }
0x68: {  	v13 =	vadd.s32 v14, v13;
	v14 =	vsel vm0, $0x1, v4;
	vm0 =	vge.s32 v12, v7;
	v12 =	vld [tilespmem:s16+$0x100F0];
	s16 =	sshra.s32 s17, $0x2;
	s17 =	sadd.s32 $0x400, s17  }
0x69: {  	v15 =	vld [tilespmem:s16+$0x10000];
	v13 =	vadd.s32 v14, v13;
	v32 =	vsel vm0, $0x1, v4;
	vm7 =	vge.s32 v8, v7  }
0x6a: {  	v8 =	vld [tilespmem:s16+$0x10010];
	v13 =	vadd.s32 v32, v13;
	v33 =	vsel vm7, $0x1, v4;
	vm8 =	vge.s32 v9, v7  }
0x6b: {  	v34 =	vld [tilespmem:s16+$0x10020];
	v13 =	vadd.s32 v33, v13;
	v35 =	vsel vm8, $0x1, v4;
	vm9 =	vge.s32 v10, v7  }
0x6c: {  	v36 =	vld [tilespmem:s16+$0x10030];
	v13 =	vadd.s32 v35, v13;
	v37 =	vsel vm9, $0x1, v4;
	vm10 =	vge.s32 v11, v7  }
0x6d: {  	v38 =	vld [tilespmem:s16+$0x10040];
	v13 =	vadd.s32 v37, v13;
	v39 =	vsel vm10, $0x1, v4;
	vm11 =	vge.s32 v12, v7  }
0x6e: {  	v40 =	vld [tilespmem:s16+$0x10050];
	vm1 =	vge.s32 v15, v7;
	v13 =	vadd.s32 v39, v13;
	v41 =	vsel vm11, $0x1, v4  }
0x6f: {  	vm12 =	vge.s32 v8, v7;
	v8 =	vld [tilespmem:s16+$0x10060];
	v15 =	vsel vm1, $0x1, v4;
	v13 =	vadd.s32 v41, v13  }
0x70: {  	v43 =	vld [tilespmem:s16+$0x10070];
	vm13 =	vge.s32 v34, v7;
	v42 =	vsel vm12, $0x1, v4;
	v13 =	vadd.s32 v15, v13  }
0x71: {  	v45 =	vld [tilespmem:s16+$0x10080];
	vm14 =	vge.s32 v36, v7;
	v44 =	vsel vm13, $0x1, v4;
	v13 =	vadd.s32 v42, v13  }
0x72: {  	v47 =	vld [tilespmem:s16+$0x10090];
	vm15 =	vge.s32 v38, v7;
	v46 =	vsel vm14, $0x1, v4;
	v13 =	vadd.s32 v44, v13  }
0x73: {  	v49 =	vld [tilespmem:s16+$0x100A0];
	vm4 =	vge.s32 v40, v7;
	v48 =	vsel vm15, $0x1, v4;
	v13 =	vadd.s32 v46, v13  }
0x74: {  	v50 =	vsel vm4, $0x1, v4;
	vm5 =	vge.s32 v8, v7;
	v8 =	vld [tilespmem:s16+$0x100B0];
	v13 =	vadd.s32 v48, v13  }
0x75: {  	v52 =	vld [tilespmem:s16+$0x100C0];
	vm6 =	vge.s32 v43, v7;
	v51 =	vsel vm5, $0x1, v4;
	v13 =	vadd.s32 v50, v13  }
0x76: {  	v54 =	vld [tilespmem:s16+$0x100D0];
	vm7 =	vge.s32 v45, v7;
	v53 =	vsel vm6, $0x1, v4;
	v13 =	vadd.s32 v51, v13  }
0x77: {  	v56 =	vld [tilespmem:s16+$0x100E0];
	vm8 =	vge.s32 v47, v7;
	v55 =	vsel vm7, $0x1, v4;
	v13 =	vadd.s32 v53, v13  }
0x78: {  	v58 =	vld [tilespmem:s16+$0x100F0];
	vm9 =	vge.s32 v49, v7;
	v57 =	vsel vm8, $0x1, v4;
	v13 =	vadd.s32 v55, v13  }
0x79: {  	v59 =	vsel vm9, $0x1, v4;
	vm10 =	vge.s32 v8, v7;
	v13 =	vadd.s32 v57, v13  }
0x7a: {  	vm11 =	vge.s32 v52, v7;
	v60 =	vsel vm10, $0x1, v4;
	v8 =	vadd.s32 v59, v13  }
0x7b: {  	v9 =	vsel vm11, $0x1, v4;
	vm12 =	vge.s32 v54, v7;
	v8 =	vadd.s32 v60, v8  }
0x7c: {  	vm13 =	vge.s32 v56, v7;
	v61 =	vsel vm12, $0x1, v4;
	v8 =	vadd.s32 v9, v8  }
0x7d: {  	vm14 =	vge.s32 v58, v7;
	v62 =	vsel vm13, $0x1, v4;
	v8 =	vadd.s32 v61, v8  }
0x7e: {  	v63 =	vsel vm14, $0x1, v4;
	v8 =	vadd.s32 v62, v8  }
0x7f: {  	v8 =	vadd.s32 v63, v8  }
0x80: {  	v9 =	vperm.xlane v8, v0;
	_ =	sdelay $0x1  }
0x81: {  	v8 =	vadd.s32 v8, v9  }
0x82: {  	v9 =	vperm.xlane v8, v1;
	_ =	sdelay $0x1  }
0x83: {  	v8 =	vadd.s32 v9, v8  }
0x84: {  	v9 =	vperm.xlane v8, v3  }
0x85: {  	s15 =	sadd.s32 $0x1, s15  }
0x86: {  	p0 =	sne.s32 s15, $0x20;
	v8 =	vadd.s32 v9, v8  }
.Ltmp2:
0x87: {  	v9 =	vperm.xlane v8, v5;
	(pc) =	sbr.rel @p0 .LBB2_4-.Ltmp2, $4  }
0x88: {  	_ = 	snop  }
0x89: {  	v8 =	vadd.s32 v9, v8  }
0x8a: {  	vm15 =	vgt.s32 v8, $0xCCC  }
0x8b: {  	v6 =	vsel vm15, v7, v6  }
0x8c: {  	s15 =	simm.s32 $0x0  }
0x8d: {  	v7 =	vld [tilespmem:s15+$0x10000]  }
0x8e: {  	v8 =	vld [tilespmem:s15+$0x0]  }
0x8f: {  	v9 =	vld [tilespmem:s15+$0x10010]  }
0x90: {  	v10 =	vld [tilespmem:s15+$0x10]  }
0x91: {  	v11 =	vld [tilespmem:s15+$0x10020]  }
0x92: {  	vm0 =	vlt.s32 v7, v6;
	v7 =	vld [tilespmem:s15+$0x20]  }
0x93: {  	v17 =	vimm.f32 $0.0e+00;
	v12 =	vld [tilespmem:s15+$0x10030];
	v8 =	vsel vm0, $0x0, v8  }
0x94: {  	vm0 =	vlt.s32 v9, v6;
	v9 =	vld [tilespmem:s15+$0x30];
	[tilespmem:s15+$0x0] =	vst v8;
	v8 =	vadd.f32 v8, v17  }
0x95: {  	v13 =	vld [tilespmem:s15+$0x10040];
	v10 =	vsel vm0, $0x0, v10  }
0x96: {  	vm0 =	vlt.s32 v11, v6;
	v11 =	vld [tilespmem:s15+$0x40];
	v8 =	vadd.f32 v10, v8  }
0x97: {  	v14 =	vld [tilespmem:s15+$0x10050];
	v7 =	vsel vm0, $0x0, v7  }
0x98: {  	vm0 =	vlt.s32 v12, v6;
	v12 =	vld [tilespmem:s15+$0x50];
	[tilespmem:s15+$0x20] =	vst v7;
	v7 =	vadd.f32 v7, v8  }
0x99: {  	v15 =	vld [tilespmem:s15+$0x10060];
	v9 =	vsel vm0, $0x0, v9  }
0x9a: {  	vm0 =	vlt.s32 v13, v6;
	v13 =	vld [tilespmem:s15+$0x60];
	v7 =	vadd.f32 v9, v7  }
0x9b: {  	v16 =	vld [tilespmem:s15+$0x10070];
	v11 =	vsel vm0, $0x0, v11  }
0x9c: {  	vm0 =	vlt.s32 v14, v6;
	v14 =	vld [tilespmem:s15+$0x70];
	v7 =	vadd.f32 v11, v7  }
0x9d: {  	v63 =	vld [tilespmem:s15+$0x10080];
	v12 =	vsel vm0, $0x0, v12  }
0x9e: {  	[tilespmem:s15+$0x10] =	vst v10;
	v10 =	vld [tilespmem:s15+$0x80];
	vm0 =	vlt.s32 v15, v6;
	v7 =	vadd.f32 v12, v7  }
0x9f: {  	v8 =	vsel vm0, $0x0, v13;
	v13 =	vld [tilespmem:s15+$0x10090]  }
0xa0: {  	[tilespmem:s15+$0x30] =	vst v9;
	v9 =	vld [tilespmem:s15+$0x90];
	vm0 =	vlt.s32 v16, v6;
	v7 =	vadd.f32 v8, v7  }
0xa1: {  	v15 =	vld [tilespmem:s15+$0x100A0];
	v14 =	vsel vm0, $0x0, v14  }
0xa2: {  	[tilespmem:s15+$0x40] =	vst v11;
	v11 =	vld [tilespmem:s15+$0xA0];
	vm0 =	vlt.s32 v63, v6;
	v7 =	vadd.f32 v14, v7  }
0xa3: {  	[tilespmem:s15+$0x50] =	vst v12;
	v12 =	vld [tilespmem:s15+$0x100B0];
	v10 =	vsel vm0, $0x0, v10  }
0xa4: {  	[tilespmem:s15+$0x60] =	vst v8;
	v8 =	vld [tilespmem:s15+$0xB0];
	vm0 =	vlt.s32 v13, v6;
	v7 =	vadd.f32 v10, v7  }
0xa5: {  	[tilespmem:s15+$0x70] =	vst v14;
	v13 =	vld [tilespmem:s15+$0x100C0];
	v9 =	vsel vm0, $0x0, v9  }
0xa6: {  	v14 =	vld [tilespmem:s15+$0xC0];
	vm0 =	vlt.s32 v15, v6;
	[tilespmem:s15+$0x90] =	vst v9;
	v9 =	vadd.f32 v9, v7  }
0xa7: {  	v15 =	vld [tilespmem:s15+$0x100D0];
	v11 =	vsel vm0, $0x0, v11  }
0xa8: {  	[tilespmem:s15+$0x80] =	vst v10;
	vm0 =	vlt.s32 v12, v6;
	v10 =	vld [tilespmem:s15+$0xD0];
	v9 =	vadd.f32 v11, v9  }
0xa9: {  	[tilespmem:s15+$0xA0] =	vst v11;
	v8 =	vsel vm0, $0x0, v8;
	v7 =	vld [tilespmem:s15+$0x100E0]  }
0xaa: {  	[tilespmem:s15+$0xB0] =	vst v8;
	vm0 =	vlt.s32 v13, v6;
	v11 =	vld [tilespmem:s15+$0xE0];
	v8 =	vadd.f32 v8, v9  }
0xab: {  	v12 =	vsel vm0, $0x0, v14;
	v9 =	vld [tilespmem:s15+$0x100F0]  }
0xac: {  	s16 =	simm.s32 $0x100;
	s17 =	simm.s32 $0x800;
	vm0 =	vlt.s32 v15, v6;
	[tilespmem:s15+$0xC0] =	vst v12;
	v8 =	vadd.f32 v12, v8;
	v12 =	vld [tilespmem:s15+$0xF0]  }
.LBB2_8:
0xad: {  	p0 =	sne.s32 s17, $0x1FC00;
	v13 =	vld [tilespmem:s16+$0x10000];
	v10 =	vsel vm0, $0x0, v10  }
0xae: {  	v14 =	vld [tilespmem:s16+$0x0];
	[tilespmem:s15+$0xD0] =	vst v10;
	v8 =	vadd.f32 v10, v8;
	vm0 =	vlt.s32 v7, v6  }
0xaf: {  	v7 =	vld [tilespmem:s16+$0x10010];
	v10 =	vsel vm0, $0x0, v11  }
0xb0: {  	v11 =	vld [tilespmem:s16+$0x10];
	[tilespmem:s15+$0xE0] =	vst v10;
	v8 =	vadd.f32 v10, v8;
	vm0 =	vlt.s32 v9, v6  }
0xb1: {  	v9 =	vld [tilespmem:s16+$0x10020];
	v10 =	vsel vm0, $0x0, v12  }
0xb2: {  	vm0 =	vlt.s32 v13, v6;
	v12 =	vld [tilespmem:s16+$0x20];
	[tilespmem:s15+$0xF0] =	vst v10;
	v8 =	vadd.f32 v10, v8;
	s15 =	smov.u32 s16  }
0xb3: {  	v10 =	vsel vm0, $0x0, v14;
	v13 =	vld [tilespmem:s15+$0x10030]  }
0xb4: {  	[tilespmem:s15+$0x0] =	vst v10;
	v8 =	vadd.f32 v10, v8;
	vm0 =	vlt.s32 v7, v6;
	v7 =	vld [tilespmem:s15+$0x30]  }
0xb5: {  	v10 =	vsel vm0, $0x0, v11;
	v11 =	vld [tilespmem:s15+$0x10040]  }
0xb6: {  	[tilespmem:s15+$0x10] =	vst v10;
	v8 =	vadd.f32 v10, v8;
	vm0 =	vlt.s32 v9, v6;
	v9 =	vld [tilespmem:s15+$0x40]  }
0xb7: {  	v10 =	vsel vm0, $0x0, v12;
	v12 =	vld [tilespmem:s15+$0x10050]  }
0xb8: {  	[tilespmem:s15+$0x20] =	vst v10;
	v8 =	vadd.f32 v10, v8;
	vm0 =	vlt.s32 v13, v6;
	v10 =	vld [tilespmem:s15+$0x50]  }
0xb9: {  	v7 =	vsel vm0, $0x0, v7;
	v13 =	vld [tilespmem:s15+$0x10060]  }
0xba: {  	[tilespmem:s15+$0x30] =	vst v7;
	v7 =	vadd.f32 v7, v8;
	vm0 =	vlt.s32 v11, v6;
	v8 =	vld [tilespmem:s15+$0x60]  }
0xbb: {  	v9 =	vsel vm0, $0x0, v9;
	v11 =	vld [tilespmem:s15+$0x10070]  }
0xbc: {  	[tilespmem:s15+$0x40] =	vst v9;
	v7 =	vadd.f32 v9, v7;
	vm0 =	vlt.s32 v12, v6;
	v9 =	vld [tilespmem:s15+$0x70]  }
0xbd: {  	v10 =	vsel vm0, $0x0, v10;
	v12 =	vld [tilespmem:s15+$0x10080]  }
0xbe: {  	[tilespmem:s15+$0x50] =	vst v10;
	v7 =	vadd.f32 v10, v7;
	vm0 =	vlt.s32 v13, v6;
	v10 =	vld [tilespmem:s15+$0x80]  }
0xbf: {  	v8 =	vsel vm0, $0x0, v8;
	v13 =	vld [tilespmem:s15+$0x10090]  }
0xc0: {  	[tilespmem:s15+$0x60] =	vst v8;
	v7 =	vadd.f32 v8, v7;
	vm0 =	vlt.s32 v11, v6;
	v8 =	vld [tilespmem:s15+$0x90]  }
0xc1: {  	v9 =	vsel vm0, $0x0, v9;
	v11 =	vld [tilespmem:s15+$0x100A0]  }
0xc2: {  	[tilespmem:s15+$0x70] =	vst v9;
	v7 =	vadd.f32 v9, v7;
	vm0 =	vlt.s32 v12, v6;
	v9 =	vld [tilespmem:s15+$0xA0]  }
0xc3: {  	v10 =	vsel vm0, $0x0, v10;
	v12 =	vld [tilespmem:s15+$0x100B0]  }
0xc4: {  	[tilespmem:s15+$0x80] =	vst v10;
	v7 =	vadd.f32 v10, v7;
	vm0 =	vlt.s32 v13, v6;
	v13 =	vld [tilespmem:s15+$0xB0]  }
0xc5: {  	v8 =	vsel vm0, $0x0, v8;
	v14 =	vld [tilespmem:s15+$0x100C0]  }
0xc6: {  	[tilespmem:s15+$0x90] =	vst v8;
	v7 =	vadd.f32 v8, v7;
	vm0 =	vlt.s32 v11, v6;
	v8 =	vld [tilespmem:s15+$0xC0]  }
0xc7: {  	v9 =	vsel vm0, $0x0, v9;
	v15 =	vld [tilespmem:s15+$0x100D0]  }
.Ltmp3:
0xc8: {  	[tilespmem:s15+$0xA0] =	vst v9;
	v9 =	vadd.f32 v9, v7;
	vm0 =	vlt.s32 v12, v6;
	v10 =	vld [tilespmem:s15+$0xD0];
	(pc) =	sbr.rel @p0 .LBB2_8-.Ltmp3, $4  }
0xc9: {  	v11 =	vsel vm0, $0x0, v13;
	v7 =	vld [tilespmem:s15+$0x100E0]  }
0xca: {  	[tilespmem:s15+$0xB0] =	vst v11;
	v12 =	vadd.f32 v11, v9;
	vm0 =	vlt.s32 v14, v6;
	v11 =	vld [tilespmem:s15+$0xE0]  }
0xcb: {  	v8 =	vsel vm0, $0x0, v8;
	v9 =	vld [tilespmem:s15+$0x100F0]  }
0xcc: {  	s16 =	sshra.s32 s17, $0x2;
	s17 =	sadd.s32 $0x400, s17;
	[tilespmem:s15+$0xC0] =	vst v8;
	v8 =	vadd.f32 v8, v12;
	vm0 =	vlt.s32 v15, v6;
	v12 =	vld [tilespmem:s15+$0xF0]  }
0xcd: {  	v13 =	vld [tilespmem:s16+$0x10000];
	v10 =	vsel vm0, $0x0, v10  }
0xce: {  	v14 =	vld [tilespmem:s16+$0x0];
	[tilespmem:s15+$0xD0] =	vst v10;
	vm10 =	vlt.s32 v7, v6;
	v8 =	vadd.f32 v10, v8  }
0xcf: {  	v7 =	vld [tilespmem:s16+$0x10010];
	v11 =	vsel vm10, $0x0, v11  }
0xd0: {  	v15 =	vld [tilespmem:s16+$0x10];
	[tilespmem:s15+$0xE0] =	vst v11;
	vm11 =	vlt.s32 v9, v6;
	v8 =	vadd.f32 v11, v8  }
0xd1: {  	v9 =	vld [tilespmem:s16+$0x10020];
	v12 =	vsel vm11, $0x0, v12  }
0xd2: {  	v16 =	vld [tilespmem:s16+$0x20];
	vm12 =	vlt.s32 v13, v6;
	[tilespmem:s15+$0xF0] =	vst v12;
	v8 =	vadd.f32 v12, v8  }
0xd3: {  	v13 =	vsel vm12, $0x0, v14;
	v14 =	vld [tilespmem:s16+$0x10030]  }
0xd4: {  	vm13 =	vlt.s32 v7, v6;
	v7 =	vld [tilespmem:s16+$0x30];
	v8 =	vadd.f32 v13, v8  }
0xd5: {  	v17 =	vld [tilespmem:s16+$0x10040];
	v15 =	vsel vm13, $0x0, v15  }
0xd6: {  	vm14 =	vlt.s32 v9, v6;
	v9 =	vld [tilespmem:s16+$0x40];
	v8 =	vadd.f32 v15, v8  }
0xd7: {  	v18 =	vld [tilespmem:s16+$0x10050];
	v16 =	vsel vm14, $0x0, v16  }
0xd8: {  	v10 =	vld [tilespmem:s16+$0x50];
	vm15 =	vlt.s32 v14, v6;
	v8 =	vadd.f32 v16, v8  }
0xd9: {  	v14 =	vld [tilespmem:s16+$0x10060];
	v7 =	vsel vm15, $0x0, v7  }
0xda: {  	v11 =	vld [tilespmem:s16+$0x60];
	vm4 =	vlt.s32 v17, v6;
	[tilespmem:s16+$0x30] =	vst v7;
	v7 =	vadd.f32 v7, v8  }
0xdb: {  	v12 =	vld [tilespmem:s16+$0x10070];
	v9 =	vsel vm4, $0x0, v9  }
0xdc: {  	[tilespmem:s16+$0x0] =	vst v13;
	v13 =	vld [tilespmem:s16+$0x70];
	vm5 =	vlt.s32 v18, v6;
	v7 =	vadd.f32 v9, v7  }
0xdd: {  	v62 =	vld [tilespmem:s16+$0x10080];
	v10 =	vsel vm5, $0x0, v10  }
0xde: {  	vm6 =	vlt.s32 v14, v6;
	v14 =	vld [tilespmem:s16+$0x80];
	v7 =	vadd.f32 v10, v7  }
0xdf: {  	[tilespmem:s16+$0x10] =	vst v15;
	v15 =	vld [tilespmem:s16+$0x10090];
	v11 =	vsel vm6, $0x0, v11  }
0xe0: {  	vm7 =	vlt.s32 v12, v6;
	v8 =	vld [tilespmem:s16+$0x90];
	v7 =	vadd.f32 v11, v7  }
0xe1: {  	v12 =	vsel vm7, $0x0, v13;
	v13 =	vld [tilespmem:s16+$0x100A0]  }
0xe2: {  	vm8 =	vlt.s32 v62, v6;
	[tilespmem:s16+$0x40] =	vst v9;
	v9 =	vld [tilespmem:s16+$0xA0];
	v7 =	vadd.f32 v12, v7  }
0xe3: {  	[tilespmem:s16+$0x50] =	vst v10;
	v10 =	vsel vm8, $0x0, v14;
	v14 =	vld [tilespmem:s16+$0x100B0]  }
0xe4: {  	vm9 =	vlt.s32 v15, v6;
	[tilespmem:s16+$0x60] =	vst v11;
	v11 =	vld [tilespmem:s16+$0xB0];
	v7 =	vadd.f32 v10, v7  }
0xe5: {  	v15 =	vld [tilespmem:s16+$0x100C0];
	v8 =	vsel vm9, $0x0, v8  }
0xe6: {  	[tilespmem:s16+$0x70] =	vst v12;
	vm10 =	vlt.s32 v13, v6;
	v12 =	vld [tilespmem:s16+$0xC0];
	v7 =	vadd.f32 v8, v7  }
0xe7: {  	v9 =	vsel vm10, $0x0, v9;
	[tilespmem:s16+$0x80] =	vst v10;
	v10 =	vld [tilespmem:s16+$0x100D0]  }
0xe8: {  	[tilespmem:s16+$0x90] =	vst v8;
	v8 =	vld [tilespmem:s16+$0xD0];
	vm11 =	vlt.s32 v14, v6;
	v7 =	vadd.f32 v9, v7  }
0xe9: {  	v13 =	vld [tilespmem:s16+$0x100E0];
	v11 =	vsel vm11, $0x0, v11  }
0xea: {  	vm12 =	vlt.s32 v15, v6;
	[tilespmem:s16+$0xA0] =	vst v9;
	v9 =	vld [tilespmem:s16+$0xE0];
	v7 =	vadd.f32 v11, v7  }
0xeb: {  	[tilespmem:s16+$0xB0] =	vst v11;
	v11 =	vsel vm12, $0x0, v12;
	v12 =	vld [tilespmem:s16+$0x100F0]  }
0xec: {  	vm13 =	vlt.s32 v10, v6;
	v10 =	vld [tilespmem:s16+$0xF0];
	v7 =	vadd.f32 v11, v7  }
0xed: {  	v8 =	vsel vm13, $0x0, v8  }
0xee: {  	vm14 =	vlt.s32 v13, v6;
	v7 =	vadd.f32 v8, v7  }
0xef: {  	v9 =	vsel vm14, $0x0, v9  }
0xf0: {  	vm15 =	vlt.s32 v12, v6;
	v7 =	vadd.f32 v9, v7  }
0xf1: {  	v6 =	vsel vm15, $0x0, v10  }
0xf2: {  	v7 =	vadd.f32 v6, v7;
	_ =	sdelay $0x1  }
0xf3: {  	v10 =	vperm.xlane v7, v0;
	_ =	sdelay $0x1  }
0xf4: {  	v7 =	vadd.f32 v10, v7;
	_ =	sdelay $0x1  }
0xf5: {  	v10 =	vperm.xlane v7, v1;
	_ =	sdelay $0x1  }
0xf6: {  	v7 =	vadd.f32 v10, v7;
	_ =	sdelay $0x1  }
0xf7: {  	v10 =	vperm.xlane v7, v3;
	_ =	sdelay $0x1  }
0xf8: {  	v7 =	vadd.f32 v10, v7;
	_ =	sdelay $0x1  }
0xf9: {  	v10 =	vperm.xlane v7, v5;
	_ =	sdelay $0x1  }
0xfa: {  	v7 =	vadd.f32 v10, v7;
	_ =	sdelay $0x1  }
0xfb: {  	(erf) = vrcp.f32 v7;
	_ =	sdelay $0x1  }
0xfc: {  	[tilespmem:s16+$0x20] =	vst v16  }
0xfd: {  	[tilespmem:s16+$0xC0] =	vst v11  }
0xfe: {  	[tilespmem:s16+$0xD0] =	vst v8  }
0xff: {  	[tilespmem:s16+$0xE0] =	vst v9  }
0x100: {  	s15 =	simm.s32 $0x0;
	[tilespmem:s16+$0xF0] =	vst v6  }
0x101: {  	v7 =	vld [tilespmem:s15+$0x0]  }
0x102: {  	v8 =	vld [tilespmem:s15+$0x10]  }
0x103: {  	v9 =	vld [tilespmem:s15+$0x20];
	v6 =	vpop (erf)  }
0x104: {  	v10 =	vld [tilespmem:s15+$0x30];
	v6 =	vmul.f32 $3.276800000e+04, v6  }
0x105: {  	v11 =	vld [tilespmem:s15+$0x40]  }
0x106: {  	v12 =	vld [tilespmem:s15+$0x50];
	v7 =	vmul.f32 v7, v6  }
0x107: {  	v13 =	vld [tilespmem:s15+$0x60];
	v8 =	vmul.f32 v8, v6  }
0x108: {  	v14 =	vld [tilespmem:s15+$0x70];
	[tilespmem:s15+$0x0] =	vst v7;
	v7 =	vmul.f32 v9, v6  }
0x109: {  	v15 =	vld [tilespmem:s15+$0x80];
	[tilespmem:s15+$0x10] =	vst v8;
	v8 =	vmul.f32 v10, v6  }
0x10a: {  	v63 =	vld [tilespmem:s15+$0x90];
	[tilespmem:s15+$0x20] =	vst v7;
	v7 =	vmul.f32 v11, v6  }
0x10b: {  	v9 =	vmul.f32 v12, v6;
	[tilespmem:s15+$0x30] =	vst v8;
	v8 =	vld [tilespmem:s15+$0xA0]  }
0x10c: {  	v10 =	vmul.f32 v13, v6;
	[tilespmem:s15+$0x40] =	vst v7;
	v7 =	vld [tilespmem:s15+$0xB0]  }
0x10d: {  	[tilespmem:s15+$0x50] =	vst v9;
	v9 =	vld [tilespmem:s15+$0xC0];
	v11 =	vmul.f32 v14, v6  }
0x10e: {  	v13 =	vmul.f32 v15, v6;
	[tilespmem:s15+$0x60] =	vst v10;
	v10 =	vld [tilespmem:s15+$0xD0]  }
0x10f: {  	s16 =	simm.s32 $0x400;
	v12 =	vmul.f32 v63, v6;
	[tilespmem:s15+$0x70] =	vst v11;
	v11 =	vld [tilespmem:s15+$0xE0]  }
.LBB2_10:
0x110: {  	s17 =	sshra.s32 s16, $0x2;
	p0 =	sne.s32 s16, $0x1FC00;
	[tilespmem:s15+$0x80] =	vst v13;
	v8 =	vmul.f32 v8, v6;
	v13 =	vld [tilespmem:s15+$0xF0]  }
0x111: {  	v14 =	vld [tilespmem:s17+$0x0];
	[tilespmem:s15+$0x90] =	vst v12;
	v7 =	vmul.f32 v7, v6  }
0x112: {  	v12 =	vld [tilespmem:s17+$0x10];
	[tilespmem:s15+$0xA0] =	vst v8;
	v8 =	vmul.f32 v9, v6  }
0x113: {  	v9 =	vld [tilespmem:s17+$0x20];
	[tilespmem:s15+$0xB0] =	vst v7;
	v7 =	vmul.f32 v10, v6  }
0x114: {  	v10 =	vld [tilespmem:s17+$0x30];
	[tilespmem:s15+$0xC0] =	vst v8;
	v8 =	vmul.f32 v11, v6  }
0x115: {  	v11 =	vld [tilespmem:s17+$0x40];
	[tilespmem:s15+$0xD0] =	vst v7;
	v7 =	vmul.f32 v13, v6  }
0x116: {  	v13 =	vmul.f32 v14, v6;
	v14 =	vld [tilespmem:s17+$0x50];
	[tilespmem:s15+$0xE0] =	vst v8  }
0x117: {  	v8 =	vmul.f32 v12, v6;
	v12 =	vld [tilespmem:s17+$0x60];
	[tilespmem:s15+$0xF0] =	vst v7;
	s15 =	smov.u32 s17  }
0x118: {  	[tilespmem:s15+$0x0] =	vst v13;
	v7 =	vmul.f32 v9, v6;
	v9 =	vld [tilespmem:s15+$0x70]  }
0x119: {  	[tilespmem:s15+$0x10] =	vst v8;
	v8 =	vmul.f32 v10, v6;
	v10 =	vld [tilespmem:s15+$0x80]  }
0x11a: {  	[tilespmem:s15+$0x20] =	vst v7;
	v7 =	vmul.f32 v11, v6;
	v11 =	vld [tilespmem:s15+$0x90]  }
.Ltmp4:
0x11b: {  	[tilespmem:s15+$0x30] =	vst v8;
	v13 =	vmul.f32 v14, v6;
	v8 =	vld [tilespmem:s15+$0xA0];
	(pc) =	sbr.rel @p0 .LBB2_10-.Ltmp4, $4  }
0x11c: {  	[tilespmem:s15+$0x40] =	vst v7;
	v12 =	vmul.f32 v12, v6;
	v7 =	vld [tilespmem:s15+$0xB0]  }
0x11d: {  	[tilespmem:s15+$0x50] =	vst v13;
	v14 =	vmul.f32 v9, v6;
	v9 =	vld [tilespmem:s15+$0xC0]  }
0x11e: {  	[tilespmem:s15+$0x60] =	vst v12;
	v13 =	vmul.f32 v10, v6;
	v10 =	vld [tilespmem:s15+$0xD0]  }
0x11f: {  	s16 =	sadd.s32 $0x400, s16;
	[tilespmem:s15+$0x70] =	vst v14;
	v12 =	vmul.f32 v11, v6;
	v11 =	vld [tilespmem:s15+$0xE0]  }
0x120: {  	[tilespmem:s15+$0x80] =	vst v13;
	v8 =	vmul.f32 v8, v6;
	v13 =	vld [tilespmem:s15+$0xF0]  }
0x121: {  	[tilespmem:s15+$0x90] =	vst v12;
	v7 =	vmul.f32 v7, v6  }
0x122: {  	[tilespmem:s15+$0xA0] =	vst v8;
	v8 =	vmul.f32 v9, v6  }
0x123: {  	[tilespmem:s15+$0xB0] =	vst v7;
	v7 =	vmul.f32 v10, v6  }
0x124: {  	[tilespmem:s15+$0xC0] =	vst v8;
	v8 =	vmul.f32 v11, v6  }
0x125: {  	[tilespmem:s15+$0xD0] =	vst v7;
	v6 =	vmul.f32 v13, v6  }
0x126: {  	[tilespmem:s15+$0xE0] =	vst v8  }
0x127: {  	[tilespmem:s15+$0xF0] =	vst v6;
	s15 =	simm.s32 $0x0  }
0x128: {  	[hbm4b:s5+s8] =	stream.strided.scatter [tilespmem:s15], [sflag:$0x3], $0x8000, s9, s8, $0x38;
	[tilespmem:$0x18000] =	vst v63  }
0x129: {  	_ =	swait.ge [sflag:s12], $0x8000  }
0x12a: {  	[sflag:s12] =	ssyncset.done $0x0  }
0x12b: {  	s16 =	simm.s32 $0x0;
	[sflag:s12] =	ssyncadd.s32 $0xFFFF8000  }
0x12c: {  	v6 =	vld [tilespmem:s16+$0x80F0]  }
0x12d: {  	v7 =	vld [tilespmem:s16+$0x8000]  }
0x12e: {  	v8 =	vld [tilespmem:s16+$0x8010]  }
0x12f: {  	v9 =	vld [tilespmem:s16+$0x8020]  }
0x130: {  	v10 =	vld [tilespmem:s16+$0x8030]  }
0x131: {  	v11 =	vld [tilespmem:s16+$0x8040];
	v12 =	vxor.u32 $0x7FFFFFFF, v6;
	vm0 =	vlt.s32 v6, $0x0  }
0x132: {  	v13 =	vld [tilespmem:s16+$0x8050];
	v14 =	vxor.u32 $0x7FFFFFFF, v7;
	vm1 =	vlt.s32 v7, $0x0;
	v6 =	vsel vm0, v12, v6  }
0x133: {  	v12 =	vld [tilespmem:s16+$0x8060];
	v7 =	vsel vm1, v14, v7;
	vm0 =	vlt.s32 v8, $0x0;
	[tilespmem:s16+$0x100F0] =	vst v6;
	v6 =	vxor.u32 $0x7FFFFFFF, v8  }
0x134: {  	v14 =	vld [tilespmem:s16+$0x8070];
	[tilespmem:s16+$0x10000] =	vst v7;
	v7 =	vxor.u32 $0x7FFFFFFF, v9;
	v6 =	vsel vm0, v6, v8;
	vm0 =	vlt.s32 v9, $0x0  }
0x135: {  	v15 =	vld [tilespmem:s16+$0x8080];
	[tilespmem:s16+$0x10010] =	vst v6;
	v6 =	vsel vm0, v7, v9;
	v7 =	vxor.u32 $0x7FFFFFFF, v10;
	vm0 =	vlt.s32 v10, $0x0  }
0x136: {  	v8 =	vxor.u32 $0x7FFFFFFF, v11;
	[tilespmem:s16+$0x10020] =	vst v6;
	v7 =	vsel vm0, v7, v10;
	v6 =	vld [tilespmem:s16+$0x8090];
	vm0 =	vlt.s32 v11, $0x0  }
0x137: {  	v9 =	vxor.u32 $0x7FFFFFFF, v13;
	[tilespmem:s16+$0x10030] =	vst v7;
	v8 =	vsel vm0, v8, v11;
	v7 =	vld [tilespmem:s16+$0x80A0];
	vm0 =	vlt.s32 v13, $0x0  }
0x138: {  	v10 =	vxor.u32 $0x7FFFFFFF, v12;
	[tilespmem:s16+$0x10040] =	vst v8;
	v9 =	vsel vm0, v9, v13;
	v8 =	vld [tilespmem:s16+$0x80B0];
	vm0 =	vlt.s32 v12, $0x0  }
0x139: {  	v11 =	vxor.u32 $0x7FFFFFFF, v14;
	[tilespmem:s16+$0x10050] =	vst v9;
	v10 =	vsel vm0, v10, v12;
	v9 =	vld [tilespmem:s16+$0x80C0];
	vm0 =	vlt.s32 v14, $0x0  }
0x13a: {  	v12 =	vxor.u32 $0x7FFFFFFF, v15;
	[tilespmem:s16+$0x10060] =	vst v10;
	v11 =	vsel vm0, v11, v14;
	v10 =	vld [tilespmem:s16+$0x80D0];
	vm0 =	vlt.s32 v15, $0x0  }
0x13b: {  	s17 =	simm.s32 $0x100;
	s18 =	simm.s32 $0x800;
	[tilespmem:s16+$0x10070] =	vst v11;
	v12 =	vsel vm0, v12, v15;
	v13 =	vxor.u32 $0x7FFFFFFF, v6;
	vm0 =	vlt.s32 v6, $0x0;
	v11 =	vld [tilespmem:s16+$0x80E0]  }
.LBB2_12:
0x13c: {  	p0 =	sne.s32 s18, $0x1FC00;
	v14 =	vld [tilespmem:s17+$0x80F0];
	[tilespmem:s16+$0x10080] =	vst v12;
	v6 =	vsel vm0, v13, v6;
	v12 =	vxor.u32 $0x7FFFFFFF, v7;
	vm0 =	vlt.s32 v7, $0x0  }
0x13d: {  	v13 =	vld [tilespmem:s17+$0x8000];
	[tilespmem:s16+$0x10090] =	vst v6;
	v6 =	vsel vm0, v12, v7;
	v7 =	vxor.u32 $0x7FFFFFFF, v8;
	vm0 =	vlt.s32 v8, $0x0  }
0x13e: {  	v12 =	vld [tilespmem:s17+$0x8010];
	[tilespmem:s16+$0x100A0] =	vst v6;
	v6 =	vsel vm0, v7, v8;
	v7 =	vxor.u32 $0x7FFFFFFF, v9;
	vm0 =	vlt.s32 v9, $0x0  }
0x13f: {  	v8 =	vld [tilespmem:s17+$0x8020];
	[tilespmem:s16+$0x100B0] =	vst v6;
	v6 =	vsel vm0, v7, v9;
	v7 =	vxor.u32 $0x7FFFFFFF, v10;
	vm0 =	vlt.s32 v10, $0x0  }
0x140: {  	v9 =	vld [tilespmem:s17+$0x8030];
	[tilespmem:s16+$0x100C0] =	vst v6;
	v6 =	vsel vm0, v7, v10;
	v7 =	vxor.u32 $0x7FFFFFFF, v11;
	vm0 =	vlt.s32 v11, $0x0  }
0x141: {  	v10 =	vld [tilespmem:s17+$0x8040];
	v15 =	vxor.u32 $0x7FFFFFFF, v14;
	vm1 =	vlt.s32 v14, $0x0;
	[tilespmem:s16+$0x100D0] =	vst v6;
	v6 =	vsel vm0, v7, v11  }
0x142: {  	v7 =	vxor.u32 $0x7FFFFFFF, v13;
	vm0 =	vlt.s32 v13, $0x0;
	v11 =	vld [tilespmem:s17+$0x8050];
	v14 =	vsel vm1, v15, v14;
	[tilespmem:s16+$0x100E0] =	vst v6;
	s16 =	smov.u32 s17  }
0x143: {  	v6 =	vsel vm0, v7, v13;
	v7 =	vxor.u32 $0x7FFFFFFF, v12;
	vm0 =	vlt.s32 v12, $0x0;
	v13 =	vld [tilespmem:s16+$0x8060];
	[tilespmem:s16+$0x100F0] =	vst v14  }
0x144: {  	[tilespmem:s16+$0x10000] =	vst v6;
	v6 =	vsel vm0, v7, v12;
	v7 =	vxor.u32 $0x7FFFFFFF, v8;
	vm0 =	vlt.s32 v8, $0x0;
	v12 =	vld [tilespmem:s16+$0x8070]  }
0x145: {  	[tilespmem:s16+$0x10010] =	vst v6;
	v6 =	vsel vm0, v7, v8;
	v7 =	vxor.u32 $0x7FFFFFFF, v9;
	vm0 =	vlt.s32 v9, $0x0;
	v14 =	vld [tilespmem:s16+$0x8080]  }
0x146: {  	[tilespmem:s16+$0x10020] =	vst v6;
	v7 =	vsel vm0, v7, v9;
	v8 =	vxor.u32 $0x7FFFFFFF, v10;
	vm0 =	vlt.s32 v10, $0x0;
	v6 =	vld [tilespmem:s16+$0x8090]  }
.Ltmp5:
0x147: {  	[tilespmem:s16+$0x10030] =	vst v7;
	v8 =	vsel vm0, v8, v10;
	v9 =	vxor.u32 $0x7FFFFFFF, v11;
	vm0 =	vlt.s32 v11, $0x0;
	v7 =	vld [tilespmem:s16+$0x80A0];
	(pc) =	sbr.rel @p0 .LBB2_12-.Ltmp5, $4  }
0x148: {  	[tilespmem:s16+$0x10040] =	vst v8;
	v9 =	vsel vm0, v9, v11;
	v10 =	vxor.u32 $0x7FFFFFFF, v13;
	vm0 =	vlt.s32 v13, $0x0;
	v8 =	vld [tilespmem:s16+$0x80B0]  }
0x149: {  	[tilespmem:s16+$0x10050] =	vst v9;
	v10 =	vsel vm0, v10, v13;
	v11 =	vxor.u32 $0x7FFFFFFF, v12;
	vm0 =	vlt.s32 v12, $0x0;
	v9 =	vld [tilespmem:s16+$0x80C0]  }
0x14a: {  	[tilespmem:s16+$0x10060] =	vst v10;
	v11 =	vsel vm0, v11, v12;
	v12 =	vxor.u32 $0x7FFFFFFF, v14;
	vm0 =	vlt.s32 v14, $0x0;
	v10 =	vld [tilespmem:s16+$0x80D0]  }
0x14b: {  	s17 =	sshra.s32 s18, $0x2;
	s18 =	sadd.s32 $0x400, s18;
	[tilespmem:s16+$0x10070] =	vst v11;
	v12 =	vsel vm0, v12, v14;
	v13 =	vxor.u32 $0x7FFFFFFF, v6;
	vm0 =	vlt.s32 v6, $0x0;
	v11 =	vld [tilespmem:s16+$0x80E0]  }
0x14c: {  	v14 =	vld [tilespmem:s17+$0x80F0];
	[tilespmem:s16+$0x10080] =	vst v12;
	v6 =	vsel vm0, v13, v6;
	v41 =	vxor.u32 $0x7FFFFFFF, v7;
	vm8 =	vlt.s32 v7, $0x0  }
0x14d: {  	v12 =	vld [tilespmem:s17+$0x8000];
	[tilespmem:s16+$0x10090] =	vst v6;
	v6 =	vsel vm8, v41, v7;
	v42 =	vxor.u32 $0x7FFFFFFF, v8;
	vm9 =	vlt.s32 v8, $0x0  }
0x14e: {  	v7 =	vld [tilespmem:s17+$0x8010];
	[tilespmem:s16+$0x100A0] =	vst v6;
	v6 =	vsel vm9, v42, v8;
	v43 =	vxor.u32 $0x7FFFFFFF, v9;
	vm10 =	vlt.s32 v9, $0x0  }
0x14f: {  	v8 =	vld [tilespmem:s17+$0x8020];
	[tilespmem:s16+$0x100B0] =	vst v6;
	v6 =	vsel vm10, v43, v9;
	v45 =	vxor.u32 $0x7FFFFFFF, v10;
	vm11 =	vlt.s32 v10, $0x0  }
0x150: {  	v44 =	vld [tilespmem:s17+$0x8030];
	[tilespmem:s16+$0x100C0] =	vst v6;
	v6 =	vsel vm11, v45, v10;
	v47 =	vxor.u32 $0x7FFFFFFF, v11;
	vm12 =	vlt.s32 v11, $0x0  }
0x151: {  	v46 =	vld [tilespmem:s17+$0x8040];
	[tilespmem:s16+$0x100D0] =	vst v6;
	v6 =	vsel vm12, v47, v11;
	v49 =	vxor.u32 $0x7FFFFFFF, v14;
	vm13 =	vlt.s32 v14, $0x0  }
0x152: {  	v48 =	vld [tilespmem:s17+$0x8050];
	[tilespmem:s16+$0x100E0] =	vst v6;
	v6 =	vxor.u32 $0x7FFFFFFF, v12;
	vm1 =	vlt.s32 v12, $0x0;
	v13 =	vsel vm13, v49, v14  }
0x153: {  	v50 =	vld [tilespmem:s17+$0x8060];
	v6 =	vsel vm1, v6, v12;
	[tilespmem:s17+$0x100F0] =	vst v13;
	v51 =	vxor.u32 $0x7FFFFFFF, v7;
	vm14 =	vlt.s32 v7, $0x0  }
0x154: {  	[tilespmem:s17+$0x10000] =	vst v6;
	v6 =	vsel vm14, v51, v7;
	v7 =	vld [tilespmem:s17+$0x8070];
	v52 =	vxor.u32 $0x7FFFFFFF, v8;
	vm15 =	vlt.s32 v8, $0x0  }
0x155: {  	[tilespmem:s17+$0x10010] =	vst v6;
	v6 =	vsel vm15, v52, v8;
	v8 =	vld [tilespmem:s17+$0x8080];
	v53 =	vxor.u32 $0x7FFFFFFF, v44;
	vm4 =	vlt.s32 v44, $0x0  }
0x156: {  	v54 =	vld [tilespmem:s17+$0x8090];
	[tilespmem:s17+$0x10020] =	vst v6;
	v6 =	vsel vm4, v53, v44;
	v55 =	vxor.u32 $0x7FFFFFFF, v46;
	vm5 =	vlt.s32 v46, $0x0  }
0x157: {  	v56 =	vld [tilespmem:s17+$0x80A0];
	[tilespmem:s17+$0x10030] =	vst v6;
	v6 =	vsel vm5, v55, v46;
	v57 =	vxor.u32 $0x7FFFFFFF, v48;
	vm6 =	vlt.s32 v48, $0x0  }
0x158: {  	v58 =	vld [tilespmem:s17+$0x80B0];
	[tilespmem:s17+$0x10040] =	vst v6;
	v6 =	vsel vm6, v57, v48;
	v59 =	vxor.u32 $0x7FFFFFFF, v50;
	vm7 =	vlt.s32 v50, $0x0  }
0x159: {  	v60 =	vld [tilespmem:s17+$0x80C0];
	[tilespmem:s17+$0x10050] =	vst v6;
	v6 =	vsel vm7, v59, v50;
	v61 =	vxor.u32 $0x7FFFFFFF, v7;
	vm8 =	vlt.s32 v7, $0x0  }
0x15a: {  	[tilespmem:s17+$0x10060] =	vst v6;
	v6 =	vsel vm8, v61, v7;
	v7 =	vld [tilespmem:s17+$0x80D0];
	v62 =	vxor.u32 $0x7FFFFFFF, v8;
	vm9 =	vlt.s32 v8, $0x0  }
0x15b: {  	v63 =	vld [tilespmem:s17+$0x80E0];
	vm10 =	vlt.s32 v54, $0x0;
	[tilespmem:s17+$0x10070] =	vst v6;
	v6 =	vsel vm9, v62, v8;
	v8 =	vxor.u32 $0x7FFFFFFF, v54  }
0x15c: {  	vm11 =	vlt.s32 v56, $0x0;
	[tilespmem:s17+$0x10080] =	vst v6;
	v6 =	vsel vm10, v8, v54;
	v8 =	vxor.u32 $0x7FFFFFFF, v56  }
0x15d: {  	vm12 =	vlt.s32 v58, $0x0;
	[tilespmem:s17+$0x10090] =	vst v6;
	v6 =	vsel vm11, v8, v56;
	v8 =	vxor.u32 $0x7FFFFFFF, v58  }
0x15e: {  	vm13 =	vlt.s32 v60, $0x0;
	[tilespmem:s17+$0x100A0] =	vst v6;
	v6 =	vsel vm12, v8, v58;
	v8 =	vxor.u32 $0x7FFFFFFF, v60  }
0x15f: {  	[tilespmem:s17+$0x100B0] =	vst v6;
	v6 =	vsel vm13, v8, v60;
	v8 =	vxor.u32 $0x7FFFFFFF, v7;
	vm14 =	vlt.s32 v7, $0x0  }
0x160: {  	vm15 =	vlt.s32 v63, $0x0;
	[tilespmem:s17+$0x100C0] =	vst v6;
	v6 =	vsel vm14, v8, v7;
	v7 =	vxor.u32 $0x7FFFFFFF, v63  }
0x161: {  	[tilespmem:s17+$0x100D0] =	vst v6;
	v6 =	vsel vm15, v7, v63  }
0x162: {  	[tilespmem:s17+$0x100E0] =	vst v6;
	v6 =	vimm.s32 $0x80000000  }
.LBB2_14:
0x163: {  	v7 =	vmov s15;
	s18 =	simm.s32 $0x0  }
0x164: {  	v7 =	vsub.s32 $0x1F, v7;
	v8 =	vld [tilespmem:s18+$0x10000]  }
0x165: {  	v9 =	vld [tilespmem:s18+$0x10010];
	v7 =	vshll.u32 v2, v7  }
0x166: {  	v10 =	vld [tilespmem:s18+$0x10020];
	v7 =	vbroadcast v7, $0x0  }
0x167: {  	v11 =	vld [tilespmem:s18+$0x10030]  }
0x168: {  	v12 =	vld [tilespmem:s18+$0x10040];
	v7 =	vadd.s32 v6, v7  }
0x169: {  	vm0 =	vge.s32 v8, v7;
	v8 =	vld [tilespmem:s18+$0x10050]  }
0x16a: {  	v13 =	vimm.s32 $0x0;
	v14 =	vsel vm0, $0x1, v4;
	vm0 =	vge.s32 v9, v7;
	v9 =	vld [tilespmem:s18+$0x10060]  }
0x16b: {  	v13 =	vadd.s32 v14, v13;
	v14 =	vsel vm0, $0x1, v4;
	vm0 =	vge.s32 v10, v7;
	v10 =	vld [tilespmem:s18+$0x10070]  }
0x16c: {  	v13 =	vadd.s32 v14, v13;
	v14 =	vsel vm0, $0x1, v4;
	vm0 =	vge.s32 v11, v7;
	v11 =	vld [tilespmem:s18+$0x10080]  }
0x16d: {  	v13 =	vadd.s32 v14, v13;
	v14 =	vsel vm0, $0x1, v4;
	vm0 =	vge.s32 v12, v7;
	v12 =	vld [tilespmem:s18+$0x10090]  }
0x16e: {  	v15 =	vld [tilespmem:s18+$0x100A0];
	v13 =	vadd.s32 v14, v13;
	v14 =	vsel vm0, $0x1, v4;
	vm0 =	vge.s32 v8, v7  }
0x16f: {  	v8 =	vld [tilespmem:s18+$0x100B0];
	v13 =	vadd.s32 v14, v13;
	v14 =	vsel vm0, $0x1, v4;
	vm0 =	vge.s32 v9, v7  }
0x170: {  	v9 =	vld [tilespmem:s18+$0x100C0];
	v13 =	vadd.s32 v14, v13;
	v14 =	vsel vm0, $0x1, v4;
	vm0 =	vge.s32 v10, v7  }
0x171: {  	v10 =	vld [tilespmem:s18+$0x100D0];
	v13 =	vadd.s32 v14, v13;
	v14 =	vsel vm0, $0x1, v4;
	vm0 =	vge.s32 v11, v7  }
0x172: {  	v11 =	vld [tilespmem:s18+$0x100E0];
	v13 =	vadd.s32 v14, v13;
	v14 =	vsel vm0, $0x1, v4;
	vm0 =	vge.s32 v12, v7  }
0x173: {  	s16 =	simm.s32 $0x100;
	s17 =	simm.s32 $0x800;
	v12 =	vld [tilespmem:s18+$0x100F0];
	v13 =	vadd.s32 v14, v13;
	v14 =	vsel vm0, $0x1, v4;
	vm0 =	vge.s32 v15, v7  }
.LBB2_15:
0x174: {  	p0 =	sne.s32 s17, $0x1FC00;
	v15 =	vld [tilespmem:s16+$0x10000];
	v13 =	vadd.s32 v14, v13;
	v14 =	vsel vm0, $0x1, v4;
	vm0 =	vge.s32 v8, v7  }
0x175: {  	v8 =	vld [tilespmem:s16+$0x10010];
	v13 =	vadd.s32 v14, v13;
	v14 =	vsel vm0, $0x1, v4;
	vm0 =	vge.s32 v9, v7  }
0x176: {  	v9 =	vld [tilespmem:s16+$0x10020];
	v13 =	vadd.s32 v14, v13;
	v14 =	vsel vm0, $0x1, v4;
	vm0 =	vge.s32 v10, v7  }
0x177: {  	v10 =	vld [tilespmem:s16+$0x10030];
	v13 =	vadd.s32 v14, v13;
	v14 =	vsel vm0, $0x1, v4;
	vm0 =	vge.s32 v11, v7  }
0x178: {  	v11 =	vld [tilespmem:s16+$0x10040];
	v13 =	vadd.s32 v14, v13;
	v14 =	vsel vm0, $0x1, v4;
	vm0 =	vge.s32 v12, v7  }
0x179: {  	vm1 =	vge.s32 v15, v7;
	v12 =	vld [tilespmem:s16+$0x10050];
	v13 =	vadd.s32 v14, v13;
	v14 =	vsel vm0, $0x1, v4  }
0x17a: {  	v15 =	vsel vm1, $0x1, v4;
	vm0 =	vge.s32 v8, v7;
	v8 =	vld [tilespmem:s16+$0x10060];
	v13 =	vadd.s32 v14, v13  }
0x17b: {  	v13 =	vadd.s32 v15, v13;
	v14 =	vsel vm0, $0x1, v4;
	vm0 =	vge.s32 v9, v7;
	v9 =	vld [tilespmem:s16+$0x10070]  }
0x17c: {  	v13 =	vadd.s32 v14, v13;
	v14 =	vsel vm0, $0x1, v4;
	vm0 =	vge.s32 v10, v7;
	v10 =	vld [tilespmem:s16+$0x10080]  }
0x17d: {  	v13 =	vadd.s32 v14, v13;
	v14 =	vsel vm0, $0x1, v4;
	vm0 =	vge.s32 v11, v7;
	v11 =	vld [tilespmem:s16+$0x10090]  }
0x17e: {  	v13 =	vadd.s32 v14, v13;
	v14 =	vsel vm0, $0x1, v4;
	vm0 =	vge.s32 v12, v7;
	v12 =	vld [tilespmem:s16+$0x100A0]  }
.Ltmp6:
0x17f: {  	v13 =	vadd.s32 v14, v13;
	v14 =	vsel vm0, $0x1, v4;
	vm0 =	vge.s32 v8, v7;
	v8 =	vld [tilespmem:s16+$0x100B0];
	(pc) =	sbr.rel @p0 .LBB2_15-.Ltmp6, $4  }
0x180: {  	v13 =	vadd.s32 v14, v13;
	v14 =	vsel vm0, $0x1, v4;
	vm0 =	vge.s32 v9, v7;
	v9 =	vld [tilespmem:s16+$0x100C0]  }
0x181: {  	v13 =	vadd.s32 v14, v13;
	v14 =	vsel vm0, $0x1, v4;
	vm0 =	vge.s32 v10, v7;
	v10 =	vld [tilespmem:s16+$0x100D0]  }
0x182: {  	v13 =	vadd.s32 v14, v13;
	v14 =	vsel vm0, $0x1, v4;
	vm0 =	vge.s32 v11, v7;
	v11 =	vld [tilespmem:s16+$0x100E0]  }
0x183: {  	v13 =	vadd.s32 v14, v13;
	v14 =	vsel vm0, $0x1, v4;
	vm0 =	vge.s32 v12, v7;
	v12 =	vld [tilespmem:s16+$0x100F0];
	s16 =	sshra.s32 s17, $0x2;
	s17 =	sadd.s32 $0x400, s17  }
0x184: {  	v15 =	vld [tilespmem:s16+$0x10000];
	v13 =	vadd.s32 v14, v13;
	v32 =	vsel vm0, $0x1, v4;
	vm7 =	vge.s32 v8, v7  }
0x185: {  	v8 =	vld [tilespmem:s16+$0x10010];
	v13 =	vadd.s32 v32, v13;
	v33 =	vsel vm7, $0x1, v4;
	vm8 =	vge.s32 v9, v7  }
0x186: {  	v34 =	vld [tilespmem:s16+$0x10020];
	v13 =	vadd.s32 v33, v13;
	v35 =	vsel vm8, $0x1, v4;
	vm9 =	vge.s32 v10, v7  }
0x187: {  	v36 =	vld [tilespmem:s16+$0x10030];
	v13 =	vadd.s32 v35, v13;
	v37 =	vsel vm9, $0x1, v4;
	vm10 =	vge.s32 v11, v7  }
0x188: {  	v38 =	vld [tilespmem:s16+$0x10040];
	v13 =	vadd.s32 v37, v13;
	v39 =	vsel vm10, $0x1, v4;
	vm11 =	vge.s32 v12, v7  }
0x189: {  	v40 =	vld [tilespmem:s16+$0x10050];
	vm1 =	vge.s32 v15, v7;
	v13 =	vadd.s32 v39, v13;
	v41 =	vsel vm11, $0x1, v4  }
0x18a: {  	vm12 =	vge.s32 v8, v7;
	v8 =	vld [tilespmem:s16+$0x10060];
	v15 =	vsel vm1, $0x1, v4;
	v13 =	vadd.s32 v41, v13  }
0x18b: {  	v43 =	vld [tilespmem:s16+$0x10070];
	vm13 =	vge.s32 v34, v7;
	v42 =	vsel vm12, $0x1, v4;
	v13 =	vadd.s32 v15, v13  }
0x18c: {  	v45 =	vld [tilespmem:s16+$0x10080];
	vm14 =	vge.s32 v36, v7;
	v44 =	vsel vm13, $0x1, v4;
	v13 =	vadd.s32 v42, v13  }
0x18d: {  	v47 =	vld [tilespmem:s16+$0x10090];
	vm15 =	vge.s32 v38, v7;
	v46 =	vsel vm14, $0x1, v4;
	v13 =	vadd.s32 v44, v13  }
0x18e: {  	v49 =	vld [tilespmem:s16+$0x100A0];
	vm4 =	vge.s32 v40, v7;
	v48 =	vsel vm15, $0x1, v4;
	v13 =	vadd.s32 v46, v13  }
0x18f: {  	v50 =	vsel vm4, $0x1, v4;
	vm5 =	vge.s32 v8, v7;
	v8 =	vld [tilespmem:s16+$0x100B0];
	v13 =	vadd.s32 v48, v13  }
0x190: {  	v52 =	vld [tilespmem:s16+$0x100C0];
	vm6 =	vge.s32 v43, v7;
	v51 =	vsel vm5, $0x1, v4;
	v13 =	vadd.s32 v50, v13  }
0x191: {  	v54 =	vld [tilespmem:s16+$0x100D0];
	vm7 =	vge.s32 v45, v7;
	v53 =	vsel vm6, $0x1, v4;
	v13 =	vadd.s32 v51, v13  }
0x192: {  	v56 =	vld [tilespmem:s16+$0x100E0];
	vm8 =	vge.s32 v47, v7;
	v55 =	vsel vm7, $0x1, v4;
	v13 =	vadd.s32 v53, v13  }
0x193: {  	v58 =	vld [tilespmem:s16+$0x100F0];
	vm9 =	vge.s32 v49, v7;
	v57 =	vsel vm8, $0x1, v4;
	v13 =	vadd.s32 v55, v13  }
0x194: {  	v59 =	vsel vm9, $0x1, v4;
	vm10 =	vge.s32 v8, v7;
	v13 =	vadd.s32 v57, v13  }
0x195: {  	vm11 =	vge.s32 v52, v7;
	v60 =	vsel vm10, $0x1, v4;
	v8 =	vadd.s32 v59, v13  }
0x196: {  	v9 =	vsel vm11, $0x1, v4;
	vm12 =	vge.s32 v54, v7;
	v8 =	vadd.s32 v60, v8  }
0x197: {  	vm13 =	vge.s32 v56, v7;
	v61 =	vsel vm12, $0x1, v4;
	v8 =	vadd.s32 v9, v8  }
0x198: {  	vm14 =	vge.s32 v58, v7;
	v62 =	vsel vm13, $0x1, v4;
	v8 =	vadd.s32 v61, v8  }
0x199: {  	v63 =	vsel vm14, $0x1, v4;
	v8 =	vadd.s32 v62, v8  }
0x19a: {  	v8 =	vadd.s32 v63, v8  }
0x19b: {  	v9 =	vperm.xlane v8, v0;
	_ =	sdelay $0x1  }
0x19c: {  	v8 =	vadd.s32 v8, v9  }
0x19d: {  	v9 =	vperm.xlane v8, v1;
	_ =	sdelay $0x1  }
0x19e: {  	v8 =	vadd.s32 v9, v8  }
0x19f: {  	v9 =	vperm.xlane v8, v3  }
0x1a0: {  	s15 =	sadd.s32 $0x1, s15  }
0x1a1: {  	p0 =	sne.s32 s15, $0x20;
	v8 =	vadd.s32 v9, v8  }
.Ltmp7:
0x1a2: {  	v9 =	vperm.xlane v8, v5;
	(pc) =	sbr.rel @p0 .LBB2_14-.Ltmp7, $4  }
0x1a3: {  	_ = 	snop  }
0x1a4: {  	v8 =	vadd.s32 v9, v8  }
0x1a5: {  	vm15 =	vgt.s32 v8, $0xCCC  }
0x1a6: {  	v6 =	vsel vm15, v7, v6  }
0x1a7: {  	s15 =	simm.s32 $0x0  }
0x1a8: {  	v7 =	vld [tilespmem:s15+$0x10000]  }
0x1a9: {  	v8 =	vld [tilespmem:s15+$0x8000]  }
0x1aa: {  	v9 =	vld [tilespmem:s15+$0x10010]  }
0x1ab: {  	v10 =	vld [tilespmem:s15+$0x8010]  }
0x1ac: {  	v11 =	vld [tilespmem:s15+$0x10020]  }
0x1ad: {  	vm0 =	vlt.s32 v7, v6;
	v7 =	vld [tilespmem:s15+$0x8020]  }
0x1ae: {  	v17 =	vimm.f32 $0.0e+00;
	v12 =	vld [tilespmem:s15+$0x10030];
	v8 =	vsel vm0, $0x0, v8  }
0x1af: {  	vm0 =	vlt.s32 v9, v6;
	v9 =	vld [tilespmem:s15+$0x8030];
	[tilespmem:s15+$0x8000] =	vst v8;
	v8 =	vadd.f32 v8, v17  }
0x1b0: {  	v13 =	vld [tilespmem:s15+$0x10040];
	v10 =	vsel vm0, $0x0, v10  }
0x1b1: {  	vm0 =	vlt.s32 v11, v6;
	v11 =	vld [tilespmem:s15+$0x8040];
	v8 =	vadd.f32 v10, v8  }
0x1b2: {  	v14 =	vld [tilespmem:s15+$0x10050];
	v7 =	vsel vm0, $0x0, v7  }
0x1b3: {  	vm0 =	vlt.s32 v12, v6;
	v12 =	vld [tilespmem:s15+$0x8050];
	[tilespmem:s15+$0x8020] =	vst v7;
	v7 =	vadd.f32 v7, v8  }
0x1b4: {  	v15 =	vld [tilespmem:s15+$0x10060];
	v9 =	vsel vm0, $0x0, v9  }
0x1b5: {  	vm0 =	vlt.s32 v13, v6;
	v13 =	vld [tilespmem:s15+$0x8060];
	v7 =	vadd.f32 v9, v7  }
0x1b6: {  	v16 =	vld [tilespmem:s15+$0x10070];
	v11 =	vsel vm0, $0x0, v11  }
0x1b7: {  	vm0 =	vlt.s32 v14, v6;
	v14 =	vld [tilespmem:s15+$0x8070];
	v7 =	vadd.f32 v11, v7  }
0x1b8: {  	v63 =	vld [tilespmem:s15+$0x10080];
	v12 =	vsel vm0, $0x0, v12  }
0x1b9: {  	[tilespmem:s15+$0x8010] =	vst v10;
	v10 =	vld [tilespmem:s15+$0x8080];
	vm0 =	vlt.s32 v15, v6;
	v7 =	vadd.f32 v12, v7  }
0x1ba: {  	v8 =	vsel vm0, $0x0, v13;
	v13 =	vld [tilespmem:s15+$0x10090]  }
0x1bb: {  	[tilespmem:s15+$0x8030] =	vst v9;
	v9 =	vld [tilespmem:s15+$0x8090];
	vm0 =	vlt.s32 v16, v6;
	v7 =	vadd.f32 v8, v7  }
0x1bc: {  	v15 =	vld [tilespmem:s15+$0x100A0];
	v14 =	vsel vm0, $0x0, v14  }
0x1bd: {  	[tilespmem:s15+$0x8040] =	vst v11;
	v11 =	vld [tilespmem:s15+$0x80A0];
	vm0 =	vlt.s32 v63, v6;
	v7 =	vadd.f32 v14, v7  }
0x1be: {  	[tilespmem:s15+$0x8050] =	vst v12;
	v12 =	vld [tilespmem:s15+$0x100B0];
	v10 =	vsel vm0, $0x0, v10  }
0x1bf: {  	[tilespmem:s15+$0x8060] =	vst v8;
	v8 =	vld [tilespmem:s15+$0x80B0];
	vm0 =	vlt.s32 v13, v6;
	v7 =	vadd.f32 v10, v7  }
0x1c0: {  	[tilespmem:s15+$0x8070] =	vst v14;
	v13 =	vld [tilespmem:s15+$0x100C0];
	v9 =	vsel vm0, $0x0, v9  }
0x1c1: {  	v14 =	vld [tilespmem:s15+$0x80C0];
	vm0 =	vlt.s32 v15, v6;
	[tilespmem:s15+$0x8090] =	vst v9;
	v9 =	vadd.f32 v9, v7  }
0x1c2: {  	v15 =	vld [tilespmem:s15+$0x100D0];
	v11 =	vsel vm0, $0x0, v11  }
0x1c3: {  	[tilespmem:s15+$0x8080] =	vst v10;
	vm0 =	vlt.s32 v12, v6;
	v10 =	vld [tilespmem:s15+$0x80D0];
	v9 =	vadd.f32 v11, v9  }
0x1c4: {  	[tilespmem:s15+$0x80A0] =	vst v11;
	v8 =	vsel vm0, $0x0, v8;
	v7 =	vld [tilespmem:s15+$0x100E0]  }
0x1c5: {  	[tilespmem:s15+$0x80B0] =	vst v8;
	vm0 =	vlt.s32 v13, v6;
	v11 =	vld [tilespmem:s15+$0x80E0];
	v8 =	vadd.f32 v8, v9  }
0x1c6: {  	v12 =	vsel vm0, $0x0, v14;
	v9 =	vld [tilespmem:s15+$0x100F0]  }
0x1c7: {  	s16 =	simm.s32 $0x100;
	s17 =	simm.s32 $0x800;
	vm0 =	vlt.s32 v15, v6;
	[tilespmem:s15+$0x80C0] =	vst v12;
	v8 =	vadd.f32 v12, v8;
	v12 =	vld [tilespmem:s15+$0x80F0]  }
.LBB2_18:
0x1c8: {  	p0 =	sne.s32 s17, $0x1FC00;
	v13 =	vld [tilespmem:s16+$0x10000];
	v10 =	vsel vm0, $0x0, v10  }
0x1c9: {  	v14 =	vld [tilespmem:s16+$0x8000];
	[tilespmem:s15+$0x80D0] =	vst v10;
	v8 =	vadd.f32 v10, v8;
	vm0 =	vlt.s32 v7, v6  }
0x1ca: {  	v7 =	vld [tilespmem:s16+$0x10010];
	v10 =	vsel vm0, $0x0, v11  }
0x1cb: {  	v11 =	vld [tilespmem:s16+$0x8010];
	[tilespmem:s15+$0x80E0] =	vst v10;
	v8 =	vadd.f32 v10, v8;
	vm0 =	vlt.s32 v9, v6  }
0x1cc: {  	v9 =	vld [tilespmem:s16+$0x10020];
	v10 =	vsel vm0, $0x0, v12  }
0x1cd: {  	vm0 =	vlt.s32 v13, v6;
	v12 =	vld [tilespmem:s16+$0x8020];
	[tilespmem:s15+$0x80F0] =	vst v10;
	v8 =	vadd.f32 v10, v8;
	s15 =	smov.u32 s16  }
0x1ce: {  	v10 =	vsel vm0, $0x0, v14;
	v13 =	vld [tilespmem:s15+$0x10030]  }
0x1cf: {  	[tilespmem:s15+$0x8000] =	vst v10;
	v8 =	vadd.f32 v10, v8;
	vm0 =	vlt.s32 v7, v6;
	v7 =	vld [tilespmem:s15+$0x8030]  }
0x1d0: {  	v10 =	vsel vm0, $0x0, v11;
	v11 =	vld [tilespmem:s15+$0x10040]  }
0x1d1: {  	[tilespmem:s15+$0x8010] =	vst v10;
	v8 =	vadd.f32 v10, v8;
	vm0 =	vlt.s32 v9, v6;
	v9 =	vld [tilespmem:s15+$0x8040]  }
0x1d2: {  	v10 =	vsel vm0, $0x0, v12;
	v12 =	vld [tilespmem:s15+$0x10050]  }
0x1d3: {  	[tilespmem:s15+$0x8020] =	vst v10;
	v8 =	vadd.f32 v10, v8;
	vm0 =	vlt.s32 v13, v6;
	v10 =	vld [tilespmem:s15+$0x8050]  }
0x1d4: {  	v7 =	vsel vm0, $0x0, v7;
	v13 =	vld [tilespmem:s15+$0x10060]  }
0x1d5: {  	[tilespmem:s15+$0x8030] =	vst v7;
	v7 =	vadd.f32 v7, v8;
	vm0 =	vlt.s32 v11, v6;
	v8 =	vld [tilespmem:s15+$0x8060]  }
0x1d6: {  	v9 =	vsel vm0, $0x0, v9;
	v11 =	vld [tilespmem:s15+$0x10070]  }
0x1d7: {  	[tilespmem:s15+$0x8040] =	vst v9;
	v7 =	vadd.f32 v9, v7;
	vm0 =	vlt.s32 v12, v6;
	v9 =	vld [tilespmem:s15+$0x8070]  }
0x1d8: {  	v10 =	vsel vm0, $0x0, v10;
	v12 =	vld [tilespmem:s15+$0x10080]  }
0x1d9: {  	[tilespmem:s15+$0x8050] =	vst v10;
	v7 =	vadd.f32 v10, v7;
	vm0 =	vlt.s32 v13, v6;
	v10 =	vld [tilespmem:s15+$0x8080]  }
0x1da: {  	v8 =	vsel vm0, $0x0, v8;
	v13 =	vld [tilespmem:s15+$0x10090]  }
0x1db: {  	[tilespmem:s15+$0x8060] =	vst v8;
	v7 =	vadd.f32 v8, v7;
	vm0 =	vlt.s32 v11, v6;
	v8 =	vld [tilespmem:s15+$0x8090]  }
0x1dc: {  	v9 =	vsel vm0, $0x0, v9;
	v11 =	vld [tilespmem:s15+$0x100A0]  }
0x1dd: {  	[tilespmem:s15+$0x8070] =	vst v9;
	v7 =	vadd.f32 v9, v7;
	vm0 =	vlt.s32 v12, v6;
	v9 =	vld [tilespmem:s15+$0x80A0]  }
0x1de: {  	v10 =	vsel vm0, $0x0, v10;
	v12 =	vld [tilespmem:s15+$0x100B0]  }
0x1df: {  	[tilespmem:s15+$0x8080] =	vst v10;
	v7 =	vadd.f32 v10, v7;
	vm0 =	vlt.s32 v13, v6;
	v13 =	vld [tilespmem:s15+$0x80B0]  }
0x1e0: {  	v8 =	vsel vm0, $0x0, v8;
	v14 =	vld [tilespmem:s15+$0x100C0]  }
0x1e1: {  	[tilespmem:s15+$0x8090] =	vst v8;
	v7 =	vadd.f32 v8, v7;
	vm0 =	vlt.s32 v11, v6;
	v8 =	vld [tilespmem:s15+$0x80C0]  }
0x1e2: {  	v9 =	vsel vm0, $0x0, v9;
	v15 =	vld [tilespmem:s15+$0x100D0]  }
.Ltmp8:
0x1e3: {  	[tilespmem:s15+$0x80A0] =	vst v9;
	v9 =	vadd.f32 v9, v7;
	vm0 =	vlt.s32 v12, v6;
	v10 =	vld [tilespmem:s15+$0x80D0];
	(pc) =	sbr.rel @p0 .LBB2_18-.Ltmp8, $4  }
0x1e4: {  	v11 =	vsel vm0, $0x0, v13;
	v7 =	vld [tilespmem:s15+$0x100E0]  }
0x1e5: {  	[tilespmem:s15+$0x80B0] =	vst v11;
	v12 =	vadd.f32 v11, v9;
	vm0 =	vlt.s32 v14, v6;
	v11 =	vld [tilespmem:s15+$0x80E0]  }
0x1e6: {  	v8 =	vsel vm0, $0x0, v8;
	v9 =	vld [tilespmem:s15+$0x100F0]  }
0x1e7: {  	s16 =	sshra.s32 s17, $0x2;
	s17 =	sadd.s32 $0x400, s17;
	[tilespmem:s15+$0x80C0] =	vst v8;
	v8 =	vadd.f32 v8, v12;
	vm0 =	vlt.s32 v15, v6;
	v12 =	vld [tilespmem:s15+$0x80F0]  }
0x1e8: {  	v13 =	vld [tilespmem:s16+$0x10000];
	v10 =	vsel vm0, $0x0, v10  }
0x1e9: {  	v14 =	vld [tilespmem:s16+$0x8000];
	[tilespmem:s15+$0x80D0] =	vst v10;
	vm10 =	vlt.s32 v7, v6;
	v8 =	vadd.f32 v10, v8  }
0x1ea: {  	v7 =	vld [tilespmem:s16+$0x10010];
	v11 =	vsel vm10, $0x0, v11  }
0x1eb: {  	v15 =	vld [tilespmem:s16+$0x8010];
	[tilespmem:s15+$0x80E0] =	vst v11;
	vm11 =	vlt.s32 v9, v6;
	v8 =	vadd.f32 v11, v8  }
0x1ec: {  	v9 =	vld [tilespmem:s16+$0x10020];
	v12 =	vsel vm11, $0x0, v12  }
0x1ed: {  	v16 =	vld [tilespmem:s16+$0x8020];
	vm12 =	vlt.s32 v13, v6;
	[tilespmem:s15+$0x80F0] =	vst v12;
	v8 =	vadd.f32 v12, v8  }
0x1ee: {  	v13 =	vsel vm12, $0x0, v14;
	v14 =	vld [tilespmem:s16+$0x10030]  }
0x1ef: {  	vm13 =	vlt.s32 v7, v6;
	v7 =	vld [tilespmem:s16+$0x8030];
	v8 =	vadd.f32 v13, v8  }
0x1f0: {  	v17 =	vld [tilespmem:s16+$0x10040];
	v15 =	vsel vm13, $0x0, v15  }
0x1f1: {  	vm14 =	vlt.s32 v9, v6;
	v9 =	vld [tilespmem:s16+$0x8040];
	v8 =	vadd.f32 v15, v8  }
0x1f2: {  	v18 =	vld [tilespmem:s16+$0x10050];
	v16 =	vsel vm14, $0x0, v16  }
0x1f3: {  	v10 =	vld [tilespmem:s16+$0x8050];
	vm15 =	vlt.s32 v14, v6;
	v8 =	vadd.f32 v16, v8  }
0x1f4: {  	v14 =	vld [tilespmem:s16+$0x10060];
	v7 =	vsel vm15, $0x0, v7  }
0x1f5: {  	v11 =	vld [tilespmem:s16+$0x8060];
	vm4 =	vlt.s32 v17, v6;
	[tilespmem:s16+$0x8030] =	vst v7;
	v7 =	vadd.f32 v7, v8  }
0x1f6: {  	v12 =	vld [tilespmem:s16+$0x10070];
	v9 =	vsel vm4, $0x0, v9  }
0x1f7: {  	[tilespmem:s16+$0x8000] =	vst v13;
	v13 =	vld [tilespmem:s16+$0x8070];
	vm5 =	vlt.s32 v18, v6;
	v7 =	vadd.f32 v9, v7  }
0x1f8: {  	v62 =	vld [tilespmem:s16+$0x10080];
	v10 =	vsel vm5, $0x0, v10  }
0x1f9: {  	vm6 =	vlt.s32 v14, v6;
	v14 =	vld [tilespmem:s16+$0x8080];
	v7 =	vadd.f32 v10, v7  }
0x1fa: {  	[tilespmem:s16+$0x8010] =	vst v15;
	v15 =	vld [tilespmem:s16+$0x10090];
	v11 =	vsel vm6, $0x0, v11  }
0x1fb: {  	vm7 =	vlt.s32 v12, v6;
	v8 =	vld [tilespmem:s16+$0x8090];
	v7 =	vadd.f32 v11, v7  }
0x1fc: {  	v12 =	vsel vm7, $0x0, v13;
	v13 =	vld [tilespmem:s16+$0x100A0]  }
0x1fd: {  	vm8 =	vlt.s32 v62, v6;
	[tilespmem:s16+$0x8040] =	vst v9;
	v9 =	vld [tilespmem:s16+$0x80A0];
	v7 =	vadd.f32 v12, v7  }
0x1fe: {  	[tilespmem:s16+$0x8050] =	vst v10;
	v10 =	vsel vm8, $0x0, v14;
	v14 =	vld [tilespmem:s16+$0x100B0]  }
0x1ff: {  	vm9 =	vlt.s32 v15, v6;
	[tilespmem:s16+$0x8060] =	vst v11;
	v11 =	vld [tilespmem:s16+$0x80B0];
	v7 =	vadd.f32 v10, v7  }
0x200: {  	v15 =	vld [tilespmem:s16+$0x100C0];
	v8 =	vsel vm9, $0x0, v8  }
0x201: {  	[tilespmem:s16+$0x8070] =	vst v12;
	vm10 =	vlt.s32 v13, v6;
	v12 =	vld [tilespmem:s16+$0x80C0];
	v7 =	vadd.f32 v8, v7  }
0x202: {  	v9 =	vsel vm10, $0x0, v9;
	[tilespmem:s16+$0x8080] =	vst v10;
	v10 =	vld [tilespmem:s16+$0x100D0]  }
0x203: {  	[tilespmem:s16+$0x8090] =	vst v8;
	v8 =	vld [tilespmem:s16+$0x80D0];
	vm11 =	vlt.s32 v14, v6;
	v7 =	vadd.f32 v9, v7  }
0x204: {  	v13 =	vld [tilespmem:s16+$0x100E0];
	v11 =	vsel vm11, $0x0, v11  }
0x205: {  	vm12 =	vlt.s32 v15, v6;
	[tilespmem:s16+$0x80A0] =	vst v9;
	v9 =	vld [tilespmem:s16+$0x80E0];
	v7 =	vadd.f32 v11, v7  }
0x206: {  	[tilespmem:s16+$0x80B0] =	vst v11;
	v11 =	vsel vm12, $0x0, v12;
	v12 =	vld [tilespmem:s16+$0x100F0]  }
0x207: {  	vm13 =	vlt.s32 v10, v6;
	v10 =	vld [tilespmem:s16+$0x80F0];
	v7 =	vadd.f32 v11, v7  }
0x208: {  	v8 =	vsel vm13, $0x0, v8  }
0x209: {  	vm14 =	vlt.s32 v13, v6;
	v7 =	vadd.f32 v8, v7  }
0x20a: {  	v9 =	vsel vm14, $0x0, v9  }
0x20b: {  	vm15 =	vlt.s32 v12, v6;
	v7 =	vadd.f32 v9, v7  }
0x20c: {  	v6 =	vsel vm15, $0x0, v10  }
0x20d: {  	v7 =	vadd.f32 v6, v7;
	_ =	sdelay $0x1  }
0x20e: {  	v10 =	vperm.xlane v7, v0;
	_ =	sdelay $0x1  }
0x20f: {  	v7 =	vadd.f32 v10, v7;
	_ =	sdelay $0x1  }
0x210: {  	v10 =	vperm.xlane v7, v1;
	_ =	sdelay $0x1  }
0x211: {  	v7 =	vadd.f32 v10, v7;
	_ =	sdelay $0x1  }
0x212: {  	v10 =	vperm.xlane v7, v3;
	_ =	sdelay $0x1  }
0x213: {  	v7 =	vadd.f32 v10, v7;
	_ =	sdelay $0x1  }
0x214: {  	v10 =	vperm.xlane v7, v5;
	_ =	sdelay $0x1  }
0x215: {  	v7 =	vadd.f32 v10, v7;
	_ =	sdelay $0x1  }
0x216: {  	(erf) = vrcp.f32 v7;
	_ =	sdelay $0x1  }
0x217: {  	[tilespmem:s16+$0x8020] =	vst v16  }
0x218: {  	[tilespmem:s16+$0x80C0] =	vst v11  }
0x219: {  	[tilespmem:s16+$0x80D0] =	vst v8  }
0x21a: {  	[tilespmem:s16+$0x80E0] =	vst v9  }
0x21b: {  	s15 =	simm.s32 $0x0;
	[tilespmem:s16+$0x80F0] =	vst v6  }
0x21c: {  	v7 =	vld [tilespmem:s15+$0x8000]  }
0x21d: {  	v8 =	vld [tilespmem:s15+$0x8010]  }
0x21e: {  	v9 =	vld [tilespmem:s15+$0x8020];
	v6 =	vpop (erf)  }
0x21f: {  	v10 =	vld [tilespmem:s15+$0x8030];
	v6 =	vmul.f32 $3.276800000e+04, v6  }
0x220: {  	v11 =	vld [tilespmem:s15+$0x8040]  }
0x221: {  	v12 =	vld [tilespmem:s15+$0x8050];
	v7 =	vmul.f32 v7, v6  }
0x222: {  	v13 =	vld [tilespmem:s15+$0x8060];
	v8 =	vmul.f32 v8, v6  }
0x223: {  	v14 =	vld [tilespmem:s15+$0x8070];
	[tilespmem:s15+$0x8000] =	vst v7;
	v7 =	vmul.f32 v9, v6  }
0x224: {  	v15 =	vld [tilespmem:s15+$0x8080];
	[tilespmem:s15+$0x8010] =	vst v8;
	v8 =	vmul.f32 v10, v6  }
0x225: {  	v63 =	vld [tilespmem:s15+$0x8090];
	[tilespmem:s15+$0x8020] =	vst v7;
	v7 =	vmul.f32 v11, v6  }
0x226: {  	v9 =	vmul.f32 v12, v6;
	[tilespmem:s15+$0x8030] =	vst v8;
	v8 =	vld [tilespmem:s15+$0x80A0]  }
0x227: {  	v10 =	vmul.f32 v13, v6;
	[tilespmem:s15+$0x8040] =	vst v7;
	v7 =	vld [tilespmem:s15+$0x80B0]  }
0x228: {  	[tilespmem:s15+$0x8050] =	vst v9;
	v9 =	vld [tilespmem:s15+$0x80C0];
	v11 =	vmul.f32 v14, v6  }
0x229: {  	v13 =	vmul.f32 v15, v6;
	[tilespmem:s15+$0x8060] =	vst v10;
	v10 =	vld [tilespmem:s15+$0x80D0]  }
0x22a: {  	s16 =	simm.s32 $0x400;
	v12 =	vmul.f32 v63, v6;
	[tilespmem:s15+$0x8070] =	vst v11;
	v11 =	vld [tilespmem:s15+$0x80E0]  }
.LBB2_20:
0x22b: {  	s17 =	sshra.s32 s16, $0x2;
	p0 =	sne.s32 s16, $0x1FC00;
	[tilespmem:s15+$0x8080] =	vst v13;
	v8 =	vmul.f32 v8, v6;
	v13 =	vld [tilespmem:s15+$0x80F0]  }
0x22c: {  	v14 =	vld [tilespmem:s17+$0x8000];
	[tilespmem:s15+$0x8090] =	vst v12;
	v7 =	vmul.f32 v7, v6  }
0x22d: {  	v12 =	vld [tilespmem:s17+$0x8010];
	[tilespmem:s15+$0x80A0] =	vst v8;
	v8 =	vmul.f32 v9, v6  }
0x22e: {  	v9 =	vld [tilespmem:s17+$0x8020];
	[tilespmem:s15+$0x80B0] =	vst v7;
	v7 =	vmul.f32 v10, v6  }
0x22f: {  	v10 =	vld [tilespmem:s17+$0x8030];
	[tilespmem:s15+$0x80C0] =	vst v8;
	v8 =	vmul.f32 v11, v6  }
0x230: {  	v11 =	vld [tilespmem:s17+$0x8040];
	[tilespmem:s15+$0x80D0] =	vst v7;
	v7 =	vmul.f32 v13, v6  }
0x231: {  	v13 =	vmul.f32 v14, v6;
	v14 =	vld [tilespmem:s17+$0x8050];
	[tilespmem:s15+$0x80E0] =	vst v8  }
0x232: {  	v8 =	vmul.f32 v12, v6;
	v12 =	vld [tilespmem:s17+$0x8060];
	[tilespmem:s15+$0x80F0] =	vst v7;
	s15 =	smov.u32 s17  }
0x233: {  	[tilespmem:s15+$0x8000] =	vst v13;
	v7 =	vmul.f32 v9, v6;
	v9 =	vld [tilespmem:s15+$0x8070]  }
0x234: {  	[tilespmem:s15+$0x8010] =	vst v8;
	v8 =	vmul.f32 v10, v6;
	v10 =	vld [tilespmem:s15+$0x8080]  }
0x235: {  	[tilespmem:s15+$0x8020] =	vst v7;
	v7 =	vmul.f32 v11, v6;
	v11 =	vld [tilespmem:s15+$0x8090]  }
.Ltmp9:
0x236: {  	[tilespmem:s15+$0x8030] =	vst v8;
	v13 =	vmul.f32 v14, v6;
	v8 =	vld [tilespmem:s15+$0x80A0];
	(pc) =	sbr.rel @p0 .LBB2_20-.Ltmp9, $4  }
0x237: {  	[tilespmem:s15+$0x8040] =	vst v7;
	v12 =	vmul.f32 v12, v6;
	v7 =	vld [tilespmem:s15+$0x80B0]  }
0x238: {  	[tilespmem:s15+$0x8050] =	vst v13;
	v14 =	vmul.f32 v9, v6;
	v9 =	vld [tilespmem:s15+$0x80C0]  }
0x239: {  	[tilespmem:s15+$0x8060] =	vst v12;
	v13 =	vmul.f32 v10, v6;
	v10 =	vld [tilespmem:s15+$0x80D0]  }
0x23a: {  	s16 =	sadd.s32 $0x400, s16;
	[tilespmem:s15+$0x8070] =	vst v14;
	v12 =	vmul.f32 v11, v6;
	v11 =	vld [tilespmem:s15+$0x80E0]  }
0x23b: {  	[tilespmem:s15+$0x8080] =	vst v13;
	v8 =	vmul.f32 v8, v6;
	v61 =	vld [tilespmem:s15+$0x80F0]  }
0x23c: {  	[tilespmem:s15+$0x8090] =	vst v12;
	v7 =	vmul.f32 v7, v6  }
0x23d: {  	[tilespmem:s15+$0x80A0] =	vst v8;
	v62 =	vmul.f32 v9, v6  }
0x23e: {  	[tilespmem:s15+$0x80B0] =	vst v7;
	v7 =	vmul.f32 v10, v6  }
0x23f: {  	[tilespmem:s15+$0x80C0] =	vst v62;
	v63 =	vmul.f32 v11, v6  }
0x240: {  	[tilespmem:s15+$0x80D0] =	vst v7;
	v6 =	vmul.f32 v61, v6  }
0x241: {  	[tilespmem:s15+$0x80E0] =	vst v63  }
0x242: {  	s14 =	sadd.s32 $0x1, s14;
	[tilespmem:s15+$0x80F0] =	vst v6  }
0x243: {  	[hbm4b:s6+s8] =	stream.strided.scatter [tilespmem:s11], [sflag:$0x3], $0x8000, s9, s8, $0x38;
	[tilespmem:$0x18000] =	vst v63  }
0x244: {  	p0 =	sne.s32 s14, s7;
	_ =	swait.ge [sflag:s13], $0x8000  }
.Ltmp10:
0x245: {  	[sflag:s13] =	ssyncset.done $0x0;
	(pc) =	sbr.rel @p0 .LBB2_1-.Ltmp10, $4  }
0x246: {  	[sflag:s13] =	ssyncadd.s32 $0xFFFF8000  }
0x247: {  	_ =	swait.ge [sflag:s13], $0x8000  }
0x248: {  	[sflag:s13] =	ssyncset.done $0x0  }
0x249: {  	[sflag:s13] =	ssyncadd.s32 $0xFFFF8000  }
0x24a: {  	_ =	sfence.sel $0x180000  }
0x24b: {  	[bflag:$0x0] =	sbarrier.arrive $0xFFFF  }
0x24c: {  	p0 =	sne.s32 s1, $0x0;
	_ =	strace $0x90000047  }
0x24d: {  	s0 =	sadd.s32 @!p0 $0x100000, s2;
	[bflag:$0x2] =	sbarrier.arrive $0xFFFF  }
0x24e: {  	[sflag:s0] =	ssyncadd.tile.s32 @!p0 $0x1;
	_ =	shalt  }
.Lfunc_end2:
_tile_overlayer_lowered:
.L_overlay_start_2:
0x24f: {  	(tag) =	ssettag $0x2  }
0x250: {  	s0 =	rddreg [dreg:$0x0];
	s2 =	stileid.u32  }
0x251: {  	s1 =	rddreg [dreg:$0x1];
	p0 =	sne.s32 s2, $0x0  }
0x252: {  	s3 =	rddreg [dreg:$0x2];
	[bflag:$0x3] =	sbarrier.arrive $0xFFFF;
	s2 =	simm.s32 @!p0 $0x1C04  }
0x253: {  	[timem:s3], [sflag:s2] =	dma.local @!p0 [hbm:s0], s1  }
0x254: {  	s0 =	simm.s32 @!p0 $0x4  }
0x255: {  	_ =	swait.ge @!p0 [sflag:s0], s1  }
0x256: {  	s1 =	ssub.s32 @!p0 $0x0, s1;
	[sflag:s0] =	ssyncset.done @!p0 $0x0  }
0x257: {  	[sflag:s0] =	ssyncadd.s32 @!p0 s1  }
0x258: {  	[bflag:$0x3] =	sbarrier.arrive $0xFFFF  }
0x259: {  	_ =	shalt  }

</sc_bundles>
